<compile_context>
chip_gen: v7x
topology: tpu7x:2x2x1
jax: 0.10.2.dev20260603
libtpu: 0.0.44.dev20260713+nightly
codegen_flags: <defaults>
</compile_context>

<pallas_src>
import functools

import jax
import jax.numpy as jnp
from jax import lax
from jax.experimental import pallas as pl
from jax.experimental.pallas import tpu as pltpu
from jax.experimental.pallas import tpu_sc as plsc

B, L, DIM, K = 1024, 20, 128, 1000
KP = 1024
EP = 1008
NW = 32
RPW = (B * L) // NW
CHUNK = 64
NCHUNK = RPW // CHUNK
BPW = B // NW
BBLK = 128
KPH = 512
NWRDP = 128
F32 = jnp.float32

_NT = (((1,), (1,)), ((), ()))


def _tables_dense_body(emb_ref, w5t_ref, corr_ref, data_ref, w1t_ref,
                       w2t_ref, w3t_ref, w4t_ref, abcd_ref, t_ref, d_ref):
    t = jnp.tanh(jax.lax.dot_general(emb_ref[...], w5t_ref[...], _NT,
                                     preferred_element_type=F32))
    tb = (t * corr_ref[...]).astype(jnp.bfloat16)
    lo = jax.lax.bitcast_convert_type(tb[:, :KPH], jnp.uint16).astype(jnp.uint32)
    hi = jax.lax.bitcast_convert_type(tb[:, KPH:], jnp.uint16).astype(jnp.uint32)
    t_ref[...] = jax.lax.bitcast_convert_type(lo | (hi << 16), jnp.int32)
    dmean = jnp.sum(data_ref[...], axis=0) * (1.0 / L)
    acc = jnp.zeros((B, K), F32)
    for i, wref in enumerate((w1t_ref, w2t_ref, w3t_ref, w4t_ref)):
        p = jax.lax.dot_general(dmean, wref[...], _NT,
                                preferred_element_type=F32)
        n = jnp.sqrt(jnp.sum(p * p, axis=1, keepdims=True))
        acc = acc + (p / jnp.maximum(n, 1e-5)) * abcd_ref[i]
    d_ref[...] = acc


def _sc_body(idx3_hbm, idxf_hbm, t_hbm, g_hbm, tgt_hbm,
             idx_v, ev_v, rows_a, rows_b, tgt_v,
             gsem_a, gsem_b, wsem_a, wsem_b):
    wid = lax.axis_index("c") * 16 + lax.axis_index("s")
    pltpu.sync_copy(idx3_hbm.at[wid], idx_v)
    bufs = (rows_a, rows_b)
    gsems = (gsem_a, gsem_b)
    wsems = (wsem_a, wsem_b)

    def _out(c):
        return g_hbm.at[pl.ds(wid * RPW + c * CHUNK, CHUNK), :]

    gd = pltpu.async_copy(t_hbm.at[idx_v.at[0]], bufs[0], gsems[0])
    wd = [None, None]
    for c in range(1, NCHUNK):
        b = c % 2
        if wd[b] is not None:
            wd[b].wait()
        gd_next = pltpu.async_copy(t_hbm.at[idx_v.at[c]], bufs[b], gsems[b])
        gd.wait()
        wd[1 - b] = pltpu.async_copy(bufs[1 - b], _out(c - 1), wsems[1 - b])
        gd = gd_next
    gd.wait()
    lastb = (NCHUNK - 1) % 2
    wd[lastb] = pltpu.async_copy(bufs[lastb], _out(NCHUNK - 1), wsems[lastb])
    wd[0].wait()
    wd[1].wait()
    pltpu.sync_copy(idxf_hbm.at[pl.ds(wid * RPW, RPW)], ev_v)
    ones16 = jnp.full((16,), 1.0, F32)

    def _memset(i, carry):
        tgt_v[i // (KP // 16),
              pl.ds(pl.multiple_of((i % (KP // 16)) * 16, 16), 16)] = ones16
        return carry

    lax.fori_loop(0, (BPW * KP) // 16, _memset, 0)
    zeros16 = jnp.zeros((16,), F32)
    lanes = lax.iota(jnp.int32, 16)
    for j in range(RPW // 16):
        e16 = ev_v[pl.ds(j * 16, 16)]
        bloc = (lanes + j * 16) // L
        kidx = jnp.where(e16 != 0, e16 - 1, jnp.int32(K))
        plsc.store_scatter(tgt_v, [bloc, kidx], zeros16)
    pltpu.sync_copy(tgt_v, tgt_hbm.at[pl.ds(wid * BPW, BPW), :])


def _pack_body(du_ref, p_ref):
    wi = jax.lax.broadcasted_iota(jnp.int32, (NWRDP, K), 0)
    ki = jax.lax.broadcasted_iota(jnp.int32, (NWRDP, K), 1)
    m = jnp.where(ki // 8 == wi, jnp.exp2((ki % 8).astype(F32)), 0.0)
    mb = m.astype(jnp.bfloat16)
    sel = jnp.where(du_ref[0] >= 0.5, 1.0, 0.0).astype(jnp.bfloat16)
    w = jnp.dot(mb, sel, preferred_element_type=F32)
    p_ref[0] = w.astype(jnp.bfloat16)


def _combine_body(pt_ref, g_ref, d_ref, o_ref):
    wi = jax.lax.broadcasted_iota(jnp.int32, (NWRDP, KP), 0)
    ki = jax.lax.broadcasted_iota(jnp.int32, (NWRDP, KP), 1)
    ex = jnp.where(ki // 8 == wi, jnp.exp2(-(ki % 8).astype(F32)), 0.0)
    exb = ex.astype(jnp.bfloat16)
    acc_lo = jnp.zeros((BBLK, KPH), F32)
    acc_hi = jnp.zeros((BBLK, K - KPH), F32)
    for l in range(L):
        g32 = g_ref[l]
        g_lo = jax.lax.bitcast_convert_type(g32 << 16, F32)
        g_hi = jax.lax.bitcast_convert_type(
            g32 & jnp.int32(-65536), F32)[:, :K - KPH]
        wf = pt_ref[:, l, :]
        e = jnp.dot(wf, exb, preferred_element_type=F32)
        bf = (e.astype(jnp.int32) & 1).astype(F32)
        acc_lo = acc_lo + g_lo * bf[:, :KPH]
        acc_hi = acc_hi + g_hi * bf[:, KPH:K]
    item_lo = acc_lo * 2.0
    item_hi = acc_hi * 2.0
    n2 = (jnp.sum(item_lo * item_lo, axis=1, keepdims=True)
          + jnp.sum(item_hi * item_hi, axis=1, keepdims=True))
    inv = 1.0 / jnp.maximum(jnp.sqrt(n2), 1e-5)
    o_ref[:, :KPH] = jnp.tanh(d_ref[:, :KPH] + item_lo * inv)
    o_ref[:, KPH:] = jnp.tanh(d_ref[:, KPH:] + item_hi * inv)


def kernel(data, event_type, place_correlation, dropout_u, emb_table,
           W5, W1, W2, W3, W4, a, b, c, d):
    emb_pad = jnp.pad(emb_table, ((0, EP - (K + 1)), (0, 0)))
    w5p = jnp.pad(W5, ((0, KP - K), (0, 0)))
    corr_pad = jnp.pad(place_correlation, ((1, EP - K - 1), (0, KP - K)))
    abcd = jnp.concatenate([a, b, c, d])
    idx_flat = event_type.reshape(-1)
    idx3 = event_type.T.reshape(NW, NCHUNK, CHUNK)

    t_tab, dense = pl.pallas_call(
        _tables_dense_body,
        out_shape=(jax.ShapeDtypeStruct((EP, KPH), jnp.int32),
                   jax.ShapeDtypeStruct((B, K), F32)),
        in_specs=[
            pl.BlockSpec((EP, DIM), lambda: (0, 0)),
            pl.BlockSpec((KP, DIM), lambda: (0, 0)),
            pl.BlockSpec((EP, KP), lambda: (0, 0)),
            pl.BlockSpec((L, B, DIM), lambda: (0, 0, 0)),
            pl.BlockSpec((K, DIM), lambda: (0, 0)),
            pl.BlockSpec((K, DIM), lambda: (0, 0)),
            pl.BlockSpec((K, DIM), lambda: (0, 0)),
            pl.BlockSpec((K, DIM), lambda: (0, 0)),
            pl.BlockSpec(memory_space=pltpu.SMEM),
        ],
        out_specs=(pl.BlockSpec((EP, KPH), lambda: (0, 0)),
                   pl.BlockSpec((B, K), lambda: (0, 0))),
    )(emb_pad, w5p, corr_pad, jnp.transpose(data, (1, 0, 2)),
      W1, W2, W3, W4, abcd)

    mesh = plsc.VectorSubcoreMesh(core_axis_name="c", subcore_axis_name="s",
                                  num_cores=2, num_subcores=16)
    sc = functools.partial(
        pl.kernel,
        compiler_params=pltpu.CompilerParams(needs_layout_passes=False),
        out_type=(jax.ShapeDtypeStruct((B * L, KPH), jnp.int32),
                  jax.ShapeDtypeStruct((B, KP), F32)),
        mesh=mesh,
        scratch_types=[
            pltpu.VMEM((NCHUNK, CHUNK), jnp.int32),
            pltpu.VMEM((RPW,), jnp.int32),
            pltpu.VMEM((CHUNK, KPH), jnp.int32),
            pltpu.VMEM((CHUNK, KPH), jnp.int32),
            pltpu.VMEM((BPW, KP), F32),
            pltpu.SemaphoreType.DMA,
            pltpu.SemaphoreType.DMA,
            pltpu.SemaphoreType.DMA,
            pltpu.SemaphoreType.DMA,
        ],
    )(_sc_body)
    g_rows, tgt2d = sc(idx3, idx_flat, t_tab)

    packed = pl.pallas_call(
        _pack_body,
        grid=(L,),
        out_shape=jax.ShapeDtypeStruct((L, NWRDP, B), jnp.bfloat16),
        in_specs=[pl.BlockSpec((1, K, B), lambda i: (i, 0, 0))],
        out_specs=pl.BlockSpec((1, NWRDP, B), lambda i: (i, 0, 0)),
    )(jnp.transpose(dropout_u, (1, 2, 0)))
    packed_t = jnp.transpose(packed, (2, 0, 1))

    out = pl.pallas_call(
        _combine_body,
        grid=(B // BBLK,),
        out_shape=jax.ShapeDtypeStruct((B, K), F32),
        in_specs=[
            pl.BlockSpec((BBLK, L, NWRDP), lambda i: (i, 0, 0)),
            pl.BlockSpec((L, BBLK, KPH), lambda i: (0, i, 0)),
            pl.BlockSpec((BBLK, K), lambda i: (i, 0)),
        ],
        out_specs=pl.BlockSpec((BBLK, K), lambda i: (i, 0)),
    )(packed_t, g_rows.reshape(L, B, KPH), dense)

    target = tgt2d[:, :K]
    return out, target

# --- scband reference (transcript-rebuilt; emitter-appended) ---
"""Pipeline reference for scband-matcher-74955769250598 (READ-ONLY COPY).

The authoritative reference and input builder live on the scoring server;
editing this copy changes nothing except your own understanding.
"""

import jax, jax.numpy as jnp
import numpy as np

B, L, DIM, K = 1024, 20, 128, 1000

def _xavier(k, shape):
    fan_out, fan_in = shape
    std = (2.0 / (fan_in + fan_out)) ** 0.5
    return std * jax.random.normal(k, shape, dtype=jnp.float32)

def _normalize(x, eps=1e-5):
    n = jnp.sqrt(jnp.sum(x * x, axis=-1, keepdims=True))
    return x / jnp.maximum(n, eps)

def setup_inputs(seed: int = 0):
    key = jax.random.key(seed)
    ks = jax.random.split(key, 10)
    data = jax.random.normal(ks[0], (B, L, DIM), dtype=jnp.float32)
    event_type = jax.random.randint(ks[1], (B, L), 0, K + 1, dtype=jnp.int32)
    place_correlation = jax.random.uniform(ks[2], (K, K), dtype=jnp.float32)
    dropout_u = jax.random.uniform(ks[3], (B, L, K), dtype=jnp.float32)
    emb_table = jax.random.normal(ks[4], (K + 1, DIM), dtype=jnp.float32)
    W5 = _xavier(ks[5], (K, DIM))
    W1 = _xavier(ks[6], (K, DIM))
    W2 = _xavier(ks[7], (K, DIM))
    W3 = _xavier(ks[8], (K, DIM))
    W4 = _xavier(ks[9], (K, DIM))
    a = jnp.ones((1,), dtype=jnp.float32)
    b = jnp.ones((1,), dtype=jnp.float32)
    c = jnp.ones((1,), dtype=jnp.float32)
    d = jnp.ones((1,), dtype=jnp.float32)
    return {"data": data, "event_type": event_type, "place_correlation": place_correlation, "dropout_u": dropout_u, "emb_table": emb_table, "W5": W5, "W1": W1, "W2": W2, "W3": W3, "W4": W4, "a": a, "b": b, "c": c, "d": d}

def reference(data, event_type, place_correlation, dropout_u, emb_table, W5, W1, W2, W3, W4, a, b, c, d):
    Kt = place_correlation.shape[0]
    # event_emb(event_type).detach()
    event_enc = jax.lax.stop_gradient(jnp.take(emb_table, event_type, axis=0))
    inner = jnp.tanh(jnp.einsum('bld,kd->blk', event_enc, W5))
    # F.dropout(p=0.5, training=True) realized via explicit uniform mask input
    mask = (dropout_u >= 0.5).astype(jnp.float32) * 2.0
    inner = inner * mask
    valid = event_type != 0
    gidx = jnp.where(valid, event_type - 1, 0)
    # per-(batch, position) gather of place_correlation rows; padded positions stay zero
    corrs = jnp.take(place_correlation, gidx, axis=0) * valid[..., None].astype(jnp.float32)
    item = jnp.sum(inner * corrs, axis=1)
    item = _normalize(item)
    dmean = jnp.sum(data, axis=1) / data.shape[1]
    p1 = _normalize(dmean @ W1.T)
    p2 = _normalize(dmean @ W2.T)
    p3 = _normalize(dmean @ W3.T)
    p4 = _normalize(dmean @ W4.T)
    out = p1 * a + p2 * b + p3 * c + p4 * d
    out = jnp.tanh(out + item)
    # target_[i][e] = 0 scatter-overwrite; invalid (padding) indices routed out-of-range and dropped
    tidx = jnp.where(valid, event_type - 1, Kt)
    rows = jnp.broadcast_to(jnp.arange(event_type.shape[0])[:, None], event_type.shape)
    target = jnp.ones((event_type.shape[0], Kt), dtype=jnp.float32).at[rows, tidx].set(0.0, mode='drop')
    return out, target

if __name__ == "__main__":
    import jax
    _d = setup_inputs()
    print(jax.jit(kernel)(*tuple(_d.values())))

</pallas_src>

<mosaic_0001>
#map = affine_map<(d0, d1) -> (0, 0, 0)>
#map1 = affine_map<(d0, d1) -> (0)>
#map2 = affine_map<(d0, d1) -> (0, 0)>
module attributes {stable_mosaic.version = 14 : i64} {
  func.func @_sc_body(%arg0: i32, %arg1: i32, %arg2: memref<32x10x64xi32, #tpu.memory_space<hbm>>, %arg3: memref<20480xi32, #tpu.memory_space<hbm>>, %arg4: memref<1008x512xi32, #tpu.memory_space<hbm>>, %arg5: memref<20480x512xi32, #tpu.memory_space<hbm>>, %arg6: memref<1024x1024xf32, #tpu.memory_space<hbm>>, %arg7: memref<10x64xi32, #tpu.memory_space<vmem>>, %arg8: memref<640xi32, #tpu.memory_space<vmem>>, %arg9: memref<64x512xi32, #tpu.memory_space<vmem>>, %arg10: memref<64x512xi32, #tpu.memory_space<vmem>>, %arg11: memref<32x1024xf32, #tpu.memory_space<vmem>>, %arg12: memref<!tpu.dma_semaphore, #tpu.memory_space<semaphore_mem>>, %arg13: memref<!tpu.dma_semaphore, #tpu.memory_space<semaphore_mem>>, %arg14: memref<!tpu.dma_semaphore, #tpu.memory_space<semaphore_mem>>, %arg15: memref<!tpu.dma_semaphore, #tpu.memory_space<semaphore_mem>>) attributes {dimension_semantics = [#tpu.dimension_semantics<core_parallel>, #tpu.dimension_semantics<subcore_parallel>], iteration_bounds = array<i64: 2, 16>, scalar_prefetch = 0 : i64, scratch_operands = 9 : i64, tpu.core_type = #tpu.core_type<sc_vector_subcore>, window_params = [{transform_indices = #map}, {transform_indices = #map1}, {transform_indices = #map2}, {transform_indices = #map2}, {transform_indices = #map2}]} {
    %mul3A = arith.constant 16 : i32
    %mul3A_0 = arith.muli %arg0, %mul3A : i32
    %add3A = arith.addi %mul3A_0, %arg1 : i32
    "tpu.region"() ({
      %run_scoped3A = tpu.sem_alloc : memref<!tpu.dma_semaphore, #tpu.memory_space<semaphore_mem>>
      %dma_start3A_2062 = arith.constant 0 : i32
      %dma_start3A_2063 = arith.constant 0 : i32
      %dma_start3A_2064 = tpu.memref_slice %arg2[%add3A, %dma_start3A_2062, %dma_start3A_2063] : memref<32x10x64xi32, #tpu.memory_space<hbm>> -> memref<1x10x64xi32, #tpu.memory_space<hbm>>
      %dma_start3A_2065 = tpu.memref_squeeze %dma_start3A_2064 : memref<1x10x64xi32, #tpu.memory_space<hbm>> -> memref<10x64xi32, #tpu.memory_space<hbm>>
      %dma_start3A_2066 = arith.constant 0 : i32
      %dma_start3A_2067 = arith.constant 0 : i32
      %dma_start3A_2068 = tpu.memref_slice %arg2[%add3A, %dma_start3A_2066, %dma_start3A_2067] : memref<32x10x64xi32, #tpu.memory_space<hbm>> -> memref<1x10x64xi32, #tpu.memory_space<hbm>>
      %dma_start3A_2069 = tpu.memref_squeeze %dma_start3A_2068 : memref<1x10x64xi32, #tpu.memory_space<hbm>> -> memref<10x64xi32, #tpu.memory_space<hbm>>
      tpu.enqueue_dma source(%dma_start3A_2069 : memref<10x64xi32, #tpu.memory_space<hbm>>) target(%arg7 : memref<10x64xi32, #tpu.memory_space<vmem>>) target_semaphore(%run_scoped3A : memref<!tpu.dma_semaphore, #tpu.memory_space<semaphore_mem>>)
      %dma_wait3A_2070 = arith.constant 0 : i32
      %dma_wait3A_2071 = arith.constant 0 : i32
      %dma_wait3A_2072 = tpu.memref_slice %arg2[%add3A, %dma_wait3A_2070, %dma_wait3A_2071] : memref<32x10x64xi32, #tpu.memory_space<hbm>> -> memref<1x10x64xi32, #tpu.memory_space<hbm>>
      %dma_wait3A_2073 = tpu.memref_squeeze %dma_wait3A_2072 : memref<1x10x64xi32, #tpu.memory_space<hbm>> -> memref<10x64xi32, #tpu.memory_space<hbm>>
      %dma_wait3A_2074 = arith.constant 0 : i32
      %dma_wait3A_2075 = arith.constant 0 : i32
      %dma_wait3A_2076 = tpu.memref_slice %arg2[%add3A, %dma_wait3A_2074, %dma_wait3A_2075] : memref<32x10x64xi32, #tpu.memory_space<hbm>> -> memref<1x10x64xi32, #tpu.memory_space<hbm>>
      %dma_wait3A_2077 = tpu.memref_squeeze %dma_wait3A_2076 : memref<1x10x64xi32, #tpu.memory_space<hbm>> -> memref<10x64xi32, #tpu.memory_space<hbm>>
      tpu.wait_dma2 semaphore(%run_scoped3A : memref<!tpu.dma_semaphore, #tpu.memory_space<semaphore_mem>>) src(%dma_wait3A_2077 : memref<10x64xi32, #tpu.memory_space<hbm>>) dst(%arg7 : memref<10x64xi32, #tpu.memory_space<vmem>>)
      tpu.yield
    }) : () -> ()
    %dma_start3A = arith.constant 0 : i32
    %dma_start3A_1 = arith.constant 0 : i32
    %dma_start3A_2 = tpu.memref_slice %arg7[%dma_start3A, %dma_start3A_1] : memref<10x64xi32, #tpu.memory_space<vmem>> -> memref<1x64xi32, #tpu.memory_space<vmem>>
    %dma_start3A_3 = tpu.memref_squeeze %dma_start3A_2 : memref<1x64xi32, #tpu.memory_space<vmem>> -> memref<64xi32, #tpu.memory_space<vmem>>
    %dma_start3A_4 = arith.constant 0 : i32
    %dma_start3A_5 = arith.constant 0 : i32
    %dma_start3A_6 = tpu.memref_slice %arg4[%dma_start3A_4, %dma_start3A_5] : memref<1008x512xi32, #tpu.memory_space<hbm>> -> memref<1008x512xi32, #tpu.memory_space<hbm>>
    tpu.enqueue_indirect_dma source(%dma_start3A_6 : memref<1008x512xi32, #tpu.memory_space<hbm>>) target(%arg9 : memref<64x512xi32, #tpu.memory_space<vmem>>) offsets(%dma_start3A_3 : memref<64xi32, #tpu.memory_space<vmem>>) semaphore(%arg12 : memref<!tpu.dma_semaphore, #tpu.memory_space<semaphore_mem>>)
    %dma_start3A_7 = arith.constant 1 : i32
    %dma_start3A_8 = arith.constant 0 : i32
    %dma_start3A_9 = tpu.memref_slice %arg7[%dma_start3A_7, %dma_start3A_8] : memref<10x64xi32, #tpu.memory_space<vmem>> -> memref<1x64xi32, #tpu.memory_space<vmem>>
    %dma_start3A_10 = tpu.memref_squeeze %dma_start3A_9 : memref<1x64xi32, #tpu.memory_space<vmem>> -> memref<64xi32, #tpu.memory_space<vmem>>
    %dma_start3A_11 = arith.constant 0 : i32
    %dma_start3A_12 = arith.constant 0 : i32
    %dma_start3A_13 = tpu.memref_slice %arg4[%dma_start3A_11, %dma_start3A_12] : memref<1008x512xi32, #tpu.memory_space<hbm>> -> memref<1008x512xi32, #tpu.memory_space<hbm>>
    tpu.enqueue_indirect_dma source(%dma_start3A_13 : memref<1008x512xi32, #tpu.memory_space<hbm>>) target(%arg10 : memref<64x512xi32, #tpu.memory_space<vmem>>) offsets(%dma_start3A_10 : memref<64xi32, #tpu.memory_space<vmem>>) semaphore(%arg13 : memref<!tpu.dma_semaphore, #tpu.memory_space<semaphore_mem>>)
    %dma_wait3A = arith.constant 0 : i32
    %dma_wait3A_14 = arith.constant 0 : i32
    %dma_wait3A_15 = tpu.memref_slice %arg7[%dma_wait3A, %dma_wait3A_14] : memref<10x64xi32, #tpu.memory_space<vmem>> -> memref<1x64xi32, #tpu.memory_space<vmem>>
    %dma_wait3A_16 = tpu.memref_squeeze %dma_wait3A_15 : memref<1x64xi32, #tpu.memory_space<vmem>> -> memref<64xi32, #tpu.memory_space<vmem>>
    %dma_wait3A_17 = arith.constant 0 : i32
    %dma_wait3A_18 = arith.constant 0 : i32
    %dma_wait3A_19 = tpu.memref_slice %arg4[%dma_wait3A_17, %dma_wait3A_18] : memref<1008x512xi32, #tpu.memory_space<hbm>> -> memref<1008x512xi32, #tpu.memory_space<hbm>>
    tpu.wait_indirect_dma semaphore(%arg12 : memref<!tpu.dma_semaphore, #tpu.memory_space<semaphore_mem>>) src(%dma_wait3A_19 : memref<1008x512xi32, #tpu.memory_space<hbm>>) dst(%arg9 : memref<64x512xi32, #tpu.memory_space<vmem>>)
    %mul3A_20 = arith.constant 640 : i32
    %mul3A_21 = arith.muli %add3A, %mul3A_20 : i32
    %add3A_22 = arith.constant 0 : i32
    %add3A_23 = arith.addi %mul3A_21, %add3A_22 : i32
    %dma_start3A_24 = arith.constant 0 : i32
    %dma_start3A_25 = tpu.memref_slice %arg5[%add3A_23, %dma_start3A_24] : memref<20480x512xi32, #tpu.memory_space<hbm>> -> memref<64x512xi32, #tpu.memory_space<hbm>>
    %dma_start3A_26 = arith.constant 0 : i32
    %dma_start3A_27 = tpu.memref_slice %arg5[%add3A_23, %dma_start3A_26] : memref<20480x512xi32, #tpu.memory_space<hbm>> -> memref<64x512xi32, #tpu.memory_space<hbm>>
    tpu.enqueue_dma source(%arg9 : memref<64x512xi32, #tpu.memory_space<vmem>>) target(%dma_start3A_27 : memref<64x512xi32, #tpu.memory_space<hbm>>) target_semaphore(%arg14 : memref<!tpu.dma_semaphore, #tpu.memory_space<semaphore_mem>>)
    %dma_wait3A_28 = arith.constant 0 : i32
    %dma_wait3A_29 = tpu.memref_slice %arg5[%add3A_23, %dma_wait3A_28] : memref<20480x512xi32, #tpu.memory_space<hbm>> -> memref<64x512xi32, #tpu.memory_space<hbm>>
    %dma_wait3A_30 = arith.constant 0 : i32
    %dma_wait3A_31 = tpu.memref_slice %arg5[%add3A_23, %dma_wait3A_30] : memref<20480x512xi32, #tpu.memory_space<hbm>> -> memref<64x512xi32, #tpu.memory_space<hbm>>
    tpu.wait_dma2 semaphore(%arg14 : memref<!tpu.dma_semaphore, #tpu.memory_space<semaphore_mem>>) src(%arg9 : memref<64x512xi32, #tpu.memory_space<vmem>>) dst(%dma_wait3A_31 : memref<64x512xi32, #tpu.memory_space<hbm>>)
    %dma_start3A_32 = arith.constant 2 : i32
    %dma_start3A_33 = arith.constant 0 : i32
    %dma_start3A_34 = tpu.memref_slice %arg7[%dma_start3A_32, %dma_start3A_33] : memref<10x64xi32, #tpu.memory_space<vmem>> -> memref<1x64xi32, #tpu.memory_space<vmem>>
    %dma_start3A_35 = tpu.memref_squeeze %dma_start3A_34 : memref<1x64xi32, #tpu.memory_space<vmem>> -> memref<64xi32, #tpu.memory_space<vmem>>
    %dma_start3A_36 = arith.constant 0 : i32
    %dma_start3A_37 = arith.constant 0 : i32
    %dma_start3A_38 = tpu.memref_slice %arg4[%dma_start3A_36, %dma_start3A_37] : memref<1008x512xi32, #tpu.memory_space<hbm>> -> memref<1008x512xi32, #tpu.memory_space<hbm>>
    tpu.enqueue_indirect_dma source(%dma_start3A_38 : memref<1008x512xi32, #tpu.memory_space<hbm>>) target(%arg9 : memref<64x512xi32, #tpu.memory_space<vmem>>) offsets(%dma_start3A_35 : memref<64xi32, #tpu.memory_space<vmem>>) semaphore(%arg12 : memref<!tpu.dma_semaphore, #tpu.memory_space<semaphore_mem>>)
    %dma_wait3A_39 = arith.constant 1 : i32
    %dma_wait3A_40 = arith.constant 0 : i32
    %dma_wait3A_41 = tpu.memref_slice %arg7[%dma_wait3A_39, %dma_wait3A_40] : memref<10x64xi32, #tpu.memory_space<vmem>> -> memref<1x64xi32, #tpu.memory_space<vmem>>
    %dma_wait3A_42 = tpu.memref_squeeze %dma_wait3A_41 : memref<1x64xi32, #tpu.memory_space<vmem>> -> memref<64xi32, #tpu.memory_space<vmem>>
    %dma_wait3A_43 = arith.constant 0 : i32
    %dma_wait3A_44 = arith.constant 0 : i32
    %dma_wait3A_45 = tpu.memref_slice %arg4[%dma_wait3A_43, %dma_wait3A_44] : memref<1008x512xi32, #tpu.memory_space<hbm>> -> memref<1008x512xi32, #tpu.memory_space<hbm>>
    tpu.wait_indirect_dma semaphore(%arg13 : memref<!tpu.dma_semaphore, #tpu.memory_space<semaphore_mem>>) src(%dma_wait3A_45 : memref<1008x512xi32, #tpu.memory_space<hbm>>) dst(%arg10 : memref<64x512xi32, #tpu.memory_space<vmem>>)
    %mul3A_46 = arith.constant 640 : i32
    %mul3A_47 = arith.muli %add3A, %mul3A_46 : i32
    %add3A_48 = arith.constant 64 : i32
    %add3A_49 = arith.addi %mul3A_47, %add3A_48 : i32
    %dma_start3A_50 = arith.constant 0 : i32
    %dma_start3A_51 = tpu.memref_slice %arg5[%add3A_49, %dma_start3A_50] : memref<20480x512xi32, #tpu.memory_space<hbm>> -> memref<64x512xi32, #tpu.memory_space<hbm>>
    %dma_start3A_52 = arith.constant 0 : i32
    %dma_start3A_53 = tpu.memref_slice %arg5[%add3A_49, %dma_start3A_52] : memref<20480x512xi32, #tpu.memory_space<hbm>> -> memref<64x512xi32, #tpu.memory_space<hbm>>
    tpu.enqueue_dma source(%arg10 : memref<64x512xi32, #tpu.memory_space<vmem>>) target(%dma_start3A_53 : memref<64x512xi32, #tpu.memory_space<hbm>>) target_semaphore(%arg15 : memref<!tpu.dma_semaphore, #tpu.memory_space<semaphore_mem>>)
    %dma_wait3A_54 = arith.constant 0 : i32
    %dma_wait3A_55 = tpu.memref_slice %arg5[%add3A_49, %dma_wait3A_54] : memref<20480x512xi32, #tpu.memory_space<hbm>> -> memref<64x512xi32, #tpu.memory_space<hbm>>
    %dma_wait3A_56 = arith.constant 0 : i32
    %dma_wait3A_57 = tpu.memref_slice %arg5[%add3A_49, %dma_wait3A_56] : memref<20480x512xi32, #tpu.memory_space<hbm>> -> memref<64x512xi32, #tpu.memory_space<hbm>>
    tpu.wait_dma2 semaphore(%arg15 : memref<!tpu.dma_semaphore, #tpu.memory_space<semaphore_mem>>) src(%arg10 : memref<64x512xi32, #tpu.memory_space<vmem>>) dst(%dma_wait3A_57 : memref<64x512xi32, #tpu.memory_space<hbm>>)
    %dma_start3A_58 = arith.constant 3 : i32
    %dma_start3A_59 = arith.constant 0 : i32
    %dma_start3A_60 = tpu.memref_slice %arg7[%dma_start3A_58, %dma_start3A_59] : memref<10x64xi32, #tpu.memory_space<vmem>> -> memref<1x64xi32, #tpu.memory_space<vmem>>
    %dma_start3A_61 = tpu.memref_squeeze %dma_start3A_60 : memref<1x64xi32, #tpu.memory_space<vmem>> -> memref<64xi32, #tpu.memory_space<vmem>>
    %dma_start3A_62 = arith.constant 0 : i32
    %dma_start3A_63 = arith.constant 0 : i32
    %dma_start3A_64 = tpu.memref_slice %arg4[%dma_start3A_62, %dma_start3A_63] : memref<1008x512xi32, #tpu.memory_space<hbm>> -> memref<1008x512xi32, #tpu.memory_space<hbm>>
    tpu.enqueue_indirect_dma source(%dma_start3A_64 : memref<1008x512xi32, #tpu.memory_space<hbm>>) target(%arg10 : memref<64x512xi32, #tpu.memory_space<vmem>>) offsets(%dma_start3A_61 : memref<64xi32, #tpu.memory_space<vmem>>) semaphore(%arg13 : memref<!tpu.dma_semaphore, #tpu.memory_space<semaphore_mem>>)
    %dma_wait3A_65 = arith.constant 2 : i32
    %dma_wait3A_66 = arith.constant 0 : i32
    %dma_wait3A_67 = tpu.memref_slice %arg7[%dma_wait3A_65, %dma_wait3A_66] : memref<10x64xi32, #tpu.memory_space<vmem>> -> memref<1x64xi32, #tpu.memory_space<vmem>>
    %dma_wait3A_68 = tpu.memref_squeeze %dma_wait3A_67 : memref<1x64xi32, #tpu.memory_space<vmem>> -> memref<64xi32, #tpu.memory_space<vmem>>
    %dma_wait3A_69 = arith.constant 0 : i32
    %dma_wait3A_70 = arith.constant 0 : i32
    %dma_wait3A_71 = tpu.memref_slice %arg4[%dma_wait3A_69, %dma_wait3A_70] : memref<1008x512xi32, #tpu.memory_space<hbm>> -> memref<1008x512xi32, #tpu.memory_space<hbm>>
    tpu.wait_indirect_dma semaphore(%arg12 : memref<!tpu.dma_semaphore, #tpu.memory_space<semaphore_mem>>) src(%dma_wait3A_71 : memref<1008x512xi32, #tpu.memory_space<hbm>>) dst(%arg9 : memref<64x512xi32, #tpu.memory_space<vmem>>)
    %mul3A_72 = arith.constant 640 : i32
    %mul3A_73 = arith.muli %add3A, %mul3A_72 : i32
    %add3A_74 = arith.constant 128 : i32
    %add3A_75 = arith.addi %mul3A_73, %add3A_74 : i32
    %dma_start3A_76 = arith.constant 0 : i32
    %dma_start3A_77 = tpu.memref_slice %arg5[%add3A_75, %dma_start3A_76] : memref<20480x512xi32, #tpu.memory_space<hbm>> -> memref<64x512xi32, #tpu.memory_space<hbm>>
    %dma_start3A_78 = arith.constant 0 : i32
    %dma_start3A_79 = tpu.memref_slice %arg5[%add3A_75, %dma_start3A_78] : memref<20480x512xi32, #tpu.memory_space<hbm>> -> memref<64x512xi32, #tpu.memory_space<hbm>>
    tpu.enqueue_dma source(%arg9 : memref<64x512xi32, #tpu.memory_space<vmem>>) target(%dma_start3A_79 : memref<64x512xi32, #tpu.memory_space<hbm>>) target_semaphore(%arg14 : memref<!tpu.dma_semaphore, #tpu.memory_space<semaphore_mem>>)
    %dma_wait3A_80 = arith.constant 0 : i32
    %dma_wait3A_81 = tpu.memref_slice %arg5[%add3A_75, %dma_wait3A_80] : memref<20480x512xi32, #tpu.memory_space<hbm>> -> memref<64x512xi32, #tpu.memory_space<hbm>>
    %dma_wait3A_82 = arith.constant 0 : i32
    %dma_wait3A_83 = tpu.memref_slice %arg5[%add3A_75, %dma_wait3A_82] : memref<20480x512xi32, #tpu.memory_space<hbm>> -> memref<64x512xi32, #tpu.memory_space<hbm>>
    tpu.wait_dma2 semaphore(%arg14 : memref<!tpu.dma_semaphore, #tpu.memory_space<semaphore_mem>>) src(%arg9 : memref<64x512xi32, #tpu.memory_space<vmem>>) dst(%dma_wait3A_83 : memref<64x512xi32, #tpu.memory_space<hbm>>)
    %dma_start3A_84 = arith.constant 4 : i32
    %dma_start3A_85 = arith.constant 0 : i32
    %dma_start3A_86 = tpu.memref_slice %arg7[%dma_start3A_84, %dma_start3A_85] : memref<10x64xi32, #tpu.memory_space<vmem>> -> memref<1x64xi32, #tpu.memory_space<vmem>>
    %dma_start3A_87 = tpu.memref_squeeze %dma_start3A_86 : memref<1x64xi32, #tpu.memory_space<vmem>> -> memref<64xi32, #tpu.memory_space<vmem>>
    %dma_start3A_88 = arith.constant 0 : i32
    %dma_start3A_89 = arith.constant 0 : i32
    %dma_start3A_90 = tpu.memref_slice %arg4[%dma_start3A_88, %dma_start3A_89] : memref<1008x512xi32, #tpu.memory_space<hbm>> -> memref<1008x512xi32, #tpu.memory_space<hbm>>
    tpu.enqueue_indirect_dma source(%dma_start3A_90 : memref<1008x512xi32, #tpu.memory_space<hbm>>) target(%arg9 : memref<64x512xi32, #tpu.memory_space<vmem>>) offsets(%dma_start3A_87 : memref<64xi32, #tpu.memory_space<vmem>>) semaphore(%arg12 : memref<!tpu.dma_semaphore, #tpu.memory_space<semaphore_mem>>)
    %dma_wait3A_91 = arith.constant 3 : i32
    %dma_wait3A_92 = arith.constant 0 : i32
    %dma_wait3A_93 = tpu.memref_slice %arg7[%dma_wait3A_91, %dma_wait3A_92] : memref<10x64xi32, #tpu.memory_space<vmem>> -> memref<1x64xi32, #tpu.memory_space<vmem>>
    %dma_wait3A_94 = tpu.memref_squeeze %dma_wait3A_93 : memref<1x64xi32, #tpu.memory_space<vmem>> -> memref<64xi32, #tpu.memory_space<vmem>>
    %dma_wait3A_95 = arith.constant 0 : i32
    %dma_wait3A_96 = arith.constant 0 : i32
    %dma_wait3A_97 = tpu.memref_slice %arg4[%dma_wait3A_95, %dma_wait3A_96] : memref<1008x512xi32, #tpu.memory_space<hbm>> -> memref<1008x512xi32, #tpu.memory_space<hbm>>
    tpu.wait_indirect_dma semaphore(%arg13 : memref<!tpu.dma_semaphore, #tpu.memory_space<semaphore_mem>>) src(%dma_wait3A_97 : memref<1008x512xi32, #tpu.memory_space<hbm>>) dst(%arg10 : memref<64x512xi32, #tpu.memory_space<vmem>>)
    %mul3A_98 = arith.constant 640 : i32
    %mul3A_99 = arith.muli %add3A, %mul3A_98 : i32
    %add3A_100 = arith.constant 192 : i32
    %add3A_101 = arith.addi %mul3A_99, %add3A_100 : i32
    %dma_start3A_102 = arith.constant 0 : i32
    %dma_start3A_103 = tpu.memref_slice %arg5[%add3A_101, %dma_start3A_102] : memref<20480x512xi32, #tpu.memory_space<hbm>> -> memref<64x512xi32, #tpu.memory_space<hbm>>
    %dma_start3A_104 = arith.constant 0 : i32
    %dma_start3A_105 = tpu.memref_slice %arg5[%add3A_101, %dma_start3A_104] : memref<20480x512xi32, #tpu.memory_space<hbm>> -> memref<64x512xi32, #tpu.memory_space<hbm>>
    tpu.enqueue_dma source(%arg10 : memref<64x512xi32, #tpu.memory_space<vmem>>) target(%dma_start3A_105 : memref<64x512xi32, #tpu.memory_space<hbm>>) target_semaphore(%arg15 : memref<!tpu.dma_semaphore, #tpu.memory_space<semaphore_mem>>)
    %dma_wait3A_106 = arith.constant 0 : i32
    %dma_wait3A_107 = tpu.memref_slice %arg5[%add3A_101, %dma_wait3A_106] : memref<20480x512xi32, #tpu.memory_space<hbm>> -> memref<64x512xi32, #tpu.memory_space<hbm>>
    %dma_wait3A_108 = arith.constant 0 : i32
    %dma_wait3A_109 = tpu.memref_slice %arg5[%add3A_101, %dma_wait3A_108] : memref<20480x512xi32, #tpu.memory_space<hbm>> -> memref<64x512xi32, #tpu.memory_space<hbm>>
    tpu.wait_dma2 semaphore(%arg15 : memref<!tpu.dma_semaphore, #tpu.memory_space<semaphore_mem>>) src(%arg10 : memref<64x512xi32, #tpu.memory_space<vmem>>) dst(%dma_wait3A_109 : memref<64x512xi32, #tpu.memory_space<hbm>>)
    %dma_start3A_110 = arith.constant 5 : i32
    %dma_start3A_111 = arith.constant 0 : i32
    %dma_start3A_112 = tpu.memref_slice %arg7[%dma_start3A_110, %dma_start3A_111] : memref<10x64xi32, #tpu.memory_space<vmem>> -> memref<1x64xi32, #tpu.memory_space<vmem>>
    %dma_start3A_113 = tpu.memref_squeeze %dma_start3A_112 : memref<1x64xi32, #tpu.memory_space<vmem>> -> memref<64xi32, #tpu.memory_space<vmem>>
    %dma_start3A_114 = arith.constant 0 : i32
    %dma_start3A_115 = arith.constant 0 : i32
    %dma_start3A_116 = tpu.memref_slice %arg4[%dma_start3A_114, %dma_start3A_115] : memref<1008x512xi32, #tpu.memory_space<hbm>> -> memref<1008x512xi32, #tpu.memory_space<hbm>>
    tpu.enqueue_indirect_dma source(%dma_start3A_116 : memref<1008x512xi32, #tpu.memory_space<hbm>>) target(%arg10 : memref<64x512xi32, #tpu.memory_space<vmem>>) offsets(%dma_start3A_113 : memref<64xi32, #tpu.memory_space<vmem>>) semaphore(%arg13 : memref<!tpu.dma_semaphore, #tpu.memory_space<semaphore_mem>>)
    %dma_wait3A_117 = arith.constant 4 : i32
    %dma_wait3A_118 = arith.constant 0 : i32
    %dma_wait3A_119 = tpu.memref_slice %arg7[%dma_wait3A_117, %dma_wait3A_118] : memref<10x64xi32, #tpu.memory_space<vmem>> -> memref<1x64xi32, #tpu.memory_space<vmem>>
    %dma_wait3A_120 = tpu.memref_squeeze %dma_wait3A_119 : memref<1x64xi32, #tpu.memory_space<vmem>> -> memref<64xi32, #tpu.memory_space<vmem>>
    %dma_wait3A_121 = arith.constant 0 : i32
    %dma_wait3A_122 = arith.constant 0 : i32
    %dma_wait3A_123 = tpu.memref_slice %arg4[%dma_wait3A_121, %dma_wait3A_122] : memref<1008x512xi32, #tpu.memory_space<hbm>> -> memref<1008x512xi32, #tpu.memory_space<hbm>>
    tpu.wait_indirect_dma semaphore(%arg12 : memref<!tpu.dma_semaphore, #tpu.memory_space<semaphore_mem>>) src(%dma_wait3A_123 : memref<1008x512xi32, #tpu.memory_space<hbm>>) dst(%arg9 : memref<64x512xi32, #tpu.memory_space<vmem>>)
    %mul3A_124 = arith.constant 640 : i32
    %mul3A_125 = arith.muli %add3A, %mul3A_124 : i32
    %add3A_126 = arith.constant 256 : i32
    %add3A_127 = arith.addi %mul3A_125, %add3A_126 : i32
    %dma_start3A_128 = arith.constant 0 : i32
    %dma_start3A_129 = tpu.memref_slice %arg5[%add3A_127, %dma_start3A_128] : memref<20480x512xi32, #tpu.memory_space<hbm>> -> memref<64x512xi32, #tpu.memory_space<hbm>>
    %dma_start3A_130 = arith.constant 0 : i32
    %dma_start3A_131 = tpu.memref_slice %arg5[%add3A_127, %dma_start3A_130] : memref<20480x512xi32, #tpu.memory_space<hbm>> -> memref<64x512xi32, #tpu.memory_space<hbm>>
    tpu.enqueue_dma source(%arg9 : memref<64x512xi32, #tpu.memory_space<vmem>>) target(%dma_start3A_131 : memref<64x512xi32, #tpu.memory_space<hbm>>) target_semaphore(%arg14 : memref<!tpu.dma_semaphore, #tpu.memory_space<semaphore_mem>>)
    %dma_wait3A_132 = arith.constant 0 : i32
    %dma_wait3A_133 = tpu.memref_slice %arg5[%add3A_127, %dma_wait3A_132] : memref<20480x512xi32, #tpu.memory_space<hbm>> -> memref<64x512xi32, #tpu.memory_space<hbm>>
    %dma_wait3A_134 = arith.constant 0 : i32
    %dma_wait3A_135 = tpu.memref_slice %arg5[%add3A_127, %dma_wait3A_134] : memref<20480x512xi32, #tpu.memory_space<hbm>> -> memref<64x512xi32, #tpu.memory_space<hbm>>
    tpu.wait_dma2 semaphore(%arg14 : memref<!tpu.dma_semaphore, #tpu.memory_space<semaphore_mem>>) src(%arg9 : memref<64x512xi32, #tpu.memory_space<vmem>>) dst(%dma_wait3A_135 : memref<64x512xi32, #tpu.memory_space<hbm>>)
    %dma_start3A_136 = arith.constant 6 : i32
    %dma_start3A_137 = arith.constant 0 : i32
    %dma_start3A_138 = tpu.memref_slice %arg7[%dma_start3A_136, %dma_start3A_137] : memref<10x64xi32, #tpu.memory_space<vmem>> -> memref<1x64xi32, #tpu.memory_space<vmem>>
    %dma_start3A_139 = tpu.memref_squeeze %dma_start3A_138 : memref<1x64xi32, #tpu.memory_space<vmem>> -> memref<64xi32, #tpu.memory_space<vmem>>
    %dma_start3A_140 = arith.constant 0 : i32
    %dma_start3A_141 = arith.constant 0 : i32
    %dma_start3A_142 = tpu.memref_slice %arg4[%dma_start3A_140, %dma_start3A_141] : memref<1008x512xi32, #tpu.memory_space<hbm>> -> memref<1008x512xi32, #tpu.memory_space<hbm>>
    tpu.enqueue_indirect_dma source(%dma_start3A_142 : memref<1008x512xi32, #tpu.memory_space<hbm>>) target(%arg9 : memref<64x512xi32, #tpu.memory_space<vmem>>) offsets(%dma_start3A_139 : memref<64xi32, #tpu.memory_space<vmem>>) semaphore(%arg12 : memref<!tpu.dma_semaphore, #tpu.memory_space<semaphore_mem>>)
    %dma_wait3A_143 = arith.constant 5 : i32
    %dma_wait3A_144 = arith.constant 0 : i32
    %dma_wait3A_145 = tpu.memref_slice %arg7[%dma_wait3A_143, %dma_wait3A_144] : memref<10x64xi32, #tpu.memory_space<vmem>> -> memref<1x64xi32, #tpu.memory_space<vmem>>
    %dma_wait3A_146 = tpu.memref_squeeze %dma_wait3A_145 : memref<1x64xi32, #tpu.memory_space<vmem>> -> memref<64xi32, #tpu.memory_space<vmem>>
    %dma_wait3A_147 = arith.constant 0 : i32
    %dma_wait3A_148 = arith.constant 0 : i32
    %dma_wait3A_149 = tpu.memref_slice %arg4[%dma_wait3A_147, %dma_wait3A_148] : memref<1008x512xi32, #tpu.memory_space<hbm>> -> memref<1008x512xi32, #tpu.memory_space<hbm>>
    tpu.wait_indirect_dma semaphore(%arg13 : memref<!tpu.dma_semaphore, #tpu.memory_space<semaphore_mem>>) src(%dma_wait3A_149 : memref<1008x512xi32, #tpu.memory_space<hbm>>) dst(%arg10 : memref<64x512xi32, #tpu.memory_space<vmem>>)
    %mul3A_150 = arith.constant 640 : i32
    %mul3A_151 = arith.muli %add3A, %mul3A_150 : i32
    %add3A_152 = arith.constant 320 : i32
    %add3A_153 = arith.addi %mul3A_151, %add3A_152 : i32
    %dma_start3A_154 = arith.constant 0 : i32
    %dma_start3A_155 = tpu.memref_slice %arg5[%add3A_153, %dma_start3A_154] : memref<20480x512xi32, #tpu.memory_space<hbm>> -> memref<64x512xi32, #tpu.memory_space<hbm>>
    %dma_start3A_156 = arith.constant 0 : i32
    %dma_start3A_157 = tpu.memref_slice %arg5[%add3A_153, %dma_start3A_156] : memref<20480x512xi32, #tpu.memory_space<hbm>> -> memref<64x512xi32, #tpu.memory_space<hbm>>
    tpu.enqueue_dma source(%arg10 : memref<64x512xi32, #tpu.memory_space<vmem>>) target(%dma_start3A_157 : memref<64x512xi32, #tpu.memory_space<hbm>>) target_semaphore(%arg15 : memref<!tpu.dma_semaphore, #tpu.memory_space<semaphore_mem>>)
    %dma_wait3A_158 = arith.constant 0 : i32
    %dma_wait3A_159 = tpu.memref_slice %arg5[%add3A_153, %dma_wait3A_158] : memref<20480x512xi32, #tpu.memory_space<hbm>> -> memref<64x512xi32, #tpu.memory_space<hbm>>
    %dma_wait3A_160 = arith.constant 0 : i32
    %dma_wait3A_161 = tpu.memref_slice %arg5[%add3A_153, %dma_wait3A_160] : memref<20480x512xi32, #tpu.memory_space<hbm>> -> memref<64x512xi32, #tpu.memory_space<hbm>>
    tpu.wait_dma2 semaphore(%arg15 : memref<!tpu.dma_semaphore, #tpu.memory_space<semaphore_mem>>) src(%arg10 : memref<64x512xi32, #tpu.memory_space<vmem>>) dst(%dma_wait3A_161 : memref<64x512xi32, #tpu.memory_space<hbm>>)
    %dma_start3A_162 = arith.constant 7 : i32
    %dma_start3A_163 = arith.constant 0 : i32
    %dma_start3A_164 = tpu.memref_slice %arg7[%dma_start3A_162, %dma_start3A_163] : memref<10x64xi32, #tpu.memory_space<vmem>> -> memref<1x64xi32, #tpu.memory_space<vmem>>
    %dma_start3A_165 = tpu.memref_squeeze %dma_start3A_164 : memref<1x64xi32, #tpu.memory_space<vmem>> -> memref<64xi32, #tpu.memory_space<vmem>>
    %dma_start3A_166 = arith.constant 0 : i32
    %dma_start3A_167 = arith.constant 0 : i32
    %dma_start3A_168 = tpu.memref_slice %arg4[%dma_start3A_166, %dma_start3A_167] : memref<1008x512xi32, #tpu.memory_space<hbm>> -> memref<1008x512xi32, #tpu.memory_space<hbm>>
    tpu.enqueue_indirect_dma source(%dma_start3A_168 : memref<1008x512xi32, #tpu.memory_space<hbm>>) target(%arg10 : memref<64x512xi32, #tpu.memory_space<vmem>>) offsets(%dma_start3A_165 : memref<64xi32, #tpu.memory_space<vmem>>) semaphore(%arg13 : memref<!tpu.dma_semaphore, #tpu.memory_space<semaphore_mem>>)
    %dma_wait3A_169 = arith.constant 6 : i32
    %dma_wait3A_170 = arith.constant 0 : i32
    %dma_wait3A_171 = tpu.memref_slice %arg7[%dma_wait3A_169, %dma_wait3A_170] : memref<10x64xi32, #tpu.memory_space<vmem>> -> memref<1x64xi32, #tpu.memory_space<vmem>>
    %dma_wait3A_172 = tpu.memref_squeeze %dma_wait3A_171 : memref<1x64xi32, #tpu.memory_space<vmem>> -> memref<64xi32, #tpu.memory_space<vmem>>
    %dma_wait3A_173 = arith.constant 0 : i32
    %dma_wait3A_174 = arith.constant 0 : i32
    %dma_wait3A_175 = tpu.memref_slice %arg4[%dma_wait3A_173, %dma_wait3A_174] : memref<1008x512xi32, #tpu.memory_space<hbm>> -> memref<1008x512xi32, #tpu.memory_space<hbm>>
    tpu.wait_indirect_dma semaphore(%arg12 : memref<!tpu.dma_semaphore, #tpu.memory_space<semaphore_mem>>) src(%dma_wait3A_175 : memref<1008x512xi32, #tpu.memory_space<hbm>>) dst(%arg9 : memref<64x512xi32, #tpu.memory_space<vmem>>)
    %mul3A_176 = arith.constant 640 : i32
    %mul3A_177 = arith.muli %add3A, %mul3A_176 : i32
    %add3A_178 = arith.constant 384 : i32
    %add3A_179 = arith.addi %mul3A_177, %add3A_178 : i32
    %dma_start3A_180 = arith.constant 0 : i32
    %dma_start3A_181 = tpu.memref_slice %arg5[%add3A_179, %dma_start3A_180] : memref<20480x512xi32, #tpu.memory_space<hbm>> -> memref<64x512xi32, #tpu.memory_space<hbm>>
    %dma_start3A_182 = arith.constant 0 : i32
    %dma_start3A_183 = tpu.memref_slice %arg5[%add3A_179, %dma_start3A_182] : memref<20480x512xi32, #tpu.memory_space<hbm>> -> memref<64x512xi32, #tpu.memory_space<hbm>>
    tpu.enqueue_dma source(%arg9 : memref<64x512xi32, #tpu.memory_space<vmem>>) target(%dma_start3A_183 : memref<64x512xi32, #tpu.memory_space<hbm>>) target_semaphore(%arg14 : memref<!tpu.dma_semaphore, #tpu.memory_space<semaphore_mem>>)
    %dma_wait3A_184 = arith.constant 0 : i32
    %dma_wait3A_185 = tpu.memref_slice %arg5[%add3A_179, %dma_wait3A_184] : memref<20480x512xi32, #tpu.memory_space<hbm>> -> memref<64x512xi32, #tpu.memory_space<hbm>>
    %dma_wait3A_186 = arith.constant 0 : i32
    %dma_wait3A_187 = tpu.memref_slice %arg5[%add3A_179, %dma_wait3A_186] : memref<20480x512xi32, #tpu.memory_space<hbm>> -> memref<64x512xi32, #tpu.memory_space<hbm>>
    tpu.wait_dma2 semaphore(%arg14 : memref<!tpu.dma_semaphore, #tpu.memory_space<semaphore_mem>>) src(%arg9 : memref<64x512xi32, #tpu.memory_space<vmem>>) dst(%dma_wait3A_187 : memref<64x512xi32, #tpu.memory_space<hbm>>)
    %dma_start3A_188 = arith.constant 8 : i32
    %dma_start3A_189 = arith.constant 0 : i32
    %dma_start3A_190 = tpu.memref_slice %arg7[%dma_start3A_188, %dma_start3A_189] : memref<10x64xi32, #tpu.memory_space<vmem>> -> memref<1x64xi32, #tpu.memory_space<vmem>>
    %dma_start3A_191 = tpu.memref_squeeze %dma_start3A_190 : memref<1x64xi32, #tpu.memory_space<vmem>> -> memref<64xi32, #tpu.memory_space<vmem>>
    %dma_start3A_192 = arith.constant 0 : i32
    %dma_start3A_193 = arith.constant 0 : i32
    %dma_start3A_194 = tpu.memref_slice %arg4[%dma_start3A_192, %dma_start3A_193] : memref<1008x512xi32, #tpu.memory_space<hbm>> -> memref<1008x512xi32, #tpu.memory_space<hbm>>
    tpu.enqueue_indirect_dma source(%dma_start3A_194 : memref<1008x512xi32, #tpu.memory_space<hbm>>) target(%arg9 : memref<64x512xi32, #tpu.memory_space<vmem>>) offsets(%dma_start3A_191 : memref<64xi32, #tpu.memory_space<vmem>>) semaphore(%arg12 : memref<!tpu.dma_semaphore, #tpu.memory_space<semaphore_mem>>)
    %dma_wait3A_195 = arith.constant 7 : i32
    %dma_wait3A_196 = arith.constant 0 : i32
    %dma_wait3A_197 = tpu.memref_slice %arg7[%dma_wait3A_195, %dma_wait3A_196] : memref<10x64xi32, #tpu.memory_space<vmem>> -> memref<1x64xi32, #tpu.memory_space<vmem>>
    %dma_wait3A_198 = tpu.memref_squeeze %dma_wait3A_197 : memref<1x64xi32, #tpu.memory_space<vmem>> -> memref<64xi32, #tpu.memory_space<vmem>>
    %dma_wait3A_199 = arith.constant 0 : i32
    %dma_wait3A_200 = arith.constant 0 : i32
    %dma_wait3A_201 = tpu.memref_slice %arg4[%dma_wait3A_199, %dma_wait3A_200] : memref<1008x512xi32, #tpu.memory_space<hbm>> -> memref<1008x512xi32, #tpu.memory_space<hbm>>
    tpu.wait_indirect_dma semaphore(%arg13 : memref<!tpu.dma_semaphore, #tpu.memory_space<semaphore_mem>>) src(%dma_wait3A_201 : memref<1008x512xi32, #tpu.memory_space<hbm>>) dst(%arg10 : memref<64x512xi32, #tpu.memory_space<vmem>>)
    %mul3A_202 = arith.constant 640 : i32
    %mul3A_203 = arith.muli %add3A, %mul3A_202 : i32
    %add3A_204 = arith.constant 448 : i32
    %add3A_205 = arith.addi %mul3A_203, %add3A_204 : i32
    %dma_start3A_206 = arith.constant 0 : i32
    %dma_start3A_207 = tpu.memref_slice %arg5[%add3A_205, %dma_start3A_206] : memref<20480x512xi32, #tpu.memory_space<hbm>> -> memref<64x512xi32, #tpu.memory_space<hbm>>
    %dma_start3A_208 = arith.constant 0 : i32
    %dma_start3A_209 = tpu.memref_slice %arg5[%add3A_205, %dma_start3A_208] : memref<20480x512xi32, #tpu.memory_space<hbm>> -> memref<64x512xi32, #tpu.memory_space<hbm>>
    tpu.enqueue_dma source(%arg10 : memref<64x512xi32, #tpu.memory_space<vmem>>) target(%dma_start3A_209 : memref<64x512xi32, #tpu.memory_space<hbm>>) target_semaphore(%arg15 : memref<!tpu.dma_semaphore, #tpu.memory_space<semaphore_mem>>)
    %dma_wait3A_210 = arith.constant 0 : i32
    %dma_wait3A_211 = tpu.memref_slice %arg5[%add3A_205, %dma_wait3A_210] : memref<20480x512xi32, #tpu.memory_space<hbm>> -> memref<64x512xi32, #tpu.memory_space<hbm>>
    %dma_wait3A_212 = arith.constant 0 : i32
    %dma_wait3A_213 = tpu.memref_slice %arg5[%add3A_205, %dma_wait3A_212] : memref<20480x512xi32, #tpu.memory_space<hbm>> -> memref<64x512xi32, #tpu.memory_space<hbm>>
    tpu.wait_dma2 semaphore(%arg15 : memref<!tpu.dma_semaphore, #tpu.memory_space<semaphore_mem>>) src(%arg10 : memref<64x512xi32, #tpu.memory_space<vmem>>) dst(%dma_wait3A_213 : memref<64x512xi32, #tpu.memory_space<hbm>>)
    %dma_start3A_214 = arith.constant 9 : i32
    %dma_start3A_215 = arith.constant 0 : i32
    %dma_start3A_216 = tpu.memref_slice %arg7[%dma_start3A_214, %dma_start3A_215] : memref<10x64xi32, #tpu.memory_space<vmem>> -> memref<1x64xi32, #tpu.memory_space<vmem>>
    %dma_start3A_217 = tpu.memref_squeeze %dma_start3A_216 : memref<1x64xi32, #tpu.memory_space<vmem>> -> memref<64xi32, #tpu.memory_space<vmem>>
    %dma_start3A_218 = arith.constant 0 : i32
    %dma_start3A_219 = arith.constant 0 : i32
    %dma_start3A_220 = tpu.memref_slice %arg4[%dma_start3A_218, %dma_start3A_219] : memref<1008x512xi32, #tpu.memory_space<hbm>> -> memref<1008x512xi32, #tpu.memory_space<hbm>>
    tpu.enqueue_indirect_dma source(%dma_start3A_220 : memref<1008x512xi32, #tpu.memory_space<hbm>>) target(%arg10 : memref<64x512xi32, #tpu.memory_space<vmem>>) offsets(%dma_start3A_217 : memref<64xi32, #tpu.memory_space<vmem>>) semaphore(%arg13 : memref<!tpu.dma_semaphore, #tpu.memory_space<semaphore_mem>>)
    %dma_wait3A_221 = arith.constant 8 : i32
    %dma_wait3A_222 = arith.constant 0 : i32
    %dma_wait3A_223 = tpu.memref_slice %arg7[%dma_wait3A_221, %dma_wait3A_222] : memref<10x64xi32, #tpu.memory_space<vmem>> -> memref<1x64xi32, #tpu.memory_space<vmem>>
    %dma_wait3A_224 = tpu.memref_squeeze %dma_wait3A_223 : memref<1x64xi32, #tpu.memory_space<vmem>> -> memref<64xi32, #tpu.memory_space<vmem>>
    %dma_wait3A_225 = arith.constant 0 : i32
    %dma_wait3A_226 = arith.constant 0 : i32
    %dma_wait3A_227 = tpu.memref_slice %arg4[%dma_wait3A_225, %dma_wait3A_226] : memref<1008x512xi32, #tpu.memory_space<hbm>> -> memref<1008x512xi32, #tpu.memory_space<hbm>>
    tpu.wait_indirect_dma semaphore(%arg12 : memref<!tpu.dma_semaphore, #tpu.memory_space<semaphore_mem>>) src(%dma_wait3A_227 : memref<1008x512xi32, #tpu.memory_space<hbm>>) dst(%arg9 : memref<64x512xi32, #tpu.memory_space<vmem>>)
    %mul3A_228 = arith.constant 640 : i32
    %mul3A_229 = arith.muli %add3A, %mul3A_228 : i32
    %add3A_230 = arith.constant 512 : i32
    %add3A_231 = arith.addi %mul3A_229, %add3A_230 : i32
    %dma_start3A_232 = arith.constant 0 : i32
    %dma_start3A_233 = tpu.memref_slice %arg5[%add3A_231, %dma_start3A_232] : memref<20480x512xi32, #tpu.memory_space<hbm>> -> memref<64x512xi32, #tpu.memory_space<hbm>>
    %dma_start3A_234 = arith.constant 0 : i32
    %dma_start3A_235 = tpu.memref_slice %arg5[%add3A_231, %dma_start3A_234] : memref<20480x512xi32, #tpu.memory_space<hbm>> -> memref<64x512xi32, #tpu.memory_space<hbm>>
    tpu.enqueue_dma source(%arg9 : memref<64x512xi32, #tpu.memory_space<vmem>>) target(%dma_start3A_235 : memref<64x512xi32, #tpu.memory_space<hbm>>) target_semaphore(%arg14 : memref<!tpu.dma_semaphore, #tpu.memory_space<semaphore_mem>>)
    %dma_wait3A_236 = arith.constant 9 : i32
    %dma_wait3A_237 = arith.constant 0 : i32
    %dma_wait3A_238 = tpu.memref_slice %arg7[%dma_wait3A_236, %dma_wait3A_237] : memref<10x64xi32, #tpu.memory_space<vmem>> -> memref<1x64xi32, #tpu.memory_space<vmem>>
    %dma_wait3A_239 = tpu.memref_squeeze %dma_wait3A_238 : memref<1x64xi32, #tpu.memory_space<vmem>> -> memref<64xi32, #tpu.memory_space<vmem>>
    %dma_wait3A_240 = arith.constant 0 : i32
    %dma_wait3A_241 = arith.constant 0 : i32
    %dma_wait3A_242 = tpu.memref_slice %arg4[%dma_wait3A_240, %dma_wait3A_241] : memref<1008x512xi32, #tpu.memory_space<hbm>> -> memref<1008x512xi32, #tpu.memory_space<hbm>>
    tpu.wait_indirect_dma semaphore(%arg13 : memref<!tpu.dma_semaphore, #tpu.memory_space<semaphore_mem>>) src(%dma_wait3A_242 : memref<1008x512xi32, #tpu.memory_space<hbm>>) dst(%arg10 : memref<64x512xi32, #tpu.memory_space<vmem>>)
    %mul3A_243 = arith.constant 640 : i32
    %mul3A_244 = arith.muli %add3A, %mul3A_243 : i32
    %add3A_245 = arith.constant 576 : i32
    %add3A_246 = arith.addi %mul3A_244, %add3A_245 : i32
    %dma_start3A_247 = arith.constant 0 : i32
    %dma_start3A_248 = tpu.memref_slice %arg5[%add3A_246, %dma_start3A_247] : memref<20480x512xi32, #tpu.memory_space<hbm>> -> memref<64x512xi32, #tpu.memory_space<hbm>>
    %dma_start3A_249 = arith.constant 0 : i32
    %dma_start3A_250 = tpu.memref_slice %arg5[%add3A_246, %dma_start3A_249] : memref<20480x512xi32, #tpu.memory_space<hbm>> -> memref<64x512xi32, #tpu.memory_space<hbm>>
    tpu.enqueue_dma source(%arg10 : memref<64x512xi32, #tpu.memory_space<vmem>>) target(%dma_start3A_250 : memref<64x512xi32, #tpu.memory_space<hbm>>) target_semaphore(%arg15 : memref<!tpu.dma_semaphore, #tpu.memory_space<semaphore_mem>>)
    %dma_wait3A_251 = arith.constant 0 : i32
    %dma_wait3A_252 = tpu.memref_slice %arg5[%add3A_231, %dma_wait3A_251] : memref<20480x512xi32, #tpu.memory_space<hbm>> -> memref<64x512xi32, #tpu.memory_space<hbm>>
    %dma_wait3A_253 = arith.constant 0 : i32
    %dma_wait3A_254 = tpu.memref_slice %arg5[%add3A_231, %dma_wait3A_253] : memref<20480x512xi32, #tpu.memory_space<hbm>> -> memref<64x512xi32, #tpu.memory_space<hbm>>
    tpu.wait_dma2 semaphore(%arg14 : memref<!tpu.dma_semaphore, #tpu.memory_space<semaphore_mem>>) src(%arg9 : memref<64x512xi32, #tpu.memory_space<vmem>>) dst(%dma_wait3A_254 : memref<64x512xi32, #tpu.memory_space<hbm>>)
    %dma_wait3A_255 = arith.constant 0 : i32
    %dma_wait3A_256 = tpu.memref_slice %arg5[%add3A_246, %dma_wait3A_255] : memref<20480x512xi32, #tpu.memory_space<hbm>> -> memref<64x512xi32, #tpu.memory_space<hbm>>
    %dma_wait3A_257 = arith.constant 0 : i32
    %dma_wait3A_258 = tpu.memref_slice %arg5[%add3A_246, %dma_wait3A_257] : memref<20480x512xi32, #tpu.memory_space<hbm>> -> memref<64x512xi32, #tpu.memory_space<hbm>>
    tpu.wait_dma2 semaphore(%arg15 : memref<!tpu.dma_semaphore, #tpu.memory_space<semaphore_mem>>) src(%arg10 : memref<64x512xi32, #tpu.memory_space<vmem>>) dst(%dma_wait3A_258 : memref<64x512xi32, #tpu.memory_space<hbm>>)
    %mul3A_259 = arith.constant 640 : i32
    %mul3A_260 = arith.muli %add3A, %mul3A_259 : i32
    "tpu.region"() ({
      %run_scoped3A = tpu.sem_alloc : memref<!tpu.dma_semaphore, #tpu.memory_space<semaphore_mem>>
      %dma_start3A_2062 = tpu.memref_slice %arg3[%mul3A_260] : memref<20480xi32, #tpu.memory_space<hbm>> -> memref<640xi32, #tpu.memory_space<hbm>>
      %dma_start3A_2063 = tpu.memref_slice %arg3[%mul3A_260] : memref<20480xi32, #tpu.memory_space<hbm>> -> memref<640xi32, #tpu.memory_space<hbm>>
      tpu.enqueue_dma source(%dma_start3A_2063 : memref<640xi32, #tpu.memory_space<hbm>>) target(%arg8 : memref<640xi32, #tpu.memory_space<vmem>>) target_semaphore(%run_scoped3A : memref<!tpu.dma_semaphore, #tpu.memory_space<semaphore_mem>>)
      %dma_wait3A_2064 = tpu.memref_slice %arg3[%mul3A_260] : memref<20480xi32, #tpu.memory_space<hbm>> -> memref<640xi32, #tpu.memory_space<hbm>>
      %dma_wait3A_2065 = tpu.memref_slice %arg3[%mul3A_260] : memref<20480xi32, #tpu.memory_space<hbm>> -> memref<640xi32, #tpu.memory_space<hbm>>
      tpu.wait_dma2 semaphore(%run_scoped3A : memref<!tpu.dma_semaphore, #tpu.memory_space<semaphore_mem>>) src(%dma_wait3A_2065 : memref<640xi32, #tpu.memory_space<hbm>>) dst(%arg8 : memref<640xi32, #tpu.memory_space<vmem>>)
      tpu.yield
    }) : () -> ()
    %broadcast_in_dim3A = arith.constant 1.000000e+00 : f32
    %broadcast_in_dim3A_261 = vector.broadcast %broadcast_in_dim3A : f32 to vector<16xf32>
    %scan3A = arith.constant 0 : i32
    %scan3A_262 = arith.constant 0 : i32
    %scan3A_263 = arith.constant 2048 : i32
    %scan3A_264 = arith.addi %scan3A_262, %scan3A_263 : i32
    %scan3A_265 = arith.constant 1 : i32
    scf.for %scan3A_2062 = %scan3A_262 to %scan3A_264 step %scan3A_265  : i32 {
      %jit3A_2063 = arith.constant 64 : i32
      %div3A_2064 = arith.divsi %scan3A_2062, %jit3A_2063 : i32
      %sign3A_2065 = arith.constant 0 : i32
      %sign3A_2066 = arith.cmpi sgt, %scan3A_2062, %sign3A_2065 : i32
      %sign3A_2067 = arith.extui %sign3A_2066 : i1 to i32
      %sign3A_2068 = arith.constant 0 : i32
      %sign3A_2069 = arith.cmpi slt, %scan3A_2062, %sign3A_2068 : i32
      %sign3A_2070 = arith.extui %sign3A_2069 : i1 to i32
      %sign3A_2071 = arith.subi %sign3A_2067, %sign3A_2070 : i32
      %sign3A_2072 = arith.constant 0 : i32
      %sign3A_2073 = arith.cmpi sgt, %jit3A_2063, %sign3A_2072 : i32
      %sign3A_2074 = arith.extui %sign3A_2073 : i1 to i32
      %sign3A_2075 = arith.constant 0 : i32
      %sign3A_2076 = arith.cmpi slt, %jit3A_2063, %sign3A_2075 : i32
      %sign3A_2077 = arith.extui %sign3A_2076 : i1 to i32
      %sign3A_2078 = arith.subi %sign3A_2074, %sign3A_2077 : i32
      %ne3A_2079 = arith.cmpi ne, %sign3A_2071, %sign3A_2078 : i32
      %rem3A_2080 = arith.remsi %scan3A_2062, %jit3A_2063 : i32
      %ne3A_2081 = arith.constant 0 : i32
      %ne3A_2082 = arith.cmpi ne, %rem3A_2080, %ne3A_2081 : i32
      %and3A_2083 = arith.andi %ne3A_2079, %ne3A_2082 : i1
      %sub3A_2084 = arith.constant 1 : i32
      %sub3A_2085 = arith.subi %div3A_2064, %sub3A_2084 : i32
      %select_n3A_2086 = arith.select %and3A_2083, %sub3A_2085, %div3A_2064 : i32
      %jit3A_2087 = arith.constant 64 : i32
      %eq3A = arith.constant 0 : i32
      %eq3A_2088 = arith.cmpi eq, %jit3A_2087, %eq3A : i32
      %jit3A_2089 = arith.constant 1 : i32
      %select_n3A_2090 = arith.select %eq3A_2088, %jit3A_2089, %jit3A_2087 : i32
      %rem3A_2091 = arith.remsi %scan3A_2062, %select_n3A_2090 : i32
      %ne3A_2092 = arith.constant 0 : i32
      %ne3A_2093 = arith.cmpi ne, %rem3A_2091, %ne3A_2092 : i32
      %lt3A = arith.constant 0 : i32
      %lt3A_2094 = arith.cmpi slt, %rem3A_2091, %lt3A : i32
      %lt3A_2095 = arith.constant 0 : i32
      %lt3A_2096 = arith.cmpi slt, %select_n3A_2090, %lt3A_2095 : i32
      %ne3A_2097 = arith.xori %lt3A_2094, %lt3A_2096 : i1
      %and3A_2098 = arith.andi %ne3A_2097, %ne3A_2093 : i1
      %add3A_2099 = arith.addi %rem3A_2091, %select_n3A_2090 : i32
      %select_n3A_2100 = arith.select %and3A_2098, %add3A_2099, %rem3A_2091 : i32
      %mul3A_2101 = arith.constant 16 : i32
      %mul3A_2102 = arith.muli %select_n3A_2100, %mul3A_2101 : i32
      %multiple_of3A = tpu.assume_multiple %mul3A_2102, 16 : i32
      %swap3A = arith.index_cast %select_n3A_2086 : i32 to index
      %swap3A_2103 = arith.index_cast %multiple_of3A : i32 to index
      %swap3A_2104 = tpu.vector_load %arg11[%swap3A, %swap3A_2103] {strides = array<i32>} : memref<32x1024xf32, #tpu.memory_space<vmem>>, vector<16xf32>,
      tpu.vector_store %arg11[%swap3A, %swap3A_2103], %broadcast_in_dim3A_261 {strides = array<i32>} : memref<32x1024xf32, #tpu.memory_space<vmem>>, vector<16xf32>,
    }
    %scan3A_266 = arith.constant 2048 : i32
    %broadcast_in_dim3A_267 = arith.constant 0.000000e+00 : f32
    %broadcast_in_dim3A_268 = vector.broadcast %broadcast_in_dim3A_267 : f32 to vector<16xf32>
    %iota3A = tpu.iota {dimensions = array<i32: 0>} : vector<16xi32>
    %get3A = arith.constant 0 : index
    %get3A_269 = tpu.vector_load %arg8[%get3A] {strides = array<i32>} : memref<640xi32, #tpu.memory_space<vmem>>, vector<16xi32>,
    %add3A_270 = arith.constant 0 : i32
    %add3A_271 = vector.broadcast %add3A_270 : i32 to vector<16xi32>
    %add3A_272 = arith.addi %iota3A, %add3A_271 : vector<16xi32>
    %jit3A = arith.constant 20 : i32
    %div3A = vector.broadcast %jit3A : i32 to vector<16xi32>
    %div3A_273 = arith.divsi %add3A_272, %div3A : vector<16xi32>
    %sign3A = arith.constant 0 : i32
    %sign3A_274 = vector.broadcast %sign3A : i32 to vector<16xi32>
    %sign3A_275 = arith.cmpi sgt, %add3A_272, %sign3A_274 : vector<16xi32>
    %sign3A_276 = arith.extui %sign3A_275 : vector<16xi1> to vector<16xi32>
    %sign3A_277 = arith.constant 0 : i32
    %sign3A_278 = vector.broadcast %sign3A_277 : i32 to vector<16xi32>
    %sign3A_279 = arith.cmpi slt, %add3A_272, %sign3A_278 : vector<16xi32>
    %sign3A_280 = arith.extui %sign3A_279 : vector<16xi1> to vector<16xi32>
    %sign3A_281 = arith.subi %sign3A_276, %sign3A_280 : vector<16xi32>
    %sign3A_282 = arith.constant 0 : i32
    %sign3A_283 = arith.cmpi sgt, %jit3A, %sign3A_282 : i32
    %sign3A_284 = arith.extui %sign3A_283 : i1 to i32
    %sign3A_285 = arith.constant 0 : i32
    %sign3A_286 = arith.cmpi slt, %jit3A, %sign3A_285 : i32
    %sign3A_287 = arith.extui %sign3A_286 : i1 to i32
    %sign3A_288 = arith.subi %sign3A_284, %sign3A_287 : i32
    %ne3A = vector.broadcast %sign3A_288 : i32 to vector<16xi32>
    %ne3A_289 = arith.cmpi ne, %sign3A_281, %ne3A : vector<16xi32>
    %rem3A = vector.broadcast %jit3A : i32 to vector<16xi32>
    %rem3A_290 = arith.remsi %add3A_272, %rem3A : vector<16xi32>
    %ne3A_291 = arith.constant 0 : i32
    %ne3A_292 = vector.broadcast %ne3A_291 : i32 to vector<16xi32>
    %ne3A_293 = arith.cmpi ne, %rem3A_290, %ne3A_292 : vector<16xi32>
    %and3A = arith.andi %ne3A_289, %ne3A_293 : vector<16xi1>
    %sub3A = arith.constant 1 : i32
    %sub3A_294 = vector.broadcast %sub3A : i32 to vector<16xi32>
    %sub3A_295 = arith.subi %div3A_273, %sub3A_294 : vector<16xi32>
    %select_n3A = arith.select %and3A, %sub3A_295, %div3A_273 : vector<16xi1>, vector<16xi32>
    %ne3A_296 = arith.constant 0 : i32
    %ne3A_297 = vector.broadcast %ne3A_296 : i32 to vector<16xi32>
    %ne3A_298 = arith.cmpi ne, %get3A_269, %ne3A_297 : vector<16xi32>
    %sub3A_299 = arith.constant 1 : i32
    %sub3A_300 = vector.broadcast %sub3A_299 : i32 to vector<16xi32>
    %sub3A_301 = arith.subi %get3A_269, %sub3A_300 : vector<16xi32>
    %jit3A_302 = arith.constant 1000 : i32
    %broadcast_in_dim3A_303 = vector.broadcast %jit3A_302 : i32 to vector<16xi32>
    %select_n3A_304 = arith.select %ne3A_298, %sub3A_301, %broadcast_in_dim3A_303 : vector<16xi1>, vector<16xi32>
    tpu.vector_store_idx %arg11[%select_n3A, %select_n3A_304], %broadcast_in_dim3A_268 : memref<32x1024xf32, #tpu.memory_space<vmem>>[vector<16xi32>, vector<16xi32>], vector<16xf32>,
    %get3A_305 = arith.constant 16 : index
    %get3A_306 = tpu.vector_load %arg8[%get3A_305] {strides = array<i32>} : memref<640xi32, #tpu.memory_space<vmem>>, vector<16xi32>,
    %add3A_307 = arith.constant 16 : i32
    %add3A_308 = vector.broadcast %add3A_307 : i32 to vector<16xi32>
    %add3A_309 = arith.addi %iota3A, %add3A_308 : vector<16xi32>
    %jit3A_310 = arith.constant 20 : i32
    %div3A_311 = vector.broadcast %jit3A_310 : i32 to vector<16xi32>
    %div3A_312 = arith.divsi %add3A_309, %div3A_311 : vector<16xi32>
    %sign3A_313 = arith.constant 0 : i32
    %sign3A_314 = vector.broadcast %sign3A_313 : i32 to vector<16xi32>
    %sign3A_315 = arith.cmpi sgt, %add3A_309, %sign3A_314 : vector<16xi32>
    %sign3A_316 = arith.extui %sign3A_315 : vector<16xi1> to vector<16xi32>
    %sign3A_317 = arith.constant 0 : i32
    %sign3A_318 = vector.broadcast %sign3A_317 : i32 to vector<16xi32>
    %sign3A_319 = arith.cmpi slt, %add3A_309, %sign3A_318 : vector<16xi32>
    %sign3A_320 = arith.extui %sign3A_319 : vector<16xi1> to vector<16xi32>
    %sign3A_321 = arith.subi %sign3A_316, %sign3A_320 : vector<16xi32>
    %sign3A_322 = arith.constant 0 : i32
    %sign3A_323 = arith.cmpi sgt, %jit3A_310, %sign3A_322 : i32
    %sign3A_324 = arith.extui %sign3A_323 : i1 to i32
    %sign3A_325 = arith.constant 0 : i32
    %sign3A_326 = arith.cmpi slt, %jit3A_310, %sign3A_325 : i32
    %sign3A_327 = arith.extui %sign3A_326 : i1 to i32
    %sign3A_328 = arith.subi %sign3A_324, %sign3A_327 : i32
    %ne3A_329 = vector.broadcast %sign3A_328 : i32 to vector<16xi32>
    %ne3A_330 = arith.cmpi ne, %sign3A_321, %ne3A_329 : vector<16xi32>
    %rem3A_331 = vector.broadcast %jit3A_310 : i32 to vector<16xi32>
    %rem3A_332 = arith.remsi %add3A_309, %rem3A_331 : vector<16xi32>
    %ne3A_333 = arith.constant 0 : i32
    %ne3A_334 = vector.broadcast %ne3A_333 : i32 to vector<16xi32>
    %ne3A_335 = arith.cmpi ne, %rem3A_332, %ne3A_334 : vector<16xi32>
    %and3A_336 = arith.andi %ne3A_330, %ne3A_335 : vector<16xi1>
    %sub3A_337 = arith.constant 1 : i32
    %sub3A_338 = vector.broadcast %sub3A_337 : i32 to vector<16xi32>
    %sub3A_339 = arith.subi %div3A_312, %sub3A_338 : vector<16xi32>
    %select_n3A_340 = arith.select %and3A_336, %sub3A_339, %div3A_312 : vector<16xi1>, vector<16xi32>
    %ne3A_341 = arith.constant 0 : i32
    %ne3A_342 = vector.broadcast %ne3A_341 : i32 to vector<16xi32>
    %ne3A_343 = arith.cmpi ne, %get3A_306, %ne3A_342 : vector<16xi32>
    %sub3A_344 = arith.constant 1 : i32
    %sub3A_345 = vector.broadcast %sub3A_344 : i32 to vector<16xi32>
    %sub3A_346 = arith.subi %get3A_306, %sub3A_345 : vector<16xi32>
    %jit3A_347 = arith.constant 1000 : i32
    %broadcast_in_dim3A_348 = vector.broadcast %jit3A_347 : i32 to vector<16xi32>
    %select_n3A_349 = arith.select %ne3A_343, %sub3A_346, %broadcast_in_dim3A_348 : vector<16xi1>, vector<16xi32>
    tpu.vector_store_idx %arg11[%select_n3A_340, %select_n3A_349], %broadcast_in_dim3A_268 : memref<32x1024xf32, #tpu.memory_space<vmem>>[vector<16xi32>, vector<16xi32>], vector<16xf32>,
    %get3A_350 = arith.constant 32 : index
    %get3A_351 = tpu.vector_load %arg8[%get3A_350] {strides = array<i32>} : memref<640xi32, #tpu.memory_space<vmem>>, vector<16xi32>,
    %add3A_352 = arith.constant 32 : i32
    %add3A_353 = vector.broadcast %add3A_352 : i32 to vector<16xi32>
    %add3A_354 = arith.addi %iota3A, %add3A_353 : vector<16xi32>
    %jit3A_355 = arith.constant 20 : i32
    %div3A_356 = vector.broadcast %jit3A_355 : i32 to vector<16xi32>
    %div3A_357 = arith.divsi %add3A_354, %div3A_356 : vector<16xi32>
    %sign3A_358 = arith.constant 0 : i32
    %sign3A_359 = vector.broadcast %sign3A_358 : i32 to vector<16xi32>
    %sign3A_360 = arith.cmpi sgt, %add3A_354, %sign3A_359 : vector<16xi32>
    %sign3A_361 = arith.extui %sign3A_360 : vector<16xi1> to vector<16xi32>
    %sign3A_362 = arith.constant 0 : i32
    %sign3A_363 = vector.broadcast %sign3A_362 : i32 to vector<16xi32>
    %sign3A_364 = arith.cmpi slt, %add3A_354, %sign3A_363 : vector<16xi32>
    %sign3A_365 = arith.extui %sign3A_364 : vector<16xi1> to vector<16xi32>
    %sign3A_366 = arith.subi %sign3A_361, %sign3A_365 : vector<16xi32>
    %sign3A_367 = arith.constant 0 : i32
    %sign3A_368 = arith.cmpi sgt, %jit3A_355, %sign3A_367 : i32
    %sign3A_369 = arith.extui %sign3A_368 : i1 to i32
    %sign3A_370 = arith.constant 0 : i32
    %sign3A_371 = arith.cmpi slt, %jit3A_355, %sign3A_370 : i32
    %sign3A_372 = arith.extui %sign3A_371 : i1 to i32
    %sign3A_373 = arith.subi %sign3A_369, %sign3A_372 : i32
    %ne3A_374 = vector.broadcast %sign3A_373 : i32 to vector<16xi32>
    %ne3A_375 = arith.cmpi ne, %sign3A_366, %ne3A_374 : vector<16xi32>
    %rem3A_376 = vector.broadcast %jit3A_355 : i32 to vector<16xi32>
    %rem3A_377 = arith.remsi %add3A_354, %rem3A_376 : vector<16xi32>
    %ne3A_378 = arith.constant 0 : i32
    %ne3A_379 = vector.broadcast %ne3A_378 : i32 to vector<16xi32>
    %ne3A_380 = arith.cmpi ne, %rem3A_377, %ne3A_379 : vector<16xi32>
    %and3A_381 = arith.andi %ne3A_375, %ne3A_380 : vector<16xi1>
    %sub3A_382 = arith.constant 1 : i32
    %sub3A_383 = vector.broadcast %sub3A_382 : i32 to vector<16xi32>
    %sub3A_384 = arith.subi %div3A_357, %sub3A_383 : vector<16xi32>
    %select_n3A_385 = arith.select %and3A_381, %sub3A_384, %div3A_357 : vector<16xi1>, vector<16xi32>
    %ne3A_386 = arith.constant 0 : i32
    %ne3A_387 = vector.broadcast %ne3A_386 : i32 to vector<16xi32>
    %ne3A_388 = arith.cmpi ne, %get3A_351, %ne3A_387 : vector<16xi32>
    %sub3A_389 = arith.constant 1 : i32
    %sub3A_390 = vector.broadcast %sub3A_389 : i32 to vector<16xi32>
    %sub3A_391 = arith.subi %get3A_351, %sub3A_390 : vector<16xi32>
    %jit3A_392 = arith.constant 1000 : i32
    %broadcast_in_dim3A_393 = vector.broadcast %jit3A_392 : i32 to vector<16xi32>
    %select_n3A_394 = arith.select %ne3A_388, %sub3A_391, %broadcast_in_dim3A_393 : vector<16xi1>, vector<16xi32>
    tpu.vector_store_idx %arg11[%select_n3A_385, %select_n3A_394], %broadcast_in_dim3A_268 : memref<32x1024xf32, #tpu.memory_space<vmem>>[vector<16xi32>, vector<16xi32>], vector<16xf32>,
    %get3A_395 = arith.constant 48 : index
    %get3A_396 = tpu.vector_load %arg8[%get3A_395] {strides = array<i32>} : memref<640xi32, #tpu.memory_space<vmem>>, vector<16xi32>,
    %add3A_397 = arith.constant 48 : i32
    %add3A_398 = vector.broadcast %add3A_397 : i32 to vector<16xi32>
    %add3A_399 = arith.addi %iota3A, %add3A_398 : vector<16xi32>
    %jit3A_400 = arith.constant 20 : i32
    %div3A_401 = vector.broadcast %jit3A_400 : i32 to vector<16xi32>
    %div3A_402 = arith.divsi %add3A_399, %div3A_401 : vector<16xi32>
    %sign3A_403 = arith.constant 0 : i32
    %sign3A_404 = vector.broadcast %sign3A_403 : i32 to vector<16xi32>
    %sign3A_405 = arith.cmpi sgt, %add3A_399, %sign3A_404 : vector<16xi32>
    %sign3A_406 = arith.extui %sign3A_405 : vector<16xi1> to vector<16xi32>
    %sign3A_407 = arith.constant 0 : i32
    %sign3A_408 = vector.broadcast %sign3A_407 : i32 to vector<16xi32>
    %sign3A_409 = arith.cmpi slt, %add3A_399, %sign3A_408 : vector<16xi32>
    %sign3A_410 = arith.extui %sign3A_409 : vector<16xi1> to vector<16xi32>
    %sign3A_411 = arith.subi %sign3A_406, %sign3A_410 : vector<16xi32>
    %sign3A_412 = arith.constant 0 : i32
    %sign3A_413 = arith.cmpi sgt, %jit3A_400, %sign3A_412 : i32
    %sign3A_414 = arith.extui %sign3A_413 : i1 to i32
    %sign3A_415 = arith.constant 0 : i32
    %sign3A_416 = arith.cmpi slt, %jit3A_400, %sign3A_415 : i32
    %sign3A_417 = arith.extui %sign3A_416 : i1 to i32
    %sign3A_418 = arith.subi %sign3A_414, %sign3A_417 : i32
    %ne3A_419 = vector.broadcast %sign3A_418 : i32 to vector<16xi32>
    %ne3A_420 = arith.cmpi ne, %sign3A_411, %ne3A_419 : vector<16xi32>
    %rem3A_421 = vector.broadcast %jit3A_400 : i32 to vector<16xi32>
    %rem3A_422 = arith.remsi %add3A_399, %rem3A_421 : vector<16xi32>
    %ne3A_423 = arith.constant 0 : i32
    %ne3A_424 = vector.broadcast %ne3A_423 : i32 to vector<16xi32>
    %ne3A_425 = arith.cmpi ne, %rem3A_422, %ne3A_424 : vector<16xi32>
    %and3A_426 = arith.andi %ne3A_420, %ne3A_425 : vector<16xi1>
    %sub3A_427 = arith.constant 1 : i32
    %sub3A_428 = vector.broadcast %sub3A_427 : i32 to vector<16xi32>
    %sub3A_429 = arith.subi %div3A_402, %sub3A_428 : vector<16xi32>
    %select_n3A_430 = arith.select %and3A_426, %sub3A_429, %div3A_402 : vector<16xi1>, vector<16xi32>
    %ne3A_431 = arith.constant 0 : i32
    %ne3A_432 = vector.broadcast %ne3A_431 : i32 to vector<16xi32>
    %ne3A_433 = arith.cmpi ne, %get3A_396, %ne3A_432 : vector<16xi32>
    %sub3A_434 = arith.constant 1 : i32
    %sub3A_435 = vector.broadcast %sub3A_434 : i32 to vector<16xi32>
    %sub3A_436 = arith.subi %get3A_396, %sub3A_435 : vector<16xi32>
    %jit3A_437 = arith.constant 1000 : i32
    %broadcast_in_dim3A_438 = vector.broadcast %jit3A_437 : i32 to vector<16xi32>
    %select_n3A_439 = arith.select %ne3A_433, %sub3A_436, %broadcast_in_dim3A_438 : vector<16xi1>, vector<16xi32>
    tpu.vector_store_idx %arg11[%select_n3A_430, %select_n3A_439], %broadcast_in_dim3A_268 : memref<32x1024xf32, #tpu.memory_space<vmem>>[vector<16xi32>, vector<16xi32>], vector<16xf32>,
    %get3A_440 = arith.constant 64 : index
    %get3A_441 = tpu.vector_load %arg8[%get3A_440] {strides = array<i32>} : memref<640xi32, #tpu.memory_space<vmem>>, vector<16xi32>,
    %add3A_442 = arith.constant 64 : i32
    %add3A_443 = vector.broadcast %add3A_442 : i32 to vector<16xi32>
    %add3A_444 = arith.addi %iota3A, %add3A_443 : vector<16xi32>
    %jit3A_445 = arith.constant 20 : i32
    %div3A_446 = vector.broadcast %jit3A_445 : i32 to vector<16xi32>
    %div3A_447 = arith.divsi %add3A_444, %div3A_446 : vector<16xi32>
    %sign3A_448 = arith.constant 0 : i32
    %sign3A_449 = vector.broadcast %sign3A_448 : i32 to vector<16xi32>
    %sign3A_450 = arith.cmpi sgt, %add3A_444, %sign3A_449 : vector<16xi32>
    %sign3A_451 = arith.extui %sign3A_450 : vector<16xi1> to vector<16xi32>
    %sign3A_452 = arith.constant 0 : i32
    %sign3A_453 = vector.broadcast %sign3A_452 : i32 to vector<16xi32>
    %sign3A_454 = arith.cmpi slt, %add3A_444, %sign3A_453 : vector<16xi32>
    %sign3A_455 = arith.extui %sign3A_454 : vector<16xi1> to vector<16xi32>
    %sign3A_456 = arith.subi %sign3A_451, %sign3A_455 : vector<16xi32>
    %sign3A_457 = arith.constant 0 : i32
    %sign3A_458 = arith.cmpi sgt, %jit3A_445, %sign3A_457 : i32
    %sign3A_459 = arith.extui %sign3A_458 : i1 to i32
    %sign3A_460 = arith.constant 0 : i32
    %sign3A_461 = arith.cmpi slt, %jit3A_445, %sign3A_460 : i32
    %sign3A_462 = arith.extui %sign3A_461 : i1 to i32
    %sign3A_463 = arith.subi %sign3A_459, %sign3A_462 : i32
    %ne3A_464 = vector.broadcast %sign3A_463 : i32 to vector<16xi32>
    %ne3A_465 = arith.cmpi ne, %sign3A_456, %ne3A_464 : vector<16xi32>
    %rem3A_466 = vector.broadcast %jit3A_445 : i32 to vector<16xi32>
    %rem3A_467 = arith.remsi %add3A_444, %rem3A_466 : vector<16xi32>
    %ne3A_468 = arith.constant 0 : i32
    %ne3A_469 = vector.broadcast %ne3A_468 : i32 to vector<16xi32>
    %ne3A_470 = arith.cmpi ne, %rem3A_467, %ne3A_469 : vector<16xi32>
    %and3A_471 = arith.andi %ne3A_465, %ne3A_470 : vector<16xi1>
    %sub3A_472 = arith.constant 1 : i32
    %sub3A_473 = vector.broadcast %sub3A_472 : i32 to vector<16xi32>
    %sub3A_474 = arith.subi %div3A_447, %sub3A_473 : vector<16xi32>
    %select_n3A_475 = arith.select %and3A_471, %sub3A_474, %div3A_447 : vector<16xi1>, vector<16xi32>
    %ne3A_476 = arith.constant 0 : i32
    %ne3A_477 = vector.broadcast %ne3A_476 : i32 to vector<16xi32>
    %ne3A_478 = arith.cmpi ne, %get3A_441, %ne3A_477 : vector<16xi32>
    %sub3A_479 = arith.constant 1 : i32
    %sub3A_480 = vector.broadcast %sub3A_479 : i32 to vector<16xi32>
    %sub3A_481 = arith.subi %get3A_441, %sub3A_480 : vector<16xi32>
    %jit3A_482 = arith.constant 1000 : i32
    %broadcast_in_dim3A_483 = vector.broadcast %jit3A_482 : i32 to vector<16xi32>
    %select_n3A_484 = arith.select %ne3A_478, %sub3A_481, %broadcast_in_dim3A_483 : vector<16xi1>, vector<16xi32>
    tpu.vector_store_idx %arg11[%select_n3A_475, %select_n3A_484], %broadcast_in_dim3A_268 : memref<32x1024xf32, #tpu.memory_space<vmem>>[vector<16xi32>, vector<16xi32>], vector<16xf32>,
    %get3A_485 = arith.constant 80 : index
    %get3A_486 = tpu.vector_load %arg8[%get3A_485] {strides = array<i32>} : memref<640xi32, #tpu.memory_space<vmem>>, vector<16xi32>,
    %add3A_487 = arith.constant 80 : i32
    %add3A_488 = vector.broadcast %add3A_487 : i32 to vector<16xi32>
    %add3A_489 = arith.addi %iota3A, %add3A_488 : vector<16xi32>
    %jit3A_490 = arith.constant 20 : i32
    %div3A_491 = vector.broadcast %jit3A_490 : i32 to vector<16xi32>
    %div3A_492 = arith.divsi %add3A_489, %div3A_491 : vector<16xi32>
    %sign3A_493 = arith.constant 0 : i32
    %sign3A_494 = vector.broadcast %sign3A_493 : i32 to vector<16xi32>
    %sign3A_495 = arith.cmpi sgt, %add3A_489, %sign3A_494 : vector<16xi32>
    %sign3A_496 = arith.extui %sign3A_495 : vector<16xi1> to vector<16xi32>
    %sign3A_497 = arith.constant 0 : i32
    %sign3A_498 = vector.broadcast %sign3A_497 : i32 to vector<16xi32>
    %sign3A_499 = arith.cmpi slt, %add3A_489, %sign3A_498 : vector<16xi32>
    %sign3A_500 = arith.extui %sign3A_499 : vector<16xi1> to vector<16xi32>
    %sign3A_501 = arith.subi %sign3A_496, %sign3A_500 : vector<16xi32>
    %sign3A_502 = arith.constant 0 : i32
    %sign3A_503 = arith.cmpi sgt, %jit3A_490, %sign3A_502 : i32
    %sign3A_504 = arith.extui %sign3A_503 : i1 to i32
    %sign3A_505 = arith.constant 0 : i32
    %sign3A_506 = arith.cmpi slt, %jit3A_490, %sign3A_505 : i32
    %sign3A_507 = arith.extui %sign3A_506 : i1 to i32
    %sign3A_508 = arith.subi %sign3A_504, %sign3A_507 : i32
    %ne3A_509 = vector.broadcast %sign3A_508 : i32 to vector<16xi32>
    %ne3A_510 = arith.cmpi ne, %sign3A_501, %ne3A_509 : vector<16xi32>
    %rem3A_511 = vector.broadcast %jit3A_490 : i32 to vector<16xi32>
    %rem3A_512 = arith.remsi %add3A_489, %rem3A_511 : vector<16xi32>
    %ne3A_513 = arith.constant 0 : i32
    %ne3A_514 = vector.broadcast %ne3A_513 : i32 to vector<16xi32>
    %ne3A_515 = arith.cmpi ne, %rem3A_512, %ne3A_514 : vector<16xi32>
    %and3A_516 = arith.andi %ne3A_510, %ne3A_515 : vector<16xi1>
    %sub3A_517 = arith.constant 1 : i32
    %sub3A_518 = vector.broadcast %sub3A_517 : i32 to vector<16xi32>
    %sub3A_519 = arith.subi %div3A_492, %sub3A_518 : vector<16xi32>
    %select_n3A_520 = arith.select %and3A_516, %sub3A_519, %div3A_492 : vector<16xi1>, vector<16xi32>
    %ne3A_521 = arith.constant 0 : i32
    %ne3A_522 = vector.broadcast %ne3A_521 : i32 to vector<16xi32>
    %ne3A_523 = arith.cmpi ne, %get3A_486, %ne3A_522 : vector<16xi32>
    %sub3A_524 = arith.constant 1 : i32
    %sub3A_525 = vector.broadcast %sub3A_524 : i32 to vector<16xi32>
    %sub3A_526 = arith.subi %get3A_486, %sub3A_525 : vector<16xi32>
    %jit3A_527 = arith.constant 1000 : i32
    %broadcast_in_dim3A_528 = vector.broadcast %jit3A_527 : i32 to vector<16xi32>
    %select_n3A_529 = arith.select %ne3A_523, %sub3A_526, %broadcast_in_dim3A_528 : vector<16xi1>, vector<16xi32>
    tpu.vector_store_idx %arg11[%select_n3A_520, %select_n3A_529], %broadcast_in_dim3A_268 : memref<32x1024xf32, #tpu.memory_space<vmem>>[vector<16xi32>, vector<16xi32>], vector<16xf32>,
    %get3A_530 = arith.constant 96 : index
    %get3A_531 = tpu.vector_load %arg8[%get3A_530] {strides = array<i32>} : memref<640xi32, #tpu.memory_space<vmem>>, vector<16xi32>,
    %add3A_532 = arith.constant 96 : i32
    %add3A_533 = vector.broadcast %add3A_532 : i32 to vector<16xi32>
    %add3A_534 = arith.addi %iota3A, %add3A_533 : vector<16xi32>
    %jit3A_535 = arith.constant 20 : i32
    %div3A_536 = vector.broadcast %jit3A_535 : i32 to vector<16xi32>
    %div3A_537 = arith.divsi %add3A_534, %div3A_536 : vector<16xi32>
    %sign3A_538 = arith.constant 0 : i32
    %sign3A_539 = vector.broadcast %sign3A_538 : i32 to vector<16xi32>
    %sign3A_540 = arith.cmpi sgt, %add3A_534, %sign3A_539 : vector<16xi32>
    %sign3A_541 = arith.extui %sign3A_540 : vector<16xi1> to vector<16xi32>
    %sign3A_542 = arith.constant 0 : i32
    %sign3A_543 = vector.broadcast %sign3A_542 : i32 to vector<16xi32>
    %sign3A_544 = arith.cmpi slt, %add3A_534, %sign3A_543 : vector<16xi32>
    %sign3A_545 = arith.extui %sign3A_544 : vector<16xi1> to vector<16xi32>
    %sign3A_546 = arith.subi %sign3A_541, %sign3A_545 : vector<16xi32>
    %sign3A_547 = arith.constant 0 : i32
    %sign3A_548 = arith.cmpi sgt, %jit3A_535, %sign3A_547 : i32
    %sign3A_549 = arith.extui %sign3A_548 : i1 to i32
    %sign3A_550 = arith.constant 0 : i32
    %sign3A_551 = arith.cmpi slt, %jit3A_535, %sign3A_550 : i32
    %sign3A_552 = arith.extui %sign3A_551 : i1 to i32
    %sign3A_553 = arith.subi %sign3A_549, %sign3A_552 : i32
    %ne3A_554 = vector.broadcast %sign3A_553 : i32 to vector<16xi32>
    %ne3A_555 = arith.cmpi ne, %sign3A_546, %ne3A_554 : vector<16xi32>
    %rem3A_556 = vector.broadcast %jit3A_535 : i32 to vector<16xi32>
    %rem3A_557 = arith.remsi %add3A_534, %rem3A_556 : vector<16xi32>
    %ne3A_558 = arith.constant 0 : i32
    %ne3A_559 = vector.broadcast %ne3A_558 : i32 to vector<16xi32>
    %ne3A_560 = arith.cmpi ne, %rem3A_557, %ne3A_559 : vector<16xi32>
    %and3A_561 = arith.andi %ne3A_555, %ne3A_560 : vector<16xi1>
    %sub3A_562 = arith.constant 1 : i32
    %sub3A_563 = vector.broadcast %sub3A_562 : i32 to vector<16xi32>
    %sub3A_564 = arith.subi %div3A_537, %sub3A_563 : vector<16xi32>
    %select_n3A_565 = arith.select %and3A_561, %sub3A_564, %div3A_537 : vector<16xi1>, vector<16xi32>
    %ne3A_566 = arith.constant 0 : i32
    %ne3A_567 = vector.broadcast %ne3A_566 : i32 to vector<16xi32>
    %ne3A_568 = arith.cmpi ne, %get3A_531, %ne3A_567 : vector<16xi32>
    %sub3A_569 = arith.constant 1 : i32
    %sub3A_570 = vector.broadcast %sub3A_569 : i32 to vector<16xi32>
    %sub3A_571 = arith.subi %get3A_531, %sub3A_570 : vector<16xi32>
    %jit3A_572 = arith.constant 1000 : i32
    %broadcast_in_dim3A_573 = vector.broadcast %jit3A_572 : i32 to vector<16xi32>
    %select_n3A_574 = arith.select %ne3A_568, %sub3A_571, %broadcast_in_dim3A_573 : vector<16xi1>, vector<16xi32>
    tpu.vector_store_idx %arg11[%select_n3A_565, %select_n3A_574], %broadcast_in_dim3A_268 : memref<32x1024xf32, #tpu.memory_space<vmem>>[vector<16xi32>, vector<16xi32>], vector<16xf32>,
    %get3A_575 = arith.constant 112 : index
    %get3A_576 = tpu.vector_load %arg8[%get3A_575] {strides = array<i32>} : memref<640xi32, #tpu.memory_space<vmem>>, vector<16xi32>,
    %add3A_577 = arith.constant 112 : i32
    %add3A_578 = vector.broadcast %add3A_577 : i32 to vector<16xi32>
    %add3A_579 = arith.addi %iota3A, %add3A_578 : vector<16xi32>
    %jit3A_580 = arith.constant 20 : i32
    %div3A_581 = vector.broadcast %jit3A_580 : i32 to vector<16xi32>
    %div3A_582 = arith.divsi %add3A_579, %div3A_581 : vector<16xi32>
    %sign3A_583 = arith.constant 0 : i32
    %sign3A_584 = vector.broadcast %sign3A_583 : i32 to vector<16xi32>
    %sign3A_585 = arith.cmpi sgt, %add3A_579, %sign3A_584 : vector<16xi32>
    %sign3A_586 = arith.extui %sign3A_585 : vector<16xi1> to vector<16xi32>
    %sign3A_587 = arith.constant 0 : i32
    %sign3A_588 = vector.broadcast %sign3A_587 : i32 to vector<16xi32>
    %sign3A_589 = arith.cmpi slt, %add3A_579, %sign3A_588 : vector<16xi32>
    %sign3A_590 = arith.extui %sign3A_589 : vector<16xi1> to vector<16xi32>
    %sign3A_591 = arith.subi %sign3A_586, %sign3A_590 : vector<16xi32>
    %sign3A_592 = arith.constant 0 : i32
    %sign3A_593 = arith.cmpi sgt, %jit3A_580, %sign3A_592 : i32
    %sign3A_594 = arith.extui %sign3A_593 : i1 to i32
    %sign3A_595 = arith.constant 0 : i32
    %sign3A_596 = arith.cmpi slt, %jit3A_580, %sign3A_595 : i32
    %sign3A_597 = arith.extui %sign3A_596 : i1 to i32
    %sign3A_598 = arith.subi %sign3A_594, %sign3A_597 : i32
    %ne3A_599 = vector.broadcast %sign3A_598 : i32 to vector<16xi32>
    %ne3A_600 = arith.cmpi ne, %sign3A_591, %ne3A_599 : vector<16xi32>
    %rem3A_601 = vector.broadcast %jit3A_580 : i32 to vector<16xi32>
    %rem3A_602 = arith.remsi %add3A_579, %rem3A_601 : vector<16xi32>
    %ne3A_603 = arith.constant 0 : i32
    %ne3A_604 = vector.broadcast %ne3A_603 : i32 to vector<16xi32>
    %ne3A_605 = arith.cmpi ne, %rem3A_602, %ne3A_604 : vector<16xi32>
    %and3A_606 = arith.andi %ne3A_600, %ne3A_605 : vector<16xi1>
    %sub3A_607 = arith.constant 1 : i32
    %sub3A_608 = vector.broadcast %sub3A_607 : i32 to vector<16xi32>
    %sub3A_609 = arith.subi %div3A_582, %sub3A_608 : vector<16xi32>
    %select_n3A_610 = arith.select %and3A_606, %sub3A_609, %div3A_582 : vector<16xi1>, vector<16xi32>
    %ne3A_611 = arith.constant 0 : i32
    %ne3A_612 = vector.broadcast %ne3A_611 : i32 to vector<16xi32>
    %ne3A_613 = arith.cmpi ne, %get3A_576, %ne3A_612 : vector<16xi32>
    %sub3A_614 = arith.constant 1 : i32
    %sub3A_615 = vector.broadcast %sub3A_614 : i32 to vector<16xi32>
    %sub3A_616 = arith.subi %get3A_576, %sub3A_615 : vector<16xi32>
    %jit3A_617 = arith.constant 1000 : i32
    %broadcast_in_dim3A_618 = vector.broadcast %jit3A_617 : i32 to vector<16xi32>
    %select_n3A_619 = arith.select %ne3A_613, %sub3A_616, %broadcast_in_dim3A_618 : vector<16xi1>, vector<16xi32>
    tpu.vector_store_idx %arg11[%select_n3A_610, %select_n3A_619], %broadcast_in_dim3A_268 : memref<32x1024xf32, #tpu.memory_space<vmem>>[vector<16xi32>, vector<16xi32>], vector<16xf32>,
    %get3A_620 = arith.constant 128 : index
    %get3A_621 = tpu.vector_load %arg8[%get3A_620] {strides = array<i32>} : memref<640xi32, #tpu.memory_space<vmem>>, vector<16xi32>,
    %add3A_622 = arith.constant 128 : i32
    %add3A_623 = vector.broadcast %add3A_622 : i32 to vector<16xi32>
    %add3A_624 = arith.addi %iota3A, %add3A_623 : vector<16xi32>
    %jit3A_625 = arith.constant 20 : i32
    %div3A_626 = vector.broadcast %jit3A_625 : i32 to vector<16xi32>
    %div3A_627 = arith.divsi %add3A_624, %div3A_626 : vector<16xi32>
    %sign3A_628 = arith.constant 0 : i32
    %sign3A_629 = vector.broadcast %sign3A_628 : i32 to vector<16xi32>
    %sign3A_630 = arith.cmpi sgt, %add3A_624, %sign3A_629 : vector<16xi32>
    %sign3A_631 = arith.extui %sign3A_630 : vector<16xi1> to vector<16xi32>
    %sign3A_632 = arith.constant 0 : i32
    %sign3A_633 = vector.broadcast %sign3A_632 : i32 to vector<16xi32>
    %sign3A_634 = arith.cmpi slt, %add3A_624, %sign3A_633 : vector<16xi32>
    %sign3A_635 = arith.extui %sign3A_634 : vector<16xi1> to vector<16xi32>
    %sign3A_636 = arith.subi %sign3A_631, %sign3A_635 : vector<16xi32>
    %sign3A_637 = arith.constant 0 : i32
    %sign3A_638 = arith.cmpi sgt, %jit3A_625, %sign3A_637 : i32
    %sign3A_639 = arith.extui %sign3A_638 : i1 to i32
    %sign3A_640 = arith.constant 0 : i32
    %sign3A_641 = arith.cmpi slt, %jit3A_625, %sign3A_640 : i32
    %sign3A_642 = arith.extui %sign3A_641 : i1 to i32
    %sign3A_643 = arith.subi %sign3A_639, %sign3A_642 : i32
    %ne3A_644 = vector.broadcast %sign3A_643 : i32 to vector<16xi32>
    %ne3A_645 = arith.cmpi ne, %sign3A_636, %ne3A_644 : vector<16xi32>
    %rem3A_646 = vector.broadcast %jit3A_625 : i32 to vector<16xi32>
    %rem3A_647 = arith.remsi %add3A_624, %rem3A_646 : vector<16xi32>
    %ne3A_648 = arith.constant 0 : i32
    %ne3A_649 = vector.broadcast %ne3A_648 : i32 to vector<16xi32>
    %ne3A_650 = arith.cmpi ne, %rem3A_647, %ne3A_649 : vector<16xi32>
    %and3A_651 = arith.andi %ne3A_645, %ne3A_650 : vector<16xi1>
    %sub3A_652 = arith.constant 1 : i32
    %sub3A_653 = vector.broadcast %sub3A_652 : i32 to vector<16xi32>
    %sub3A_654 = arith.subi %div3A_627, %sub3A_653 : vector<16xi32>
    %select_n3A_655 = arith.select %and3A_651, %sub3A_654, %div3A_627 : vector<16xi1>, vector<16xi32>
    %ne3A_656 = arith.constant 0 : i32
    %ne3A_657 = vector.broadcast %ne3A_656 : i32 to vector<16xi32>
    %ne3A_658 = arith.cmpi ne, %get3A_621, %ne3A_657 : vector<16xi32>
    %sub3A_659 = arith.constant 1 : i32
    %sub3A_660 = vector.broadcast %sub3A_659 : i32 to vector<16xi32>
    %sub3A_661 = arith.subi %get3A_621, %sub3A_660 : vector<16xi32>
    %jit3A_662 = arith.constant 1000 : i32
    %broadcast_in_dim3A_663 = vector.broadcast %jit3A_662 : i32 to vector<16xi32>
    %select_n3A_664 = arith.select %ne3A_658, %sub3A_661, %broadcast_in_dim3A_663 : vector<16xi1>, vector<16xi32>
    tpu.vector_store_idx %arg11[%select_n3A_655, %select_n3A_664], %broadcast_in_dim3A_268 : memref<32x1024xf32, #tpu.memory_space<vmem>>[vector<16xi32>, vector<16xi32>], vector<16xf32>,
    %get3A_665 = arith.constant 144 : index
    %get3A_666 = tpu.vector_load %arg8[%get3A_665] {strides = array<i32>} : memref<640xi32, #tpu.memory_space<vmem>>, vector<16xi32>,
    %add3A_667 = arith.constant 144 : i32
    %add3A_668 = vector.broadcast %add3A_667 : i32 to vector<16xi32>
    %add3A_669 = arith.addi %iota3A, %add3A_668 : vector<16xi32>
    %jit3A_670 = arith.constant 20 : i32
    %div3A_671 = vector.broadcast %jit3A_670 : i32 to vector<16xi32>
    %div3A_672 = arith.divsi %add3A_669, %div3A_671 : vector<16xi32>
    %sign3A_673 = arith.constant 0 : i32
    %sign3A_674 = vector.broadcast %sign3A_673 : i32 to vector<16xi32>
    %sign3A_675 = arith.cmpi sgt, %add3A_669, %sign3A_674 : vector<16xi32>
    %sign3A_676 = arith.extui %sign3A_675 : vector<16xi1> to vector<16xi32>
    %sign3A_677 = arith.constant 0 : i32
    %sign3A_678 = vector.broadcast %sign3A_677 : i32 to vector<16xi32>
    %sign3A_679 = arith.cmpi slt, %add3A_669, %sign3A_678 : vector<16xi32>
    %sign3A_680 = arith.extui %sign3A_679 : vector<16xi1> to vector<16xi32>
    %sign3A_681 = arith.subi %sign3A_676, %sign3A_680 : vector<16xi32>
    %sign3A_682 = arith.constant 0 : i32
    %sign3A_683 = arith.cmpi sgt, %jit3A_670, %sign3A_682 : i32
    %sign3A_684 = arith.extui %sign3A_683 : i1 to i32
    %sign3A_685 = arith.constant 0 : i32
    %sign3A_686 = arith.cmpi slt, %jit3A_670, %sign3A_685 : i32
    %sign3A_687 = arith.extui %sign3A_686 : i1 to i32
    %sign3A_688 = arith.subi %sign3A_684, %sign3A_687 : i32
    %ne3A_689 = vector.broadcast %sign3A_688 : i32 to vector<16xi32>
    %ne3A_690 = arith.cmpi ne, %sign3A_681, %ne3A_689 : vector<16xi32>
    %rem3A_691 = vector.broadcast %jit3A_670 : i32 to vector<16xi32>
    %rem3A_692 = arith.remsi %add3A_669, %rem3A_691 : vector<16xi32>
    %ne3A_693 = arith.constant 0 : i32
    %ne3A_694 = vector.broadcast %ne3A_693 : i32 to vector<16xi32>
    %ne3A_695 = arith.cmpi ne, %rem3A_692, %ne3A_694 : vector<16xi32>
    %and3A_696 = arith.andi %ne3A_690, %ne3A_695 : vector<16xi1>
    %sub3A_697 = arith.constant 1 : i32
    %sub3A_698 = vector.broadcast %sub3A_697 : i32 to vector<16xi32>
    %sub3A_699 = arith.subi %div3A_672, %sub3A_698 : vector<16xi32>
    %select_n3A_700 = arith.select %and3A_696, %sub3A_699, %div3A_672 : vector<16xi1>, vector<16xi32>
    %ne3A_701 = arith.constant 0 : i32
    %ne3A_702 = vector.broadcast %ne3A_701 : i32 to vector<16xi32>
    %ne3A_703 = arith.cmpi ne, %get3A_666, %ne3A_702 : vector<16xi32>
    %sub3A_704 = arith.constant 1 : i32
    %sub3A_705 = vector.broadcast %sub3A_704 : i32 to vector<16xi32>
    %sub3A_706 = arith.subi %get3A_666, %sub3A_705 : vector<16xi32>
    %jit3A_707 = arith.constant 1000 : i32
    %broadcast_in_dim3A_708 = vector.broadcast %jit3A_707 : i32 to vector<16xi32>
    %select_n3A_709 = arith.select %ne3A_703, %sub3A_706, %broadcast_in_dim3A_708 : vector<16xi1>, vector<16xi32>
    tpu.vector_store_idx %arg11[%select_n3A_700, %select_n3A_709], %broadcast_in_dim3A_268 : memref<32x1024xf32, #tpu.memory_space<vmem>>[vector<16xi32>, vector<16xi32>], vector<16xf32>,
    %get3A_710 = arith.constant 160 : index
    %get3A_711 = tpu.vector_load %arg8[%get3A_710] {strides = array<i32>} : memref<640xi32, #tpu.memory_space<vmem>>, vector<16xi32>,
    %add3A_712 = arith.constant 160 : i32
    %add3A_713 = vector.broadcast %add3A_712 : i32 to vector<16xi32>
    %add3A_714 = arith.addi %iota3A, %add3A_713 : vector<16xi32>
    %jit3A_715 = arith.constant 20 : i32
    %div3A_716 = vector.broadcast %jit3A_715 : i32 to vector<16xi32>
    %div3A_717 = arith.divsi %add3A_714, %div3A_716 : vector<16xi32>
    %sign3A_718 = arith.constant 0 : i32
    %sign3A_719 = vector.broadcast %sign3A_718 : i32 to vector<16xi32>
    %sign3A_720 = arith.cmpi sgt, %add3A_714, %sign3A_719 : vector<16xi32>
    %sign3A_721 = arith.extui %sign3A_720 : vector<16xi1> to vector<16xi32>
    %sign3A_722 = arith.constant 0 : i32
    %sign3A_723 = vector.broadcast %sign3A_722 : i32 to vector<16xi32>
    %sign3A_724 = arith.cmpi slt, %add3A_714, %sign3A_723 : vector<16xi32>
    %sign3A_725 = arith.extui %sign3A_724 : vector<16xi1> to vector<16xi32>
    %sign3A_726 = arith.subi %sign3A_721, %sign3A_725 : vector<16xi32>
    %sign3A_727 = arith.constant 0 : i32
    %sign3A_728 = arith.cmpi sgt, %jit3A_715, %sign3A_727 : i32
    %sign3A_729 = arith.extui %sign3A_728 : i1 to i32
    %sign3A_730 = arith.constant 0 : i32
    %sign3A_731 = arith.cmpi slt, %jit3A_715, %sign3A_730 : i32
    %sign3A_732 = arith.extui %sign3A_731 : i1 to i32
    %sign3A_733 = arith.subi %sign3A_729, %sign3A_732 : i32
    %ne3A_734 = vector.broadcast %sign3A_733 : i32 to vector<16xi32>
    %ne3A_735 = arith.cmpi ne, %sign3A_726, %ne3A_734 : vector<16xi32>
    %rem3A_736 = vector.broadcast %jit3A_715 : i32 to vector<16xi32>
    %rem3A_737 = arith.remsi %add3A_714, %rem3A_736 : vector<16xi32>
    %ne3A_738 = arith.constant 0 : i32
    %ne3A_739 = vector.broadcast %ne3A_738 : i32 to vector<16xi32>
    %ne3A_740 = arith.cmpi ne, %rem3A_737, %ne3A_739 : vector<16xi32>
    %and3A_741 = arith.andi %ne3A_735, %ne3A_740 : vector<16xi1>
    %sub3A_742 = arith.constant 1 : i32
    %sub3A_743 = vector.broadcast %sub3A_742 : i32 to vector<16xi32>
    %sub3A_744 = arith.subi %div3A_717, %sub3A_743 : vector<16xi32>
    %select_n3A_745 = arith.select %and3A_741, %sub3A_744, %div3A_717 : vector<16xi1>, vector<16xi32>
    %ne3A_746 = arith.constant 0 : i32
    %ne3A_747 = vector.broadcast %ne3A_746 : i32 to vector<16xi32>
    %ne3A_748 = arith.cmpi ne, %get3A_711, %ne3A_747 : vector<16xi32>
    %sub3A_749 = arith.constant 1 : i32
    %sub3A_750 = vector.broadcast %sub3A_749 : i32 to vector<16xi32>
    %sub3A_751 = arith.subi %get3A_711, %sub3A_750 : vector<16xi32>
    %jit3A_752 = arith.constant 1000 : i32
    %broadcast_in_dim3A_753 = vector.broadcast %jit3A_752 : i32 to vector<16xi32>
    %select_n3A_754 = arith.select %ne3A_748, %sub3A_751, %broadcast_in_dim3A_753 : vector<16xi1>, vector<16xi32>
    tpu.vector_store_idx %arg11[%select_n3A_745, %select_n3A_754], %broadcast_in_dim3A_268 : memref<32x1024xf32, #tpu.memory_space<vmem>>[vector<16xi32>, vector<16xi32>], vector<16xf32>,
    %get3A_755 = arith.constant 176 : index
    %get3A_756 = tpu.vector_load %arg8[%get3A_755] {strides = array<i32>} : memref<640xi32, #tpu.memory_space<vmem>>, vector<16xi32>,
    %add3A_757 = arith.constant 176 : i32
    %add3A_758 = vector.broadcast %add3A_757 : i32 to vector<16xi32>
    %add3A_759 = arith.addi %iota3A, %add3A_758 : vector<16xi32>
    %jit3A_760 = arith.constant 20 : i32
    %div3A_761 = vector.broadcast %jit3A_760 : i32 to vector<16xi32>
    %div3A_762 = arith.divsi %add3A_759, %div3A_761 : vector<16xi32>
    %sign3A_763 = arith.constant 0 : i32
    %sign3A_764 = vector.broadcast %sign3A_763 : i32 to vector<16xi32>
    %sign3A_765 = arith.cmpi sgt, %add3A_759, %sign3A_764 : vector<16xi32>
    %sign3A_766 = arith.extui %sign3A_765 : vector<16xi1> to vector<16xi32>
    %sign3A_767 = arith.constant 0 : i32
    %sign3A_768 = vector.broadcast %sign3A_767 : i32 to vector<16xi32>
    %sign3A_769 = arith.cmpi slt, %add3A_759, %sign3A_768 : vector<16xi32>
    %sign3A_770 = arith.extui %sign3A_769 : vector<16xi1> to vector<16xi32>
    %sign3A_771 = arith.subi %sign3A_766, %sign3A_770 : vector<16xi32>
    %sign3A_772 = arith.constant 0 : i32
    %sign3A_773 = arith.cmpi sgt, %jit3A_760, %sign3A_772 : i32
    %sign3A_774 = arith.extui %sign3A_773 : i1 to i32
    %sign3A_775 = arith.constant 0 : i32
    %sign3A_776 = arith.cmpi slt, %jit3A_760, %sign3A_775 : i32
    %sign3A_777 = arith.extui %sign3A_776 : i1 to i32
    %sign3A_778 = arith.subi %sign3A_774, %sign3A_777 : i32
    %ne3A_779 = vector.broadcast %sign3A_778 : i32 to vector<16xi32>
    %ne3A_780 = arith.cmpi ne, %sign3A_771, %ne3A_779 : vector<16xi32>
    %rem3A_781 = vector.broadcast %jit3A_760 : i32 to vector<16xi32>
    %rem3A_782 = arith.remsi %add3A_759, %rem3A_781 : vector<16xi32>
    %ne3A_783 = arith.constant 0 : i32
    %ne3A_784 = vector.broadcast %ne3A_783 : i32 to vector<16xi32>
    %ne3A_785 = arith.cmpi ne, %rem3A_782, %ne3A_784 : vector<16xi32>
    %and3A_786 = arith.andi %ne3A_780, %ne3A_785 : vector<16xi1>
    %sub3A_787 = arith.constant 1 : i32
    %sub3A_788 = vector.broadcast %sub3A_787 : i32 to vector<16xi32>
    %sub3A_789 = arith.subi %div3A_762, %sub3A_788 : vector<16xi32>
    %select_n3A_790 = arith.select %and3A_786, %sub3A_789, %div3A_762 : vector<16xi1>, vector<16xi32>
    %ne3A_791 = arith.constant 0 : i32
    %ne3A_792 = vector.broadcast %ne3A_791 : i32 to vector<16xi32>
    %ne3A_793 = arith.cmpi ne, %get3A_756, %ne3A_792 : vector<16xi32>
    %sub3A_794 = arith.constant 1 : i32
    %sub3A_795 = vector.broadcast %sub3A_794 : i32 to vector<16xi32>
    %sub3A_796 = arith.subi %get3A_756, %sub3A_795 : vector<16xi32>
    %jit3A_797 = arith.constant 1000 : i32
    %broadcast_in_dim3A_798 = vector.broadcast %jit3A_797 : i32 to vector<16xi32>
    %select_n3A_799 = arith.select %ne3A_793, %sub3A_796, %broadcast_in_dim3A_798 : vector<16xi1>, vector<16xi32>
    tpu.vector_store_idx %arg11[%select_n3A_790, %select_n3A_799], %broadcast_in_dim3A_268 : memref<32x1024xf32, #tpu.memory_space<vmem>>[vector<16xi32>, vector<16xi32>], vector<16xf32>,
    %get3A_800 = arith.constant 192 : index
    %get3A_801 = tpu.vector_load %arg8[%get3A_800] {strides = array<i32>} : memref<640xi32, #tpu.memory_space<vmem>>, vector<16xi32>,
    %add3A_802 = arith.constant 192 : i32
    %add3A_803 = vector.broadcast %add3A_802 : i32 to vector<16xi32>
    %add3A_804 = arith.addi %iota3A, %add3A_803 : vector<16xi32>
    %jit3A_805 = arith.constant 20 : i32
    %div3A_806 = vector.broadcast %jit3A_805 : i32 to vector<16xi32>
    %div3A_807 = arith.divsi %add3A_804, %div3A_806 : vector<16xi32>
    %sign3A_808 = arith.constant 0 : i32
    %sign3A_809 = vector.broadcast %sign3A_808 : i32 to vector<16xi32>
    %sign3A_810 = arith.cmpi sgt, %add3A_804, %sign3A_809 : vector<16xi32>
    %sign3A_811 = arith.extui %sign3A_810 : vector<16xi1> to vector<16xi32>
    %sign3A_812 = arith.constant 0 : i32
    %sign3A_813 = vector.broadcast %sign3A_812 : i32 to vector<16xi32>
    %sign3A_814 = arith.cmpi slt, %add3A_804, %sign3A_813 : vector<16xi32>
    %sign3A_815 = arith.extui %sign3A_814 : vector<16xi1> to vector<16xi32>
    %sign3A_816 = arith.subi %sign3A_811, %sign3A_815 : vector<16xi32>
    %sign3A_817 = arith.constant 0 : i32
    %sign3A_818 = arith.cmpi sgt, %jit3A_805, %sign3A_817 : i32
    %sign3A_819 = arith.extui %sign3A_818 : i1 to i32
    %sign3A_820 = arith.constant 0 : i32
    %sign3A_821 = arith.cmpi slt, %jit3A_805, %sign3A_820 : i32
    %sign3A_822 = arith.extui %sign3A_821 : i1 to i32
    %sign3A_823 = arith.subi %sign3A_819, %sign3A_822 : i32
    %ne3A_824 = vector.broadcast %sign3A_823 : i32 to vector<16xi32>
    %ne3A_825 = arith.cmpi ne, %sign3A_816, %ne3A_824 : vector<16xi32>
    %rem3A_826 = vector.broadcast %jit3A_805 : i32 to vector<16xi32>
    %rem3A_827 = arith.remsi %add3A_804, %rem3A_826 : vector<16xi32>
    %ne3A_828 = arith.constant 0 : i32
    %ne3A_829 = vector.broadcast %ne3A_828 : i32 to vector<16xi32>
    %ne3A_830 = arith.cmpi ne, %rem3A_827, %ne3A_829 : vector<16xi32>
    %and3A_831 = arith.andi %ne3A_825, %ne3A_830 : vector<16xi1>
    %sub3A_832 = arith.constant 1 : i32
    %sub3A_833 = vector.broadcast %sub3A_832 : i32 to vector<16xi32>
    %sub3A_834 = arith.subi %div3A_807, %sub3A_833 : vector<16xi32>
    %select_n3A_835 = arith.select %and3A_831, %sub3A_834, %div3A_807 : vector<16xi1>, vector<16xi32>
    %ne3A_836 = arith.constant 0 : i32
    %ne3A_837 = vector.broadcast %ne3A_836 : i32 to vector<16xi32>
    %ne3A_838 = arith.cmpi ne, %get3A_801, %ne3A_837 : vector<16xi32>
    %sub3A_839 = arith.constant 1 : i32
    %sub3A_840 = vector.broadcast %sub3A_839 : i32 to vector<16xi32>
    %sub3A_841 = arith.subi %get3A_801, %sub3A_840 : vector<16xi32>
    %jit3A_842 = arith.constant 1000 : i32
    %broadcast_in_dim3A_843 = vector.broadcast %jit3A_842 : i32 to vector<16xi32>
    %select_n3A_844 = arith.select %ne3A_838, %sub3A_841, %broadcast_in_dim3A_843 : vector<16xi1>, vector<16xi32>
    tpu.vector_store_idx %arg11[%select_n3A_835, %select_n3A_844], %broadcast_in_dim3A_268 : memref<32x1024xf32, #tpu.memory_space<vmem>>[vector<16xi32>, vector<16xi32>], vector<16xf32>,
    %get3A_845 = arith.constant 208 : index
    %get3A_846 = tpu.vector_load %arg8[%get3A_845] {strides = array<i32>} : memref<640xi32, #tpu.memory_space<vmem>>, vector<16xi32>,
    %add3A_847 = arith.constant 208 : i32
    %add3A_848 = vector.broadcast %add3A_847 : i32 to vector<16xi32>
    %add3A_849 = arith.addi %iota3A, %add3A_848 : vector<16xi32>
    %jit3A_850 = arith.constant 20 : i32
    %div3A_851 = vector.broadcast %jit3A_850 : i32 to vector<16xi32>
    %div3A_852 = arith.divsi %add3A_849, %div3A_851 : vector<16xi32>
    %sign3A_853 = arith.constant 0 : i32
    %sign3A_854 = vector.broadcast %sign3A_853 : i32 to vector<16xi32>
    %sign3A_855 = arith.cmpi sgt, %add3A_849, %sign3A_854 : vector<16xi32>
    %sign3A_856 = arith.extui %sign3A_855 : vector<16xi1> to vector<16xi32>
    %sign3A_857 = arith.constant 0 : i32
    %sign3A_858 = vector.broadcast %sign3A_857 : i32 to vector<16xi32>
    %sign3A_859 = arith.cmpi slt, %add3A_849, %sign3A_858 : vector<16xi32>
    %sign3A_860 = arith.extui %sign3A_859 : vector<16xi1> to vector<16xi32>
    %sign3A_861 = arith.subi %sign3A_856, %sign3A_860 : vector<16xi32>
    %sign3A_862 = arith.constant 0 : i32
    %sign3A_863 = arith.cmpi sgt, %jit3A_850, %sign3A_862 : i32
    %sign3A_864 = arith.extui %sign3A_863 : i1 to i32
    %sign3A_865 = arith.constant 0 : i32
    %sign3A_866 = arith.cmpi slt, %jit3A_850, %sign3A_865 : i32
    %sign3A_867 = arith.extui %sign3A_866 : i1 to i32
    %sign3A_868 = arith.subi %sign3A_864, %sign3A_867 : i32
    %ne3A_869 = vector.broadcast %sign3A_868 : i32 to vector<16xi32>
    %ne3A_870 = arith.cmpi ne, %sign3A_861, %ne3A_869 : vector<16xi32>
    %rem3A_871 = vector.broadcast %jit3A_850 : i32 to vector<16xi32>
    %rem3A_872 = arith.remsi %add3A_849, %rem3A_871 : vector<16xi32>
    %ne3A_873 = arith.constant 0 : i32
    %ne3A_874 = vector.broadcast %ne3A_873 : i32 to vector<16xi32>
    %ne3A_875 = arith.cmpi ne, %rem3A_872, %ne3A_874 : vector<16xi32>
    %and3A_876 = arith.andi %ne3A_870, %ne3A_875 : vector<16xi1>
    %sub3A_877 = arith.constant 1 : i32
    %sub3A_878 = vector.broadcast %sub3A_877 : i32 to vector<16xi32>
    %sub3A_879 = arith.subi %div3A_852, %sub3A_878 : vector<16xi32>
    %select_n3A_880 = arith.select %and3A_876, %sub3A_879, %div3A_852 : vector<16xi1>, vector<16xi32>
    %ne3A_881 = arith.constant 0 : i32
    %ne3A_882 = vector.broadcast %ne3A_881 : i32 to vector<16xi32>
    %ne3A_883 = arith.cmpi ne, %get3A_846, %ne3A_882 : vector<16xi32>
    %sub3A_884 = arith.constant 1 : i32
    %sub3A_885 = vector.broadcast %sub3A_884 : i32 to vector<16xi32>
    %sub3A_886 = arith.subi %get3A_846, %sub3A_885 : vector<16xi32>
    %jit3A_887 = arith.constant 1000 : i32
    %broadcast_in_dim3A_888 = vector.broadcast %jit3A_887 : i32 to vector<16xi32>
    %select_n3A_889 = arith.select %ne3A_883, %sub3A_886, %broadcast_in_dim3A_888 : vector<16xi1>, vector<16xi32>
    tpu.vector_store_idx %arg11[%select_n3A_880, %select_n3A_889], %broadcast_in_dim3A_268 : memref<32x1024xf32, #tpu.memory_space<vmem>>[vector<16xi32>, vector<16xi32>], vector<16xf32>,
    %get3A_890 = arith.constant 224 : index
    %get3A_891 = tpu.vector_load %arg8[%get3A_890] {strides = array<i32>} : memref<640xi32, #tpu.memory_space<vmem>>, vector<16xi32>,
    %add3A_892 = arith.constant 224 : i32
    %add3A_893 = vector.broadcast %add3A_892 : i32 to vector<16xi32>
    %add3A_894 = arith.addi %iota3A, %add3A_893 : vector<16xi32>
    %jit3A_895 = arith.constant 20 : i32
    %div3A_896 = vector.broadcast %jit3A_895 : i32 to vector<16xi32>
    %div3A_897 = arith.divsi %add3A_894, %div3A_896 : vector<16xi32>
    %sign3A_898 = arith.constant 0 : i32
    %sign3A_899 = vector.broadcast %sign3A_898 : i32 to vector<16xi32>
    %sign3A_900 = arith.cmpi sgt, %add3A_894, %sign3A_899 : vector<16xi32>
    %sign3A_901 = arith.extui %sign3A_900 : vector<16xi1> to vector<16xi32>
    %sign3A_902 = arith.constant 0 : i32
    %sign3A_903 = vector.broadcast %sign3A_902 : i32 to vector<16xi32>
    %sign3A_904 = arith.cmpi slt, %add3A_894, %sign3A_903 : vector<16xi32>
    %sign3A_905 = arith.extui %sign3A_904 : vector<16xi1> to vector<16xi32>
    %sign3A_906 = arith.subi %sign3A_901, %sign3A_905 : vector<16xi32>
    %sign3A_907 = arith.constant 0 : i32
    %sign3A_908 = arith.cmpi sgt, %jit3A_895, %sign3A_907 : i32
    %sign3A_909 = arith.extui %sign3A_908 : i1 to i32
    %sign3A_910 = arith.constant 0 : i32
    %sign3A_911 = arith.cmpi slt, %jit3A_895, %sign3A_910 : i32
    %sign3A_912 = arith.extui %sign3A_911 : i1 to i32
    %sign3A_913 = arith.subi %sign3A_909, %sign3A_912 : i32
    %ne3A_914 = vector.broadcast %sign3A_913 : i32 to vector<16xi32>
    %ne3A_915 = arith.cmpi ne, %sign3A_906, %ne3A_914 : vector<16xi32>
    %rem3A_916 = vector.broadcast %jit3A_895 : i32 to vector<16xi32>
    %rem3A_917 = arith.remsi %add3A_894, %rem3A_916 : vector<16xi32>
    %ne3A_918 = arith.constant 0 : i32
    %ne3A_919 = vector.broadcast %ne3A_918 : i32 to vector<16xi32>
    %ne3A_920 = arith.cmpi ne, %rem3A_917, %ne3A_919 : vector<16xi32>
    %and3A_921 = arith.andi %ne3A_915, %ne3A_920 : vector<16xi1>
    %sub3A_922 = arith.constant 1 : i32
    %sub3A_923 = vector.broadcast %sub3A_922 : i32 to vector<16xi32>
    %sub3A_924 = arith.subi %div3A_897, %sub3A_923 : vector<16xi32>
    %select_n3A_925 = arith.select %and3A_921, %sub3A_924, %div3A_897 : vector<16xi1>, vector<16xi32>
    %ne3A_926 = arith.constant 0 : i32
    %ne3A_927 = vector.broadcast %ne3A_926 : i32 to vector<16xi32>
    %ne3A_928 = arith.cmpi ne, %get3A_891, %ne3A_927 : vector<16xi32>
    %sub3A_929 = arith.constant 1 : i32
    %sub3A_930 = vector.broadcast %sub3A_929 : i32 to vector<16xi32>
    %sub3A_931 = arith.subi %get3A_891, %sub3A_930 : vector<16xi32>
    %jit3A_932 = arith.constant 1000 : i32
    %broadcast_in_dim3A_933 = vector.broadcast %jit3A_932 : i32 to vector<16xi32>
    %select_n3A_934 = arith.select %ne3A_928, %sub3A_931, %broadcast_in_dim3A_933 : vector<16xi1>, vector<16xi32>
    tpu.vector_store_idx %arg11[%select_n3A_925, %select_n3A_934], %broadcast_in_dim3A_268 : memref<32x1024xf32, #tpu.memory_space<vmem>>[vector<16xi32>, vector<16xi32>], vector<16xf32>,
    %get3A_935 = arith.constant 240 : index
    %get3A_936 = tpu.vector_load %arg8[%get3A_935] {strides = array<i32>} : memref<640xi32, #tpu.memory_space<vmem>>, vector<16xi32>,
    %add3A_937 = arith.constant 240 : i32
    %add3A_938 = vector.broadcast %add3A_937 : i32 to vector<16xi32>
    %add3A_939 = arith.addi %iota3A, %add3A_938 : vector<16xi32>
    %jit3A_940 = arith.constant 20 : i32
    %div3A_941 = vector.broadcast %jit3A_940 : i32 to vector<16xi32>
    %div3A_942 = arith.divsi %add3A_939, %div3A_941 : vector<16xi32>
    %sign3A_943 = arith.constant 0 : i32
    %sign3A_944 = vector.broadcast %sign3A_943 : i32 to vector<16xi32>
    %sign3A_945 = arith.cmpi sgt, %add3A_939, %sign3A_944 : vector<16xi32>
    %sign3A_946 = arith.extui %sign3A_945 : vector<16xi1> to vector<16xi32>
    %sign3A_947 = arith.constant 0 : i32
    %sign3A_948 = vector.broadcast %sign3A_947 : i32 to vector<16xi32>
    %sign3A_949 = arith.cmpi slt, %add3A_939, %sign3A_948 : vector<16xi32>
    %sign3A_950 = arith.extui %sign3A_949 : vector<16xi1> to vector<16xi32>
    %sign3A_951 = arith.subi %sign3A_946, %sign3A_950 : vector<16xi32>
    %sign3A_952 = arith.constant 0 : i32
    %sign3A_953 = arith.cmpi sgt, %jit3A_940, %sign3A_952 : i32
    %sign3A_954 = arith.extui %sign3A_953 : i1 to i32
    %sign3A_955 = arith.constant 0 : i32
    %sign3A_956 = arith.cmpi slt, %jit3A_940, %sign3A_955 : i32
    %sign3A_957 = arith.extui %sign3A_956 : i1 to i32
    %sign3A_958 = arith.subi %sign3A_954, %sign3A_957 : i32
    %ne3A_959 = vector.broadcast %sign3A_958 : i32 to vector<16xi32>
    %ne3A_960 = arith.cmpi ne, %sign3A_951, %ne3A_959 : vector<16xi32>
    %rem3A_961 = vector.broadcast %jit3A_940 : i32 to vector<16xi32>
    %rem3A_962 = arith.remsi %add3A_939, %rem3A_961 : vector<16xi32>
    %ne3A_963 = arith.constant 0 : i32
    %ne3A_964 = vector.broadcast %ne3A_963 : i32 to vector<16xi32>
    %ne3A_965 = arith.cmpi ne, %rem3A_962, %ne3A_964 : vector<16xi32>
    %and3A_966 = arith.andi %ne3A_960, %ne3A_965 : vector<16xi1>
    %sub3A_967 = arith.constant 1 : i32
    %sub3A_968 = vector.broadcast %sub3A_967 : i32 to vector<16xi32>
    %sub3A_969 = arith.subi %div3A_942, %sub3A_968 : vector<16xi32>
    %select_n3A_970 = arith.select %and3A_966, %sub3A_969, %div3A_942 : vector<16xi1>, vector<16xi32>
    %ne3A_971 = arith.constant 0 : i32
    %ne3A_972 = vector.broadcast %ne3A_971 : i32 to vector<16xi32>
    %ne3A_973 = arith.cmpi ne, %get3A_936, %ne3A_972 : vector<16xi32>
    %sub3A_974 = arith.constant 1 : i32
    %sub3A_975 = vector.broadcast %sub3A_974 : i32 to vector<16xi32>
    %sub3A_976 = arith.subi %get3A_936, %sub3A_975 : vector<16xi32>
    %jit3A_977 = arith.constant 1000 : i32
    %broadcast_in_dim3A_978 = vector.broadcast %jit3A_977 : i32 to vector<16xi32>
    %select_n3A_979 = arith.select %ne3A_973, %sub3A_976, %broadcast_in_dim3A_978 : vector<16xi1>, vector<16xi32>
    tpu.vector_store_idx %arg11[%select_n3A_970, %select_n3A_979], %broadcast_in_dim3A_268 : memref<32x1024xf32, #tpu.memory_space<vmem>>[vector<16xi32>, vector<16xi32>], vector<16xf32>,
    %get3A_980 = arith.constant 256 : index
    %get3A_981 = tpu.vector_load %arg8[%get3A_980] {strides = array<i32>} : memref<640xi32, #tpu.memory_space<vmem>>, vector<16xi32>,
    %add3A_982 = arith.constant 256 : i32
    %add3A_983 = vector.broadcast %add3A_982 : i32 to vector<16xi32>
    %add3A_984 = arith.addi %iota3A, %add3A_983 : vector<16xi32>
    %jit3A_985 = arith.constant 20 : i32
    %div3A_986 = vector.broadcast %jit3A_985 : i32 to vector<16xi32>
    %div3A_987 = arith.divsi %add3A_984, %div3A_986 : vector<16xi32>
    %sign3A_988 = arith.constant 0 : i32
    %sign3A_989 = vector.broadcast %sign3A_988 : i32 to vector<16xi32>
    %sign3A_990 = arith.cmpi sgt, %add3A_984, %sign3A_989 : vector<16xi32>
    %sign3A_991 = arith.extui %sign3A_990 : vector<16xi1> to vector<16xi32>
    %sign3A_992 = arith.constant 0 : i32
    %sign3A_993 = vector.broadcast %sign3A_992 : i32 to vector<16xi32>
    %sign3A_994 = arith.cmpi slt, %add3A_984, %sign3A_993 : vector<16xi32>
    %sign3A_995 = arith.extui %sign3A_994 : vector<16xi1> to vector<16xi32>
    %sign3A_996 = arith.subi %sign3A_991, %sign3A_995 : vector<16xi32>
    %sign3A_997 = arith.constant 0 : i32
    %sign3A_998 = arith.cmpi sgt, %jit3A_985, %sign3A_997 : i32
    %sign3A_999 = arith.extui %sign3A_998 : i1 to i32
    %sign3A_1000 = arith.constant 0 : i32
    %sign3A_1001 = arith.cmpi slt, %jit3A_985, %sign3A_1000 : i32
    %sign3A_1002 = arith.extui %sign3A_1001 : i1 to i32
    %sign3A_1003 = arith.subi %sign3A_999, %sign3A_1002 : i32
    %ne3A_1004 = vector.broadcast %sign3A_1003 : i32 to vector<16xi32>
    %ne3A_1005 = arith.cmpi ne, %sign3A_996, %ne3A_1004 : vector<16xi32>
    %rem3A_1006 = vector.broadcast %jit3A_985 : i32 to vector<16xi32>
    %rem3A_1007 = arith.remsi %add3A_984, %rem3A_1006 : vector<16xi32>
    %ne3A_1008 = arith.constant 0 : i32
    %ne3A_1009 = vector.broadcast %ne3A_1008 : i32 to vector<16xi32>
    %ne3A_1010 = arith.cmpi ne, %rem3A_1007, %ne3A_1009 : vector<16xi32>
    %and3A_1011 = arith.andi %ne3A_1005, %ne3A_1010 : vector<16xi1>
    %sub3A_1012 = arith.constant 1 : i32
    %sub3A_1013 = vector.broadcast %sub3A_1012 : i32 to vector<16xi32>
    %sub3A_1014 = arith.subi %div3A_987, %sub3A_1013 : vector<16xi32>
    %select_n3A_1015 = arith.select %and3A_1011, %sub3A_1014, %div3A_987 : vector<16xi1>, vector<16xi32>
    %ne3A_1016 = arith.constant 0 : i32
    %ne3A_1017 = vector.broadcast %ne3A_1016 : i32 to vector<16xi32>
    %ne3A_1018 = arith.cmpi ne, %get3A_981, %ne3A_1017 : vector<16xi32>
    %sub3A_1019 = arith.constant 1 : i32
    %sub3A_1020 = vector.broadcast %sub3A_1019 : i32 to vector<16xi32>
    %sub3A_1021 = arith.subi %get3A_981, %sub3A_1020 : vector<16xi32>
    %jit3A_1022 = arith.constant 1000 : i32
    %broadcast_in_dim3A_1023 = vector.broadcast %jit3A_1022 : i32 to vector<16xi32>
    %select_n3A_1024 = arith.select %ne3A_1018, %sub3A_1021, %broadcast_in_dim3A_1023 : vector<16xi1>, vector<16xi32>
    tpu.vector_store_idx %arg11[%select_n3A_1015, %select_n3A_1024], %broadcast_in_dim3A_268 : memref<32x1024xf32, #tpu.memory_space<vmem>>[vector<16xi32>, vector<16xi32>], vector<16xf32>,
    %get3A_1025 = arith.constant 272 : index
    %get3A_1026 = tpu.vector_load %arg8[%get3A_1025] {strides = array<i32>} : memref<640xi32, #tpu.memory_space<vmem>>, vector<16xi32>,
    %add3A_1027 = arith.constant 272 : i32
    %add3A_1028 = vector.broadcast %add3A_1027 : i32 to vector<16xi32>
    %add3A_1029 = arith.addi %iota3A, %add3A_1028 : vector<16xi32>
    %jit3A_1030 = arith.constant 20 : i32
    %div3A_1031 = vector.broadcast %jit3A_1030 : i32 to vector<16xi32>
    %div3A_1032 = arith.divsi %add3A_1029, %div3A_1031 : vector<16xi32>
    %sign3A_1033 = arith.constant 0 : i32
    %sign3A_1034 = vector.broadcast %sign3A_1033 : i32 to vector<16xi32>
    %sign3A_1035 = arith.cmpi sgt, %add3A_1029, %sign3A_1034 : vector<16xi32>
    %sign3A_1036 = arith.extui %sign3A_1035 : vector<16xi1> to vector<16xi32>
    %sign3A_1037 = arith.constant 0 : i32
    %sign3A_1038 = vector.broadcast %sign3A_1037 : i32 to vector<16xi32>
    %sign3A_1039 = arith.cmpi slt, %add3A_1029, %sign3A_1038 : vector<16xi32>
    %sign3A_1040 = arith.extui %sign3A_1039 : vector<16xi1> to vector<16xi32>
    %sign3A_1041 = arith.subi %sign3A_1036, %sign3A_1040 : vector<16xi32>
    %sign3A_1042 = arith.constant 0 : i32
    %sign3A_1043 = arith.cmpi sgt, %jit3A_1030, %sign3A_1042 : i32
    %sign3A_1044 = arith.extui %sign3A_1043 : i1 to i32
    %sign3A_1045 = arith.constant 0 : i32
    %sign3A_1046 = arith.cmpi slt, %jit3A_1030, %sign3A_1045 : i32
    %sign3A_1047 = arith.extui %sign3A_1046 : i1 to i32
    %sign3A_1048 = arith.subi %sign3A_1044, %sign3A_1047 : i32
    %ne3A_1049 = vector.broadcast %sign3A_1048 : i32 to vector<16xi32>
    %ne3A_1050 = arith.cmpi ne, %sign3A_1041, %ne3A_1049 : vector<16xi32>
    %rem3A_1051 = vector.broadcast %jit3A_1030 : i32 to vector<16xi32>
    %rem3A_1052 = arith.remsi %add3A_1029, %rem3A_1051 : vector<16xi32>
    %ne3A_1053 = arith.constant 0 : i32
    %ne3A_1054 = vector.broadcast %ne3A_1053 : i32 to vector<16xi32>
    %ne3A_1055 = arith.cmpi ne, %rem3A_1052, %ne3A_1054 : vector<16xi32>
    %and3A_1056 = arith.andi %ne3A_1050, %ne3A_1055 : vector<16xi1>
    %sub3A_1057 = arith.constant 1 : i32
    %sub3A_1058 = vector.broadcast %sub3A_1057 : i32 to vector<16xi32>
    %sub3A_1059 = arith.subi %div3A_1032, %sub3A_1058 : vector<16xi32>
    %select_n3A_1060 = arith.select %and3A_1056, %sub3A_1059, %div3A_1032 : vector<16xi1>, vector<16xi32>
    %ne3A_1061 = arith.constant 0 : i32
    %ne3A_1062 = vector.broadcast %ne3A_1061 : i32 to vector<16xi32>
    %ne3A_1063 = arith.cmpi ne, %get3A_1026, %ne3A_1062 : vector<16xi32>
    %sub3A_1064 = arith.constant 1 : i32
    %sub3A_1065 = vector.broadcast %sub3A_1064 : i32 to vector<16xi32>
    %sub3A_1066 = arith.subi %get3A_1026, %sub3A_1065 : vector<16xi32>
    %jit3A_1067 = arith.constant 1000 : i32
    %broadcast_in_dim3A_1068 = vector.broadcast %jit3A_1067 : i32 to vector<16xi32>
    %select_n3A_1069 = arith.select %ne3A_1063, %sub3A_1066, %broadcast_in_dim3A_1068 : vector<16xi1>, vector<16xi32>
    tpu.vector_store_idx %arg11[%select_n3A_1060, %select_n3A_1069], %broadcast_in_dim3A_268 : memref<32x1024xf32, #tpu.memory_space<vmem>>[vector<16xi32>, vector<16xi32>], vector<16xf32>,
    %get3A_1070 = arith.constant 288 : index
    %get3A_1071 = tpu.vector_load %arg8[%get3A_1070] {strides = array<i32>} : memref<640xi32, #tpu.memory_space<vmem>>, vector<16xi32>,
    %add3A_1072 = arith.constant 288 : i32
    %add3A_1073 = vector.broadcast %add3A_1072 : i32 to vector<16xi32>
    %add3A_1074 = arith.addi %iota3A, %add3A_1073 : vector<16xi32>
    %jit3A_1075 = arith.constant 20 : i32
    %div3A_1076 = vector.broadcast %jit3A_1075 : i32 to vector<16xi32>
    %div3A_1077 = arith.divsi %add3A_1074, %div3A_1076 : vector<16xi32>
    %sign3A_1078 = arith.constant 0 : i32
    %sign3A_1079 = vector.broadcast %sign3A_1078 : i32 to vector<16xi32>
    %sign3A_1080 = arith.cmpi sgt, %add3A_1074, %sign3A_1079 : vector<16xi32>
    %sign3A_1081 = arith.extui %sign3A_1080 : vector<16xi1> to vector<16xi32>
    %sign3A_1082 = arith.constant 0 : i32
    %sign3A_1083 = vector.broadcast %sign3A_1082 : i32 to vector<16xi32>
    %sign3A_1084 = arith.cmpi slt, %add3A_1074, %sign3A_1083 : vector<16xi32>
    %sign3A_1085 = arith.extui %sign3A_1084 : vector<16xi1> to vector<16xi32>
    %sign3A_1086 = arith.subi %sign3A_1081, %sign3A_1085 : vector<16xi32>
    %sign3A_1087 = arith.constant 0 : i32
    %sign3A_1088 = arith.cmpi sgt, %jit3A_1075, %sign3A_1087 : i32
    %sign3A_1089 = arith.extui %sign3A_1088 : i1 to i32
    %sign3A_1090 = arith.constant 0 : i32
    %sign3A_1091 = arith.cmpi slt, %jit3A_1075, %sign3A_1090 : i32
    %sign3A_1092 = arith.extui %sign3A_1091 : i1 to i32
    %sign3A_1093 = arith.subi %sign3A_1089, %sign3A_1092 : i32
    %ne3A_1094 = vector.broadcast %sign3A_1093 : i32 to vector<16xi32>
    %ne3A_1095 = arith.cmpi ne, %sign3A_1086, %ne3A_1094 : vector<16xi32>
    %rem3A_1096 = vector.broadcast %jit3A_1075 : i32 to vector<16xi32>
    %rem3A_1097 = arith.remsi %add3A_1074, %rem3A_1096 : vector<16xi32>
    %ne3A_1098 = arith.constant 0 : i32
    %ne3A_1099 = vector.broadcast %ne3A_1098 : i32 to vector<16xi32>
    %ne3A_1100 = arith.cmpi ne, %rem3A_1097, %ne3A_1099 : vector<16xi32>
    %and3A_1101 = arith.andi %ne3A_1095, %ne3A_1100 : vector<16xi1>
    %sub3A_1102 = arith.constant 1 : i32
    %sub3A_1103 = vector.broadcast %sub3A_1102 : i32 to vector<16xi32>
    %sub3A_1104 = arith.subi %div3A_1077, %sub3A_1103 : vector<16xi32>
    %select_n3A_1105 = arith.select %and3A_1101, %sub3A_1104, %div3A_1077 : vector<16xi1>, vector<16xi32>
    %ne3A_1106 = arith.constant 0 : i32
    %ne3A_1107 = vector.broadcast %ne3A_1106 : i32 to vector<16xi32>
    %ne3A_1108 = arith.cmpi ne, %get3A_1071, %ne3A_1107 : vector<16xi32>
    %sub3A_1109 = arith.constant 1 : i32
    %sub3A_1110 = vector.broadcast %sub3A_1109 : i32 to vector<16xi32>
    %sub3A_1111 = arith.subi %get3A_1071, %sub3A_1110 : vector<16xi32>
    %jit3A_1112 = arith.constant 1000 : i32
    %broadcast_in_dim3A_1113 = vector.broadcast %jit3A_1112 : i32 to vector<16xi32>
    %select_n3A_1114 = arith.select %ne3A_1108, %sub3A_1111, %broadcast_in_dim3A_1113 : vector<16xi1>, vector<16xi32>
    tpu.vector_store_idx %arg11[%select_n3A_1105, %select_n3A_1114], %broadcast_in_dim3A_268 : memref<32x1024xf32, #tpu.memory_space<vmem>>[vector<16xi32>, vector<16xi32>], vector<16xf32>,
    %get3A_1115 = arith.constant 304 : index
    %get3A_1116 = tpu.vector_load %arg8[%get3A_1115] {strides = array<i32>} : memref<640xi32, #tpu.memory_space<vmem>>, vector<16xi32>,
    %add3A_1117 = arith.constant 304 : i32
    %add3A_1118 = vector.broadcast %add3A_1117 : i32 to vector<16xi32>
    %add3A_1119 = arith.addi %iota3A, %add3A_1118 : vector<16xi32>
    %jit3A_1120 = arith.constant 20 : i32
    %div3A_1121 = vector.broadcast %jit3A_1120 : i32 to vector<16xi32>
    %div3A_1122 = arith.divsi %add3A_1119, %div3A_1121 : vector<16xi32>
    %sign3A_1123 = arith.constant 0 : i32
    %sign3A_1124 = vector.broadcast %sign3A_1123 : i32 to vector<16xi32>
    %sign3A_1125 = arith.cmpi sgt, %add3A_1119, %sign3A_1124 : vector<16xi32>
    %sign3A_1126 = arith.extui %sign3A_1125 : vector<16xi1> to vector<16xi32>
    %sign3A_1127 = arith.constant 0 : i32
    %sign3A_1128 = vector.broadcast %sign3A_1127 : i32 to vector<16xi32>
    %sign3A_1129 = arith.cmpi slt, %add3A_1119, %sign3A_1128 : vector<16xi32>
    %sign3A_1130 = arith.extui %sign3A_1129 : vector<16xi1> to vector<16xi32>
    %sign3A_1131 = arith.subi %sign3A_1126, %sign3A_1130 : vector<16xi32>
    %sign3A_1132 = arith.constant 0 : i32
    %sign3A_1133 = arith.cmpi sgt, %jit3A_1120, %sign3A_1132 : i32
    %sign3A_1134 = arith.extui %sign3A_1133 : i1 to i32
    %sign3A_1135 = arith.constant 0 : i32
    %sign3A_1136 = arith.cmpi slt, %jit3A_1120, %sign3A_1135 : i32
    %sign3A_1137 = arith.extui %sign3A_1136 : i1 to i32
    %sign3A_1138 = arith.subi %sign3A_1134, %sign3A_1137 : i32
    %ne3A_1139 = vector.broadcast %sign3A_1138 : i32 to vector<16xi32>
    %ne3A_1140 = arith.cmpi ne, %sign3A_1131, %ne3A_1139 : vector<16xi32>
    %rem3A_1141 = vector.broadcast %jit3A_1120 : i32 to vector<16xi32>
    %rem3A_1142 = arith.remsi %add3A_1119, %rem3A_1141 : vector<16xi32>
    %ne3A_1143 = arith.constant 0 : i32
    %ne3A_1144 = vector.broadcast %ne3A_1143 : i32 to vector<16xi32>
    %ne3A_1145 = arith.cmpi ne, %rem3A_1142, %ne3A_1144 : vector<16xi32>
    %and3A_1146 = arith.andi %ne3A_1140, %ne3A_1145 : vector<16xi1>
    %sub3A_1147 = arith.constant 1 : i32
    %sub3A_1148 = vector.broadcast %sub3A_1147 : i32 to vector<16xi32>
    %sub3A_1149 = arith.subi %div3A_1122, %sub3A_1148 : vector<16xi32>
    %select_n3A_1150 = arith.select %and3A_1146, %sub3A_1149, %div3A_1122 : vector<16xi1>, vector<16xi32>
    %ne3A_1151 = arith.constant 0 : i32
    %ne3A_1152 = vector.broadcast %ne3A_1151 : i32 to vector<16xi32>
    %ne3A_1153 = arith.cmpi ne, %get3A_1116, %ne3A_1152 : vector<16xi32>
    %sub3A_1154 = arith.constant 1 : i32
    %sub3A_1155 = vector.broadcast %sub3A_1154 : i32 to vector<16xi32>
    %sub3A_1156 = arith.subi %get3A_1116, %sub3A_1155 : vector<16xi32>
    %jit3A_1157 = arith.constant 1000 : i32
    %broadcast_in_dim3A_1158 = vector.broadcast %jit3A_1157 : i32 to vector<16xi32>
    %select_n3A_1159 = arith.select %ne3A_1153, %sub3A_1156, %broadcast_in_dim3A_1158 : vector<16xi1>, vector<16xi32>
    tpu.vector_store_idx %arg11[%select_n3A_1150, %select_n3A_1159], %broadcast_in_dim3A_268 : memref<32x1024xf32, #tpu.memory_space<vmem>>[vector<16xi32>, vector<16xi32>], vector<16xf32>,
    %get3A_1160 = arith.constant 320 : index
    %get3A_1161 = tpu.vector_load %arg8[%get3A_1160] {strides = array<i32>} : memref<640xi32, #tpu.memory_space<vmem>>, vector<16xi32>,
    %add3A_1162 = arith.constant 320 : i32
    %add3A_1163 = vector.broadcast %add3A_1162 : i32 to vector<16xi32>
    %add3A_1164 = arith.addi %iota3A, %add3A_1163 : vector<16xi32>
    %jit3A_1165 = arith.constant 20 : i32
    %div3A_1166 = vector.broadcast %jit3A_1165 : i32 to vector<16xi32>
    %div3A_1167 = arith.divsi %add3A_1164, %div3A_1166 : vector<16xi32>
    %sign3A_1168 = arith.constant 0 : i32
    %sign3A_1169 = vector.broadcast %sign3A_1168 : i32 to vector<16xi32>
    %sign3A_1170 = arith.cmpi sgt, %add3A_1164, %sign3A_1169 : vector<16xi32>
    %sign3A_1171 = arith.extui %sign3A_1170 : vector<16xi1> to vector<16xi32>
    %sign3A_1172 = arith.constant 0 : i32
    %sign3A_1173 = vector.broadcast %sign3A_1172 : i32 to vector<16xi32>
    %sign3A_1174 = arith.cmpi slt, %add3A_1164, %sign3A_1173 : vector<16xi32>
    %sign3A_1175 = arith.extui %sign3A_1174 : vector<16xi1> to vector<16xi32>
    %sign3A_1176 = arith.subi %sign3A_1171, %sign3A_1175 : vector<16xi32>
    %sign3A_1177 = arith.constant 0 : i32
    %sign3A_1178 = arith.cmpi sgt, %jit3A_1165, %sign3A_1177 : i32
    %sign3A_1179 = arith.extui %sign3A_1178 : i1 to i32
    %sign3A_1180 = arith.constant 0 : i32
    %sign3A_1181 = arith.cmpi slt, %jit3A_1165, %sign3A_1180 : i32
    %sign3A_1182 = arith.extui %sign3A_1181 : i1 to i32
    %sign3A_1183 = arith.subi %sign3A_1179, %sign3A_1182 : i32
    %ne3A_1184 = vector.broadcast %sign3A_1183 : i32 to vector<16xi32>
    %ne3A_1185 = arith.cmpi ne, %sign3A_1176, %ne3A_1184 : vector<16xi32>
    %rem3A_1186 = vector.broadcast %jit3A_1165 : i32 to vector<16xi32>
    %rem3A_1187 = arith.remsi %add3A_1164, %rem3A_1186 : vector<16xi32>
    %ne3A_1188 = arith.constant 0 : i32
    %ne3A_1189 = vector.broadcast %ne3A_1188 : i32 to vector<16xi32>
    %ne3A_1190 = arith.cmpi ne, %rem3A_1187, %ne3A_1189 : vector<16xi32>
    %and3A_1191 = arith.andi %ne3A_1185, %ne3A_1190 : vector<16xi1>
    %sub3A_1192 = arith.constant 1 : i32
    %sub3A_1193 = vector.broadcast %sub3A_1192 : i32 to vector<16xi32>
    %sub3A_1194 = arith.subi %div3A_1167, %sub3A_1193 : vector<16xi32>
    %select_n3A_1195 = arith.select %and3A_1191, %sub3A_1194, %div3A_1167 : vector<16xi1>, vector<16xi32>
    %ne3A_1196 = arith.constant 0 : i32
    %ne3A_1197 = vector.broadcast %ne3A_1196 : i32 to vector<16xi32>
    %ne3A_1198 = arith.cmpi ne, %get3A_1161, %ne3A_1197 : vector<16xi32>
    %sub3A_1199 = arith.constant 1 : i32
    %sub3A_1200 = vector.broadcast %sub3A_1199 : i32 to vector<16xi32>
    %sub3A_1201 = arith.subi %get3A_1161, %sub3A_1200 : vector<16xi32>
    %jit3A_1202 = arith.constant 1000 : i32
    %broadcast_in_dim3A_1203 = vector.broadcast %jit3A_1202 : i32 to vector<16xi32>
    %select_n3A_1204 = arith.select %ne3A_1198, %sub3A_1201, %broadcast_in_dim3A_1203 : vector<16xi1>, vector<16xi32>
    tpu.vector_store_idx %arg11[%select_n3A_1195, %select_n3A_1204], %broadcast_in_dim3A_268 : memref<32x1024xf32, #tpu.memory_space<vmem>>[vector<16xi32>, vector<16xi32>], vector<16xf32>,
    %get3A_1205 = arith.constant 336 : index
    %get3A_1206 = tpu.vector_load %arg8[%get3A_1205] {strides = array<i32>} : memref<640xi32, #tpu.memory_space<vmem>>, vector<16xi32>,
    %add3A_1207 = arith.constant 336 : i32
    %add3A_1208 = vector.broadcast %add3A_1207 : i32 to vector<16xi32>
    %add3A_1209 = arith.addi %iota3A, %add3A_1208 : vector<16xi32>
    %jit3A_1210 = arith.constant 20 : i32
    %div3A_1211 = vector.broadcast %jit3A_1210 : i32 to vector<16xi32>
    %div3A_1212 = arith.divsi %add3A_1209, %div3A_1211 : vector<16xi32>
    %sign3A_1213 = arith.constant 0 : i32
    %sign3A_1214 = vector.broadcast %sign3A_1213 : i32 to vector<16xi32>
    %sign3A_1215 = arith.cmpi sgt, %add3A_1209, %sign3A_1214 : vector<16xi32>
    %sign3A_1216 = arith.extui %sign3A_1215 : vector<16xi1> to vector<16xi32>
    %sign3A_1217 = arith.constant 0 : i32
    %sign3A_1218 = vector.broadcast %sign3A_1217 : i32 to vector<16xi32>
    %sign3A_1219 = arith.cmpi slt, %add3A_1209, %sign3A_1218 : vector<16xi32>
    %sign3A_1220 = arith.extui %sign3A_1219 : vector<16xi1> to vector<16xi32>
    %sign3A_1221 = arith.subi %sign3A_1216, %sign3A_1220 : vector<16xi32>
    %sign3A_1222 = arith.constant 0 : i32
    %sign3A_1223 = arith.cmpi sgt, %jit3A_1210, %sign3A_1222 : i32
    %sign3A_1224 = arith.extui %sign3A_1223 : i1 to i32
    %sign3A_1225 = arith.constant 0 : i32
    %sign3A_1226 = arith.cmpi slt, %jit3A_1210, %sign3A_1225 : i32
    %sign3A_1227 = arith.extui %sign3A_1226 : i1 to i32
    %sign3A_1228 = arith.subi %sign3A_1224, %sign3A_1227 : i32
    %ne3A_1229 = vector.broadcast %sign3A_1228 : i32 to vector<16xi32>
    %ne3A_1230 = arith.cmpi ne, %sign3A_1221, %ne3A_1229 : vector<16xi32>
    %rem3A_1231 = vector.broadcast %jit3A_1210 : i32 to vector<16xi32>
    %rem3A_1232 = arith.remsi %add3A_1209, %rem3A_1231 : vector<16xi32>
    %ne3A_1233 = arith.constant 0 : i32
    %ne3A_1234 = vector.broadcast %ne3A_1233 : i32 to vector<16xi32>
    %ne3A_1235 = arith.cmpi ne, %rem3A_1232, %ne3A_1234 : vector<16xi32>
    %and3A_1236 = arith.andi %ne3A_1230, %ne3A_1235 : vector<16xi1>
    %sub3A_1237 = arith.constant 1 : i32
    %sub3A_1238 = vector.broadcast %sub3A_1237 : i32 to vector<16xi32>
    %sub3A_1239 = arith.subi %div3A_1212, %sub3A_1238 : vector<16xi32>
    %select_n3A_1240 = arith.select %and3A_1236, %sub3A_1239, %div3A_1212 : vector<16xi1>, vector<16xi32>
    %ne3A_1241 = arith.constant 0 : i32
    %ne3A_1242 = vector.broadcast %ne3A_1241 : i32 to vector<16xi32>
    %ne3A_1243 = arith.cmpi ne, %get3A_1206, %ne3A_1242 : vector<16xi32>
    %sub3A_1244 = arith.constant 1 : i32
    %sub3A_1245 = vector.broadcast %sub3A_1244 : i32 to vector<16xi32>
    %sub3A_1246 = arith.subi %get3A_1206, %sub3A_1245 : vector<16xi32>
    %jit3A_1247 = arith.constant 1000 : i32
    %broadcast_in_dim3A_1248 = vector.broadcast %jit3A_1247 : i32 to vector<16xi32>
    %select_n3A_1249 = arith.select %ne3A_1243, %sub3A_1246, %broadcast_in_dim3A_1248 : vector<16xi1>, vector<16xi32>
    tpu.vector_store_idx %arg11[%select_n3A_1240, %select_n3A_1249], %broadcast_in_dim3A_268 : memref<32x1024xf32, #tpu.memory_space<vmem>>[vector<16xi32>, vector<16xi32>], vector<16xf32>,
    %get3A_1250 = arith.constant 352 : index
    %get3A_1251 = tpu.vector_load %arg8[%get3A_1250] {strides = array<i32>} : memref<640xi32, #tpu.memory_space<vmem>>, vector<16xi32>,
    %add3A_1252 = arith.constant 352 : i32
    %add3A_1253 = vector.broadcast %add3A_1252 : i32 to vector<16xi32>
    %add3A_1254 = arith.addi %iota3A, %add3A_1253 : vector<16xi32>
    %jit3A_1255 = arith.constant 20 : i32
    %div3A_1256 = vector.broadcast %jit3A_1255 : i32 to vector<16xi32>
    %div3A_1257 = arith.divsi %add3A_1254, %div3A_1256 : vector<16xi32>
    %sign3A_1258 = arith.constant 0 : i32
    %sign3A_1259 = vector.broadcast %sign3A_1258 : i32 to vector<16xi32>
    %sign3A_1260 = arith.cmpi sgt, %add3A_1254, %sign3A_1259 : vector<16xi32>
    %sign3A_1261 = arith.extui %sign3A_1260 : vector<16xi1> to vector<16xi32>
    %sign3A_1262 = arith.constant 0 : i32
    %sign3A_1263 = vector.broadcast %sign3A_1262 : i32 to vector<16xi32>
    %sign3A_1264 = arith.cmpi slt, %add3A_1254, %sign3A_1263 : vector<16xi32>
    %sign3A_1265 = arith.extui %sign3A_1264 : vector<16xi1> to vector<16xi32>
    %sign3A_1266 = arith.subi %sign3A_1261, %sign3A_1265 : vector<16xi32>
    %sign3A_1267 = arith.constant 0 : i32
    %sign3A_1268 = arith.cmpi sgt, %jit3A_1255, %sign3A_1267 : i32
    %sign3A_1269 = arith.extui %sign3A_1268 : i1 to i32
    %sign3A_1270 = arith.constant 0 : i32
    %sign3A_1271 = arith.cmpi slt, %jit3A_1255, %sign3A_1270 : i32
    %sign3A_1272 = arith.extui %sign3A_1271 : i1 to i32
    %sign3A_1273 = arith.subi %sign3A_1269, %sign3A_1272 : i32
    %ne3A_1274 = vector.broadcast %sign3A_1273 : i32 to vector<16xi32>
    %ne3A_1275 = arith.cmpi ne, %sign3A_1266, %ne3A_1274 : vector<16xi32>
    %rem3A_1276 = vector.broadcast %jit3A_1255 : i32 to vector<16xi32>
    %rem3A_1277 = arith.remsi %add3A_1254, %rem3A_1276 : vector<16xi32>
    %ne3A_1278 = arith.constant 0 : i32
    %ne3A_1279 = vector.broadcast %ne3A_1278 : i32 to vector<16xi32>
    %ne3A_1280 = arith.cmpi ne, %rem3A_1277, %ne3A_1279 : vector<16xi32>
    %and3A_1281 = arith.andi %ne3A_1275, %ne3A_1280 : vector<16xi1>
    %sub3A_1282 = arith.constant 1 : i32
    %sub3A_1283 = vector.broadcast %sub3A_1282 : i32 to vector<16xi32>
    %sub3A_1284 = arith.subi %div3A_1257, %sub3A_1283 : vector<16xi32>
    %select_n3A_1285 = arith.select %and3A_1281, %sub3A_1284, %div3A_1257 : vector<16xi1>, vector<16xi32>
    %ne3A_1286 = arith.constant 0 : i32
    %ne3A_1287 = vector.broadcast %ne3A_1286 : i32 to vector<16xi32>
    %ne3A_1288 = arith.cmpi ne, %get3A_1251, %ne3A_1287 : vector<16xi32>
    %sub3A_1289 = arith.constant 1 : i32
    %sub3A_1290 = vector.broadcast %sub3A_1289 : i32 to vector<16xi32>
    %sub3A_1291 = arith.subi %get3A_1251, %sub3A_1290 : vector<16xi32>
    %jit3A_1292 = arith.constant 1000 : i32
    %broadcast_in_dim3A_1293 = vector.broadcast %jit3A_1292 : i32 to vector<16xi32>
    %select_n3A_1294 = arith.select %ne3A_1288, %sub3A_1291, %broadcast_in_dim3A_1293 : vector<16xi1>, vector<16xi32>
    tpu.vector_store_idx %arg11[%select_n3A_1285, %select_n3A_1294], %broadcast_in_dim3A_268 : memref<32x1024xf32, #tpu.memory_space<vmem>>[vector<16xi32>, vector<16xi32>], vector<16xf32>,
    %get3A_1295 = arith.constant 368 : index
    %get3A_1296 = tpu.vector_load %arg8[%get3A_1295] {strides = array<i32>} : memref<640xi32, #tpu.memory_space<vmem>>, vector<16xi32>,
    %add3A_1297 = arith.constant 368 : i32
    %add3A_1298 = vector.broadcast %add3A_1297 : i32 to vector<16xi32>
    %add3A_1299 = arith.addi %iota3A, %add3A_1298 : vector<16xi32>
    %jit3A_1300 = arith.constant 20 : i32
    %div3A_1301 = vector.broadcast %jit3A_1300 : i32 to vector<16xi32>
    %div3A_1302 = arith.divsi %add3A_1299, %div3A_1301 : vector<16xi32>
    %sign3A_1303 = arith.constant 0 : i32
    %sign3A_1304 = vector.broadcast %sign3A_1303 : i32 to vector<16xi32>
    %sign3A_1305 = arith.cmpi sgt, %add3A_1299, %sign3A_1304 : vector<16xi32>
    %sign3A_1306 = arith.extui %sign3A_1305 : vector<16xi1> to vector<16xi32>
    %sign3A_1307 = arith.constant 0 : i32
    %sign3A_1308 = vector.broadcast %sign3A_1307 : i32 to vector<16xi32>
    %sign3A_1309 = arith.cmpi slt, %add3A_1299, %sign3A_1308 : vector<16xi32>
    %sign3A_1310 = arith.extui %sign3A_1309 : vector<16xi1> to vector<16xi32>
    %sign3A_1311 = arith.subi %sign3A_1306, %sign3A_1310 : vector<16xi32>
    %sign3A_1312 = arith.constant 0 : i32
    %sign3A_1313 = arith.cmpi sgt, %jit3A_1300, %sign3A_1312 : i32
    %sign3A_1314 = arith.extui %sign3A_1313 : i1 to i32
    %sign3A_1315 = arith.constant 0 : i32
    %sign3A_1316 = arith.cmpi slt, %jit3A_1300, %sign3A_1315 : i32
    %sign3A_1317 = arith.extui %sign3A_1316 : i1 to i32
    %sign3A_1318 = arith.subi %sign3A_1314, %sign3A_1317 : i32
    %ne3A_1319 = vector.broadcast %sign3A_1318 : i32 to vector<16xi32>
    %ne3A_1320 = arith.cmpi ne, %sign3A_1311, %ne3A_1319 : vector<16xi32>
    %rem3A_1321 = vector.broadcast %jit3A_1300 : i32 to vector<16xi32>
    %rem3A_1322 = arith.remsi %add3A_1299, %rem3A_1321 : vector<16xi32>
    %ne3A_1323 = arith.constant 0 : i32
    %ne3A_1324 = vector.broadcast %ne3A_1323 : i32 to vector<16xi32>
    %ne3A_1325 = arith.cmpi ne, %rem3A_1322, %ne3A_1324 : vector<16xi32>
    %and3A_1326 = arith.andi %ne3A_1320, %ne3A_1325 : vector<16xi1>
    %sub3A_1327 = arith.constant 1 : i32
    %sub3A_1328 = vector.broadcast %sub3A_1327 : i32 to vector<16xi32>
    %sub3A_1329 = arith.subi %div3A_1302, %sub3A_1328 : vector<16xi32>
    %select_n3A_1330 = arith.select %and3A_1326, %sub3A_1329, %div3A_1302 : vector<16xi1>, vector<16xi32>
    %ne3A_1331 = arith.constant 0 : i32
    %ne3A_1332 = vector.broadcast %ne3A_1331 : i32 to vector<16xi32>
    %ne3A_1333 = arith.cmpi ne, %get3A_1296, %ne3A_1332 : vector<16xi32>
    %sub3A_1334 = arith.constant 1 : i32
    %sub3A_1335 = vector.broadcast %sub3A_1334 : i32 to vector<16xi32>
    %sub3A_1336 = arith.subi %get3A_1296, %sub3A_1335 : vector<16xi32>
    %jit3A_1337 = arith.constant 1000 : i32
    %broadcast_in_dim3A_1338 = vector.broadcast %jit3A_1337 : i32 to vector<16xi32>
    %select_n3A_1339 = arith.select %ne3A_1333, %sub3A_1336, %broadcast_in_dim3A_1338 : vector<16xi1>, vector<16xi32>
    tpu.vector_store_idx %arg11[%select_n3A_1330, %select_n3A_1339], %broadcast_in_dim3A_268 : memref<32x1024xf32, #tpu.memory_space<vmem>>[vector<16xi32>, vector<16xi32>], vector<16xf32>,
    %get3A_1340 = arith.constant 384 : index
    %get3A_1341 = tpu.vector_load %arg8[%get3A_1340] {strides = array<i32>} : memref<640xi32, #tpu.memory_space<vmem>>, vector<16xi32>,
    %add3A_1342 = arith.constant 384 : i32
    %add3A_1343 = vector.broadcast %add3A_1342 : i32 to vector<16xi32>
    %add3A_1344 = arith.addi %iota3A, %add3A_1343 : vector<16xi32>
    %jit3A_1345 = arith.constant 20 : i32
    %div3A_1346 = vector.broadcast %jit3A_1345 : i32 to vector<16xi32>
    %div3A_1347 = arith.divsi %add3A_1344, %div3A_1346 : vector<16xi32>
    %sign3A_1348 = arith.constant 0 : i32
    %sign3A_1349 = vector.broadcast %sign3A_1348 : i32 to vector<16xi32>
    %sign3A_1350 = arith.cmpi sgt, %add3A_1344, %sign3A_1349 : vector<16xi32>
    %sign3A_1351 = arith.extui %sign3A_1350 : vector<16xi1> to vector<16xi32>
    %sign3A_1352 = arith.constant 0 : i32
    %sign3A_1353 = vector.broadcast %sign3A_1352 : i32 to vector<16xi32>
    %sign3A_1354 = arith.cmpi slt, %add3A_1344, %sign3A_1353 : vector<16xi32>
    %sign3A_1355 = arith.extui %sign3A_1354 : vector<16xi1> to vector<16xi32>
    %sign3A_1356 = arith.subi %sign3A_1351, %sign3A_1355 : vector<16xi32>
    %sign3A_1357 = arith.constant 0 : i32
    %sign3A_1358 = arith.cmpi sgt, %jit3A_1345, %sign3A_1357 : i32
    %sign3A_1359 = arith.extui %sign3A_1358 : i1 to i32
    %sign3A_1360 = arith.constant 0 : i32
    %sign3A_1361 = arith.cmpi slt, %jit3A_1345, %sign3A_1360 : i32
    %sign3A_1362 = arith.extui %sign3A_1361 : i1 to i32
    %sign3A_1363 = arith.subi %sign3A_1359, %sign3A_1362 : i32
    %ne3A_1364 = vector.broadcast %sign3A_1363 : i32 to vector<16xi32>
    %ne3A_1365 = arith.cmpi ne, %sign3A_1356, %ne3A_1364 : vector<16xi32>
    %rem3A_1366 = vector.broadcast %jit3A_1345 : i32 to vector<16xi32>
    %rem3A_1367 = arith.remsi %add3A_1344, %rem3A_1366 : vector<16xi32>
    %ne3A_1368 = arith.constant 0 : i32
    %ne3A_1369 = vector.broadcast %ne3A_1368 : i32 to vector<16xi32>
    %ne3A_1370 = arith.cmpi ne, %rem3A_1367, %ne3A_1369 : vector<16xi32>
    %and3A_1371 = arith.andi %ne3A_1365, %ne3A_1370 : vector<16xi1>
    %sub3A_1372 = arith.constant 1 : i32
    %sub3A_1373 = vector.broadcast %sub3A_1372 : i32 to vector<16xi32>
    %sub3A_1374 = arith.subi %div3A_1347, %sub3A_1373 : vector<16xi32>
    %select_n3A_1375 = arith.select %and3A_1371, %sub3A_1374, %div3A_1347 : vector<16xi1>, vector<16xi32>
    %ne3A_1376 = arith.constant 0 : i32
    %ne3A_1377 = vector.broadcast %ne3A_1376 : i32 to vector<16xi32>
    %ne3A_1378 = arith.cmpi ne, %get3A_1341, %ne3A_1377 : vector<16xi32>
    %sub3A_1379 = arith.constant 1 : i32
    %sub3A_1380 = vector.broadcast %sub3A_1379 : i32 to vector<16xi32>
    %sub3A_1381 = arith.subi %get3A_1341, %sub3A_1380 : vector<16xi32>
    %jit3A_1382 = arith.constant 1000 : i32
    %broadcast_in_dim3A_1383 = vector.broadcast %jit3A_1382 : i32 to vector<16xi32>
    %select_n3A_1384 = arith.select %ne3A_1378, %sub3A_1381, %broadcast_in_dim3A_1383 : vector<16xi1>, vector<16xi32>
    tpu.vector_store_idx %arg11[%select_n3A_1375, %select_n3A_1384], %broadcast_in_dim3A_268 : memref<32x1024xf32, #tpu.memory_space<vmem>>[vector<16xi32>, vector<16xi32>], vector<16xf32>,
    %get3A_1385 = arith.constant 400 : index
    %get3A_1386 = tpu.vector_load %arg8[%get3A_1385] {strides = array<i32>} : memref<640xi32, #tpu.memory_space<vmem>>, vector<16xi32>,
    %add3A_1387 = arith.constant 400 : i32
    %add3A_1388 = vector.broadcast %add3A_1387 : i32 to vector<16xi32>
    %add3A_1389 = arith.addi %iota3A, %add3A_1388 : vector<16xi32>
    %jit3A_1390 = arith.constant 20 : i32
    %div3A_1391 = vector.broadcast %jit3A_1390 : i32 to vector<16xi32>
    %div3A_1392 = arith.divsi %add3A_1389, %div3A_1391 : vector<16xi32>
    %sign3A_1393 = arith.constant 0 : i32
    %sign3A_1394 = vector.broadcast %sign3A_1393 : i32 to vector<16xi32>
    %sign3A_1395 = arith.cmpi sgt, %add3A_1389, %sign3A_1394 : vector<16xi32>
    %sign3A_1396 = arith.extui %sign3A_1395 : vector<16xi1> to vector<16xi32>
    %sign3A_1397 = arith.constant 0 : i32
    %sign3A_1398 = vector.broadcast %sign3A_1397 : i32 to vector<16xi32>
    %sign3A_1399 = arith.cmpi slt, %add3A_1389, %sign3A_1398 : vector<16xi32>
    %sign3A_1400 = arith.extui %sign3A_1399 : vector<16xi1> to vector<16xi32>
    %sign3A_1401 = arith.subi %sign3A_1396, %sign3A_1400 : vector<16xi32>
    %sign3A_1402 = arith.constant 0 : i32
    %sign3A_1403 = arith.cmpi sgt, %jit3A_1390, %sign3A_1402 : i32
    %sign3A_1404 = arith.extui %sign3A_1403 : i1 to i32
    %sign3A_1405 = arith.constant 0 : i32
    %sign3A_1406 = arith.cmpi slt, %jit3A_1390, %sign3A_1405 : i32
    %sign3A_1407 = arith.extui %sign3A_1406 : i1 to i32
    %sign3A_1408 = arith.subi %sign3A_1404, %sign3A_1407 : i32
    %ne3A_1409 = vector.broadcast %sign3A_1408 : i32 to vector<16xi32>
    %ne3A_1410 = arith.cmpi ne, %sign3A_1401, %ne3A_1409 : vector<16xi32>
    %rem3A_1411 = vector.broadcast %jit3A_1390 : i32 to vector<16xi32>
    %rem3A_1412 = arith.remsi %add3A_1389, %rem3A_1411 : vector<16xi32>
    %ne3A_1413 = arith.constant 0 : i32
    %ne3A_1414 = vector.broadcast %ne3A_1413 : i32 to vector<16xi32>
    %ne3A_1415 = arith.cmpi ne, %rem3A_1412, %ne3A_1414 : vector<16xi32>
    %and3A_1416 = arith.andi %ne3A_1410, %ne3A_1415 : vector<16xi1>
    %sub3A_1417 = arith.constant 1 : i32
    %sub3A_1418 = vector.broadcast %sub3A_1417 : i32 to vector<16xi32>
    %sub3A_1419 = arith.subi %div3A_1392, %sub3A_1418 : vector<16xi32>
    %select_n3A_1420 = arith.select %and3A_1416, %sub3A_1419, %div3A_1392 : vector<16xi1>, vector<16xi32>
    %ne3A_1421 = arith.constant 0 : i32
    %ne3A_1422 = vector.broadcast %ne3A_1421 : i32 to vector<16xi32>
    %ne3A_1423 = arith.cmpi ne, %get3A_1386, %ne3A_1422 : vector<16xi32>
    %sub3A_1424 = arith.constant 1 : i32
    %sub3A_1425 = vector.broadcast %sub3A_1424 : i32 to vector<16xi32>
    %sub3A_1426 = arith.subi %get3A_1386, %sub3A_1425 : vector<16xi32>
    %jit3A_1427 = arith.constant 1000 : i32
    %broadcast_in_dim3A_1428 = vector.broadcast %jit3A_1427 : i32 to vector<16xi32>
    %select_n3A_1429 = arith.select %ne3A_1423, %sub3A_1426, %broadcast_in_dim3A_1428 : vector<16xi1>, vector<16xi32>
    tpu.vector_store_idx %arg11[%select_n3A_1420, %select_n3A_1429], %broadcast_in_dim3A_268 : memref<32x1024xf32, #tpu.memory_space<vmem>>[vector<16xi32>, vector<16xi32>], vector<16xf32>,
    %get3A_1430 = arith.constant 416 : index
    %get3A_1431 = tpu.vector_load %arg8[%get3A_1430] {strides = array<i32>} : memref<640xi32, #tpu.memory_space<vmem>>, vector<16xi32>,
    %add3A_1432 = arith.constant 416 : i32
    %add3A_1433 = vector.broadcast %add3A_1432 : i32 to vector<16xi32>
    %add3A_1434 = arith.addi %iota3A, %add3A_1433 : vector<16xi32>
    %jit3A_1435 = arith.constant 20 : i32
    %div3A_1436 = vector.broadcast %jit3A_1435 : i32 to vector<16xi32>
    %div3A_1437 = arith.divsi %add3A_1434, %div3A_1436 : vector<16xi32>
    %sign3A_1438 = arith.constant 0 : i32
    %sign3A_1439 = vector.broadcast %sign3A_1438 : i32 to vector<16xi32>
    %sign3A_1440 = arith.cmpi sgt, %add3A_1434, %sign3A_1439 : vector<16xi32>
    %sign3A_1441 = arith.extui %sign3A_1440 : vector<16xi1> to vector<16xi32>
    %sign3A_1442 = arith.constant 0 : i32
    %sign3A_1443 = vector.broadcast %sign3A_1442 : i32 to vector<16xi32>
    %sign3A_1444 = arith.cmpi slt, %add3A_1434, %sign3A_1443 : vector<16xi32>
    %sign3A_1445 = arith.extui %sign3A_1444 : vector<16xi1> to vector<16xi32>
    %sign3A_1446 = arith.subi %sign3A_1441, %sign3A_1445 : vector<16xi32>
    %sign3A_1447 = arith.constant 0 : i32
    %sign3A_1448 = arith.cmpi sgt, %jit3A_1435, %sign3A_1447 : i32
    %sign3A_1449 = arith.extui %sign3A_1448 : i1 to i32
    %sign3A_1450 = arith.constant 0 : i32
    %sign3A_1451 = arith.cmpi slt, %jit3A_1435, %sign3A_1450 : i32
    %sign3A_1452 = arith.extui %sign3A_1451 : i1 to i32
    %sign3A_1453 = arith.subi %sign3A_1449, %sign3A_1452 : i32
    %ne3A_1454 = vector.broadcast %sign3A_1453 : i32 to vector<16xi32>
    %ne3A_1455 = arith.cmpi ne, %sign3A_1446, %ne3A_1454 : vector<16xi32>
    %rem3A_1456 = vector.broadcast %jit3A_1435 : i32 to vector<16xi32>
    %rem3A_1457 = arith.remsi %add3A_1434, %rem3A_1456 : vector<16xi32>
    %ne3A_1458 = arith.constant 0 : i32
    %ne3A_1459 = vector.broadcast %ne3A_1458 : i32 to vector<16xi32>
    %ne3A_1460 = arith.cmpi ne, %rem3A_1457, %ne3A_1459 : vector<16xi32>
    %and3A_1461 = arith.andi %ne3A_1455, %ne3A_1460 : vector<16xi1>
    %sub3A_1462 = arith.constant 1 : i32
    %sub3A_1463 = vector.broadcast %sub3A_1462 : i32 to vector<16xi32>
    %sub3A_1464 = arith.subi %div3A_1437, %sub3A_1463 : vector<16xi32>
    %select_n3A_1465 = arith.select %and3A_1461, %sub3A_1464, %div3A_1437 : vector<16xi1>, vector<16xi32>
    %ne3A_1466 = arith.constant 0 : i32
    %ne3A_1467 = vector.broadcast %ne3A_1466 : i32 to vector<16xi32>
    %ne3A_1468 = arith.cmpi ne, %get3A_1431, %ne3A_1467 : vector<16xi32>
    %sub3A_1469 = arith.constant 1 : i32
    %sub3A_1470 = vector.broadcast %sub3A_1469 : i32 to vector<16xi32>
    %sub3A_1471 = arith.subi %get3A_1431, %sub3A_1470 : vector<16xi32>
    %jit3A_1472 = arith.constant 1000 : i32
    %broadcast_in_dim3A_1473 = vector.broadcast %jit3A_1472 : i32 to vector<16xi32>
    %select_n3A_1474 = arith.select %ne3A_1468, %sub3A_1471, %broadcast_in_dim3A_1473 : vector<16xi1>, vector<16xi32>
    tpu.vector_store_idx %arg11[%select_n3A_1465, %select_n3A_1474], %broadcast_in_dim3A_268 : memref<32x1024xf32, #tpu.memory_space<vmem>>[vector<16xi32>, vector<16xi32>], vector<16xf32>,
    %get3A_1475 = arith.constant 432 : index
    %get3A_1476 = tpu.vector_load %arg8[%get3A_1475] {strides = array<i32>} : memref<640xi32, #tpu.memory_space<vmem>>, vector<16xi32>,
    %add3A_1477 = arith.constant 432 : i32
    %add3A_1478 = vector.broadcast %add3A_1477 : i32 to vector<16xi32>
    %add3A_1479 = arith.addi %iota3A, %add3A_1478 : vector<16xi32>
    %jit3A_1480 = arith.constant 20 : i32
    %div3A_1481 = vector.broadcast %jit3A_1480 : i32 to vector<16xi32>
    %div3A_1482 = arith.divsi %add3A_1479, %div3A_1481 : vector<16xi32>
    %sign3A_1483 = arith.constant 0 : i32
    %sign3A_1484 = vector.broadcast %sign3A_1483 : i32 to vector<16xi32>
    %sign3A_1485 = arith.cmpi sgt, %add3A_1479, %sign3A_1484 : vector<16xi32>
    %sign3A_1486 = arith.extui %sign3A_1485 : vector<16xi1> to vector<16xi32>
    %sign3A_1487 = arith.constant 0 : i32
    %sign3A_1488 = vector.broadcast %sign3A_1487 : i32 to vector<16xi32>
    %sign3A_1489 = arith.cmpi slt, %add3A_1479, %sign3A_1488 : vector<16xi32>
    %sign3A_1490 = arith.extui %sign3A_1489 : vector<16xi1> to vector<16xi32>
    %sign3A_1491 = arith.subi %sign3A_1486, %sign3A_1490 : vector<16xi32>
    %sign3A_1492 = arith.constant 0 : i32
    %sign3A_1493 = arith.cmpi sgt, %jit3A_1480, %sign3A_1492 : i32
    %sign3A_1494 = arith.extui %sign3A_1493 : i1 to i32
    %sign3A_1495 = arith.constant 0 : i32
    %sign3A_1496 = arith.cmpi slt, %jit3A_1480, %sign3A_1495 : i32
    %sign3A_1497 = arith.extui %sign3A_1496 : i1 to i32
    %sign3A_1498 = arith.subi %sign3A_1494, %sign3A_1497 : i32
    %ne3A_1499 = vector.broadcast %sign3A_1498 : i32 to vector<16xi32>
    %ne3A_1500 = arith.cmpi ne, %sign3A_1491, %ne3A_1499 : vector<16xi32>
    %rem3A_1501 = vector.broadcast %jit3A_1480 : i32 to vector<16xi32>
    %rem3A_1502 = arith.remsi %add3A_1479, %rem3A_1501 : vector<16xi32>
    %ne3A_1503 = arith.constant 0 : i32
    %ne3A_1504 = vector.broadcast %ne3A_1503 : i32 to vector<16xi32>
    %ne3A_1505 = arith.cmpi ne, %rem3A_1502, %ne3A_1504 : vector<16xi32>
    %and3A_1506 = arith.andi %ne3A_1500, %ne3A_1505 : vector<16xi1>
    %sub3A_1507 = arith.constant 1 : i32
    %sub3A_1508 = vector.broadcast %sub3A_1507 : i32 to vector<16xi32>
    %sub3A_1509 = arith.subi %div3A_1482, %sub3A_1508 : vector<16xi32>
    %select_n3A_1510 = arith.select %and3A_1506, %sub3A_1509, %div3A_1482 : vector<16xi1>, vector<16xi32>
    %ne3A_1511 = arith.constant 0 : i32
    %ne3A_1512 = vector.broadcast %ne3A_1511 : i32 to vector<16xi32>
    %ne3A_1513 = arith.cmpi ne, %get3A_1476, %ne3A_1512 : vector<16xi32>
    %sub3A_1514 = arith.constant 1 : i32
    %sub3A_1515 = vector.broadcast %sub3A_1514 : i32 to vector<16xi32>
    %sub3A_1516 = arith.subi %get3A_1476, %sub3A_1515 : vector<16xi32>
    %jit3A_1517 = arith.constant 1000 : i32
    %broadcast_in_dim3A_1518 = vector.broadcast %jit3A_1517 : i32 to vector<16xi32>
    %select_n3A_1519 = arith.select %ne3A_1513, %sub3A_1516, %broadcast_in_dim3A_1518 : vector<16xi1>, vector<16xi32>
    tpu.vector_store_idx %arg11[%select_n3A_1510, %select_n3A_1519], %broadcast_in_dim3A_268 : memref<32x1024xf32, #tpu.memory_space<vmem>>[vector<16xi32>, vector<16xi32>], vector<16xf32>,
    %get3A_1520 = arith.constant 448 : index
    %get3A_1521 = tpu.vector_load %arg8[%get3A_1520] {strides = array<i32>} : memref<640xi32, #tpu.memory_space<vmem>>, vector<16xi32>,
    %add3A_1522 = arith.constant 448 : i32
    %add3A_1523 = vector.broadcast %add3A_1522 : i32 to vector<16xi32>
    %add3A_1524 = arith.addi %iota3A, %add3A_1523 : vector<16xi32>
    %jit3A_1525 = arith.constant 20 : i32
    %div3A_1526 = vector.broadcast %jit3A_1525 : i32 to vector<16xi32>
    %div3A_1527 = arith.divsi %add3A_1524, %div3A_1526 : vector<16xi32>
    %sign3A_1528 = arith.constant 0 : i32
    %sign3A_1529 = vector.broadcast %sign3A_1528 : i32 to vector<16xi32>
    %sign3A_1530 = arith.cmpi sgt, %add3A_1524, %sign3A_1529 : vector<16xi32>
    %sign3A_1531 = arith.extui %sign3A_1530 : vector<16xi1> to vector<16xi32>
    %sign3A_1532 = arith.constant 0 : i32
    %sign3A_1533 = vector.broadcast %sign3A_1532 : i32 to vector<16xi32>
    %sign3A_1534 = arith.cmpi slt, %add3A_1524, %sign3A_1533 : vector<16xi32>
    %sign3A_1535 = arith.extui %sign3A_1534 : vector<16xi1> to vector<16xi32>
    %sign3A_1536 = arith.subi %sign3A_1531, %sign3A_1535 : vector<16xi32>
    %sign3A_1537 = arith.constant 0 : i32
    %sign3A_1538 = arith.cmpi sgt, %jit3A_1525, %sign3A_1537 : i32
    %sign3A_1539 = arith.extui %sign3A_1538 : i1 to i32
    %sign3A_1540 = arith.constant 0 : i32
    %sign3A_1541 = arith.cmpi slt, %jit3A_1525, %sign3A_1540 : i32
    %sign3A_1542 = arith.extui %sign3A_1541 : i1 to i32
    %sign3A_1543 = arith.subi %sign3A_1539, %sign3A_1542 : i32
    %ne3A_1544 = vector.broadcast %sign3A_1543 : i32 to vector<16xi32>
    %ne3A_1545 = arith.cmpi ne, %sign3A_1536, %ne3A_1544 : vector<16xi32>
    %rem3A_1546 = vector.broadcast %jit3A_1525 : i32 to vector<16xi32>
    %rem3A_1547 = arith.remsi %add3A_1524, %rem3A_1546 : vector<16xi32>
    %ne3A_1548 = arith.constant 0 : i32
    %ne3A_1549 = vector.broadcast %ne3A_1548 : i32 to vector<16xi32>
    %ne3A_1550 = arith.cmpi ne, %rem3A_1547, %ne3A_1549 : vector<16xi32>
    %and3A_1551 = arith.andi %ne3A_1545, %ne3A_1550 : vector<16xi1>
    %sub3A_1552 = arith.constant 1 : i32
    %sub3A_1553 = vector.broadcast %sub3A_1552 : i32 to vector<16xi32>
    %sub3A_1554 = arith.subi %div3A_1527, %sub3A_1553 : vector<16xi32>
    %select_n3A_1555 = arith.select %and3A_1551, %sub3A_1554, %div3A_1527 : vector<16xi1>, vector<16xi32>
    %ne3A_1556 = arith.constant 0 : i32
    %ne3A_1557 = vector.broadcast %ne3A_1556 : i32 to vector<16xi32>
    %ne3A_1558 = arith.cmpi ne, %get3A_1521, %ne3A_1557 : vector<16xi32>
    %sub3A_1559 = arith.constant 1 : i32
    %sub3A_1560 = vector.broadcast %sub3A_1559 : i32 to vector<16xi32>
    %sub3A_1561 = arith.subi %get3A_1521, %sub3A_1560 : vector<16xi32>
    %jit3A_1562 = arith.constant 1000 : i32
    %broadcast_in_dim3A_1563 = vector.broadcast %jit3A_1562 : i32 to vector<16xi32>
    %select_n3A_1564 = arith.select %ne3A_1558, %sub3A_1561, %broadcast_in_dim3A_1563 : vector<16xi1>, vector<16xi32>
    tpu.vector_store_idx %arg11[%select_n3A_1555, %select_n3A_1564], %broadcast_in_dim3A_268 : memref<32x1024xf32, #tpu.memory_space<vmem>>[vector<16xi32>, vector<16xi32>], vector<16xf32>,
    %get3A_1565 = arith.constant 464 : index
    %get3A_1566 = tpu.vector_load %arg8[%get3A_1565] {strides = array<i32>} : memref<640xi32, #tpu.memory_space<vmem>>, vector<16xi32>,
    %add3A_1567 = arith.constant 464 : i32
    %add3A_1568 = vector.broadcast %add3A_1567 : i32 to vector<16xi32>
    %add3A_1569 = arith.addi %iota3A, %add3A_1568 : vector<16xi32>
    %jit3A_1570 = arith.constant 20 : i32
    %div3A_1571 = vector.broadcast %jit3A_1570 : i32 to vector<16xi32>
    %div3A_1572 = arith.divsi %add3A_1569, %div3A_1571 : vector<16xi32>
    %sign3A_1573 = arith.constant 0 : i32
    %sign3A_1574 = vector.broadcast %sign3A_1573 : i32 to vector<16xi32>
    %sign3A_1575 = arith.cmpi sgt, %add3A_1569, %sign3A_1574 : vector<16xi32>
    %sign3A_1576 = arith.extui %sign3A_1575 : vector<16xi1> to vector<16xi32>
    %sign3A_1577 = arith.constant 0 : i32
    %sign3A_1578 = vector.broadcast %sign3A_1577 : i32 to vector<16xi32>
    %sign3A_1579 = arith.cmpi slt, %add3A_1569, %sign3A_1578 : vector<16xi32>
    %sign3A_1580 = arith.extui %sign3A_1579 : vector<16xi1> to vector<16xi32>
    %sign3A_1581 = arith.subi %sign3A_1576, %sign3A_1580 : vector<16xi32>
    %sign3A_1582 = arith.constant 0 : i32
    %sign3A_1583 = arith.cmpi sgt, %jit3A_1570, %sign3A_1582 : i32
    %sign3A_1584 = arith.extui %sign3A_1583 : i1 to i32
    %sign3A_1585 = arith.constant 0 : i32
    %sign3A_1586 = arith.cmpi slt, %jit3A_1570, %sign3A_1585 : i32
    %sign3A_1587 = arith.extui %sign3A_1586 : i1 to i32
    %sign3A_1588 = arith.subi %sign3A_1584, %sign3A_1587 : i32
    %ne3A_1589 = vector.broadcast %sign3A_1588 : i32 to vector<16xi32>
    %ne3A_1590 = arith.cmpi ne, %sign3A_1581, %ne3A_1589 : vector<16xi32>
    %rem3A_1591 = vector.broadcast %jit3A_1570 : i32 to vector<16xi32>
    %rem3A_1592 = arith.remsi %add3A_1569, %rem3A_1591 : vector<16xi32>
    %ne3A_1593 = arith.constant 0 : i32
    %ne3A_1594 = vector.broadcast %ne3A_1593 : i32 to vector<16xi32>
    %ne3A_1595 = arith.cmpi ne, %rem3A_1592, %ne3A_1594 : vector<16xi32>
    %and3A_1596 = arith.andi %ne3A_1590, %ne3A_1595 : vector<16xi1>
    %sub3A_1597 = arith.constant 1 : i32
    %sub3A_1598 = vector.broadcast %sub3A_1597 : i32 to vector<16xi32>
    %sub3A_1599 = arith.subi %div3A_1572, %sub3A_1598 : vector<16xi32>
    %select_n3A_1600 = arith.select %and3A_1596, %sub3A_1599, %div3A_1572 : vector<16xi1>, vector<16xi32>
    %ne3A_1601 = arith.constant 0 : i32
    %ne3A_1602 = vector.broadcast %ne3A_1601 : i32 to vector<16xi32>
    %ne3A_1603 = arith.cmpi ne, %get3A_1566, %ne3A_1602 : vector<16xi32>
    %sub3A_1604 = arith.constant 1 : i32
    %sub3A_1605 = vector.broadcast %sub3A_1604 : i32 to vector<16xi32>
    %sub3A_1606 = arith.subi %get3A_1566, %sub3A_1605 : vector<16xi32>
    %jit3A_1607 = arith.constant 1000 : i32
    %broadcast_in_dim3A_1608 = vector.broadcast %jit3A_1607 : i32 to vector<16xi32>
    %select_n3A_1609 = arith.select %ne3A_1603, %sub3A_1606, %broadcast_in_dim3A_1608 : vector<16xi1>, vector<16xi32>
    tpu.vector_store_idx %arg11[%select_n3A_1600, %select_n3A_1609], %broadcast_in_dim3A_268 : memref<32x1024xf32, #tpu.memory_space<vmem>>[vector<16xi32>, vector<16xi32>], vector<16xf32>,
    %get3A_1610 = arith.constant 480 : index
    %get3A_1611 = tpu.vector_load %arg8[%get3A_1610] {strides = array<i32>} : memref<640xi32, #tpu.memory_space<vmem>>, vector<16xi32>,
    %add3A_1612 = arith.constant 480 : i32
    %add3A_1613 = vector.broadcast %add3A_1612 : i32 to vector<16xi32>
    %add3A_1614 = arith.addi %iota3A, %add3A_1613 : vector<16xi32>
    %jit3A_1615 = arith.constant 20 : i32
    %div3A_1616 = vector.broadcast %jit3A_1615 : i32 to vector<16xi32>
    %div3A_1617 = arith.divsi %add3A_1614, %div3A_1616 : vector<16xi32>
    %sign3A_1618 = arith.constant 0 : i32
    %sign3A_1619 = vector.broadcast %sign3A_1618 : i32 to vector<16xi32>
    %sign3A_1620 = arith.cmpi sgt, %add3A_1614, %sign3A_1619 : vector<16xi32>
    %sign3A_1621 = arith.extui %sign3A_1620 : vector<16xi1> to vector<16xi32>
    %sign3A_1622 = arith.constant 0 : i32
    %sign3A_1623 = vector.broadcast %sign3A_1622 : i32 to vector<16xi32>
    %sign3A_1624 = arith.cmpi slt, %add3A_1614, %sign3A_1623 : vector<16xi32>
    %sign3A_1625 = arith.extui %sign3A_1624 : vector<16xi1> to vector<16xi32>
    %sign3A_1626 = arith.subi %sign3A_1621, %sign3A_1625 : vector<16xi32>
    %sign3A_1627 = arith.constant 0 : i32
    %sign3A_1628 = arith.cmpi sgt, %jit3A_1615, %sign3A_1627 : i32
    %sign3A_1629 = arith.extui %sign3A_1628 : i1 to i32
    %sign3A_1630 = arith.constant 0 : i32
    %sign3A_1631 = arith.cmpi slt, %jit3A_1615, %sign3A_1630 : i32
    %sign3A_1632 = arith.extui %sign3A_1631 : i1 to i32
    %sign3A_1633 = arith.subi %sign3A_1629, %sign3A_1632 : i32
    %ne3A_1634 = vector.broadcast %sign3A_1633 : i32 to vector<16xi32>
    %ne3A_1635 = arith.cmpi ne, %sign3A_1626, %ne3A_1634 : vector<16xi32>
    %rem3A_1636 = vector.broadcast %jit3A_1615 : i32 to vector<16xi32>
    %rem3A_1637 = arith.remsi %add3A_1614, %rem3A_1636 : vector<16xi32>
    %ne3A_1638 = arith.constant 0 : i32
    %ne3A_1639 = vector.broadcast %ne3A_1638 : i32 to vector<16xi32>
    %ne3A_1640 = arith.cmpi ne, %rem3A_1637, %ne3A_1639 : vector<16xi32>
    %and3A_1641 = arith.andi %ne3A_1635, %ne3A_1640 : vector<16xi1>
    %sub3A_1642 = arith.constant 1 : i32
    %sub3A_1643 = vector.broadcast %sub3A_1642 : i32 to vector<16xi32>
    %sub3A_1644 = arith.subi %div3A_1617, %sub3A_1643 : vector<16xi32>
    %select_n3A_1645 = arith.select %and3A_1641, %sub3A_1644, %div3A_1617 : vector<16xi1>, vector<16xi32>
    %ne3A_1646 = arith.constant 0 : i32
    %ne3A_1647 = vector.broadcast %ne3A_1646 : i32 to vector<16xi32>
    %ne3A_1648 = arith.cmpi ne, %get3A_1611, %ne3A_1647 : vector<16xi32>
    %sub3A_1649 = arith.constant 1 : i32
    %sub3A_1650 = vector.broadcast %sub3A_1649 : i32 to vector<16xi32>
    %sub3A_1651 = arith.subi %get3A_1611, %sub3A_1650 : vector<16xi32>
    %jit3A_1652 = arith.constant 1000 : i32
    %broadcast_in_dim3A_1653 = vector.broadcast %jit3A_1652 : i32 to vector<16xi32>
    %select_n3A_1654 = arith.select %ne3A_1648, %sub3A_1651, %broadcast_in_dim3A_1653 : vector<16xi1>, vector<16xi32>
    tpu.vector_store_idx %arg11[%select_n3A_1645, %select_n3A_1654], %broadcast_in_dim3A_268 : memref<32x1024xf32, #tpu.memory_space<vmem>>[vector<16xi32>, vector<16xi32>], vector<16xf32>,
    %get3A_1655 = arith.constant 496 : index
    %get3A_1656 = tpu.vector_load %arg8[%get3A_1655] {strides = array<i32>} : memref<640xi32, #tpu.memory_space<vmem>>, vector<16xi32>,
    %add3A_1657 = arith.constant 496 : i32
    %add3A_1658 = vector.broadcast %add3A_1657 : i32 to vector<16xi32>
    %add3A_1659 = arith.addi %iota3A, %add3A_1658 : vector<16xi32>
    %jit3A_1660 = arith.constant 20 : i32
    %div3A_1661 = vector.broadcast %jit3A_1660 : i32 to vector<16xi32>
    %div3A_1662 = arith.divsi %add3A_1659, %div3A_1661 : vector<16xi32>
    %sign3A_1663 = arith.constant 0 : i32
    %sign3A_1664 = vector.broadcast %sign3A_1663 : i32 to vector<16xi32>
    %sign3A_1665 = arith.cmpi sgt, %add3A_1659, %sign3A_1664 : vector<16xi32>
    %sign3A_1666 = arith.extui %sign3A_1665 : vector<16xi1> to vector<16xi32>
    %sign3A_1667 = arith.constant 0 : i32
    %sign3A_1668 = vector.broadcast %sign3A_1667 : i32 to vector<16xi32>
    %sign3A_1669 = arith.cmpi slt, %add3A_1659, %sign3A_1668 : vector<16xi32>
    %sign3A_1670 = arith.extui %sign3A_1669 : vector<16xi1> to vector<16xi32>
    %sign3A_1671 = arith.subi %sign3A_1666, %sign3A_1670 : vector<16xi32>
    %sign3A_1672 = arith.constant 0 : i32
    %sign3A_1673 = arith.cmpi sgt, %jit3A_1660, %sign3A_1672 : i32
    %sign3A_1674 = arith.extui %sign3A_1673 : i1 to i32
    %sign3A_1675 = arith.constant 0 : i32
    %sign3A_1676 = arith.cmpi slt, %jit3A_1660, %sign3A_1675 : i32
    %sign3A_1677 = arith.extui %sign3A_1676 : i1 to i32
    %sign3A_1678 = arith.subi %sign3A_1674, %sign3A_1677 : i32
    %ne3A_1679 = vector.broadcast %sign3A_1678 : i32 to vector<16xi32>
    %ne3A_1680 = arith.cmpi ne, %sign3A_1671, %ne3A_1679 : vector<16xi32>
    %rem3A_1681 = vector.broadcast %jit3A_1660 : i32 to vector<16xi32>
    %rem3A_1682 = arith.remsi %add3A_1659, %rem3A_1681 : vector<16xi32>
    %ne3A_1683 = arith.constant 0 : i32
    %ne3A_1684 = vector.broadcast %ne3A_1683 : i32 to vector<16xi32>
    %ne3A_1685 = arith.cmpi ne, %rem3A_1682, %ne3A_1684 : vector<16xi32>
    %and3A_1686 = arith.andi %ne3A_1680, %ne3A_1685 : vector<16xi1>
    %sub3A_1687 = arith.constant 1 : i32
    %sub3A_1688 = vector.broadcast %sub3A_1687 : i32 to vector<16xi32>
    %sub3A_1689 = arith.subi %div3A_1662, %sub3A_1688 : vector<16xi32>
    %select_n3A_1690 = arith.select %and3A_1686, %sub3A_1689, %div3A_1662 : vector<16xi1>, vector<16xi32>
    %ne3A_1691 = arith.constant 0 : i32
    %ne3A_1692 = vector.broadcast %ne3A_1691 : i32 to vector<16xi32>
    %ne3A_1693 = arith.cmpi ne, %get3A_1656, %ne3A_1692 : vector<16xi32>
    %sub3A_1694 = arith.constant 1 : i32
    %sub3A_1695 = vector.broadcast %sub3A_1694 : i32 to vector<16xi32>
    %sub3A_1696 = arith.subi %get3A_1656, %sub3A_1695 : vector<16xi32>
    %jit3A_1697 = arith.constant 1000 : i32
    %broadcast_in_dim3A_1698 = vector.broadcast %jit3A_1697 : i32 to vector<16xi32>
    %select_n3A_1699 = arith.select %ne3A_1693, %sub3A_1696, %broadcast_in_dim3A_1698 : vector<16xi1>, vector<16xi32>
    tpu.vector_store_idx %arg11[%select_n3A_1690, %select_n3A_1699], %broadcast_in_dim3A_268 : memref<32x1024xf32, #tpu.memory_space<vmem>>[vector<16xi32>, vector<16xi32>], vector<16xf32>,
    %get3A_1700 = arith.constant 512 : index
    %get3A_1701 = tpu.vector_load %arg8[%get3A_1700] {strides = array<i32>} : memref<640xi32, #tpu.memory_space<vmem>>, vector<16xi32>,
    %add3A_1702 = arith.constant 512 : i32
    %add3A_1703 = vector.broadcast %add3A_1702 : i32 to vector<16xi32>
    %add3A_1704 = arith.addi %iota3A, %add3A_1703 : vector<16xi32>
    %jit3A_1705 = arith.constant 20 : i32
    %div3A_1706 = vector.broadcast %jit3A_1705 : i32 to vector<16xi32>
    %div3A_1707 = arith.divsi %add3A_1704, %div3A_1706 : vector<16xi32>
    %sign3A_1708 = arith.constant 0 : i32
    %sign3A_1709 = vector.broadcast %sign3A_1708 : i32 to vector<16xi32>
    %sign3A_1710 = arith.cmpi sgt, %add3A_1704, %sign3A_1709 : vector<16xi32>
    %sign3A_1711 = arith.extui %sign3A_1710 : vector<16xi1> to vector<16xi32>
    %sign3A_1712 = arith.constant 0 : i32
    %sign3A_1713 = vector.broadcast %sign3A_1712 : i32 to vector<16xi32>
    %sign3A_1714 = arith.cmpi slt, %add3A_1704, %sign3A_1713 : vector<16xi32>
    %sign3A_1715 = arith.extui %sign3A_1714 : vector<16xi1> to vector<16xi32>
    %sign3A_1716 = arith.subi %sign3A_1711, %sign3A_1715 : vector<16xi32>
    %sign3A_1717 = arith.constant 0 : i32
    %sign3A_1718 = arith.cmpi sgt, %jit3A_1705, %sign3A_1717 : i32
    %sign3A_1719 = arith.extui %sign3A_1718 : i1 to i32
    %sign3A_1720 = arith.constant 0 : i32
    %sign3A_1721 = arith.cmpi slt, %jit3A_1705, %sign3A_1720 : i32
    %sign3A_1722 = arith.extui %sign3A_1721 : i1 to i32
    %sign3A_1723 = arith.subi %sign3A_1719, %sign3A_1722 : i32
    %ne3A_1724 = vector.broadcast %sign3A_1723 : i32 to vector<16xi32>
    %ne3A_1725 = arith.cmpi ne, %sign3A_1716, %ne3A_1724 : vector<16xi32>
    %rem3A_1726 = vector.broadcast %jit3A_1705 : i32 to vector<16xi32>
    %rem3A_1727 = arith.remsi %add3A_1704, %rem3A_1726 : vector<16xi32>
    %ne3A_1728 = arith.constant 0 : i32
    %ne3A_1729 = vector.broadcast %ne3A_1728 : i32 to vector<16xi32>
    %ne3A_1730 = arith.cmpi ne, %rem3A_1727, %ne3A_1729 : vector<16xi32>
    %and3A_1731 = arith.andi %ne3A_1725, %ne3A_1730 : vector<16xi1>
    %sub3A_1732 = arith.constant 1 : i32
    %sub3A_1733 = vector.broadcast %sub3A_1732 : i32 to vector<16xi32>
    %sub3A_1734 = arith.subi %div3A_1707, %sub3A_1733 : vector<16xi32>
    %select_n3A_1735 = arith.select %and3A_1731, %sub3A_1734, %div3A_1707 : vector<16xi1>, vector<16xi32>
    %ne3A_1736 = arith.constant 0 : i32
    %ne3A_1737 = vector.broadcast %ne3A_1736 : i32 to vector<16xi32>
    %ne3A_1738 = arith.cmpi ne, %get3A_1701, %ne3A_1737 : vector<16xi32>
    %sub3A_1739 = arith.constant 1 : i32
    %sub3A_1740 = vector.broadcast %sub3A_1739 : i32 to vector<16xi32>
    %sub3A_1741 = arith.subi %get3A_1701, %sub3A_1740 : vector<16xi32>
    %jit3A_1742 = arith.constant 1000 : i32
    %broadcast_in_dim3A_1743 = vector.broadcast %jit3A_1742 : i32 to vector<16xi32>
    %select_n3A_1744 = arith.select %ne3A_1738, %sub3A_1741, %broadcast_in_dim3A_1743 : vector<16xi1>, vector<16xi32>
    tpu.vector_store_idx %arg11[%select_n3A_1735, %select_n3A_1744], %broadcast_in_dim3A_268 : memref<32x1024xf32, #tpu.memory_space<vmem>>[vector<16xi32>, vector<16xi32>], vector<16xf32>,
    %get3A_1745 = arith.constant 528 : index
    %get3A_1746 = tpu.vector_load %arg8[%get3A_1745] {strides = array<i32>} : memref<640xi32, #tpu.memory_space<vmem>>, vector<16xi32>,
    %add3A_1747 = arith.constant 528 : i32
    %add3A_1748 = vector.broadcast %add3A_1747 : i32 to vector<16xi32>
    %add3A_1749 = arith.addi %iota3A, %add3A_1748 : vector<16xi32>
    %jit3A_1750 = arith.constant 20 : i32
    %div3A_1751 = vector.broadcast %jit3A_1750 : i32 to vector<16xi32>
    %div3A_1752 = arith.divsi %add3A_1749, %div3A_1751 : vector<16xi32>
    %sign3A_1753 = arith.constant 0 : i32
    %sign3A_1754 = vector.broadcast %sign3A_1753 : i32 to vector<16xi32>
    %sign3A_1755 = arith.cmpi sgt, %add3A_1749, %sign3A_1754 : vector<16xi32>
    %sign3A_1756 = arith.extui %sign3A_1755 : vector<16xi1> to vector<16xi32>
    %sign3A_1757 = arith.constant 0 : i32
    %sign3A_1758 = vector.broadcast %sign3A_1757 : i32 to vector<16xi32>
    %sign3A_1759 = arith.cmpi slt, %add3A_1749, %sign3A_1758 : vector<16xi32>
    %sign3A_1760 = arith.extui %sign3A_1759 : vector<16xi1> to vector<16xi32>
    %sign3A_1761 = arith.subi %sign3A_1756, %sign3A_1760 : vector<16xi32>
    %sign3A_1762 = arith.constant 0 : i32
    %sign3A_1763 = arith.cmpi sgt, %jit3A_1750, %sign3A_1762 : i32
    %sign3A_1764 = arith.extui %sign3A_1763 : i1 to i32
    %sign3A_1765 = arith.constant 0 : i32
    %sign3A_1766 = arith.cmpi slt, %jit3A_1750, %sign3A_1765 : i32
    %sign3A_1767 = arith.extui %sign3A_1766 : i1 to i32
    %sign3A_1768 = arith.subi %sign3A_1764, %sign3A_1767 : i32
    %ne3A_1769 = vector.broadcast %sign3A_1768 : i32 to vector<16xi32>
    %ne3A_1770 = arith.cmpi ne, %sign3A_1761, %ne3A_1769 : vector<16xi32>
    %rem3A_1771 = vector.broadcast %jit3A_1750 : i32 to vector<16xi32>
    %rem3A_1772 = arith.remsi %add3A_1749, %rem3A_1771 : vector<16xi32>
    %ne3A_1773 = arith.constant 0 : i32
    %ne3A_1774 = vector.broadcast %ne3A_1773 : i32 to vector<16xi32>
    %ne3A_1775 = arith.cmpi ne, %rem3A_1772, %ne3A_1774 : vector<16xi32>
    %and3A_1776 = arith.andi %ne3A_1770, %ne3A_1775 : vector<16xi1>
    %sub3A_1777 = arith.constant 1 : i32
    %sub3A_1778 = vector.broadcast %sub3A_1777 : i32 to vector<16xi32>
    %sub3A_1779 = arith.subi %div3A_1752, %sub3A_1778 : vector<16xi32>
    %select_n3A_1780 = arith.select %and3A_1776, %sub3A_1779, %div3A_1752 : vector<16xi1>, vector<16xi32>
    %ne3A_1781 = arith.constant 0 : i32
    %ne3A_1782 = vector.broadcast %ne3A_1781 : i32 to vector<16xi32>
    %ne3A_1783 = arith.cmpi ne, %get3A_1746, %ne3A_1782 : vector<16xi32>
    %sub3A_1784 = arith.constant 1 : i32
    %sub3A_1785 = vector.broadcast %sub3A_1784 : i32 to vector<16xi32>
    %sub3A_1786 = arith.subi %get3A_1746, %sub3A_1785 : vector<16xi32>
    %jit3A_1787 = arith.constant 1000 : i32
    %broadcast_in_dim3A_1788 = vector.broadcast %jit3A_1787 : i32 to vector<16xi32>
    %select_n3A_1789 = arith.select %ne3A_1783, %sub3A_1786, %broadcast_in_dim3A_1788 : vector<16xi1>, vector<16xi32>
    tpu.vector_store_idx %arg11[%select_n3A_1780, %select_n3A_1789], %broadcast_in_dim3A_268 : memref<32x1024xf32, #tpu.memory_space<vmem>>[vector<16xi32>, vector<16xi32>], vector<16xf32>,
    %get3A_1790 = arith.constant 544 : index
    %get3A_1791 = tpu.vector_load %arg8[%get3A_1790] {strides = array<i32>} : memref<640xi32, #tpu.memory_space<vmem>>, vector<16xi32>,
    %add3A_1792 = arith.constant 544 : i32
    %add3A_1793 = vector.broadcast %add3A_1792 : i32 to vector<16xi32>
    %add3A_1794 = arith.addi %iota3A, %add3A_1793 : vector<16xi32>
    %jit3A_1795 = arith.constant 20 : i32
    %div3A_1796 = vector.broadcast %jit3A_1795 : i32 to vector<16xi32>
    %div3A_1797 = arith.divsi %add3A_1794, %div3A_1796 : vector<16xi32>
    %sign3A_1798 = arith.constant 0 : i32
    %sign3A_1799 = vector.broadcast %sign3A_1798 : i32 to vector<16xi32>
    %sign3A_1800 = arith.cmpi sgt, %add3A_1794, %sign3A_1799 : vector<16xi32>
    %sign3A_1801 = arith.extui %sign3A_1800 : vector<16xi1> to vector<16xi32>
    %sign3A_1802 = arith.constant 0 : i32
    %sign3A_1803 = vector.broadcast %sign3A_1802 : i32 to vector<16xi32>
    %sign3A_1804 = arith.cmpi slt, %add3A_1794, %sign3A_1803 : vector<16xi32>
    %sign3A_1805 = arith.extui %sign3A_1804 : vector<16xi1> to vector<16xi32>
    %sign3A_1806 = arith.subi %sign3A_1801, %sign3A_1805 : vector<16xi32>
    %sign3A_1807 = arith.constant 0 : i32
    %sign3A_1808 = arith.cmpi sgt, %jit3A_1795, %sign3A_1807 : i32
    %sign3A_1809 = arith.extui %sign3A_1808 : i1 to i32
    %sign3A_1810 = arith.constant 0 : i32
    %sign3A_1811 = arith.cmpi slt, %jit3A_1795, %sign3A_1810 : i32
    %sign3A_1812 = arith.extui %sign3A_1811 : i1 to i32
    %sign3A_1813 = arith.subi %sign3A_1809, %sign3A_1812 : i32
    %ne3A_1814 = vector.broadcast %sign3A_1813 : i32 to vector<16xi32>
    %ne3A_1815 = arith.cmpi ne, %sign3A_1806, %ne3A_1814 : vector<16xi32>
    %rem3A_1816 = vector.broadcast %jit3A_1795 : i32 to vector<16xi32>
    %rem3A_1817 = arith.remsi %add3A_1794, %rem3A_1816 : vector<16xi32>
    %ne3A_1818 = arith.constant 0 : i32
    %ne3A_1819 = vector.broadcast %ne3A_1818 : i32 to vector<16xi32>
    %ne3A_1820 = arith.cmpi ne, %rem3A_1817, %ne3A_1819 : vector<16xi32>
    %and3A_1821 = arith.andi %ne3A_1815, %ne3A_1820 : vector<16xi1>
    %sub3A_1822 = arith.constant 1 : i32
    %sub3A_1823 = vector.broadcast %sub3A_1822 : i32 to vector<16xi32>
    %sub3A_1824 = arith.subi %div3A_1797, %sub3A_1823 : vector<16xi32>
    %select_n3A_1825 = arith.select %and3A_1821, %sub3A_1824, %div3A_1797 : vector<16xi1>, vector<16xi32>
    %ne3A_1826 = arith.constant 0 : i32
    %ne3A_1827 = vector.broadcast %ne3A_1826 : i32 to vector<16xi32>
    %ne3A_1828 = arith.cmpi ne, %get3A_1791, %ne3A_1827 : vector<16xi32>
    %sub3A_1829 = arith.constant 1 : i32
    %sub3A_1830 = vector.broadcast %sub3A_1829 : i32 to vector<16xi32>
    %sub3A_1831 = arith.subi %get3A_1791, %sub3A_1830 : vector<16xi32>
    %jit3A_1832 = arith.constant 1000 : i32
    %broadcast_in_dim3A_1833 = vector.broadcast %jit3A_1832 : i32 to vector<16xi32>
    %select_n3A_1834 = arith.select %ne3A_1828, %sub3A_1831, %broadcast_in_dim3A_1833 : vector<16xi1>, vector<16xi32>
    tpu.vector_store_idx %arg11[%select_n3A_1825, %select_n3A_1834], %broadcast_in_dim3A_268 : memref<32x1024xf32, #tpu.memory_space<vmem>>[vector<16xi32>, vector<16xi32>], vector<16xf32>,
    %get3A_1835 = arith.constant 560 : index
    %get3A_1836 = tpu.vector_load %arg8[%get3A_1835] {strides = array<i32>} : memref<640xi32, #tpu.memory_space<vmem>>, vector<16xi32>,
    %add3A_1837 = arith.constant 560 : i32
    %add3A_1838 = vector.broadcast %add3A_1837 : i32 to vector<16xi32>
    %add3A_1839 = arith.addi %iota3A, %add3A_1838 : vector<16xi32>
    %jit3A_1840 = arith.constant 20 : i32
    %div3A_1841 = vector.broadcast %jit3A_1840 : i32 to vector<16xi32>
    %div3A_1842 = arith.divsi %add3A_1839, %div3A_1841 : vector<16xi32>
    %sign3A_1843 = arith.constant 0 : i32
    %sign3A_1844 = vector.broadcast %sign3A_1843 : i32 to vector<16xi32>
    %sign3A_1845 = arith.cmpi sgt, %add3A_1839, %sign3A_1844 : vector<16xi32>
    %sign3A_1846 = arith.extui %sign3A_1845 : vector<16xi1> to vector<16xi32>
    %sign3A_1847 = arith.constant 0 : i32
    %sign3A_1848 = vector.broadcast %sign3A_1847 : i32 to vector<16xi32>
    %sign3A_1849 = arith.cmpi slt, %add3A_1839, %sign3A_1848 : vector<16xi32>
    %sign3A_1850 = arith.extui %sign3A_1849 : vector<16xi1> to vector<16xi32>
    %sign3A_1851 = arith.subi %sign3A_1846, %sign3A_1850 : vector<16xi32>
    %sign3A_1852 = arith.constant 0 : i32
    %sign3A_1853 = arith.cmpi sgt, %jit3A_1840, %sign3A_1852 : i32
    %sign3A_1854 = arith.extui %sign3A_1853 : i1 to i32
    %sign3A_1855 = arith.constant 0 : i32
    %sign3A_1856 = arith.cmpi slt, %jit3A_1840, %sign3A_1855 : i32
    %sign3A_1857 = arith.extui %sign3A_1856 : i1 to i32
    %sign3A_1858 = arith.subi %sign3A_1854, %sign3A_1857 : i32
    %ne3A_1859 = vector.broadcast %sign3A_1858 : i32 to vector<16xi32>
    %ne3A_1860 = arith.cmpi ne, %sign3A_1851, %ne3A_1859 : vector<16xi32>
    %rem3A_1861 = vector.broadcast %jit3A_1840 : i32 to vector<16xi32>
    %rem3A_1862 = arith.remsi %add3A_1839, %rem3A_1861 : vector<16xi32>
    %ne3A_1863 = arith.constant 0 : i32
    %ne3A_1864 = vector.broadcast %ne3A_1863 : i32 to vector<16xi32>
    %ne3A_1865 = arith.cmpi ne, %rem3A_1862, %ne3A_1864 : vector<16xi32>
    %and3A_1866 = arith.andi %ne3A_1860, %ne3A_1865 : vector<16xi1>
    %sub3A_1867 = arith.constant 1 : i32
    %sub3A_1868 = vector.broadcast %sub3A_1867 : i32 to vector<16xi32>
    %sub3A_1869 = arith.subi %div3A_1842, %sub3A_1868 : vector<16xi32>
    %select_n3A_1870 = arith.select %and3A_1866, %sub3A_1869, %div3A_1842 : vector<16xi1>, vector<16xi32>
    %ne3A_1871 = arith.constant 0 : i32
    %ne3A_1872 = vector.broadcast %ne3A_1871 : i32 to vector<16xi32>
    %ne3A_1873 = arith.cmpi ne, %get3A_1836, %ne3A_1872 : vector<16xi32>
    %sub3A_1874 = arith.constant 1 : i32
    %sub3A_1875 = vector.broadcast %sub3A_1874 : i32 to vector<16xi32>
    %sub3A_1876 = arith.subi %get3A_1836, %sub3A_1875 : vector<16xi32>
    %jit3A_1877 = arith.constant 1000 : i32
    %broadcast_in_dim3A_1878 = vector.broadcast %jit3A_1877 : i32 to vector<16xi32>
    %select_n3A_1879 = arith.select %ne3A_1873, %sub3A_1876, %broadcast_in_dim3A_1878 : vector<16xi1>, vector<16xi32>
    tpu.vector_store_idx %arg11[%select_n3A_1870, %select_n3A_1879], %broadcast_in_dim3A_268 : memref<32x1024xf32, #tpu.memory_space<vmem>>[vector<16xi32>, vector<16xi32>], vector<16xf32>,
    %get3A_1880 = arith.constant 576 : index
    %get3A_1881 = tpu.vector_load %arg8[%get3A_1880] {strides = array<i32>} : memref<640xi32, #tpu.memory_space<vmem>>, vector<16xi32>,
    %add3A_1882 = arith.constant 576 : i32
    %add3A_1883 = vector.broadcast %add3A_1882 : i32 to vector<16xi32>
    %add3A_1884 = arith.addi %iota3A, %add3A_1883 : vector<16xi32>
    %jit3A_1885 = arith.constant 20 : i32
    %div3A_1886 = vector.broadcast %jit3A_1885 : i32 to vector<16xi32>
    %div3A_1887 = arith.divsi %add3A_1884, %div3A_1886 : vector<16xi32>
    %sign3A_1888 = arith.constant 0 : i32
    %sign3A_1889 = vector.broadcast %sign3A_1888 : i32 to vector<16xi32>
    %sign3A_1890 = arith.cmpi sgt, %add3A_1884, %sign3A_1889 : vector<16xi32>
    %sign3A_1891 = arith.extui %sign3A_1890 : vector<16xi1> to vector<16xi32>
    %sign3A_1892 = arith.constant 0 : i32
    %sign3A_1893 = vector.broadcast %sign3A_1892 : i32 to vector<16xi32>
    %sign3A_1894 = arith.cmpi slt, %add3A_1884, %sign3A_1893 : vector<16xi32>
    %sign3A_1895 = arith.extui %sign3A_1894 : vector<16xi1> to vector<16xi32>
    %sign3A_1896 = arith.subi %sign3A_1891, %sign3A_1895 : vector<16xi32>
    %sign3A_1897 = arith.constant 0 : i32
    %sign3A_1898 = arith.cmpi sgt, %jit3A_1885, %sign3A_1897 : i32
    %sign3A_1899 = arith.extui %sign3A_1898 : i1 to i32
    %sign3A_1900 = arith.constant 0 : i32
    %sign3A_1901 = arith.cmpi slt, %jit3A_1885, %sign3A_1900 : i32
    %sign3A_1902 = arith.extui %sign3A_1901 : i1 to i32
    %sign3A_1903 = arith.subi %sign3A_1899, %sign3A_1902 : i32
    %ne3A_1904 = vector.broadcast %sign3A_1903 : i32 to vector<16xi32>
    %ne3A_1905 = arith.cmpi ne, %sign3A_1896, %ne3A_1904 : vector<16xi32>
    %rem3A_1906 = vector.broadcast %jit3A_1885 : i32 to vector<16xi32>
    %rem3A_1907 = arith.remsi %add3A_1884, %rem3A_1906 : vector<16xi32>
    %ne3A_1908 = arith.constant 0 : i32
    %ne3A_1909 = vector.broadcast %ne3A_1908 : i32 to vector<16xi32>
    %ne3A_1910 = arith.cmpi ne, %rem3A_1907, %ne3A_1909 : vector<16xi32>
    %and3A_1911 = arith.andi %ne3A_1905, %ne3A_1910 : vector<16xi1>
    %sub3A_1912 = arith.constant 1 : i32
    %sub3A_1913 = vector.broadcast %sub3A_1912 : i32 to vector<16xi32>
    %sub3A_1914 = arith.subi %div3A_1887, %sub3A_1913 : vector<16xi32>
    %select_n3A_1915 = arith.select %and3A_1911, %sub3A_1914, %div3A_1887 : vector<16xi1>, vector<16xi32>
    %ne3A_1916 = arith.constant 0 : i32
    %ne3A_1917 = vector.broadcast %ne3A_1916 : i32 to vector<16xi32>
    %ne3A_1918 = arith.cmpi ne, %get3A_1881, %ne3A_1917 : vector<16xi32>
    %sub3A_1919 = arith.constant 1 : i32
    %sub3A_1920 = vector.broadcast %sub3A_1919 : i32 to vector<16xi32>
    %sub3A_1921 = arith.subi %get3A_1881, %sub3A_1920 : vector<16xi32>
    %jit3A_1922 = arith.constant 1000 : i32
    %broadcast_in_dim3A_1923 = vector.broadcast %jit3A_1922 : i32 to vector<16xi32>
    %select_n3A_1924 = arith.select %ne3A_1918, %sub3A_1921, %broadcast_in_dim3A_1923 : vector<16xi1>, vector<16xi32>
    tpu.vector_store_idx %arg11[%select_n3A_1915, %select_n3A_1924], %broadcast_in_dim3A_268 : memref<32x1024xf32, #tpu.memory_space<vmem>>[vector<16xi32>, vector<16xi32>], vector<16xf32>,
    %get3A_1925 = arith.constant 592 : index
    %get3A_1926 = tpu.vector_load %arg8[%get3A_1925] {strides = array<i32>} : memref<640xi32, #tpu.memory_space<vmem>>, vector<16xi32>,
    %add3A_1927 = arith.constant 592 : i32
    %add3A_1928 = vector.broadcast %add3A_1927 : i32 to vector<16xi32>
    %add3A_1929 = arith.addi %iota3A, %add3A_1928 : vector<16xi32>
    %jit3A_1930 = arith.constant 20 : i32
    %div3A_1931 = vector.broadcast %jit3A_1930 : i32 to vector<16xi32>
    %div3A_1932 = arith.divsi %add3A_1929, %div3A_1931 : vector<16xi32>
    %sign3A_1933 = arith.constant 0 : i32
    %sign3A_1934 = vector.broadcast %sign3A_1933 : i32 to vector<16xi32>
    %sign3A_1935 = arith.cmpi sgt, %add3A_1929, %sign3A_1934 : vector<16xi32>
    %sign3A_1936 = arith.extui %sign3A_1935 : vector<16xi1> to vector<16xi32>
    %sign3A_1937 = arith.constant 0 : i32
    %sign3A_1938 = vector.broadcast %sign3A_1937 : i32 to vector<16xi32>
    %sign3A_1939 = arith.cmpi slt, %add3A_1929, %sign3A_1938 : vector<16xi32>
    %sign3A_1940 = arith.extui %sign3A_1939 : vector<16xi1> to vector<16xi32>
    %sign3A_1941 = arith.subi %sign3A_1936, %sign3A_1940 : vector<16xi32>
    %sign3A_1942 = arith.constant 0 : i32
    %sign3A_1943 = arith.cmpi sgt, %jit3A_1930, %sign3A_1942 : i32
    %sign3A_1944 = arith.extui %sign3A_1943 : i1 to i32
    %sign3A_1945 = arith.constant 0 : i32
    %sign3A_1946 = arith.cmpi slt, %jit3A_1930, %sign3A_1945 : i32
    %sign3A_1947 = arith.extui %sign3A_1946 : i1 to i32
    %sign3A_1948 = arith.subi %sign3A_1944, %sign3A_1947 : i32
    %ne3A_1949 = vector.broadcast %sign3A_1948 : i32 to vector<16xi32>
    %ne3A_1950 = arith.cmpi ne, %sign3A_1941, %ne3A_1949 : vector<16xi32>
    %rem3A_1951 = vector.broadcast %jit3A_1930 : i32 to vector<16xi32>
    %rem3A_1952 = arith.remsi %add3A_1929, %rem3A_1951 : vector<16xi32>
    %ne3A_1953 = arith.constant 0 : i32
    %ne3A_1954 = vector.broadcast %ne3A_1953 : i32 to vector<16xi32>
    %ne3A_1955 = arith.cmpi ne, %rem3A_1952, %ne3A_1954 : vector<16xi32>
    %and3A_1956 = arith.andi %ne3A_1950, %ne3A_1955 : vector<16xi1>
    %sub3A_1957 = arith.constant 1 : i32
    %sub3A_1958 = vector.broadcast %sub3A_1957 : i32 to vector<16xi32>
    %sub3A_1959 = arith.subi %div3A_1932, %sub3A_1958 : vector<16xi32>
    %select_n3A_1960 = arith.select %and3A_1956, %sub3A_1959, %div3A_1932 : vector<16xi1>, vector<16xi32>
    %ne3A_1961 = arith.constant 0 : i32
    %ne3A_1962 = vector.broadcast %ne3A_1961 : i32 to vector<16xi32>
    %ne3A_1963 = arith.cmpi ne, %get3A_1926, %ne3A_1962 : vector<16xi32>
    %sub3A_1964 = arith.constant 1 : i32
    %sub3A_1965 = vector.broadcast %sub3A_1964 : i32 to vector<16xi32>
    %sub3A_1966 = arith.subi %get3A_1926, %sub3A_1965 : vector<16xi32>
    %jit3A_1967 = arith.constant 1000 : i32
    %broadcast_in_dim3A_1968 = vector.broadcast %jit3A_1967 : i32 to vector<16xi32>
    %select_n3A_1969 = arith.select %ne3A_1963, %sub3A_1966, %broadcast_in_dim3A_1968 : vector<16xi1>, vector<16xi32>
    tpu.vector_store_idx %arg11[%select_n3A_1960, %select_n3A_1969], %broadcast_in_dim3A_268 : memref<32x1024xf32, #tpu.memory_space<vmem>>[vector<16xi32>, vector<16xi32>], vector<16xf32>,
    %get3A_1970 = arith.constant 608 : index
    %get3A_1971 = tpu.vector_load %arg8[%get3A_1970] {strides = array<i32>} : memref<640xi32, #tpu.memory_space<vmem>>, vector<16xi32>,
    %add3A_1972 = arith.constant 608 : i32
    %add3A_1973 = vector.broadcast %add3A_1972 : i32 to vector<16xi32>
    %add3A_1974 = arith.addi %iota3A, %add3A_1973 : vector<16xi32>
    %jit3A_1975 = arith.constant 20 : i32
    %div3A_1976 = vector.broadcast %jit3A_1975 : i32 to vector<16xi32>
    %div3A_1977 = arith.divsi %add3A_1974, %div3A_1976 : vector<16xi32>
    %sign3A_1978 = arith.constant 0 : i32
    %sign3A_1979 = vector.broadcast %sign3A_1978 : i32 to vector<16xi32>
    %sign3A_1980 = arith.cmpi sgt, %add3A_1974, %sign3A_1979 : vector<16xi32>
    %sign3A_1981 = arith.extui %sign3A_1980 : vector<16xi1> to vector<16xi32>
    %sign3A_1982 = arith.constant 0 : i32
    %sign3A_1983 = vector.broadcast %sign3A_1982 : i32 to vector<16xi32>
    %sign3A_1984 = arith.cmpi slt, %add3A_1974, %sign3A_1983 : vector<16xi32>
    %sign3A_1985 = arith.extui %sign3A_1984 : vector<16xi1> to vector<16xi32>
    %sign3A_1986 = arith.subi %sign3A_1981, %sign3A_1985 : vector<16xi32>
    %sign3A_1987 = arith.constant 0 : i32
    %sign3A_1988 = arith.cmpi sgt, %jit3A_1975, %sign3A_1987 : i32
    %sign3A_1989 = arith.extui %sign3A_1988 : i1 to i32
    %sign3A_1990 = arith.constant 0 : i32
    %sign3A_1991 = arith.cmpi slt, %jit3A_1975, %sign3A_1990 : i32
    %sign3A_1992 = arith.extui %sign3A_1991 : i1 to i32
    %sign3A_1993 = arith.subi %sign3A_1989, %sign3A_1992 : i32
    %ne3A_1994 = vector.broadcast %sign3A_1993 : i32 to vector<16xi32>
    %ne3A_1995 = arith.cmpi ne, %sign3A_1986, %ne3A_1994 : vector<16xi32>
    %rem3A_1996 = vector.broadcast %jit3A_1975 : i32 to vector<16xi32>
    %rem3A_1997 = arith.remsi %add3A_1974, %rem3A_1996 : vector<16xi32>
    %ne3A_1998 = arith.constant 0 : i32
    %ne3A_1999 = vector.broadcast %ne3A_1998 : i32 to vector<16xi32>
    %ne3A_2000 = arith.cmpi ne, %rem3A_1997, %ne3A_1999 : vector<16xi32>
    %and3A_2001 = arith.andi %ne3A_1995, %ne3A_2000 : vector<16xi1>
    %sub3A_2002 = arith.constant 1 : i32
    %sub3A_2003 = vector.broadcast %sub3A_2002 : i32 to vector<16xi32>
    %sub3A_2004 = arith.subi %div3A_1977, %sub3A_2003 : vector<16xi32>
    %select_n3A_2005 = arith.select %and3A_2001, %sub3A_2004, %div3A_1977 : vector<16xi1>, vector<16xi32>
    %ne3A_2006 = arith.constant 0 : i32
    %ne3A_2007 = vector.broadcast %ne3A_2006 : i32 to vector<16xi32>
    %ne3A_2008 = arith.cmpi ne, %get3A_1971, %ne3A_2007 : vector<16xi32>
    %sub3A_2009 = arith.constant 1 : i32
    %sub3A_2010 = vector.broadcast %sub3A_2009 : i32 to vector<16xi32>
    %sub3A_2011 = arith.subi %get3A_1971, %sub3A_2010 : vector<16xi32>
    %jit3A_2012 = arith.constant 1000 : i32
    %broadcast_in_dim3A_2013 = vector.broadcast %jit3A_2012 : i32 to vector<16xi32>
    %select_n3A_2014 = arith.select %ne3A_2008, %sub3A_2011, %broadcast_in_dim3A_2013 : vector<16xi1>, vector<16xi32>
    tpu.vector_store_idx %arg11[%select_n3A_2005, %select_n3A_2014], %broadcast_in_dim3A_268 : memref<32x1024xf32, #tpu.memory_space<vmem>>[vector<16xi32>, vector<16xi32>], vector<16xf32>,
    %get3A_2015 = arith.constant 624 : index
    %get3A_2016 = tpu.vector_load %arg8[%get3A_2015] {strides = array<i32>} : memref<640xi32, #tpu.memory_space<vmem>>, vector<16xi32>,
    %add3A_2017 = arith.constant 624 : i32
    %add3A_2018 = vector.broadcast %add3A_2017 : i32 to vector<16xi32>
    %add3A_2019 = arith.addi %iota3A, %add3A_2018 : vector<16xi32>
    %jit3A_2020 = arith.constant 20 : i32
    %div3A_2021 = vector.broadcast %jit3A_2020 : i32 to vector<16xi32>
    %div3A_2022 = arith.divsi %add3A_2019, %div3A_2021 : vector<16xi32>
    %sign3A_2023 = arith.constant 0 : i32
    %sign3A_2024 = vector.broadcast %sign3A_2023 : i32 to vector<16xi32>
    %sign3A_2025 = arith.cmpi sgt, %add3A_2019, %sign3A_2024 : vector<16xi32>
    %sign3A_2026 = arith.extui %sign3A_2025 : vector<16xi1> to vector<16xi32>
    %sign3A_2027 = arith.constant 0 : i32
    %sign3A_2028 = vector.broadcast %sign3A_2027 : i32 to vector<16xi32>
    %sign3A_2029 = arith.cmpi slt, %add3A_2019, %sign3A_2028 : vector<16xi32>
    %sign3A_2030 = arith.extui %sign3A_2029 : vector<16xi1> to vector<16xi32>
    %sign3A_2031 = arith.subi %sign3A_2026, %sign3A_2030 : vector<16xi32>
    %sign3A_2032 = arith.constant 0 : i32
    %sign3A_2033 = arith.cmpi sgt, %jit3A_2020, %sign3A_2032 : i32
    %sign3A_2034 = arith.extui %sign3A_2033 : i1 to i32
    %sign3A_2035 = arith.constant 0 : i32
    %sign3A_2036 = arith.cmpi slt, %jit3A_2020, %sign3A_2035 : i32
    %sign3A_2037 = arith.extui %sign3A_2036 : i1 to i32
    %sign3A_2038 = arith.subi %sign3A_2034, %sign3A_2037 : i32
    %ne3A_2039 = vector.broadcast %sign3A_2038 : i32 to vector<16xi32>
    %ne3A_2040 = arith.cmpi ne, %sign3A_2031, %ne3A_2039 : vector<16xi32>
    %rem3A_2041 = vector.broadcast %jit3A_2020 : i32 to vector<16xi32>
    %rem3A_2042 = arith.remsi %add3A_2019, %rem3A_2041 : vector<16xi32>
    %ne3A_2043 = arith.constant 0 : i32
    %ne3A_2044 = vector.broadcast %ne3A_2043 : i32 to vector<16xi32>
    %ne3A_2045 = arith.cmpi ne, %rem3A_2042, %ne3A_2044 : vector<16xi32>
    %and3A_2046 = arith.andi %ne3A_2040, %ne3A_2045 : vector<16xi1>
    %sub3A_2047 = arith.constant 1 : i32
    %sub3A_2048 = vector.broadcast %sub3A_2047 : i32 to vector<16xi32>
    %sub3A_2049 = arith.subi %div3A_2022, %sub3A_2048 : vector<16xi32>
    %select_n3A_2050 = arith.select %and3A_2046, %sub3A_2049, %div3A_2022 : vector<16xi1>, vector<16xi32>
    %ne3A_2051 = arith.constant 0 : i32
    %ne3A_2052 = vector.broadcast %ne3A_2051 : i32 to vector<16xi32>
    %ne3A_2053 = arith.cmpi ne, %get3A_2016, %ne3A_2052 : vector<16xi32>
    %sub3A_2054 = arith.constant 1 : i32
    %sub3A_2055 = vector.broadcast %sub3A_2054 : i32 to vector<16xi32>
    %sub3A_2056 = arith.subi %get3A_2016, %sub3A_2055 : vector<16xi32>
    %jit3A_2057 = arith.constant 1000 : i32
    %broadcast_in_dim3A_2058 = vector.broadcast %jit3A_2057 : i32 to vector<16xi32>
    %select_n3A_2059 = arith.select %ne3A_2053, %sub3A_2056, %broadcast_in_dim3A_2058 : vector<16xi1>, vector<16xi32>
    tpu.vector_store_idx %arg11[%select_n3A_2050, %select_n3A_2059], %broadcast_in_dim3A_268 : memref<32x1024xf32, #tpu.memory_space<vmem>>[vector<16xi32>, vector<16xi32>], vector<16xf32>,
    %mul3A_2060 = arith.constant 32 : i32
    %mul3A_2061 = arith.muli %add3A, %mul3A_2060 : i32
    "tpu.region"() ({
      %run_scoped3A = tpu.sem_alloc : memref<!tpu.dma_semaphore, #tpu.memory_space<semaphore_mem>>
      %dma_start3A_2062 = arith.constant 0 : i32
      %dma_start3A_2063 = tpu.memref_slice %arg6[%mul3A_2061, %dma_start3A_2062] : memref<1024x1024xf32, #tpu.memory_space<hbm>> -> memref<32x1024xf32, #tpu.memory_space<hbm>>
      %dma_start3A_2064 = arith.constant 0 : i32
      %dma_start3A_2065 = tpu.memref_slice %arg6[%mul3A_2061, %dma_start3A_2064] : memref<1024x1024xf32, #tpu.memory_space<hbm>> -> memref<32x1024xf32, #tpu.memory_space<hbm>>
      tpu.enqueue_dma source(%arg11 : memref<32x1024xf32, #tpu.memory_space<vmem>>) target(%dma_start3A_2065 : memref<32x1024xf32, #tpu.memory_space<hbm>>) target_semaphore(%run_scoped3A : memref<!tpu.dma_semaphore, #tpu.memory_space<semaphore_mem>>)
      %dma_wait3A_2066 = arith.constant 0 : i32
      %dma_wait3A_2067 = tpu.memref_slice %arg6[%mul3A_2061, %dma_wait3A_2066] : memref<1024x1024xf32, #tpu.memory_space<hbm>> -> memref<32x1024xf32, #tpu.memory_space<hbm>>
      %dma_wait3A_2068 = arith.constant 0 : i32
      %dma_wait3A_2069 = tpu.memref_slice %arg6[%mul3A_2061, %dma_wait3A_2068] : memref<1024x1024xf32, #tpu.memory_space<hbm>> -> memref<32x1024xf32, #tpu.memory_space<hbm>>
      tpu.wait_dma2 semaphore(%run_scoped3A : memref<!tpu.dma_semaphore, #tpu.memory_space<semaphore_mem>>) src(%arg11 : memref<32x1024xf32, #tpu.memory_space<vmem>>) dst(%dma_wait3A_2069 : memref<32x1024xf32, #tpu.memory_space<hbm>>)
      tpu.yield
    }) : () -> ()
    return
  }
}

module attributes {stable_mosaic.version = 14 : i64} {
  func.func @_tables_dense_body(%arg0: memref<1008x128xf32, #tpu.memory_space<vmem>>, %arg1: memref<1024x128xf32, #tpu.memory_space<vmem>>, %arg2: memref<1008x1024xf32, #tpu.memory_space<vmem>>, %arg3: memref<20x1024x128xf32, #tpu.memory_space<vmem>>, %arg4: memref<1000x128xf32, #tpu.memory_space<vmem>>, %arg5: memref<1000x128xf32, #tpu.memory_space<vmem>>, %arg6: memref<1000x128xf32, #tpu.memory_space<vmem>>, %arg7: memref<1000x128xf32, #tpu.memory_space<vmem>>, %arg8: memref<4xf32, #tpu.memory_space<smem>>, %arg9: memref<1008x512xi32, #tpu.memory_space<vmem>>, %arg10: memref<1024x1000xf32, #tpu.memory_space<vmem>>) attributes {dimension_semantics = [], scalar_prefetch = 0 : i64, scratch_operands = 0 : i64, tpu.core_type = #tpu.core_type<tc>} {
    %get3A = arith.constant 0 : index
    %get3A_0 = arith.constant 0 : index
    %get3A_1 = vector.load %arg0[%get3A, %get3A_0] : memref<1008x128xf32, #tpu.memory_space<vmem>>, vector<1008x128xf32>
    %get3A_2 = arith.constant 0 : index
    %get3A_3 = arith.constant 0 : index
    %get3A_4 = vector.load %arg1[%get3A_2, %get3A_3] : memref<1024x128xf32, #tpu.memory_space<vmem>>, vector<1024x128xf32>
    %dot_general3A = arith.constant dense<0.000000e+00> : vector<1008x1024xf32>
    %dot_general3A_5 = tpu.matmul %get3A_1, %get3A_4, %dot_general3A {dimension_numbers = #tpu.dot_dimension_numbers<[1], [1], [0], [0], [0, 0, 1, 0], [], []>, transpose_lhs_hint = false} : vector<1008x128xf32>, vector<1024x128xf32>, vector<1008x1024xf32> -> vector<1008x1024xf32>
    %tanh3A = math.tanh %dot_general3A_5 : vector<1008x1024xf32>
    %get3A_6 = arith.constant 0 : index
    %get3A_7 = arith.constant 0 : index
    %get3A_8 = vector.load %arg2[%get3A_6, %get3A_7] : memref<1008x1024xf32, #tpu.memory_space<vmem>>, vector<1008x1024xf32>
    %mul3A = arith.mulf %tanh3A, %get3A_8 : vector<1008x1024xf32>
    %convert_element_type3A = arith.truncf %mul3A : vector<1008x1024xf32> to vector<1008x1024xbf16>
    %slice3A = vector.extract_strided_slice %convert_element_type3A {offsets = [0, 0], sizes = [1008, 512], strides = [1, 1]} : vector<1008x1024xbf16> to vector<1008x512xbf16>
    %bitcast_convert_type3A = tpu.bitcast %slice3A : vector<1008x512xbf16> -> vector<1008x512xi16>
    %convert_element_type3A_9 = arith.extui %bitcast_convert_type3A : vector<1008x512xi16> to vector<1008x512xi32>
    %slice3A_10 = vector.extract_strided_slice %convert_element_type3A {offsets = [0, 512], sizes = [1008, 512], strides = [1, 1]} : vector<1008x1024xbf16> to vector<1008x512xbf16>
    %bitcast_convert_type3A_11 = tpu.bitcast %slice3A_10 : vector<1008x512xbf16> -> vector<1008x512xi16>
    %convert_element_type3A_12 = arith.extui %bitcast_convert_type3A_11 : vector<1008x512xi16> to vector<1008x512xi32>
    %shift_left3A = arith.constant 16 : i32
    %shift_left3A_13 = vector.broadcast %shift_left3A : i32 to vector<1008x512xi32>
    %shift_left3A_14 = arith.shli %convert_element_type3A_12, %shift_left3A_13 : vector<1008x512xi32>
    %or3A = arith.ori %convert_element_type3A_9, %shift_left3A_14 : vector<1008x512xi32>
    %bitcast_convert_type3A_15 = tpu.bitcast %or3A : vector<1008x512xi32> -> vector<1008x512xi32>
    %swap3A = arith.constant 0 : index
    %swap3A_16 = arith.constant 0 : index
    %swap3A_17 = vector.load %arg9[%swap3A, %swap3A_16] : memref<1008x512xi32, #tpu.memory_space<vmem>>, vector<1008x512xi32>
    tpu.vector_store %arg9[%swap3A, %swap3A_16], %bitcast_convert_type3A_15 {strides = array<i32>} : memref<1008x512xi32, #tpu.memory_space<vmem>>, vector<1008x512xi32>,
    %get3A_18 = arith.constant 0 : index
    %get3A_19 = arith.constant 0 : index
    %get3A_20 = arith.constant 0 : index
    %get3A_21 = vector.load %arg3[%get3A_18, %get3A_19, %get3A_20] : memref<20x1024x128xf32, #tpu.memory_space<vmem>>, vector<20x1024x128xf32>
    %reduce_sum3A = arith.constant dense<0.000000e+00> : vector<1024x128xf32>
    %reduce_sum3A_22 = vector.multi_reduction <add>, %get3A_21, %reduce_sum3A [0] : vector<20x1024x128xf32> to vector<1024x128xf32>
    %mul3A_23 = arith.constant 5.000000e-02 : f32
    %mul3A_24 = vector.broadcast %mul3A_23 : f32 to vector<1024x128xf32>
    %mul3A_25 = arith.mulf %reduce_sum3A_22, %mul3A_24 : vector<1024x128xf32>
    %broadcast_in_dim3A = arith.constant 0.000000e+00 : f32
    %broadcast_in_dim3A_26 = vector.broadcast %broadcast_in_dim3A : f32 to vector<1024x1000xf32>
    %get3A_27 = arith.constant 0 : index
    %get3A_28 = arith.constant 0 : index
    %get3A_29 = vector.load %arg4[%get3A_27, %get3A_28] : memref<1000x128xf32, #tpu.memory_space<vmem>>, vector<1000x128xf32>
    %dot_general3A_30 = arith.constant dense<0.000000e+00> : vector<1024x1000xf32>
    %dot_general3A_31 = tpu.matmul %mul3A_25, %get3A_29, %dot_general3A_30 {dimension_numbers = #tpu.dot_dimension_numbers<[1], [1], [0], [0], [0, 0, 1, 0], [], []>, transpose_lhs_hint = false} : vector<1024x128xf32>, vector<1000x128xf32>, vector<1024x1000xf32> -> vector<1024x1000xf32>
    %mul3A_32 = arith.mulf %dot_general3A_31, %dot_general3A_31 : vector<1024x1000xf32>
    %reduce_sum3A_33 = arith.constant dense<0.000000e+00> : vector<1024xf32>
    %reduce_sum3A_34 = vector.multi_reduction <add>, %mul3A_32, %reduce_sum3A_33 [1] : vector<1024x1000xf32> to vector<1024xf32>
    %broadcast_in_dim3A_35 = vector.shape_cast %reduce_sum3A_34 : vector<1024xf32> to vector<1024x1xf32>
    %sqrt3A = math.sqrt %broadcast_in_dim3A_35 : vector<1024x1xf32>
    %max3A = arith.constant 9.99999974E-6 : f32
    %max3A_36 = vector.broadcast %max3A : f32 to vector<1024x1xf32>
    %max3A_37 = arith.maximumf %sqrt3A, %max3A_36 : vector<1024x1xf32>
    %div3A = vector.broadcast %max3A_37 : vector<1024x1xf32> to vector<1024x1000xf32>
    %div3A_38 = arith.divf %dot_general3A_31, %div3A : vector<1024x1000xf32>
    %get3A_39 = arith.constant 0 : index
    %get3A_40 = memref.load %arg8[%get3A_39] : memref<4xf32, #tpu.memory_space<smem>>
    %mul3A_41 = vector.broadcast %get3A_40 : f32 to vector<1024x1000xf32>
    %mul3A_42 = arith.mulf %div3A_38, %mul3A_41 : vector<1024x1000xf32>
    %add3A = arith.addf %broadcast_in_dim3A_26, %mul3A_42 : vector<1024x1000xf32>
    %get3A_43 = arith.constant 0 : index
    %get3A_44 = arith.constant 0 : index
    %get3A_45 = vector.load %arg5[%get3A_43, %get3A_44] : memref<1000x128xf32, #tpu.memory_space<vmem>>, vector<1000x128xf32>
    %dot_general3A_46 = arith.constant dense<0.000000e+00> : vector<1024x1000xf32>
    %dot_general3A_47 = tpu.matmul %mul3A_25, %get3A_45, %dot_general3A_46 {dimension_numbers = #tpu.dot_dimension_numbers<[1], [1], [0], [0], [0, 0, 1, 0], [], []>, transpose_lhs_hint = false} : vector<1024x128xf32>, vector<1000x128xf32>, vector<1024x1000xf32> -> vector<1024x1000xf32>
    %mul3A_48 = arith.mulf %dot_general3A_47, %dot_general3A_47 : vector<1024x1000xf32>
    %reduce_sum3A_49 = arith.constant dense<0.000000e+00> : vector<1024xf32>
    %reduce_sum3A_50 = vector.multi_reduction <add>, %mul3A_48, %reduce_sum3A_49 [1] : vector<1024x1000xf32> to vector<1024xf32>
    %broadcast_in_dim3A_51 = vector.shape_cast %reduce_sum3A_50 : vector<1024xf32> to vector<1024x1xf32>
    %sqrt3A_52 = math.sqrt %broadcast_in_dim3A_51 : vector<1024x1xf32>
    %max3A_53 = arith.constant 9.99999974E-6 : f32
    %max3A_54 = vector.broadcast %max3A_53 : f32 to vector<1024x1xf32>
    %max3A_55 = arith.maximumf %sqrt3A_52, %max3A_54 : vector<1024x1xf32>
    %div3A_56 = vector.broadcast %max3A_55 : vector<1024x1xf32> to vector<1024x1000xf32>
    %div3A_57 = arith.divf %dot_general3A_47, %div3A_56 : vector<1024x1000xf32>
    %get3A_58 = arith.constant 1 : index
    %get3A_59 = memref.load %arg8[%get3A_58] : memref<4xf32, #tpu.memory_space<smem>>
    %mul3A_60 = vector.broadcast %get3A_59 : f32 to vector<1024x1000xf32>
    %mul3A_61 = arith.mulf %div3A_57, %mul3A_60 : vector<1024x1000xf32>
    %add3A_62 = arith.addf %add3A, %mul3A_61 : vector<1024x1000xf32>
    %get3A_63 = arith.constant 0 : index
    %get3A_64 = arith.constant 0 : index
    %get3A_65 = vector.load %arg6[%get3A_63, %get3A_64] : memref<1000x128xf32, #tpu.memory_space<vmem>>, vector<1000x128xf32>
    %dot_general3A_66 = arith.constant dense<0.000000e+00> : vector<1024x1000xf32>
    %dot_general3A_67 = tpu.matmul %mul3A_25, %get3A_65, %dot_general3A_66 {dimension_numbers = #tpu.dot_dimension_numbers<[1], [1], [0], [0], [0, 0, 1, 0], [], []>, transpose_lhs_hint = false} : vector<1024x128xf32>, vector<1000x128xf32>, vector<1024x1000xf32> -> vector<1024x1000xf32>
    %mul3A_68 = arith.mulf %dot_general3A_67, %dot_general3A_67 : vector<1024x1000xf32>
    %reduce_sum3A_69 = arith.constant dense<0.000000e+00> : vector<1024xf32>
    %reduce_sum3A_70 = vector.multi_reduction <add>, %mul3A_68, %reduce_sum3A_69 [1] : vector<1024x1000xf32> to vector<1024xf32>
    %broadcast_in_dim3A_71 = vector.shape_cast %reduce_sum3A_70 : vector<1024xf32> to vector<1024x1xf32>
    %sqrt3A_72 = math.sqrt %broadcast_in_dim3A_71 : vector<1024x1xf32>
    %max3A_73 = arith.constant 9.99999974E-6 : f32
    %max3A_74 = vector.broadcast %max3A_73 : f32 to vector<1024x1xf32>
    %max3A_75 = arith.maximumf %sqrt3A_72, %max3A_74 : vector<1024x1xf32>
    %div3A_76 = vector.broadcast %max3A_75 : vector<1024x1xf32> to vector<1024x1000xf32>
    %div3A_77 = arith.divf %dot_general3A_67, %div3A_76 : vector<1024x1000xf32>
    %get3A_78 = arith.constant 2 : index
    %get3A_79 = memref.load %arg8[%get3A_78] : memref<4xf32, #tpu.memory_space<smem>>
    %mul3A_80 = vector.broadcast %get3A_79 : f32 to vector<1024x1000xf32>
    %mul3A_81 = arith.mulf %div3A_77, %mul3A_80 : vector<1024x1000xf32>
    %add3A_82 = arith.addf %add3A_62, %mul3A_81 : vector<1024x1000xf32>
    %get3A_83 = arith.constant 0 : index
    %get3A_84 = arith.constant 0 : index
    %get3A_85 = vector.load %arg7[%get3A_83, %get3A_84] : memref<1000x128xf32, #tpu.memory_space<vmem>>, vector<1000x128xf32>
    %dot_general3A_86 = arith.constant dense<0.000000e+00> : vector<1024x1000xf32>
    %dot_general3A_87 = tpu.matmul %mul3A_25, %get3A_85, %dot_general3A_86 {dimension_numbers = #tpu.dot_dimension_numbers<[1], [1], [0], [0], [0, 0, 1, 0], [], []>, transpose_lhs_hint = false} : vector<1024x128xf32>, vector<1000x128xf32>, vector<1024x1000xf32> -> vector<1024x1000xf32>
    %mul3A_88 = arith.mulf %dot_general3A_87, %dot_general3A_87 : vector<1024x1000xf32>
    %reduce_sum3A_89 = arith.constant dense<0.000000e+00> : vector<1024xf32>
    %reduce_sum3A_90 = vector.multi_reduction <add>, %mul3A_88, %reduce_sum3A_89 [1] : vector<1024x1000xf32> to vector<1024xf32>
    %broadcast_in_dim3A_91 = vector.shape_cast %reduce_sum3A_90 : vector<1024xf32> to vector<1024x1xf32>
    %sqrt3A_92 = math.sqrt %broadcast_in_dim3A_91 : vector<1024x1xf32>
    %max3A_93 = arith.constant 9.99999974E-6 : f32
    %max3A_94 = vector.broadcast %max3A_93 : f32 to vector<1024x1xf32>
    %max3A_95 = arith.maximumf %sqrt3A_92, %max3A_94 : vector<1024x1xf32>
    %div3A_96 = vector.broadcast %max3A_95 : vector<1024x1xf32> to vector<1024x1000xf32>
    %div3A_97 = arith.divf %dot_general3A_87, %div3A_96 : vector<1024x1000xf32>
    %get3A_98 = arith.constant 3 : index
    %get3A_99 = memref.load %arg8[%get3A_98] : memref<4xf32, #tpu.memory_space<smem>>
    %mul3A_100 = vector.broadcast %get3A_99 : f32 to vector<1024x1000xf32>
    %mul3A_101 = arith.mulf %div3A_97, %mul3A_100 : vector<1024x1000xf32>
    %add3A_102 = arith.addf %add3A_82, %mul3A_101 : vector<1024x1000xf32>
    %swap3A_103 = arith.constant 0 : index
    %swap3A_104 = arith.constant 0 : index
    %swap3A_105 = vector.load %arg10[%swap3A_103, %swap3A_104] : memref<1024x1000xf32, #tpu.memory_space<vmem>>, vector<1024x1000xf32>
    tpu.vector_store %arg10[%swap3A_103, %swap3A_104], %add3A_102 {strides = array<i32>} : memref<1024x1000xf32, #tpu.memory_space<vmem>>, vector<1024x1000xf32>,
    return
  }
}

module attributes {stable_mosaic.version = 14 : i64} {
  func.func @_pack_body(%arg0: i32, %arg1: memref<1x1000x1024xf32, #tpu.memory_space<vmem>>, %arg2: memref<1x128x1024xbf16, #tpu.memory_space<vmem>>) attributes {dimension_semantics = [#tpu.dimension_semantics<arbitrary>], iteration_bounds = array<i64: 20>, scalar_prefetch = 0 : i64, scratch_operands = 0 : i64, tpu.core_type = #tpu.core_type<tc>, window_params = [{transform_indices = @transform_0, window_bounds = array<i64: 1, 1000, 1024>}, {transform_indices = @transform_1, window_bounds = array<i64: 1, 128, 1024>}]} {
    %iota3A = tpu.iota {dimensions = array<i32: 0>} : vector<128x1000xi32>
    %iota3A_0 = tpu.iota {dimensions = array<i32: 1>} : vector<128x1000xi32>
    %jit3A = arith.constant 8 : i32
    %div3A = vector.broadcast %jit3A : i32 to vector<128x1000xi32>
    %div3A_1 = arith.divsi %iota3A_0, %div3A : vector<128x1000xi32>
    %sign3A = arith.constant 0 : i32
    %sign3A_2 = vector.broadcast %sign3A : i32 to vector<128x1000xi32>
    %sign3A_3 = arith.cmpi sgt, %iota3A_0, %sign3A_2 : vector<128x1000xi32>
    %sign3A_4 = arith.extui %sign3A_3 : vector<128x1000xi1> to vector<128x1000xi32>
    %sign3A_5 = arith.constant 0 : i32
    %sign3A_6 = vector.broadcast %sign3A_5 : i32 to vector<128x1000xi32>
    %sign3A_7 = arith.cmpi slt, %iota3A_0, %sign3A_6 : vector<128x1000xi32>
    %sign3A_8 = arith.extui %sign3A_7 : vector<128x1000xi1> to vector<128x1000xi32>
    %sign3A_9 = arith.subi %sign3A_4, %sign3A_8 : vector<128x1000xi32>
    %sign3A_10 = arith.constant 0 : i32
    %sign3A_11 = arith.cmpi sgt, %jit3A, %sign3A_10 : i32
    %sign3A_12 = arith.extui %sign3A_11 : i1 to i32
    %sign3A_13 = arith.constant 0 : i32
    %sign3A_14 = arith.cmpi slt, %jit3A, %sign3A_13 : i32
    %sign3A_15 = arith.extui %sign3A_14 : i1 to i32
    %sign3A_16 = arith.subi %sign3A_12, %sign3A_15 : i32
    %ne3A = vector.broadcast %sign3A_16 : i32 to vector<128x1000xi32>
    %ne3A_17 = arith.cmpi ne, %sign3A_9, %ne3A : vector<128x1000xi32>
    %rem3A = vector.broadcast %jit3A : i32 to vector<128x1000xi32>
    %rem3A_18 = arith.remsi %iota3A_0, %rem3A : vector<128x1000xi32>
    %ne3A_19 = arith.constant 0 : i32
    %ne3A_20 = vector.broadcast %ne3A_19 : i32 to vector<128x1000xi32>
    %ne3A_21 = arith.cmpi ne, %rem3A_18, %ne3A_20 : vector<128x1000xi32>
    %and3A = arith.andi %ne3A_17, %ne3A_21 : vector<128x1000xi1>
    %sub3A = arith.constant 1 : i32
    %sub3A_22 = vector.broadcast %sub3A : i32 to vector<128x1000xi32>
    %sub3A_23 = arith.subi %div3A_1, %sub3A_22 : vector<128x1000xi32>
    %select_n3A = arith.select %and3A, %sub3A_23, %div3A_1 : vector<128x1000xi1>, vector<128x1000xi32>
    %eq3A = arith.cmpi eq, %select_n3A, %iota3A : vector<128x1000xi32>
    %jit3A_24 = arith.constant 8 : i32
    %eq3A_25 = arith.constant 0 : i32
    %eq3A_26 = arith.cmpi eq, %jit3A_24, %eq3A_25 : i32
    %jit3A_27 = arith.constant 1 : i32
    %select_n3A_28 = arith.select %eq3A_26, %jit3A_27, %jit3A_24 : i32
    %rem3A_29 = vector.broadcast %select_n3A_28 : i32 to vector<128x1000xi32>
    %rem3A_30 = arith.remsi %iota3A_0, %rem3A_29 : vector<128x1000xi32>
    %ne3A_31 = arith.constant 0 : i32
    %ne3A_32 = vector.broadcast %ne3A_31 : i32 to vector<128x1000xi32>
    %ne3A_33 = arith.cmpi ne, %rem3A_30, %ne3A_32 : vector<128x1000xi32>
    %lt3A = arith.constant 0 : i32
    %lt3A_34 = vector.broadcast %lt3A : i32 to vector<128x1000xi32>
    %lt3A_35 = arith.cmpi slt, %rem3A_30, %lt3A_34 : vector<128x1000xi32>
    %lt3A_36 = arith.constant 0 : i32
    %lt3A_37 = arith.cmpi slt, %select_n3A_28, %lt3A_36 : i32
    %ne3A_38 = vector.broadcast %lt3A_37 : i1 to vector<128x1000xi1>
    %ne3A_39 = vector.broadcast %ne3A_38 : vector<128x1000xi1> to vector<128x1000xi1>
    %ne3A_40 = arith.xori %lt3A_35, %ne3A_39 : vector<128x1000xi1>
    %and3A_41 = arith.andi %ne3A_40, %ne3A_33 : vector<128x1000xi1>
    %add3A = vector.broadcast %select_n3A_28 : i32 to vector<128x1000xi32>
    %add3A_42 = arith.addi %rem3A_30, %add3A : vector<128x1000xi32>
    %select_n3A_43 = arith.select %and3A_41, %add3A_42, %rem3A_30 : vector<128x1000xi1>, vector<128x1000xi32>
    %convert_element_type3A = arith.sitofp %select_n3A_43 : vector<128x1000xi32> to vector<128x1000xf32>
    %exp23A = math.exp2 %convert_element_type3A : vector<128x1000xf32>
    %jit3A_44 = arith.constant 0.000000e+00 : f32
    %broadcast_in_dim3A = vector.broadcast %jit3A_44 : f32 to vector<128x1000xf32>
    %select_n3A_45 = arith.select %eq3A, %exp23A, %broadcast_in_dim3A : vector<128x1000xi1>, vector<128x1000xf32>
    %convert_element_type3A_46 = arith.truncf %select_n3A_45 : vector<128x1000xf32> to vector<128x1000xbf16>
    %get3A = arith.constant 0 : index
    %get3A_47 = arith.constant 0 : index
    %get3A_48 = arith.constant 0 : index
    %get3A_49 = vector.load %arg1[%get3A, %get3A_47, %get3A_48] : memref<1x1000x1024xf32, #tpu.memory_space<vmem>>, vector<1x1000x1024xf32>
    %get3A_50 = vector.shape_cast %get3A_49 : vector<1x1000x1024xf32> to vector<1000x1024xf32>
    %ge3A = arith.constant 5.000000e-01 : f32
    %ge3A_51 = vector.broadcast %ge3A : f32 to vector<1000x1024xf32>
    %ge3A_52 = arith.cmpf oge, %get3A_50, %ge3A_51 : vector<1000x1024xf32>
    %jit3A_53 = arith.constant 1.000000e+00 : f32
    %jit3A_54 = arith.constant 0.000000e+00 : f32
    %broadcast_in_dim3A_55 = vector.broadcast %jit3A_53 : f32 to vector<1000x1024xf32>
    %broadcast_in_dim3A_56 = vector.broadcast %jit3A_54 : f32 to vector<1000x1024xf32>
    %select_n3A_57 = arith.select %ge3A_52, %broadcast_in_dim3A_55, %broadcast_in_dim3A_56 : vector<1000x1024xi1>, vector<1000x1024xf32>
    %convert_element_type3A_58 = arith.truncf %select_n3A_57 : vector<1000x1024xf32> to vector<1000x1024xbf16>
    %dot_general3A = arith.constant dense<0.000000e+00> : vector<128x1024xf32>
    %dot_general3A_59 = tpu.matmul %convert_element_type3A_46, %convert_element_type3A_58, %dot_general3A {dimension_numbers = #tpu.dot_dimension_numbers<[1], [0], [0], [1], [0, 0, 1, 1], [], []>, transpose_lhs_hint = false} : vector<128x1000xbf16>, vector<1000x1024xbf16>, vector<128x1024xf32> -> vector<128x1024xf32>
    %convert_element_type3A_60 = arith.truncf %dot_general3A_59 : vector<128x1024xf32> to vector<128x1024xbf16>
    %swap3A = arith.constant 0 : index
    %swap3A_61 = arith.constant 0 : index
    %swap3A_62 = arith.constant 0 : index
    %swap3A_63 = vector.load %arg2[%swap3A, %swap3A_61, %swap3A_62] : memref<1x128x1024xbf16, #tpu.memory_space<vmem>>, vector<1x128x1024xbf16>
    %swap3A_64 = vector.shape_cast %swap3A_63 : vector<1x128x1024xbf16> to vector<128x1024xbf16>
    %swap3A_65 = vector.shape_cast %convert_element_type3A_60 : vector<128x1024xbf16> to vector<1x128x1024xbf16>
    tpu.vector_store %arg2[%swap3A, %swap3A_61, %swap3A_62], %swap3A_65 {strides = array<i32>} : memref<1x128x1024xbf16, #tpu.memory_space<vmem>>, vector<1x128x1024xbf16>,
    return
  }
  func.func @transform_0(%arg0: i32) -> (i32, i32, i32) {
    %c0_i32 = arith.constant 0 : i32
    %c0_i32_0 = arith.constant 0 : i32
    %c0_i32_1 = arith.constant 0 : i32
    return %arg0, %c0_i32, %c0_i32_0 : i32, i32, i32
  }
  func.func @transform_1(%arg0: i32) -> (i32, i32, i32) {
    %c0_i32 = arith.constant 0 : i32
    %c0_i32_0 = arith.constant 0 : i32
    %c0_i32_1 = arith.constant 0 : i32
    return %arg0, %c0_i32, %c0_i32_0 : i32, i32, i32
  }
}

module attributes {stable_mosaic.version = 14 : i64} {
  func.func @_combine_body(%arg0: i32, %arg1: memref<128x20x128xbf16, #tpu.memory_space<vmem>>, %arg2: memref<20x128x512xi32, #tpu.memory_space<vmem>>, %arg3: memref<128x1000xf32, #tpu.memory_space<vmem>>, %arg4: memref<128x1000xf32, #tpu.memory_space<vmem>>) attributes {dimension_semantics = [#tpu.dimension_semantics<arbitrary>], iteration_bounds = array<i64: 8>, scalar_prefetch = 0 : i64, scratch_operands = 0 : i64, tpu.core_type = #tpu.core_type<tc>, window_params = [{transform_indices = @transform_0, window_bounds = array<i64: 128, 20, 128>}, {transform_indices = @transform_1, window_bounds = array<i64: 20, 128, 512>}, {transform_indices = @transform_2, window_bounds = array<i64: 128, 1000>}, {transform_indices = @transform_3, window_bounds = array<i64: 128, 1000>}]} {
    %iota3A = tpu.iota {dimensions = array<i32: 0>} : vector<128x1024xi32>
    %iota3A_0 = tpu.iota {dimensions = array<i32: 1>} : vector<128x1024xi32>
    %jit3A = arith.constant 8 : i32
    %div3A = vector.broadcast %jit3A : i32 to vector<128x1024xi32>
    %div3A_1 = arith.divsi %iota3A_0, %div3A : vector<128x1024xi32>
    %sign3A = arith.constant 0 : i32
    %sign3A_2 = vector.broadcast %sign3A : i32 to vector<128x1024xi32>
    %sign3A_3 = arith.cmpi sgt, %iota3A_0, %sign3A_2 : vector<128x1024xi32>
    %sign3A_4 = arith.extui %sign3A_3 : vector<128x1024xi1> to vector<128x1024xi32>
    %sign3A_5 = arith.constant 0 : i32
    %sign3A_6 = vector.broadcast %sign3A_5 : i32 to vector<128x1024xi32>
    %sign3A_7 = arith.cmpi slt, %iota3A_0, %sign3A_6 : vector<128x1024xi32>
    %sign3A_8 = arith.extui %sign3A_7 : vector<128x1024xi1> to vector<128x1024xi32>
    %sign3A_9 = arith.subi %sign3A_4, %sign3A_8 : vector<128x1024xi32>
    %sign3A_10 = arith.constant 0 : i32
    %sign3A_11 = arith.cmpi sgt, %jit3A, %sign3A_10 : i32
    %sign3A_12 = arith.extui %sign3A_11 : i1 to i32
    %sign3A_13 = arith.constant 0 : i32
    %sign3A_14 = arith.cmpi slt, %jit3A, %sign3A_13 : i32
    %sign3A_15 = arith.extui %sign3A_14 : i1 to i32
    %sign3A_16 = arith.subi %sign3A_12, %sign3A_15 : i32
    %ne3A = vector.broadcast %sign3A_16 : i32 to vector<128x1024xi32>
    %ne3A_17 = arith.cmpi ne, %sign3A_9, %ne3A : vector<128x1024xi32>
    %rem3A = vector.broadcast %jit3A : i32 to vector<128x1024xi32>
    %rem3A_18 = arith.remsi %iota3A_0, %rem3A : vector<128x1024xi32>
    %ne3A_19 = arith.constant 0 : i32
    %ne3A_20 = vector.broadcast %ne3A_19 : i32 to vector<128x1024xi32>
    %ne3A_21 = arith.cmpi ne, %rem3A_18, %ne3A_20 : vector<128x1024xi32>
    %and3A = arith.andi %ne3A_17, %ne3A_21 : vector<128x1024xi1>
    %sub3A = arith.constant 1 : i32
    %sub3A_22 = vector.broadcast %sub3A : i32 to vector<128x1024xi32>
    %sub3A_23 = arith.subi %div3A_1, %sub3A_22 : vector<128x1024xi32>
    %select_n3A = arith.select %and3A, %sub3A_23, %div3A_1 : vector<128x1024xi1>, vector<128x1024xi32>
    %eq3A = arith.cmpi eq, %select_n3A, %iota3A : vector<128x1024xi32>
    %jit3A_24 = arith.constant 8 : i32
    %eq3A_25 = arith.constant 0 : i32
    %eq3A_26 = arith.cmpi eq, %jit3A_24, %eq3A_25 : i32
    %jit3A_27 = arith.constant 1 : i32
    %select_n3A_28 = arith.select %eq3A_26, %jit3A_27, %jit3A_24 : i32
    %rem3A_29 = vector.broadcast %select_n3A_28 : i32 to vector<128x1024xi32>
    %rem3A_30 = arith.remsi %iota3A_0, %rem3A_29 : vector<128x1024xi32>
    %ne3A_31 = arith.constant 0 : i32
    %ne3A_32 = vector.broadcast %ne3A_31 : i32 to vector<128x1024xi32>
    %ne3A_33 = arith.cmpi ne, %rem3A_30, %ne3A_32 : vector<128x1024xi32>
    %lt3A = arith.constant 0 : i32
    %lt3A_34 = vector.broadcast %lt3A : i32 to vector<128x1024xi32>
    %lt3A_35 = arith.cmpi slt, %rem3A_30, %lt3A_34 : vector<128x1024xi32>
    %lt3A_36 = arith.constant 0 : i32
    %lt3A_37 = arith.cmpi slt, %select_n3A_28, %lt3A_36 : i32
    %ne3A_38 = vector.broadcast %lt3A_37 : i1 to vector<128x1024xi1>
    %ne3A_39 = vector.broadcast %ne3A_38 : vector<128x1024xi1> to vector<128x1024xi1>
    %ne3A_40 = arith.xori %lt3A_35, %ne3A_39 : vector<128x1024xi1>
    %and3A_41 = arith.andi %ne3A_40, %ne3A_33 : vector<128x1024xi1>
    %add3A = vector.broadcast %select_n3A_28 : i32 to vector<128x1024xi32>
    %add3A_42 = arith.addi %rem3A_30, %add3A : vector<128x1024xi32>
    %select_n3A_43 = arith.select %and3A_41, %add3A_42, %rem3A_30 : vector<128x1024xi1>, vector<128x1024xi32>
    %convert_element_type3A = arith.sitofp %select_n3A_43 : vector<128x1024xi32> to vector<128x1024xf32>
    %neg3A = arith.constant 0.000000e+00 : f32
    %neg3A_44 = vector.broadcast %neg3A : f32 to vector<128x1024xf32>
    %neg3A_45 = arith.subf %neg3A_44, %convert_element_type3A : vector<128x1024xf32>
    %exp23A = math.exp2 %neg3A_45 : vector<128x1024xf32>
    %jit3A_46 = arith.constant 0.000000e+00 : f32
    %broadcast_in_dim3A = vector.broadcast %jit3A_46 : f32 to vector<128x1024xf32>
    %select_n3A_47 = arith.select %eq3A, %exp23A, %broadcast_in_dim3A : vector<128x1024xi1>, vector<128x1024xf32>
    %convert_element_type3A_48 = arith.truncf %select_n3A_47 : vector<128x1024xf32> to vector<128x1024xbf16>
    %broadcast_in_dim3A_49 = arith.constant 0.000000e+00 : f32
    %broadcast_in_dim3A_50 = vector.broadcast %broadcast_in_dim3A_49 : f32 to vector<128x512xf32>
    %broadcast_in_dim3A_51 = arith.constant 0.000000e+00 : f32
    %broadcast_in_dim3A_52 = vector.broadcast %broadcast_in_dim3A_51 : f32 to vector<128x488xf32>
    %get3A = arith.constant 0 : index
    %get3A_53 = arith.constant 0 : index
    %get3A_54 = arith.constant 0 : index
    %get3A_55 = vector.load %arg2[%get3A, %get3A_53, %get3A_54] : memref<20x128x512xi32, #tpu.memory_space<vmem>>, vector<1x128x512xi32>
    %get3A_56 = vector.shape_cast %get3A_55 : vector<1x128x512xi32> to vector<128x512xi32>
    %shift_left3A = arith.constant 16 : i32
    %shift_left3A_57 = vector.broadcast %shift_left3A : i32 to vector<128x512xi32>
    %shift_left3A_58 = arith.shli %get3A_56, %shift_left3A_57 : vector<128x512xi32>
    %bitcast_convert_type3A = tpu.bitcast %shift_left3A_58 : vector<128x512xi32> -> vector<128x512xf32>
    %and3A_59 = arith.constant -65536 : i32
    %and3A_60 = vector.broadcast %and3A_59 : i32 to vector<128x512xi32>
    %and3A_61 = arith.andi %get3A_56, %and3A_60 : vector<128x512xi32>
    %bitcast_convert_type3A_62 = tpu.bitcast %and3A_61 : vector<128x512xi32> -> vector<128x512xf32>
    %slice3A = vector.extract_strided_slice %bitcast_convert_type3A_62 {offsets = [0, 0], sizes = [128, 488], strides = [1, 1]} : vector<128x512xf32> to vector<128x488xf32>
    %get3A_63 = arith.constant 0 : index
    %get3A_64 = arith.constant 0 : index
    %get3A_65 = arith.constant 0 : index
    %get3A_66 = vector.load %arg1[%get3A_63, %get3A_64, %get3A_65] : memref<128x20x128xbf16, #tpu.memory_space<vmem>>, vector<128x1x128xbf16>
    %get3A_67 = vector.shape_cast %get3A_66 : vector<128x1x128xbf16> to vector<128x128xbf16>
    %dot_general3A = arith.constant dense<0.000000e+00> : vector<128x1024xf32>
    %dot_general3A_68 = tpu.matmul %get3A_67, %convert_element_type3A_48, %dot_general3A {dimension_numbers = #tpu.dot_dimension_numbers<[1], [0], [0], [1], [0, 0, 1, 1], [], []>, transpose_lhs_hint = false} : vector<128x128xbf16>, vector<128x1024xbf16>, vector<128x1024xf32> -> vector<128x1024xf32>
    %convert_element_type3A_69 = arith.fptosi %dot_general3A_68 : vector<128x1024xf32> to vector<128x1024xi32>
    %and3A_70 = arith.constant 1 : i32
    %and3A_71 = vector.broadcast %and3A_70 : i32 to vector<128x1024xi32>
    %and3A_72 = arith.andi %convert_element_type3A_69, %and3A_71 : vector<128x1024xi32>
    %convert_element_type3A_73 = arith.sitofp %and3A_72 : vector<128x1024xi32> to vector<128x1024xf32>
    %slice3A_74 = vector.extract_strided_slice %convert_element_type3A_73 {offsets = [0, 0], sizes = [128, 512], strides = [1, 1]} : vector<128x1024xf32> to vector<128x512xf32>
    %mul3A = arith.mulf %bitcast_convert_type3A, %slice3A_74 : vector<128x512xf32>
    %add3A_75 = arith.addf %broadcast_in_dim3A_50, %mul3A : vector<128x512xf32>
    %slice3A_76 = vector.extract_strided_slice %convert_element_type3A_73 {offsets = [0, 512], sizes = [128, 488], strides = [1, 1]} : vector<128x1024xf32> to vector<128x488xf32>
    %mul3A_77 = arith.mulf %slice3A, %slice3A_76 : vector<128x488xf32>
    %add3A_78 = arith.addf %broadcast_in_dim3A_52, %mul3A_77 : vector<128x488xf32>
    %get3A_79 = arith.constant 1 : index
    %get3A_80 = arith.constant 0 : index
    %get3A_81 = arith.constant 0 : index
    %get3A_82 = vector.load %arg2[%get3A_79, %get3A_80, %get3A_81] : memref<20x128x512xi32, #tpu.memory_space<vmem>>, vector<1x128x512xi32>
    %get3A_83 = vector.shape_cast %get3A_82 : vector<1x128x512xi32> to vector<128x512xi32>
    %shift_left3A_84 = arith.constant 16 : i32
    %shift_left3A_85 = vector.broadcast %shift_left3A_84 : i32 to vector<128x512xi32>
    %shift_left3A_86 = arith.shli %get3A_83, %shift_left3A_85 : vector<128x512xi32>
    %bitcast_convert_type3A_87 = tpu.bitcast %shift_left3A_86 : vector<128x512xi32> -> vector<128x512xf32>
    %and3A_88 = arith.constant -65536 : i32
    %and3A_89 = vector.broadcast %and3A_88 : i32 to vector<128x512xi32>
    %and3A_90 = arith.andi %get3A_83, %and3A_89 : vector<128x512xi32>
    %bitcast_convert_type3A_91 = tpu.bitcast %and3A_90 : vector<128x512xi32> -> vector<128x512xf32>
    %slice3A_92 = vector.extract_strided_slice %bitcast_convert_type3A_91 {offsets = [0, 0], sizes = [128, 488], strides = [1, 1]} : vector<128x512xf32> to vector<128x488xf32>
    %get3A_93 = arith.constant 0 : index
    %get3A_94 = arith.constant 1 : index
    %get3A_95 = arith.constant 0 : index
    %get3A_96 = vector.load %arg1[%get3A_93, %get3A_94, %get3A_95] : memref<128x20x128xbf16, #tpu.memory_space<vmem>>, vector<128x1x128xbf16>
    %get3A_97 = vector.shape_cast %get3A_96 : vector<128x1x128xbf16> to vector<128x128xbf16>
    %dot_general3A_98 = arith.constant dense<0.000000e+00> : vector<128x1024xf32>
    %dot_general3A_99 = tpu.matmul %get3A_97, %convert_element_type3A_48, %dot_general3A_98 {dimension_numbers = #tpu.dot_dimension_numbers<[1], [0], [0], [1], [0, 0, 1, 1], [], []>, transpose_lhs_hint = false} : vector<128x128xbf16>, vector<128x1024xbf16>, vector<128x1024xf32> -> vector<128x1024xf32>
    %convert_element_type3A_100 = arith.fptosi %dot_general3A_99 : vector<128x1024xf32> to vector<128x1024xi32>
    %and3A_101 = arith.constant 1 : i32
    %and3A_102 = vector.broadcast %and3A_101 : i32 to vector<128x1024xi32>
    %and3A_103 = arith.andi %convert_element_type3A_100, %and3A_102 : vector<128x1024xi32>
    %convert_element_type3A_104 = arith.sitofp %and3A_103 : vector<128x1024xi32> to vector<128x1024xf32>
    %slice3A_105 = vector.extract_strided_slice %convert_element_type3A_104 {offsets = [0, 0], sizes = [128, 512], strides = [1, 1]} : vector<128x1024xf32> to vector<128x512xf32>
    %mul3A_106 = arith.mulf %bitcast_convert_type3A_87, %slice3A_105 : vector<128x512xf32>
    %add3A_107 = arith.addf %add3A_75, %mul3A_106 : vector<128x512xf32>
    %slice3A_108 = vector.extract_strided_slice %convert_element_type3A_104 {offsets = [0, 512], sizes = [128, 488], strides = [1, 1]} : vector<128x1024xf32> to vector<128x488xf32>
    %mul3A_109 = arith.mulf %slice3A_92, %slice3A_108 : vector<128x488xf32>
    %add3A_110 = arith.addf %add3A_78, %mul3A_109 : vector<128x488xf32>
    %get3A_111 = arith.constant 2 : index
    %get3A_112 = arith.constant 0 : index
    %get3A_113 = arith.constant 0 : index
    %get3A_114 = vector.load %arg2[%get3A_111, %get3A_112, %get3A_113] : memref<20x128x512xi32, #tpu.memory_space<vmem>>, vector<1x128x512xi32>
    %get3A_115 = vector.shape_cast %get3A_114 : vector<1x128x512xi32> to vector<128x512xi32>
    %shift_left3A_116 = arith.constant 16 : i32
    %shift_left3A_117 = vector.broadcast %shift_left3A_116 : i32 to vector<128x512xi32>
    %shift_left3A_118 = arith.shli %get3A_115, %shift_left3A_117 : vector<128x512xi32>
    %bitcast_convert_type3A_119 = tpu.bitcast %shift_left3A_118 : vector<128x512xi32> -> vector<128x512xf32>
    %and3A_120 = arith.constant -65536 : i32
    %and3A_121 = vector.broadcast %and3A_120 : i32 to vector<128x512xi32>
    %and3A_122 = arith.andi %get3A_115, %and3A_121 : vector<128x512xi32>
    %bitcast_convert_type3A_123 = tpu.bitcast %and3A_122 : vector<128x512xi32> -> vector<128x512xf32>
    %slice3A_124 = vector.extract_strided_slice %bitcast_convert_type3A_123 {offsets = [0, 0], sizes = [128, 488], strides = [1, 1]} : vector<128x512xf32> to vector<128x488xf32>
    %get3A_125 = arith.constant 0 : index
    %get3A_126 = arith.constant 2 : index
    %get3A_127 = arith.constant 0 : index
    %get3A_128 = vector.load %arg1[%get3A_125, %get3A_126, %get3A_127] : memref<128x20x128xbf16, #tpu.memory_space<vmem>>, vector<128x1x128xbf16>
    %get3A_129 = vector.shape_cast %get3A_128 : vector<128x1x128xbf16> to vector<128x128xbf16>
    %dot_general3A_130 = arith.constant dense<0.000000e+00> : vector<128x1024xf32>
    %dot_general3A_131 = tpu.matmul %get3A_129, %convert_element_type3A_48, %dot_general3A_130 {dimension_numbers = #tpu.dot_dimension_numbers<[1], [0], [0], [1], [0, 0, 1, 1], [], []>, transpose_lhs_hint = false} : vector<128x128xbf16>, vector<128x1024xbf16>, vector<128x1024xf32> -> vector<128x1024xf32>
    %convert_element_type3A_132 = arith.fptosi %dot_general3A_131 : vector<128x1024xf32> to vector<128x1024xi32>
    %and3A_133 = arith.constant 1 : i32
    %and3A_134 = vector.broadcast %and3A_133 : i32 to vector<128x1024xi32>
    %and3A_135 = arith.andi %convert_element_type3A_132, %and3A_134 : vector<128x1024xi32>
    %convert_element_type3A_136 = arith.sitofp %and3A_135 : vector<128x1024xi32> to vector<128x1024xf32>
    %slice3A_137 = vector.extract_strided_slice %convert_element_type3A_136 {offsets = [0, 0], sizes = [128, 512], strides = [1, 1]} : vector<128x1024xf32> to vector<128x512xf32>
    %mul3A_138 = arith.mulf %bitcast_convert_type3A_119, %slice3A_137 : vector<128x512xf32>
    %add3A_139 = arith.addf %add3A_107, %mul3A_138 : vector<128x512xf32>
    %slice3A_140 = vector.extract_strided_slice %convert_element_type3A_136 {offsets = [0, 512], sizes = [128, 488], strides = [1, 1]} : vector<128x1024xf32> to vector<128x488xf32>
    %mul3A_141 = arith.mulf %slice3A_124, %slice3A_140 : vector<128x488xf32>
    %add3A_142 = arith.addf %add3A_110, %mul3A_141 : vector<128x488xf32>
    %get3A_143 = arith.constant 3 : index
    %get3A_144 = arith.constant 0 : index
    %get3A_145 = arith.constant 0 : index
    %get3A_146 = vector.load %arg2[%get3A_143, %get3A_144, %get3A_145] : memref<20x128x512xi32, #tpu.memory_space<vmem>>, vector<1x128x512xi32>
    %get3A_147 = vector.shape_cast %get3A_146 : vector<1x128x512xi32> to vector<128x512xi32>
    %shift_left3A_148 = arith.constant 16 : i32
    %shift_left3A_149 = vector.broadcast %shift_left3A_148 : i32 to vector<128x512xi32>
    %shift_left3A_150 = arith.shli %get3A_147, %shift_left3A_149 : vector<128x512xi32>
    %bitcast_convert_type3A_151 = tpu.bitcast %shift_left3A_150 : vector<128x512xi32> -> vector<128x512xf32>
    %and3A_152 = arith.constant -65536 : i32
    %and3A_153 = vector.broadcast %and3A_152 : i32 to vector<128x512xi32>
    %and3A_154 = arith.andi %get3A_147, %and3A_153 : vector<128x512xi32>
    %bitcast_convert_type3A_155 = tpu.bitcast %and3A_154 : vector<128x512xi32> -> vector<128x512xf32>
    %slice3A_156 = vector.extract_strided_slice %bitcast_convert_type3A_155 {offsets = [0, 0], sizes = [128, 488], strides = [1, 1]} : vector<128x512xf32> to vector<128x488xf32>
    %get3A_157 = arith.constant 0 : index
    %get3A_158 = arith.constant 3 : index
    %get3A_159 = arith.constant 0 : index
    %get3A_160 = vector.load %arg1[%get3A_157, %get3A_158, %get3A_159] : memref<128x20x128xbf16, #tpu.memory_space<vmem>>, vector<128x1x128xbf16>
    %get3A_161 = vector.shape_cast %get3A_160 : vector<128x1x128xbf16> to vector<128x128xbf16>
    %dot_general3A_162 = arith.constant dense<0.000000e+00> : vector<128x1024xf32>
    %dot_general3A_163 = tpu.matmul %get3A_161, %convert_element_type3A_48, %dot_general3A_162 {dimension_numbers = #tpu.dot_dimension_numbers<[1], [0], [0], [1], [0, 0, 1, 1], [], []>, transpose_lhs_hint = false} : vector<128x128xbf16>, vector<128x1024xbf16>, vector<128x1024xf32> -> vector<128x1024xf32>
    %convert_element_type3A_164 = arith.fptosi %dot_general3A_163 : vector<128x1024xf32> to vector<128x1024xi32>
    %and3A_165 = arith.constant 1 : i32
    %and3A_166 = vector.broadcast %and3A_165 : i32 to vector<128x1024xi32>
    %and3A_167 = arith.andi %convert_element_type3A_164, %and3A_166 : vector<128x1024xi32>
    %convert_element_type3A_168 = arith.sitofp %and3A_167 : vector<128x1024xi32> to vector<128x1024xf32>
    %slice3A_169 = vector.extract_strided_slice %convert_element_type3A_168 {offsets = [0, 0], sizes = [128, 512], strides = [1, 1]} : vector<128x1024xf32> to vector<128x512xf32>
    %mul3A_170 = arith.mulf %bitcast_convert_type3A_151, %slice3A_169 : vector<128x512xf32>
    %add3A_171 = arith.addf %add3A_139, %mul3A_170 : vector<128x512xf32>
    %slice3A_172 = vector.extract_strided_slice %convert_element_type3A_168 {offsets = [0, 512], sizes = [128, 488], strides = [1, 1]} : vector<128x1024xf32> to vector<128x488xf32>
    %mul3A_173 = arith.mulf %slice3A_156, %slice3A_172 : vector<128x488xf32>
    %add3A_174 = arith.addf %add3A_142, %mul3A_173 : vector<128x488xf32>
    %get3A_175 = arith.constant 4 : index
    %get3A_176 = arith.constant 0 : index
    %get3A_177 = arith.constant 0 : index
    %get3A_178 = vector.load %arg2[%get3A_175, %get3A_176, %get3A_177] : memref<20x128x512xi32, #tpu.memory_space<vmem>>, vector<1x128x512xi32>
    %get3A_179 = vector.shape_cast %get3A_178 : vector<1x128x512xi32> to vector<128x512xi32>
    %shift_left3A_180 = arith.constant 16 : i32
    %shift_left3A_181 = vector.broadcast %shift_left3A_180 : i32 to vector<128x512xi32>
    %shift_left3A_182 = arith.shli %get3A_179, %shift_left3A_181 : vector<128x512xi32>
    %bitcast_convert_type3A_183 = tpu.bitcast %shift_left3A_182 : vector<128x512xi32> -> vector<128x512xf32>
    %and3A_184 = arith.constant -65536 : i32
    %and3A_185 = vector.broadcast %and3A_184 : i32 to vector<128x512xi32>
    %and3A_186 = arith.andi %get3A_179, %and3A_185 : vector<128x512xi32>
    %bitcast_convert_type3A_187 = tpu.bitcast %and3A_186 : vector<128x512xi32> -> vector<128x512xf32>
    %slice3A_188 = vector.extract_strided_slice %bitcast_convert_type3A_187 {offsets = [0, 0], sizes = [128, 488], strides = [1, 1]} : vector<128x512xf32> to vector<128x488xf32>
    %get3A_189 = arith.constant 0 : index
    %get3A_190 = arith.constant 4 : index
    %get3A_191 = arith.constant 0 : index
    %get3A_192 = vector.load %arg1[%get3A_189, %get3A_190, %get3A_191] : memref<128x20x128xbf16, #tpu.memory_space<vmem>>, vector<128x1x128xbf16>
    %get3A_193 = vector.shape_cast %get3A_192 : vector<128x1x128xbf16> to vector<128x128xbf16>
    %dot_general3A_194 = arith.constant dense<0.000000e+00> : vector<128x1024xf32>
    %dot_general3A_195 = tpu.matmul %get3A_193, %convert_element_type3A_48, %dot_general3A_194 {dimension_numbers = #tpu.dot_dimension_numbers<[1], [0], [0], [1], [0, 0, 1, 1], [], []>, transpose_lhs_hint = false} : vector<128x128xbf16>, vector<128x1024xbf16>, vector<128x1024xf32> -> vector<128x1024xf32>
    %convert_element_type3A_196 = arith.fptosi %dot_general3A_195 : vector<128x1024xf32> to vector<128x1024xi32>
    %and3A_197 = arith.constant 1 : i32
    %and3A_198 = vector.broadcast %and3A_197 : i32 to vector<128x1024xi32>
    %and3A_199 = arith.andi %convert_element_type3A_196, %and3A_198 : vector<128x1024xi32>
    %convert_element_type3A_200 = arith.sitofp %and3A_199 : vector<128x1024xi32> to vector<128x1024xf32>
    %slice3A_201 = vector.extract_strided_slice %convert_element_type3A_200 {offsets = [0, 0], sizes = [128, 512], strides = [1, 1]} : vector<128x1024xf32> to vector<128x512xf32>
    %mul3A_202 = arith.mulf %bitcast_convert_type3A_183, %slice3A_201 : vector<128x512xf32>
    %add3A_203 = arith.addf %add3A_171, %mul3A_202 : vector<128x512xf32>
    %slice3A_204 = vector.extract_strided_slice %convert_element_type3A_200 {offsets = [0, 512], sizes = [128, 488], strides = [1, 1]} : vector<128x1024xf32> to vector<128x488xf32>
    %mul3A_205 = arith.mulf %slice3A_188, %slice3A_204 : vector<128x488xf32>
    %add3A_206 = arith.addf %add3A_174, %mul3A_205 : vector<128x488xf32>
    %get3A_207 = arith.constant 5 : index
    %get3A_208 = arith.constant 0 : index
    %get3A_209 = arith.constant 0 : index
    %get3A_210 = vector.load %arg2[%get3A_207, %get3A_208, %get3A_209] : memref<20x128x512xi32, #tpu.memory_space<vmem>>, vector<1x128x512xi32>
    %get3A_211 = vector.shape_cast %get3A_210 : vector<1x128x512xi32> to vector<128x512xi32>
    %shift_left3A_212 = arith.constant 16 : i32
    %shift_left3A_213 = vector.broadcast %shift_left3A_212 : i32 to vector<128x512xi32>
    %shift_left3A_214 = arith.shli %get3A_211, %shift_left3A_213 : vector<128x512xi32>
    %bitcast_convert_type3A_215 = tpu.bitcast %shift_left3A_214 : vector<128x512xi32> -> vector<128x512xf32>
    %and3A_216 = arith.constant -65536 : i32
    %and3A_217 = vector.broadcast %and3A_216 : i32 to vector<128x512xi32>
    %and3A_218 = arith.andi %get3A_211, %and3A_217 : vector<128x512xi32>
    %bitcast_convert_type3A_219 = tpu.bitcast %and3A_218 : vector<128x512xi32> -> vector<128x512xf32>
    %slice3A_220 = vector.extract_strided_slice %bitcast_convert_type3A_219 {offsets = [0, 0], sizes = [128, 488], strides = [1, 1]} : vector<128x512xf32> to vector<128x488xf32>
    %get3A_221 = arith.constant 0 : index
    %get3A_222 = arith.constant 5 : index
    %get3A_223 = arith.constant 0 : index
    %get3A_224 = vector.load %arg1[%get3A_221, %get3A_222, %get3A_223] : memref<128x20x128xbf16, #tpu.memory_space<vmem>>, vector<128x1x128xbf16>
    %get3A_225 = vector.shape_cast %get3A_224 : vector<128x1x128xbf16> to vector<128x128xbf16>
    %dot_general3A_226 = arith.constant dense<0.000000e+00> : vector<128x1024xf32>
    %dot_general3A_227 = tpu.matmul %get3A_225, %convert_element_type3A_48, %dot_general3A_226 {dimension_numbers = #tpu.dot_dimension_numbers<[1], [0], [0], [1], [0, 0, 1, 1], [], []>, transpose_lhs_hint = false} : vector<128x128xbf16>, vector<128x1024xbf16>, vector<128x1024xf32> -> vector<128x1024xf32>
    %convert_element_type3A_228 = arith.fptosi %dot_general3A_227 : vector<128x1024xf32> to vector<128x1024xi32>
    %and3A_229 = arith.constant 1 : i32
    %and3A_230 = vector.broadcast %and3A_229 : i32 to vector<128x1024xi32>
    %and3A_231 = arith.andi %convert_element_type3A_228, %and3A_230 : vector<128x1024xi32>
    %convert_element_type3A_232 = arith.sitofp %and3A_231 : vector<128x1024xi32> to vector<128x1024xf32>
    %slice3A_233 = vector.extract_strided_slice %convert_element_type3A_232 {offsets = [0, 0], sizes = [128, 512], strides = [1, 1]} : vector<128x1024xf32> to vector<128x512xf32>
    %mul3A_234 = arith.mulf %bitcast_convert_type3A_215, %slice3A_233 : vector<128x512xf32>
    %add3A_235 = arith.addf %add3A_203, %mul3A_234 : vector<128x512xf32>
    %slice3A_236 = vector.extract_strided_slice %convert_element_type3A_232 {offsets = [0, 512], sizes = [128, 488], strides = [1, 1]} : vector<128x1024xf32> to vector<128x488xf32>
    %mul3A_237 = arith.mulf %slice3A_220, %slice3A_236 : vector<128x488xf32>
    %add3A_238 = arith.addf %add3A_206, %mul3A_237 : vector<128x488xf32>
    %get3A_239 = arith.constant 6 : index
    %get3A_240 = arith.constant 0 : index
    %get3A_241 = arith.constant 0 : index
    %get3A_242 = vector.load %arg2[%get3A_239, %get3A_240, %get3A_241] : memref<20x128x512xi32, #tpu.memory_space<vmem>>, vector<1x128x512xi32>
    %get3A_243 = vector.shape_cast %get3A_242 : vector<1x128x512xi32> to vector<128x512xi32>
    %shift_left3A_244 = arith.constant 16 : i32
    %shift_left3A_245 = vector.broadcast %shift_left3A_244 : i32 to vector<128x512xi32>
    %shift_left3A_246 = arith.shli %get3A_243, %shift_left3A_245 : vector<128x512xi32>
    %bitcast_convert_type3A_247 = tpu.bitcast %shift_left3A_246 : vector<128x512xi32> -> vector<128x512xf32>
    %and3A_248 = arith.constant -65536 : i32
    %and3A_249 = vector.broadcast %and3A_248 : i32 to vector<128x512xi32>
    %and3A_250 = arith.andi %get3A_243, %and3A_249 : vector<128x512xi32>
    %bitcast_convert_type3A_251 = tpu.bitcast %and3A_250 : vector<128x512xi32> -> vector<128x512xf32>
    %slice3A_252 = vector.extract_strided_slice %bitcast_convert_type3A_251 {offsets = [0, 0], sizes = [128, 488], strides = [1, 1]} : vector<128x512xf32> to vector<128x488xf32>
    %get3A_253 = arith.constant 0 : index
    %get3A_254 = arith.constant 6 : index
    %get3A_255 = arith.constant 0 : index
    %get3A_256 = vector.load %arg1[%get3A_253, %get3A_254, %get3A_255] : memref<128x20x128xbf16, #tpu.memory_space<vmem>>, vector<128x1x128xbf16>
    %get3A_257 = vector.shape_cast %get3A_256 : vector<128x1x128xbf16> to vector<128x128xbf16>
    %dot_general3A_258 = arith.constant dense<0.000000e+00> : vector<128x1024xf32>
    %dot_general3A_259 = tpu.matmul %get3A_257, %convert_element_type3A_48, %dot_general3A_258 {dimension_numbers = #tpu.dot_dimension_numbers<[1], [0], [0], [1], [0, 0, 1, 1], [], []>, transpose_lhs_hint = false} : vector<128x128xbf16>, vector<128x1024xbf16>, vector<128x1024xf32> -> vector<128x1024xf32>
    %convert_element_type3A_260 = arith.fptosi %dot_general3A_259 : vector<128x1024xf32> to vector<128x1024xi32>
    %and3A_261 = arith.constant 1 : i32
    %and3A_262 = vector.broadcast %and3A_261 : i32 to vector<128x1024xi32>
    %and3A_263 = arith.andi %convert_element_type3A_260, %and3A_262 : vector<128x1024xi32>
    %convert_element_type3A_264 = arith.sitofp %and3A_263 : vector<128x1024xi32> to vector<128x1024xf32>
    %slice3A_265 = vector.extract_strided_slice %convert_element_type3A_264 {offsets = [0, 0], sizes = [128, 512], strides = [1, 1]} : vector<128x1024xf32> to vector<128x512xf32>
    %mul3A_266 = arith.mulf %bitcast_convert_type3A_247, %slice3A_265 : vector<128x512xf32>
    %add3A_267 = arith.addf %add3A_235, %mul3A_266 : vector<128x512xf32>
    %slice3A_268 = vector.extract_strided_slice %convert_element_type3A_264 {offsets = [0, 512], sizes = [128, 488], strides = [1, 1]} : vector<128x1024xf32> to vector<128x488xf32>
    %mul3A_269 = arith.mulf %slice3A_252, %slice3A_268 : vector<128x488xf32>
    %add3A_270 = arith.addf %add3A_238, %mul3A_269 : vector<128x488xf32>
    %get3A_271 = arith.constant 7 : index
    %get3A_272 = arith.constant 0 : index
    %get3A_273 = arith.constant 0 : index
    %get3A_274 = vector.load %arg2[%get3A_271, %get3A_272, %get3A_273] : memref<20x128x512xi32, #tpu.memory_space<vmem>>, vector<1x128x512xi32>
    %get3A_275 = vector.shape_cast %get3A_274 : vector<1x128x512xi32> to vector<128x512xi32>
    %shift_left3A_276 = arith.constant 16 : i32
    %shift_left3A_277 = vector.broadcast %shift_left3A_276 : i32 to vector<128x512xi32>
    %shift_left3A_278 = arith.shli %get3A_275, %shift_left3A_277 : vector<128x512xi32>
    %bitcast_convert_type3A_279 = tpu.bitcast %shift_left3A_278 : vector<128x512xi32> -> vector<128x512xf32>
    %and3A_280 = arith.constant -65536 : i32
    %and3A_281 = vector.broadcast %and3A_280 : i32 to vector<128x512xi32>
    %and3A_282 = arith.andi %get3A_275, %and3A_281 : vector<128x512xi32>
    %bitcast_convert_type3A_283 = tpu.bitcast %and3A_282 : vector<128x512xi32> -> vector<128x512xf32>
    %slice3A_284 = vector.extract_strided_slice %bitcast_convert_type3A_283 {offsets = [0, 0], sizes = [128, 488], strides = [1, 1]} : vector<128x512xf32> to vector<128x488xf32>
    %get3A_285 = arith.constant 0 : index
    %get3A_286 = arith.constant 7 : index
    %get3A_287 = arith.constant 0 : index
    %get3A_288 = vector.load %arg1[%get3A_285, %get3A_286, %get3A_287] : memref<128x20x128xbf16, #tpu.memory_space<vmem>>, vector<128x1x128xbf16>
    %get3A_289 = vector.shape_cast %get3A_288 : vector<128x1x128xbf16> to vector<128x128xbf16>
    %dot_general3A_290 = arith.constant dense<0.000000e+00> : vector<128x1024xf32>
    %dot_general3A_291 = tpu.matmul %get3A_289, %convert_element_type3A_48, %dot_general3A_290 {dimension_numbers = #tpu.dot_dimension_numbers<[1], [0], [0], [1], [0, 0, 1, 1], [], []>, transpose_lhs_hint = false} : vector<128x128xbf16>, vector<128x1024xbf16>, vector<128x1024xf32> -> vector<128x1024xf32>
    %convert_element_type3A_292 = arith.fptosi %dot_general3A_291 : vector<128x1024xf32> to vector<128x1024xi32>
    %and3A_293 = arith.constant 1 : i32
    %and3A_294 = vector.broadcast %and3A_293 : i32 to vector<128x1024xi32>
    %and3A_295 = arith.andi %convert_element_type3A_292, %and3A_294 : vector<128x1024xi32>
    %convert_element_type3A_296 = arith.sitofp %and3A_295 : vector<128x1024xi32> to vector<128x1024xf32>
    %slice3A_297 = vector.extract_strided_slice %convert_element_type3A_296 {offsets = [0, 0], sizes = [128, 512], strides = [1, 1]} : vector<128x1024xf32> to vector<128x512xf32>
    %mul3A_298 = arith.mulf %bitcast_convert_type3A_279, %slice3A_297 : vector<128x512xf32>
    %add3A_299 = arith.addf %add3A_267, %mul3A_298 : vector<128x512xf32>
    %slice3A_300 = vector.extract_strided_slice %convert_element_type3A_296 {offsets = [0, 512], sizes = [128, 488], strides = [1, 1]} : vector<128x1024xf32> to vector<128x488xf32>
    %mul3A_301 = arith.mulf %slice3A_284, %slice3A_300 : vector<128x488xf32>
    %add3A_302 = arith.addf %add3A_270, %mul3A_301 : vector<128x488xf32>
    %get3A_303 = arith.constant 8 : index
    %get3A_304 = arith.constant 0 : index
    %get3A_305 = arith.constant 0 : index
    %get3A_306 = vector.load %arg2[%get3A_303, %get3A_304, %get3A_305] : memref<20x128x512xi32, #tpu.memory_space<vmem>>, vector<1x128x512xi32>
    %get3A_307 = vector.shape_cast %get3A_306 : vector<1x128x512xi32> to vector<128x512xi32>
    %shift_left3A_308 = arith.constant 16 : i32
    %shift_left3A_309 = vector.broadcast %shift_left3A_308 : i32 to vector<128x512xi32>
    %shift_left3A_310 = arith.shli %get3A_307, %shift_left3A_309 : vector<128x512xi32>
    %bitcast_convert_type3A_311 = tpu.bitcast %shift_left3A_310 : vector<128x512xi32> -> vector<128x512xf32>
    %and3A_312 = arith.constant -65536 : i32
    %and3A_313 = vector.broadcast %and3A_312 : i32 to vector<128x512xi32>
    %and3A_314 = arith.andi %get3A_307, %and3A_313 : vector<128x512xi32>
    %bitcast_convert_type3A_315 = tpu.bitcast %and3A_314 : vector<128x512xi32> -> vector<128x512xf32>
    %slice3A_316 = vector.extract_strided_slice %bitcast_convert_type3A_315 {offsets = [0, 0], sizes = [128, 488], strides = [1, 1]} : vector<128x512xf32> to vector<128x488xf32>
    %get3A_317 = arith.constant 0 : index
    %get3A_318 = arith.constant 8 : index
    %get3A_319 = arith.constant 0 : index
    %get3A_320 = vector.load %arg1[%get3A_317, %get3A_318, %get3A_319] : memref<128x20x128xbf16, #tpu.memory_space<vmem>>, vector<128x1x128xbf16>
    %get3A_321 = vector.shape_cast %get3A_320 : vector<128x1x128xbf16> to vector<128x128xbf16>
    %dot_general3A_322 = arith.constant dense<0.000000e+00> : vector<128x1024xf32>
    %dot_general3A_323 = tpu.matmul %get3A_321, %convert_element_type3A_48, %dot_general3A_322 {dimension_numbers = #tpu.dot_dimension_numbers<[1], [0], [0], [1], [0, 0, 1, 1], [], []>, transpose_lhs_hint = false} : vector<128x128xbf16>, vector<128x1024xbf16>, vector<128x1024xf32> -> vector<128x1024xf32>
    %convert_element_type3A_324 = arith.fptosi %dot_general3A_323 : vector<128x1024xf32> to vector<128x1024xi32>
    %and3A_325 = arith.constant 1 : i32
    %and3A_326 = vector.broadcast %and3A_325 : i32 to vector<128x1024xi32>
    %and3A_327 = arith.andi %convert_element_type3A_324, %and3A_326 : vector<128x1024xi32>
    %convert_element_type3A_328 = arith.sitofp %and3A_327 : vector<128x1024xi32> to vector<128x1024xf32>
    %slice3A_329 = vector.extract_strided_slice %convert_element_type3A_328 {offsets = [0, 0], sizes = [128, 512], strides = [1, 1]} : vector<128x1024xf32> to vector<128x512xf32>
    %mul3A_330 = arith.mulf %bitcast_convert_type3A_311, %slice3A_329 : vector<128x512xf32>
    %add3A_331 = arith.addf %add3A_299, %mul3A_330 : vector<128x512xf32>
    %slice3A_332 = vector.extract_strided_slice %convert_element_type3A_328 {offsets = [0, 512], sizes = [128, 488], strides = [1, 1]} : vector<128x1024xf32> to vector<128x488xf32>
    %mul3A_333 = arith.mulf %slice3A_316, %slice3A_332 : vector<128x488xf32>
    %add3A_334 = arith.addf %add3A_302, %mul3A_333 : vector<128x488xf32>
    %get3A_335 = arith.constant 9 : index
    %get3A_336 = arith.constant 0 : index
    %get3A_337 = arith.constant 0 : index
    %get3A_338 = vector.load %arg2[%get3A_335, %get3A_336, %get3A_337] : memref<20x128x512xi32, #tpu.memory_space<vmem>>, vector<1x128x512xi32>
    %get3A_339 = vector.shape_cast %get3A_338 : vector<1x128x512xi32> to vector<128x512xi32>
    %shift_left3A_340 = arith.constant 16 : i32
    %shift_left3A_341 = vector.broadcast %shift_left3A_340 : i32 to vector<128x512xi32>
    %shift_left3A_342 = arith.shli %get3A_339, %shift_left3A_341 : vector<128x512xi32>
    %bitcast_convert_type3A_343 = tpu.bitcast %shift_left3A_342 : vector<128x512xi32> -> vector<128x512xf32>
    %and3A_344 = arith.constant -65536 : i32
    %and3A_345 = vector.broadcast %and3A_344 : i32 to vector<128x512xi32>
    %and3A_346 = arith.andi %get3A_339, %and3A_345 : vector<128x512xi32>
    %bitcast_convert_type3A_347 = tpu.bitcast %and3A_346 : vector<128x512xi32> -> vector<128x512xf32>
    %slice3A_348 = vector.extract_strided_slice %bitcast_convert_type3A_347 {offsets = [0, 0], sizes = [128, 488], strides = [1, 1]} : vector<128x512xf32> to vector<128x488xf32>
    %get3A_349 = arith.constant 0 : index
    %get3A_350 = arith.constant 9 : index
    %get3A_351 = arith.constant 0 : index
    %get3A_352 = vector.load %arg1[%get3A_349, %get3A_350, %get3A_351] : memref<128x20x128xbf16, #tpu.memory_space<vmem>>, vector<128x1x128xbf16>
    %get3A_353 = vector.shape_cast %get3A_352 : vector<128x1x128xbf16> to vector<128x128xbf16>
    %dot_general3A_354 = arith.constant dense<0.000000e+00> : vector<128x1024xf32>
    %dot_general3A_355 = tpu.matmul %get3A_353, %convert_element_type3A_48, %dot_general3A_354 {dimension_numbers = #tpu.dot_dimension_numbers<[1], [0], [0], [1], [0, 0, 1, 1], [], []>, transpose_lhs_hint = false} : vector<128x128xbf16>, vector<128x1024xbf16>, vector<128x1024xf32> -> vector<128x1024xf32>
    %convert_element_type3A_356 = arith.fptosi %dot_general3A_355 : vector<128x1024xf32> to vector<128x1024xi32>
    %and3A_357 = arith.constant 1 : i32
    %and3A_358 = vector.broadcast %and3A_357 : i32 to vector<128x1024xi32>
    %and3A_359 = arith.andi %convert_element_type3A_356, %and3A_358 : vector<128x1024xi32>
    %convert_element_type3A_360 = arith.sitofp %and3A_359 : vector<128x1024xi32> to vector<128x1024xf32>
    %slice3A_361 = vector.extract_strided_slice %convert_element_type3A_360 {offsets = [0, 0], sizes = [128, 512], strides = [1, 1]} : vector<128x1024xf32> to vector<128x512xf32>
    %mul3A_362 = arith.mulf %bitcast_convert_type3A_343, %slice3A_361 : vector<128x512xf32>
    %add3A_363 = arith.addf %add3A_331, %mul3A_362 : vector<128x512xf32>
    %slice3A_364 = vector.extract_strided_slice %convert_element_type3A_360 {offsets = [0, 512], sizes = [128, 488], strides = [1, 1]} : vector<128x1024xf32> to vector<128x488xf32>
    %mul3A_365 = arith.mulf %slice3A_348, %slice3A_364 : vector<128x488xf32>
    %add3A_366 = arith.addf %add3A_334, %mul3A_365 : vector<128x488xf32>
    %get3A_367 = arith.constant 10 : index
    %get3A_368 = arith.constant 0 : index
    %get3A_369 = arith.constant 0 : index
    %get3A_370 = vector.load %arg2[%get3A_367, %get3A_368, %get3A_369] : memref<20x128x512xi32, #tpu.memory_space<vmem>>, vector<1x128x512xi32>
    %get3A_371 = vector.shape_cast %get3A_370 : vector<1x128x512xi32> to vector<128x512xi32>
    %shift_left3A_372 = arith.constant 16 : i32
    %shift_left3A_373 = vector.broadcast %shift_left3A_372 : i32 to vector<128x512xi32>
    %shift_left3A_374 = arith.shli %get3A_371, %shift_left3A_373 : vector<128x512xi32>
    %bitcast_convert_type3A_375 = tpu.bitcast %shift_left3A_374 : vector<128x512xi32> -> vector<128x512xf32>
    %and3A_376 = arith.constant -65536 : i32
    %and3A_377 = vector.broadcast %and3A_376 : i32 to vector<128x512xi32>
    %and3A_378 = arith.andi %get3A_371, %and3A_377 : vector<128x512xi32>
    %bitcast_convert_type3A_379 = tpu.bitcast %and3A_378 : vector<128x512xi32> -> vector<128x512xf32>
    %slice3A_380 = vector.extract_strided_slice %bitcast_convert_type3A_379 {offsets = [0, 0], sizes = [128, 488], strides = [1, 1]} : vector<128x512xf32> to vector<128x488xf32>
    %get3A_381 = arith.constant 0 : index
    %get3A_382 = arith.constant 10 : index
    %get3A_383 = arith.constant 0 : index
    %get3A_384 = vector.load %arg1[%get3A_381, %get3A_382, %get3A_383] : memref<128x20x128xbf16, #tpu.memory_space<vmem>>, vector<128x1x128xbf16>
    %get3A_385 = vector.shape_cast %get3A_384 : vector<128x1x128xbf16> to vector<128x128xbf16>
    %dot_general3A_386 = arith.constant dense<0.000000e+00> : vector<128x1024xf32>
    %dot_general3A_387 = tpu.matmul %get3A_385, %convert_element_type3A_48, %dot_general3A_386 {dimension_numbers = #tpu.dot_dimension_numbers<[1], [0], [0], [1], [0, 0, 1, 1], [], []>, transpose_lhs_hint = false} : vector<128x128xbf16>, vector<128x1024xbf16>, vector<128x1024xf32> -> vector<128x1024xf32>
    %convert_element_type3A_388 = arith.fptosi %dot_general3A_387 : vector<128x1024xf32> to vector<128x1024xi32>
    %and3A_389 = arith.constant 1 : i32
    %and3A_390 = vector.broadcast %and3A_389 : i32 to vector<128x1024xi32>
    %and3A_391 = arith.andi %convert_element_type3A_388, %and3A_390 : vector<128x1024xi32>
    %convert_element_type3A_392 = arith.sitofp %and3A_391 : vector<128x1024xi32> to vector<128x1024xf32>
    %slice3A_393 = vector.extract_strided_slice %convert_element_type3A_392 {offsets = [0, 0], sizes = [128, 512], strides = [1, 1]} : vector<128x1024xf32> to vector<128x512xf32>
    %mul3A_394 = arith.mulf %bitcast_convert_type3A_375, %slice3A_393 : vector<128x512xf32>
    %add3A_395 = arith.addf %add3A_363, %mul3A_394 : vector<128x512xf32>
    %slice3A_396 = vector.extract_strided_slice %convert_element_type3A_392 {offsets = [0, 512], sizes = [128, 488], strides = [1, 1]} : vector<128x1024xf32> to vector<128x488xf32>
    %mul3A_397 = arith.mulf %slice3A_380, %slice3A_396 : vector<128x488xf32>
    %add3A_398 = arith.addf %add3A_366, %mul3A_397 : vector<128x488xf32>
    %get3A_399 = arith.constant 11 : index
    %get3A_400 = arith.constant 0 : index
    %get3A_401 = arith.constant 0 : index
    %get3A_402 = vector.load %arg2[%get3A_399, %get3A_400, %get3A_401] : memref<20x128x512xi32, #tpu.memory_space<vmem>>, vector<1x128x512xi32>
    %get3A_403 = vector.shape_cast %get3A_402 : vector<1x128x512xi32> to vector<128x512xi32>
    %shift_left3A_404 = arith.constant 16 : i32
    %shift_left3A_405 = vector.broadcast %shift_left3A_404 : i32 to vector<128x512xi32>
    %shift_left3A_406 = arith.shli %get3A_403, %shift_left3A_405 : vector<128x512xi32>
    %bitcast_convert_type3A_407 = tpu.bitcast %shift_left3A_406 : vector<128x512xi32> -> vector<128x512xf32>
    %and3A_408 = arith.constant -65536 : i32
    %and3A_409 = vector.broadcast %and3A_408 : i32 to vector<128x512xi32>
    %and3A_410 = arith.andi %get3A_403, %and3A_409 : vector<128x512xi32>
    %bitcast_convert_type3A_411 = tpu.bitcast %and3A_410 : vector<128x512xi32> -> vector<128x512xf32>
    %slice3A_412 = vector.extract_strided_slice %bitcast_convert_type3A_411 {offsets = [0, 0], sizes = [128, 488], strides = [1, 1]} : vector<128x512xf32> to vector<128x488xf32>
    %get3A_413 = arith.constant 0 : index
    %get3A_414 = arith.constant 11 : index
    %get3A_415 = arith.constant 0 : index
    %get3A_416 = vector.load %arg1[%get3A_413, %get3A_414, %get3A_415] : memref<128x20x128xbf16, #tpu.memory_space<vmem>>, vector<128x1x128xbf16>
    %get3A_417 = vector.shape_cast %get3A_416 : vector<128x1x128xbf16> to vector<128x128xbf16>
    %dot_general3A_418 = arith.constant dense<0.000000e+00> : vector<128x1024xf32>
    %dot_general3A_419 = tpu.matmul %get3A_417, %convert_element_type3A_48, %dot_general3A_418 {dimension_numbers = #tpu.dot_dimension_numbers<[1], [0], [0], [1], [0, 0, 1, 1], [], []>, transpose_lhs_hint = false} : vector<128x128xbf16>, vector<128x1024xbf16>, vector<128x1024xf32> -> vector<128x1024xf32>
    %convert_element_type3A_420 = arith.fptosi %dot_general3A_419 : vector<128x1024xf32> to vector<128x1024xi32>
    %and3A_421 = arith.constant 1 : i32
    %and3A_422 = vector.broadcast %and3A_421 : i32 to vector<128x1024xi32>
    %and3A_423 = arith.andi %convert_element_type3A_420, %and3A_422 : vector<128x1024xi32>
    %convert_element_type3A_424 = arith.sitofp %and3A_423 : vector<128x1024xi32> to vector<128x1024xf32>
    %slice3A_425 = vector.extract_strided_slice %convert_element_type3A_424 {offsets = [0, 0], sizes = [128, 512], strides = [1, 1]} : vector<128x1024xf32> to vector<128x512xf32>
    %mul3A_426 = arith.mulf %bitcast_convert_type3A_407, %slice3A_425 : vector<128x512xf32>
    %add3A_427 = arith.addf %add3A_395, %mul3A_426 : vector<128x512xf32>
    %slice3A_428 = vector.extract_strided_slice %convert_element_type3A_424 {offsets = [0, 512], sizes = [128, 488], strides = [1, 1]} : vector<128x1024xf32> to vector<128x488xf32>
    %mul3A_429 = arith.mulf %slice3A_412, %slice3A_428 : vector<128x488xf32>
    %add3A_430 = arith.addf %add3A_398, %mul3A_429 : vector<128x488xf32>
    %get3A_431 = arith.constant 12 : index
    %get3A_432 = arith.constant 0 : index
    %get3A_433 = arith.constant 0 : index
    %get3A_434 = vector.load %arg2[%get3A_431, %get3A_432, %get3A_433] : memref<20x128x512xi32, #tpu.memory_space<vmem>>, vector<1x128x512xi32>
    %get3A_435 = vector.shape_cast %get3A_434 : vector<1x128x512xi32> to vector<128x512xi32>
    %shift_left3A_436 = arith.constant 16 : i32
    %shift_left3A_437 = vector.broadcast %shift_left3A_436 : i32 to vector<128x512xi32>
    %shift_left3A_438 = arith.shli %get3A_435, %shift_left3A_437 : vector<128x512xi32>
    %bitcast_convert_type3A_439 = tpu.bitcast %shift_left3A_438 : vector<128x512xi32> -> vector<128x512xf32>
    %and3A_440 = arith.constant -65536 : i32
    %and3A_441 = vector.broadcast %and3A_440 : i32 to vector<128x512xi32>
    %and3A_442 = arith.andi %get3A_435, %and3A_441 : vector<128x512xi32>
    %bitcast_convert_type3A_443 = tpu.bitcast %and3A_442 : vector<128x512xi32> -> vector<128x512xf32>
    %slice3A_444 = vector.extract_strided_slice %bitcast_convert_type3A_443 {offsets = [0, 0], sizes = [128, 488], strides = [1, 1]} : vector<128x512xf32> to vector<128x488xf32>
    %get3A_445 = arith.constant 0 : index
    %get3A_446 = arith.constant 12 : index
    %get3A_447 = arith.constant 0 : index
    %get3A_448 = vector.load %arg1[%get3A_445, %get3A_446, %get3A_447] : memref<128x20x128xbf16, #tpu.memory_space<vmem>>, vector<128x1x128xbf16>
    %get3A_449 = vector.shape_cast %get3A_448 : vector<128x1x128xbf16> to vector<128x128xbf16>
    %dot_general3A_450 = arith.constant dense<0.000000e+00> : vector<128x1024xf32>
    %dot_general3A_451 = tpu.matmul %get3A_449, %convert_element_type3A_48, %dot_general3A_450 {dimension_numbers = #tpu.dot_dimension_numbers<[1], [0], [0], [1], [0, 0, 1, 1], [], []>, transpose_lhs_hint = false} : vector<128x128xbf16>, vector<128x1024xbf16>, vector<128x1024xf32> -> vector<128x1024xf32>
    %convert_element_type3A_452 = arith.fptosi %dot_general3A_451 : vector<128x1024xf32> to vector<128x1024xi32>
    %and3A_453 = arith.constant 1 : i32
    %and3A_454 = vector.broadcast %and3A_453 : i32 to vector<128x1024xi32>
    %and3A_455 = arith.andi %convert_element_type3A_452, %and3A_454 : vector<128x1024xi32>
    %convert_element_type3A_456 = arith.sitofp %and3A_455 : vector<128x1024xi32> to vector<128x1024xf32>
    %slice3A_457 = vector.extract_strided_slice %convert_element_type3A_456 {offsets = [0, 0], sizes = [128, 512], strides = [1, 1]} : vector<128x1024xf32> to vector<128x512xf32>
    %mul3A_458 = arith.mulf %bitcast_convert_type3A_439, %slice3A_457 : vector<128x512xf32>
    %add3A_459 = arith.addf %add3A_427, %mul3A_458 : vector<128x512xf32>
    %slice3A_460 = vector.extract_strided_slice %convert_element_type3A_456 {offsets = [0, 512], sizes = [128, 488], strides = [1, 1]} : vector<128x1024xf32> to vector<128x488xf32>
    %mul3A_461 = arith.mulf %slice3A_444, %slice3A_460 : vector<128x488xf32>
    %add3A_462 = arith.addf %add3A_430, %mul3A_461 : vector<128x488xf32>
    %get3A_463 = arith.constant 13 : index
    %get3A_464 = arith.constant 0 : index
    %get3A_465 = arith.constant 0 : index
    %get3A_466 = vector.load %arg2[%get3A_463, %get3A_464, %get3A_465] : memref<20x128x512xi32, #tpu.memory_space<vmem>>, vector<1x128x512xi32>
    %get3A_467 = vector.shape_cast %get3A_466 : vector<1x128x512xi32> to vector<128x512xi32>
    %shift_left3A_468 = arith.constant 16 : i32
    %shift_left3A_469 = vector.broadcast %shift_left3A_468 : i32 to vector<128x512xi32>
    %shift_left3A_470 = arith.shli %get3A_467, %shift_left3A_469 : vector<128x512xi32>
    %bitcast_convert_type3A_471 = tpu.bitcast %shift_left3A_470 : vector<128x512xi32> -> vector<128x512xf32>
    %and3A_472 = arith.constant -65536 : i32
    %and3A_473 = vector.broadcast %and3A_472 : i32 to vector<128x512xi32>
    %and3A_474 = arith.andi %get3A_467, %and3A_473 : vector<128x512xi32>
    %bitcast_convert_type3A_475 = tpu.bitcast %and3A_474 : vector<128x512xi32> -> vector<128x512xf32>
    %slice3A_476 = vector.extract_strided_slice %bitcast_convert_type3A_475 {offsets = [0, 0], sizes = [128, 488], strides = [1, 1]} : vector<128x512xf32> to vector<128x488xf32>
    %get3A_477 = arith.constant 0 : index
    %get3A_478 = arith.constant 13 : index
    %get3A_479 = arith.constant 0 : index
    %get3A_480 = vector.load %arg1[%get3A_477, %get3A_478, %get3A_479] : memref<128x20x128xbf16, #tpu.memory_space<vmem>>, vector<128x1x128xbf16>
    %get3A_481 = vector.shape_cast %get3A_480 : vector<128x1x128xbf16> to vector<128x128xbf16>
    %dot_general3A_482 = arith.constant dense<0.000000e+00> : vector<128x1024xf32>
    %dot_general3A_483 = tpu.matmul %get3A_481, %convert_element_type3A_48, %dot_general3A_482 {dimension_numbers = #tpu.dot_dimension_numbers<[1], [0], [0], [1], [0, 0, 1, 1], [], []>, transpose_lhs_hint = false} : vector<128x128xbf16>, vector<128x1024xbf16>, vector<128x1024xf32> -> vector<128x1024xf32>
    %convert_element_type3A_484 = arith.fptosi %dot_general3A_483 : vector<128x1024xf32> to vector<128x1024xi32>
    %and3A_485 = arith.constant 1 : i32
    %and3A_486 = vector.broadcast %and3A_485 : i32 to vector<128x1024xi32>
    %and3A_487 = arith.andi %convert_element_type3A_484, %and3A_486 : vector<128x1024xi32>
    %convert_element_type3A_488 = arith.sitofp %and3A_487 : vector<128x1024xi32> to vector<128x1024xf32>
    %slice3A_489 = vector.extract_strided_slice %convert_element_type3A_488 {offsets = [0, 0], sizes = [128, 512], strides = [1, 1]} : vector<128x1024xf32> to vector<128x512xf32>
    %mul3A_490 = arith.mulf %bitcast_convert_type3A_471, %slice3A_489 : vector<128x512xf32>
    %add3A_491 = arith.addf %add3A_459, %mul3A_490 : vector<128x512xf32>
    %slice3A_492 = vector.extract_strided_slice %convert_element_type3A_488 {offsets = [0, 512], sizes = [128, 488], strides = [1, 1]} : vector<128x1024xf32> to vector<128x488xf32>
    %mul3A_493 = arith.mulf %slice3A_476, %slice3A_492 : vector<128x488xf32>
    %add3A_494 = arith.addf %add3A_462, %mul3A_493 : vector<128x488xf32>
    %get3A_495 = arith.constant 14 : index
    %get3A_496 = arith.constant 0 : index
    %get3A_497 = arith.constant 0 : index
    %get3A_498 = vector.load %arg2[%get3A_495, %get3A_496, %get3A_497] : memref<20x128x512xi32, #tpu.memory_space<vmem>>, vector<1x128x512xi32>
    %get3A_499 = vector.shape_cast %get3A_498 : vector<1x128x512xi32> to vector<128x512xi32>
    %shift_left3A_500 = arith.constant 16 : i32
    %shift_left3A_501 = vector.broadcast %shift_left3A_500 : i32 to vector<128x512xi32>
    %shift_left3A_502 = arith.shli %get3A_499, %shift_left3A_501 : vector<128x512xi32>
    %bitcast_convert_type3A_503 = tpu.bitcast %shift_left3A_502 : vector<128x512xi32> -> vector<128x512xf32>
    %and3A_504 = arith.constant -65536 : i32
    %and3A_505 = vector.broadcast %and3A_504 : i32 to vector<128x512xi32>
    %and3A_506 = arith.andi %get3A_499, %and3A_505 : vector<128x512xi32>
    %bitcast_convert_type3A_507 = tpu.bitcast %and3A_506 : vector<128x512xi32> -> vector<128x512xf32>
    %slice3A_508 = vector.extract_strided_slice %bitcast_convert_type3A_507 {offsets = [0, 0], sizes = [128, 488], strides = [1, 1]} : vector<128x512xf32> to vector<128x488xf32>
    %get3A_509 = arith.constant 0 : index
    %get3A_510 = arith.constant 14 : index
    %get3A_511 = arith.constant 0 : index
    %get3A_512 = vector.load %arg1[%get3A_509, %get3A_510, %get3A_511] : memref<128x20x128xbf16, #tpu.memory_space<vmem>>, vector<128x1x128xbf16>
    %get3A_513 = vector.shape_cast %get3A_512 : vector<128x1x128xbf16> to vector<128x128xbf16>
    %dot_general3A_514 = arith.constant dense<0.000000e+00> : vector<128x1024xf32>
    %dot_general3A_515 = tpu.matmul %get3A_513, %convert_element_type3A_48, %dot_general3A_514 {dimension_numbers = #tpu.dot_dimension_numbers<[1], [0], [0], [1], [0, 0, 1, 1], [], []>, transpose_lhs_hint = false} : vector<128x128xbf16>, vector<128x1024xbf16>, vector<128x1024xf32> -> vector<128x1024xf32>
    %convert_element_type3A_516 = arith.fptosi %dot_general3A_515 : vector<128x1024xf32> to vector<128x1024xi32>
    %and3A_517 = arith.constant 1 : i32
    %and3A_518 = vector.broadcast %and3A_517 : i32 to vector<128x1024xi32>
    %and3A_519 = arith.andi %convert_element_type3A_516, %and3A_518 : vector<128x1024xi32>
    %convert_element_type3A_520 = arith.sitofp %and3A_519 : vector<128x1024xi32> to vector<128x1024xf32>
    %slice3A_521 = vector.extract_strided_slice %convert_element_type3A_520 {offsets = [0, 0], sizes = [128, 512], strides = [1, 1]} : vector<128x1024xf32> to vector<128x512xf32>
    %mul3A_522 = arith.mulf %bitcast_convert_type3A_503, %slice3A_521 : vector<128x512xf32>
    %add3A_523 = arith.addf %add3A_491, %mul3A_522 : vector<128x512xf32>
    %slice3A_524 = vector.extract_strided_slice %convert_element_type3A_520 {offsets = [0, 512], sizes = [128, 488], strides = [1, 1]} : vector<128x1024xf32> to vector<128x488xf32>
    %mul3A_525 = arith.mulf %slice3A_508, %slice3A_524 : vector<128x488xf32>
    %add3A_526 = arith.addf %add3A_494, %mul3A_525 : vector<128x488xf32>
    %get3A_527 = arith.constant 15 : index
    %get3A_528 = arith.constant 0 : index
    %get3A_529 = arith.constant 0 : index
    %get3A_530 = vector.load %arg2[%get3A_527, %get3A_528, %get3A_529] : memref<20x128x512xi32, #tpu.memory_space<vmem>>, vector<1x128x512xi32>
    %get3A_531 = vector.shape_cast %get3A_530 : vector<1x128x512xi32> to vector<128x512xi32>
    %shift_left3A_532 = arith.constant 16 : i32
    %shift_left3A_533 = vector.broadcast %shift_left3A_532 : i32 to vector<128x512xi32>
    %shift_left3A_534 = arith.shli %get3A_531, %shift_left3A_533 : vector<128x512xi32>
    %bitcast_convert_type3A_535 = tpu.bitcast %shift_left3A_534 : vector<128x512xi32> -> vector<128x512xf32>
    %and3A_536 = arith.constant -65536 : i32
    %and3A_537 = vector.broadcast %and3A_536 : i32 to vector<128x512xi32>
    %and3A_538 = arith.andi %get3A_531, %and3A_537 : vector<128x512xi32>
    %bitcast_convert_type3A_539 = tpu.bitcast %and3A_538 : vector<128x512xi32> -> vector<128x512xf32>
    %slice3A_540 = vector.extract_strided_slice %bitcast_convert_type3A_539 {offsets = [0, 0], sizes = [128, 488], strides = [1, 1]} : vector<128x512xf32> to vector<128x488xf32>
    %get3A_541 = arith.constant 0 : index
    %get3A_542 = arith.constant 15 : index
    %get3A_543 = arith.constant 0 : index
    %get3A_544 = vector.load %arg1[%get3A_541, %get3A_542, %get3A_543] : memref<128x20x128xbf16, #tpu.memory_space<vmem>>, vector<128x1x128xbf16>
    %get3A_545 = vector.shape_cast %get3A_544 : vector<128x1x128xbf16> to vector<128x128xbf16>
    %dot_general3A_546 = arith.constant dense<0.000000e+00> : vector<128x1024xf32>
    %dot_general3A_547 = tpu.matmul %get3A_545, %convert_element_type3A_48, %dot_general3A_546 {dimension_numbers = #tpu.dot_dimension_numbers<[1], [0], [0], [1], [0, 0, 1, 1], [], []>, transpose_lhs_hint = false} : vector<128x128xbf16>, vector<128x1024xbf16>, vector<128x1024xf32> -> vector<128x1024xf32>
    %convert_element_type3A_548 = arith.fptosi %dot_general3A_547 : vector<128x1024xf32> to vector<128x1024xi32>
    %and3A_549 = arith.constant 1 : i32
    %and3A_550 = vector.broadcast %and3A_549 : i32 to vector<128x1024xi32>
    %and3A_551 = arith.andi %convert_element_type3A_548, %and3A_550 : vector<128x1024xi32>
    %convert_element_type3A_552 = arith.sitofp %and3A_551 : vector<128x1024xi32> to vector<128x1024xf32>
    %slice3A_553 = vector.extract_strided_slice %convert_element_type3A_552 {offsets = [0, 0], sizes = [128, 512], strides = [1, 1]} : vector<128x1024xf32> to vector<128x512xf32>
    %mul3A_554 = arith.mulf %bitcast_convert_type3A_535, %slice3A_553 : vector<128x512xf32>
    %add3A_555 = arith.addf %add3A_523, %mul3A_554 : vector<128x512xf32>
    %slice3A_556 = vector.extract_strided_slice %convert_element_type3A_552 {offsets = [0, 512], sizes = [128, 488], strides = [1, 1]} : vector<128x1024xf32> to vector<128x488xf32>
    %mul3A_557 = arith.mulf %slice3A_540, %slice3A_556 : vector<128x488xf32>
    %add3A_558 = arith.addf %add3A_526, %mul3A_557 : vector<128x488xf32>
    %get3A_559 = arith.constant 16 : index
    %get3A_560 = arith.constant 0 : index
    %get3A_561 = arith.constant 0 : index
    %get3A_562 = vector.load %arg2[%get3A_559, %get3A_560, %get3A_561] : memref<20x128x512xi32, #tpu.memory_space<vmem>>, vector<1x128x512xi32>
    %get3A_563 = vector.shape_cast %get3A_562 : vector<1x128x512xi32> to vector<128x512xi32>
    %shift_left3A_564 = arith.constant 16 : i32
    %shift_left3A_565 = vector.broadcast %shift_left3A_564 : i32 to vector<128x512xi32>
    %shift_left3A_566 = arith.shli %get3A_563, %shift_left3A_565 : vector<128x512xi32>
    %bitcast_convert_type3A_567 = tpu.bitcast %shift_left3A_566 : vector<128x512xi32> -> vector<128x512xf32>
    %and3A_568 = arith.constant -65536 : i32
    %and3A_569 = vector.broadcast %and3A_568 : i32 to vector<128x512xi32>
    %and3A_570 = arith.andi %get3A_563, %and3A_569 : vector<128x512xi32>
    %bitcast_convert_type3A_571 = tpu.bitcast %and3A_570 : vector<128x512xi32> -> vector<128x512xf32>
    %slice3A_572 = vector.extract_strided_slice %bitcast_convert_type3A_571 {offsets = [0, 0], sizes = [128, 488], strides = [1, 1]} : vector<128x512xf32> to vector<128x488xf32>
    %get3A_573 = arith.constant 0 : index
    %get3A_574 = arith.constant 16 : index
    %get3A_575 = arith.constant 0 : index
    %get3A_576 = vector.load %arg1[%get3A_573, %get3A_574, %get3A_575] : memref<128x20x128xbf16, #tpu.memory_space<vmem>>, vector<128x1x128xbf16>
    %get3A_577 = vector.shape_cast %get3A_576 : vector<128x1x128xbf16> to vector<128x128xbf16>
    %dot_general3A_578 = arith.constant dense<0.000000e+00> : vector<128x1024xf32>
    %dot_general3A_579 = tpu.matmul %get3A_577, %convert_element_type3A_48, %dot_general3A_578 {dimension_numbers = #tpu.dot_dimension_numbers<[1], [0], [0], [1], [0, 0, 1, 1], [], []>, transpose_lhs_hint = false} : vector<128x128xbf16>, vector<128x1024xbf16>, vector<128x1024xf32> -> vector<128x1024xf32>
    %convert_element_type3A_580 = arith.fptosi %dot_general3A_579 : vector<128x1024xf32> to vector<128x1024xi32>
    %and3A_581 = arith.constant 1 : i32
    %and3A_582 = vector.broadcast %and3A_581 : i32 to vector<128x1024xi32>
    %and3A_583 = arith.andi %convert_element_type3A_580, %and3A_582 : vector<128x1024xi32>
    %convert_element_type3A_584 = arith.sitofp %and3A_583 : vector<128x1024xi32> to vector<128x1024xf32>
    %slice3A_585 = vector.extract_strided_slice %convert_element_type3A_584 {offsets = [0, 0], sizes = [128, 512], strides = [1, 1]} : vector<128x1024xf32> to vector<128x512xf32>
    %mul3A_586 = arith.mulf %bitcast_convert_type3A_567, %slice3A_585 : vector<128x512xf32>
    %add3A_587 = arith.addf %add3A_555, %mul3A_586 : vector<128x512xf32>
    %slice3A_588 = vector.extract_strided_slice %convert_element_type3A_584 {offsets = [0, 512], sizes = [128, 488], strides = [1, 1]} : vector<128x1024xf32> to vector<128x488xf32>
    %mul3A_589 = arith.mulf %slice3A_572, %slice3A_588 : vector<128x488xf32>
    %add3A_590 = arith.addf %add3A_558, %mul3A_589 : vector<128x488xf32>
    %get3A_591 = arith.constant 17 : index
    %get3A_592 = arith.constant 0 : index
    %get3A_593 = arith.constant 0 : index
    %get3A_594 = vector.load %arg2[%get3A_591, %get3A_592, %get3A_593] : memref<20x128x512xi32, #tpu.memory_space<vmem>>, vector<1x128x512xi32>
    %get3A_595 = vector.shape_cast %get3A_594 : vector<1x128x512xi32> to vector<128x512xi32>
    %shift_left3A_596 = arith.constant 16 : i32
    %shift_left3A_597 = vector.broadcast %shift_left3A_596 : i32 to vector<128x512xi32>
    %shift_left3A_598 = arith.shli %get3A_595, %shift_left3A_597 : vector<128x512xi32>
    %bitcast_convert_type3A_599 = tpu.bitcast %shift_left3A_598 : vector<128x512xi32> -> vector<128x512xf32>
    %and3A_600 = arith.constant -65536 : i32
    %and3A_601 = vector.broadcast %and3A_600 : i32 to vector<128x512xi32>
    %and3A_602 = arith.andi %get3A_595, %and3A_601 : vector<128x512xi32>
    %bitcast_convert_type3A_603 = tpu.bitcast %and3A_602 : vector<128x512xi32> -> vector<128x512xf32>
    %slice3A_604 = vector.extract_strided_slice %bitcast_convert_type3A_603 {offsets = [0, 0], sizes = [128, 488], strides = [1, 1]} : vector<128x512xf32> to vector<128x488xf32>
    %get3A_605 = arith.constant 0 : index
    %get3A_606 = arith.constant 17 : index
    %get3A_607 = arith.constant 0 : index
    %get3A_608 = vector.load %arg1[%get3A_605, %get3A_606, %get3A_607] : memref<128x20x128xbf16, #tpu.memory_space<vmem>>, vector<128x1x128xbf16>
    %get3A_609 = vector.shape_cast %get3A_608 : vector<128x1x128xbf16> to vector<128x128xbf16>
    %dot_general3A_610 = arith.constant dense<0.000000e+00> : vector<128x1024xf32>
    %dot_general3A_611 = tpu.matmul %get3A_609, %convert_element_type3A_48, %dot_general3A_610 {dimension_numbers = #tpu.dot_dimension_numbers<[1], [0], [0], [1], [0, 0, 1, 1], [], []>, transpose_lhs_hint = false} : vector<128x128xbf16>, vector<128x1024xbf16>, vector<128x1024xf32> -> vector<128x1024xf32>
    %convert_element_type3A_612 = arith.fptosi %dot_general3A_611 : vector<128x1024xf32> to vector<128x1024xi32>
    %and3A_613 = arith.constant 1 : i32
    %and3A_614 = vector.broadcast %and3A_613 : i32 to vector<128x1024xi32>
    %and3A_615 = arith.andi %convert_element_type3A_612, %and3A_614 : vector<128x1024xi32>
    %convert_element_type3A_616 = arith.sitofp %and3A_615 : vector<128x1024xi32> to vector<128x1024xf32>
    %slice3A_617 = vector.extract_strided_slice %convert_element_type3A_616 {offsets = [0, 0], sizes = [128, 512], strides = [1, 1]} : vector<128x1024xf32> to vector<128x512xf32>
    %mul3A_618 = arith.mulf %bitcast_convert_type3A_599, %slice3A_617 : vector<128x512xf32>
    %add3A_619 = arith.addf %add3A_587, %mul3A_618 : vector<128x512xf32>
    %slice3A_620 = vector.extract_strided_slice %convert_element_type3A_616 {offsets = [0, 512], sizes = [128, 488], strides = [1, 1]} : vector<128x1024xf32> to vector<128x488xf32>
    %mul3A_621 = arith.mulf %slice3A_604, %slice3A_620 : vector<128x488xf32>
    %add3A_622 = arith.addf %add3A_590, %mul3A_621 : vector<128x488xf32>
    %get3A_623 = arith.constant 18 : index
    %get3A_624 = arith.constant 0 : index
    %get3A_625 = arith.constant 0 : index
    %get3A_626 = vector.load %arg2[%get3A_623, %get3A_624, %get3A_625] : memref<20x128x512xi32, #tpu.memory_space<vmem>>, vector<1x128x512xi32>
    %get3A_627 = vector.shape_cast %get3A_626 : vector<1x128x512xi32> to vector<128x512xi32>
    %shift_left3A_628 = arith.constant 16 : i32
    %shift_left3A_629 = vector.broadcast %shift_left3A_628 : i32 to vector<128x512xi32>
    %shift_left3A_630 = arith.shli %get3A_627, %shift_left3A_629 : vector<128x512xi32>
    %bitcast_convert_type3A_631 = tpu.bitcast %shift_left3A_630 : vector<128x512xi32> -> vector<128x512xf32>
    %and3A_632 = arith.constant -65536 : i32
    %and3A_633 = vector.broadcast %and3A_632 : i32 to vector<128x512xi32>
    %and3A_634 = arith.andi %get3A_627, %and3A_633 : vector<128x512xi32>
    %bitcast_convert_type3A_635 = tpu.bitcast %and3A_634 : vector<128x512xi32> -> vector<128x512xf32>
    %slice3A_636 = vector.extract_strided_slice %bitcast_convert_type3A_635 {offsets = [0, 0], sizes = [128, 488], strides = [1, 1]} : vector<128x512xf32> to vector<128x488xf32>
    %get3A_637 = arith.constant 0 : index
    %get3A_638 = arith.constant 18 : index
    %get3A_639 = arith.constant 0 : index
    %get3A_640 = vector.load %arg1[%get3A_637, %get3A_638, %get3A_639] : memref<128x20x128xbf16, #tpu.memory_space<vmem>>, vector<128x1x128xbf16>
    %get3A_641 = vector.shape_cast %get3A_640 : vector<128x1x128xbf16> to vector<128x128xbf16>
    %dot_general3A_642 = arith.constant dense<0.000000e+00> : vector<128x1024xf32>
    %dot_general3A_643 = tpu.matmul %get3A_641, %convert_element_type3A_48, %dot_general3A_642 {dimension_numbers = #tpu.dot_dimension_numbers<[1], [0], [0], [1], [0, 0, 1, 1], [], []>, transpose_lhs_hint = false} : vector<128x128xbf16>, vector<128x1024xbf16>, vector<128x1024xf32> -> vector<128x1024xf32>
    %convert_element_type3A_644 = arith.fptosi %dot_general3A_643 : vector<128x1024xf32> to vector<128x1024xi32>
    %and3A_645 = arith.constant 1 : i32
    %and3A_646 = vector.broadcast %and3A_645 : i32 to vector<128x1024xi32>
    %and3A_647 = arith.andi %convert_element_type3A_644, %and3A_646 : vector<128x1024xi32>
    %convert_element_type3A_648 = arith.sitofp %and3A_647 : vector<128x1024xi32> to vector<128x1024xf32>
    %slice3A_649 = vector.extract_strided_slice %convert_element_type3A_648 {offsets = [0, 0], sizes = [128, 512], strides = [1, 1]} : vector<128x1024xf32> to vector<128x512xf32>
    %mul3A_650 = arith.mulf %bitcast_convert_type3A_631, %slice3A_649 : vector<128x512xf32>
    %add3A_651 = arith.addf %add3A_619, %mul3A_650 : vector<128x512xf32>
    %slice3A_652 = vector.extract_strided_slice %convert_element_type3A_648 {offsets = [0, 512], sizes = [128, 488], strides = [1, 1]} : vector<128x1024xf32> to vector<128x488xf32>
    %mul3A_653 = arith.mulf %slice3A_636, %slice3A_652 : vector<128x488xf32>
    %add3A_654 = arith.addf %add3A_622, %mul3A_653 : vector<128x488xf32>
    %get3A_655 = arith.constant 19 : index
    %get3A_656 = arith.constant 0 : index
    %get3A_657 = arith.constant 0 : index
    %get3A_658 = vector.load %arg2[%get3A_655, %get3A_656, %get3A_657] : memref<20x128x512xi32, #tpu.memory_space<vmem>>, vector<1x128x512xi32>
    %get3A_659 = vector.shape_cast %get3A_658 : vector<1x128x512xi32> to vector<128x512xi32>
    %shift_left3A_660 = arith.constant 16 : i32
    %shift_left3A_661 = vector.broadcast %shift_left3A_660 : i32 to vector<128x512xi32>
    %shift_left3A_662 = arith.shli %get3A_659, %shift_left3A_661 : vector<128x512xi32>
    %bitcast_convert_type3A_663 = tpu.bitcast %shift_left3A_662 : vector<128x512xi32> -> vector<128x512xf32>
    %and3A_664 = arith.constant -65536 : i32
    %and3A_665 = vector.broadcast %and3A_664 : i32 to vector<128x512xi32>
    %and3A_666 = arith.andi %get3A_659, %and3A_665 : vector<128x512xi32>
    %bitcast_convert_type3A_667 = tpu.bitcast %and3A_666 : vector<128x512xi32> -> vector<128x512xf32>
    %slice3A_668 = vector.extract_strided_slice %bitcast_convert_type3A_667 {offsets = [0, 0], sizes = [128, 488], strides = [1, 1]} : vector<128x512xf32> to vector<128x488xf32>
    %get3A_669 = arith.constant 0 : index
    %get3A_670 = arith.constant 19 : index
    %get3A_671 = arith.constant 0 : index
    %get3A_672 = vector.load %arg1[%get3A_669, %get3A_670, %get3A_671] : memref<128x20x128xbf16, #tpu.memory_space<vmem>>, vector<128x1x128xbf16>
    %get3A_673 = vector.shape_cast %get3A_672 : vector<128x1x128xbf16> to vector<128x128xbf16>
    %dot_general3A_674 = arith.constant dense<0.000000e+00> : vector<128x1024xf32>
    %dot_general3A_675 = tpu.matmul %get3A_673, %convert_element_type3A_48, %dot_general3A_674 {dimension_numbers = #tpu.dot_dimension_numbers<[1], [0], [0], [1], [0, 0, 1, 1], [], []>, transpose_lhs_hint = false} : vector<128x128xbf16>, vector<128x1024xbf16>, vector<128x1024xf32> -> vector<128x1024xf32>
    %convert_element_type3A_676 = arith.fptosi %dot_general3A_675 : vector<128x1024xf32> to vector<128x1024xi32>
    %and3A_677 = arith.constant 1 : i32
    %and3A_678 = vector.broadcast %and3A_677 : i32 to vector<128x1024xi32>
    %and3A_679 = arith.andi %convert_element_type3A_676, %and3A_678 : vector<128x1024xi32>
    %convert_element_type3A_680 = arith.sitofp %and3A_679 : vector<128x1024xi32> to vector<128x1024xf32>
    %slice3A_681 = vector.extract_strided_slice %convert_element_type3A_680 {offsets = [0, 0], sizes = [128, 512], strides = [1, 1]} : vector<128x1024xf32> to vector<128x512xf32>
    %mul3A_682 = arith.mulf %bitcast_convert_type3A_663, %slice3A_681 : vector<128x512xf32>
    %add3A_683 = arith.addf %add3A_651, %mul3A_682 : vector<128x512xf32>
    %slice3A_684 = vector.extract_strided_slice %convert_element_type3A_680 {offsets = [0, 512], sizes = [128, 488], strides = [1, 1]} : vector<128x1024xf32> to vector<128x488xf32>
    %mul3A_685 = arith.mulf %slice3A_668, %slice3A_684 : vector<128x488xf32>
    %add3A_686 = arith.addf %add3A_654, %mul3A_685 : vector<128x488xf32>
    %mul3A_687 = arith.constant 2.000000e+00 : f32
    %mul3A_688 = vector.broadcast %mul3A_687 : f32 to vector<128x512xf32>
    %mul3A_689 = arith.mulf %add3A_683, %mul3A_688 : vector<128x512xf32>
    %mul3A_690 = arith.constant 2.000000e+00 : f32
    %mul3A_691 = vector.broadcast %mul3A_690 : f32 to vector<128x488xf32>
    %mul3A_692 = arith.mulf %add3A_686, %mul3A_691 : vector<128x488xf32>
    %mul3A_693 = arith.mulf %mul3A_689, %mul3A_689 : vector<128x512xf32>
    %reduce_sum3A = arith.constant dense<0.000000e+00> : vector<128xf32>
    %reduce_sum3A_694 = vector.multi_reduction <add>, %mul3A_693, %reduce_sum3A [1] : vector<128x512xf32> to vector<128xf32>
    %broadcast_in_dim3A_695 = vector.shape_cast %reduce_sum3A_694 : vector<128xf32> to vector<128x1xf32>
    %mul3A_696 = arith.mulf %mul3A_692, %mul3A_692 : vector<128x488xf32>
    %reduce_sum3A_697 = arith.constant dense<0.000000e+00> : vector<128xf32>
    %reduce_sum3A_698 = vector.multi_reduction <add>, %mul3A_696, %reduce_sum3A_697 [1] : vector<128x488xf32> to vector<128xf32>
    %broadcast_in_dim3A_699 = vector.shape_cast %reduce_sum3A_698 : vector<128xf32> to vector<128x1xf32>
    %add3A_700 = arith.addf %broadcast_in_dim3A_695, %broadcast_in_dim3A_699 : vector<128x1xf32>
    %sqrt3A = math.sqrt %add3A_700 : vector<128x1xf32>
    %max3A = arith.constant 9.99999974E-6 : f32
    %max3A_701 = vector.broadcast %max3A : f32 to vector<128x1xf32>
    %max3A_702 = arith.maximumf %sqrt3A, %max3A_701 : vector<128x1xf32>
    %div3A_703 = arith.constant 1.000000e+00 : f32
    %div3A_704 = vector.broadcast %div3A_703 : f32 to vector<128x1xf32>
    %div3A_705 = arith.divf %div3A_704, %max3A_702 : vector<128x1xf32>
    %get3A_706 = arith.constant 0 : index
    %get3A_707 = arith.constant 0 : index
    %get3A_708 = vector.load %arg3[%get3A_706, %get3A_707] : memref<128x1000xf32, #tpu.memory_space<vmem>>, vector<128x512xf32>
    %mul3A_709 = vector.broadcast %div3A_705 : vector<128x1xf32> to vector<128x512xf32>
    %mul3A_710 = arith.mulf %mul3A_689, %mul3A_709 : vector<128x512xf32>
    %add3A_711 = arith.addf %get3A_708, %mul3A_710 : vector<128x512xf32>
    %tanh3A = math.tanh %add3A_711 : vector<128x512xf32>
    %swap3A = arith.constant 0 : index
    %swap3A_712 = arith.constant 0 : index
    %swap3A_713 = vector.load %arg4[%swap3A, %swap3A_712] : memref<128x1000xf32, #tpu.memory_space<vmem>>, vector<128x512xf32>
    tpu.vector_store %arg4[%swap3A, %swap3A_712], %tanh3A {strides = array<i32>} : memref<128x1000xf32, #tpu.memory_space<vmem>>, vector<128x512xf32>,
    %get3A_714 = arith.constant 0 : index
    %get3A_715 = arith.constant 512 : index
    %get3A_716 = vector.load %arg3[%get3A_714, %get3A_715] : memref<128x1000xf32, #tpu.memory_space<vmem>>, vector<128x488xf32>
    %mul3A_717 = vector.broadcast %div3A_705 : vector<128x1xf32> to vector<128x488xf32>
    %mul3A_718 = arith.mulf %mul3A_692, %mul3A_717 : vector<128x488xf32>
    %add3A_719 = arith.addf %get3A_716, %mul3A_718 : vector<128x488xf32>
    %tanh3A_720 = math.tanh %add3A_719 : vector<128x488xf32>
    %swap3A_721 = arith.constant 0 : index
    %swap3A_722 = arith.constant 512 : index
    %swap3A_723 = vector.load %arg4[%swap3A_721, %swap3A_722] : memref<128x1000xf32, #tpu.memory_space<vmem>>, vector<128x488xf32>
    tpu.vector_store %arg4[%swap3A_721, %swap3A_722], %tanh3A_720 {strides = array<i32>} : memref<128x1000xf32, #tpu.memory_space<vmem>>, vector<128x488xf32>,
    return
  }
  func.func @transform_0(%arg0: i32) -> (i32, i32, i32) {
    %c0_i32 = arith.constant 0 : i32
    %c0_i32_0 = arith.constant 0 : i32
    %c0_i32_1 = arith.constant 0 : i32
    return %arg0, %c0_i32, %c0_i32_0 : i32, i32, i32
  }
  func.func @transform_1(%arg0: i32) -> (i32, i32, i32) {
    %c0_i32 = arith.constant 0 : i32
    %c0_i32_0 = arith.constant 0 : i32
    %c0_i32_1 = arith.constant 0 : i32
    return %c0_i32, %arg0, %c0_i32_0 : i32, i32, i32
  }
  func.func @transform_2(%arg0: i32) -> (i32, i32) {
    %c0_i32 = arith.constant 0 : i32
    %c0_i32_0 = arith.constant 0 : i32
    return %arg0, %c0_i32 : i32, i32
  }
  func.func @transform_3(%arg0: i32) -> (i32, i32) {
    %c0_i32 = arith.constant 0 : i32
    %c0_i32_0 = arith.constant 0 : i32
    return %arg0, %c0_i32 : i32, i32
  }
}

</mosaic_0001>

<sc_bundles>
// kernel: kernel.6.cloned.1.call-start
scs
__scs_entry_jumppad:
0x0: {  	(pc) =	sbr.rel $0x88, $3  }
0x1: {  	(tag) =	ssettag $0x0;
	lr =	simm.s32 $0x1  }
0x2: {  	[smem:$0x3F93] =	sst lr;
	_ =	strace $0xD0000000  }
0x3: {  	_ = 	snop  }
0x4: {  	_ = 	snop  }
0x5: {  	_ = 	snop  }
0x6: {  	_ = 	snop  }
0x7: {  	_ = 	snop  }
__scs_overlays_trampoline_lowered:
0x8: {  	[smem:$0x3FA2] =	sst s0  }
0x9: {  	[smem:$0x3FA3] =	sst s1  }
0xa: {  	[smem:$0x3FA4] =	sst s2  }
0xb: {  	[smem:$0x3FA5] =	sst s3  }
0xc: {  	[smem:$0x3FA6] =	sst s4  }
0xd: {  	[smem:$0x3FA7] =	sst s5  }
0xe: {  	[smem:$0x3FA8] =	sst s6  }
0xf: {  	[smem:$0x3FA9] =	sst s7  }
0x10: {  	[smem:$0x3FAA] =	sst s8  }
0x11: {  	[smem:$0x3FAB] =	sst s9;
	s0 =	simm.s32 @!p0 $0x0  }
0x12: {  	s1 =	sld [smem:$0x3F91];
	s0 =	simm.s32 @p0 $0x1  }
0x13: {  	[smem:$0x3FAC] =	sst s0;
	s0 =	simm.s32 @!p1 $0x0  }
0x14: {  	s2 =	sld [smem:$0x3F90];
	s0 =	simm.s32 @p1 $0x1  }
0x15: {  	[smem:$0x3FAD] =	sst s0;
	s0 =	simm.s32 @!p2 $0x0  }
0x16: {  	s3 =	sld [smem:$0x3FDB];
	s0 =	simm.s32 @p2 $0x1  }
0x17: {  	s4 =	simm.s32 $0x1BF5;
	[smem:$0x3FAF] =	sst s0  }
0x18: {  	s0 =	sld [smem:$0x3F92];
	_ =	swait.ge [sflag:s4], $0x0  }
0x19: {  	s7 =	sld [smem:$0x3F93]  }
0x1a: {  	s8 =	sadd.s32 $0xFFFFE003, lr  }
0x1b: {  	s9 =	sadd.s32 $0xFFFFFEF7, lr;
	s5 =	simm.s32 $0xFFFFFFFF;
	p2 =	slt.u32 s8, $0xFFFFF086  }
0x1c: {  	p1 =	slt.u32 s9, $0xF7A;
	s5 =	simm.s32 @!p2 $0x0  }
0x1d: {  	s5 =	simm.s32 @p1 $0x1;
	p0 =	seq.s32 s7, s2  }
0x1e: {  	s7 =	smul.u32 @!p0 $0xF7A, s2;
	p2 =	seq.s32 @!p0 s5, $0x0  }
0x1f: {  	s9 =	smul.u32 $0xF7A, s1;
	s8 =	simm.s32 @!p0 $0x1BF5;
	p2 =	por !p2, p0  }
0x20: {  	[sflag:s8] =	ssyncset.s32 @!p0 $0xFFFFF086;
	s6 =	sadd.s32 @!p0 s3, s7;
	s7 =	simm.s32 @!p0 $0x108  }
0x21: {  	s3 =	sadd.s32 s3, s9;
	s6 =	sadd.s32 @!p0 $0x88, s6;
	s7 =	simm.s32 @p2 $0x1082  }
0x22: {  	[simem:s7], [sflag:s8] =	dma.local @!p0 [hbm:s6], $0xF7A  }
0x23: {  	s9 =	sor.u32 $0xD0000000, s2;
	s6 =	simm.s32 $0x108;
	_ =	swait.ge @!p0 [sflag:s8], $0x0  }
0x24: {  	s3 =	sadd.s32 $0x88, s3;
	s6 =	simm.s32 @!p1 $0x1082;
	[sflag:s4] =	ssyncset.s32 $0xFFFFF086  }
0x25: {  	[simem:s6], [sflag:s4] =	dma.local [hbm:s3], $0xF7A  }
0x26: {  	[smem:$0x3F93] =	sst s1;
	(tag) =	ssettag s2;
	_ =	strace s9  }
0x27: {  	s1 =	sld [smem:$0x3FA3]  }
0x28: {  	s2 =	sld [smem:$0x3FA4]  }
0x29: {  	s4 =	sld [smem:$0x3FA6]  }
0x2a: {  	p0 =	seq.s32 s5, $0x0;
	s5 =	sld [smem:$0x3FA7]  }
0x2b: {  	s6 =	sld [smem:$0x3FA8]  }
0x2c: {  	s7 =	sld [smem:$0x3FA9]  }
0x2d: {  	s3 =	simm.s32 $0x108;
	s8 =	sld [smem:$0x3FAA]  }
0x2e: {  	s3 =	simm.s32 @!p0 $0x1082;
	s9 =	sld [smem:$0x3FAB]  }
0x2f: {  	lr =	sadd.s32 s0, s3;
	s0 =	sld [smem:$0x3FA2]  }
0x30: {  	s3 =	sld [smem:$0x3FA5]  }
0x31: {  	[smem:$0x3FAE] =	sst s10  }
0x32: {  	s10 =	sld [smem:$0x3FAC];
	_ =	sdelay $0x3  }
0x33: {  	p0 =	seq.s32 s10, $0x1;
	s10 =	sld [smem:$0x3FAE];
	_ =	sdelay $0x3  }
0x34: {  	[smem:$0x3FAE] =	sst s10  }
0x35: {  	s10 =	sld [smem:$0x3FAD];
	_ =	sdelay $0x3  }
0x36: {  	p1 =	seq.s32 s10, $0x1;
	s10 =	sld [smem:$0x3FAE];
	_ =	sdelay $0x3  }
0x37: {  	[smem:$0x3FAE] =	sst s10  }
0x38: {  	s10 =	sld [smem:$0x3FAF]  }
0x39: {  	_ = 	snop;
	(pc) =	sbr.ind lr, $3  }
0x3a: {  	_ = 	snop  }
0x3b: {  	_ = 	snop  }
0x3c: {  	p2 =	seq.s32 s10, $0x1;
	s10 =	sld [smem:$0x3FAE]  }
0x3d: {  	_ =	shalt  }
0x3e: {  	_ =	shalt  }
0x3f: {  	_ =	shalt  }
0x40: {  	_ =	shalt  }
0x41: {  	_ =	shalt  }
0x42: {  	_ =	shalt  }
0x43: {  	_ =	shalt  }
0x44: {  	_ =	shalt  }
0x45: {  	_ =	shalt  }
0x46: {  	_ =	shalt  }
0x47: {  	_ =	shalt  }
0x48: {  	_ =	shalt  }
0x49: {  	_ =	shalt  }
0x4a: {  	_ =	shalt  }
0x4b: {  	_ =	shalt  }
0x4c: {  	_ =	shalt  }
0x4d: {  	_ =	shalt  }
0x4e: {  	_ =	shalt  }
0x4f: {  	_ =	shalt  }
0x50: {  	_ =	shalt  }
0x51: {  	_ =	shalt  }
0x52: {  	_ =	shalt  }
0x53: {  	_ =	shalt  }
0x54: {  	_ =	shalt  }
0x55: {  	_ =	shalt  }
0x56: {  	_ =	shalt  }
0x57: {  	_ =	shalt  }
0x58: {  	_ =	shalt  }
0x59: {  	_ =	shalt  }
0x5a: {  	_ =	shalt  }
0x5b: {  	_ =	shalt  }
0x5c: {  	_ =	shalt  }
0x5d: {  	_ =	shalt  }
0x5e: {  	_ =	shalt  }
0x5f: {  	_ =	shalt  }
0x60: {  	_ =	shalt  }
0x61: {  	_ =	shalt  }
0x62: {  	_ =	shalt  }
0x63: {  	_ =	shalt  }
0x64: {  	_ =	shalt  }
0x65: {  	_ =	shalt  }
0x66: {  	_ =	shalt  }
0x67: {  	_ =	shalt  }
0x68: {  	_ =	shalt  }
0x69: {  	_ =	shalt  }
0x6a: {  	_ =	shalt  }
0x6b: {  	_ =	shalt  }
0x6c: {  	_ =	shalt  }
0x6d: {  	_ =	shalt  }
0x6e: {  	_ =	shalt  }
0x6f: {  	_ =	shalt  }
0x70: {  	_ =	shalt  }
0x71: {  	_ =	shalt  }
0x72: {  	_ =	shalt  }
0x73: {  	_ =	shalt  }
0x74: {  	_ =	shalt  }
0x75: {  	_ =	shalt  }
0x76: {  	_ =	shalt  }
0x77: {  	_ =	shalt  }
0x78: {  	_ =	shalt  }
0x79: {  	_ =	shalt  }
0x7a: {  	_ =	shalt  }
0x7b: {  	_ =	shalt  }
0x7c: {  	_ =	shalt  }
0x7d: {  	_ =	shalt  }
0x7e: {  	_ =	shalt  }
0x7f: {  	_ =	shalt  }
0x80: {  	_ =	shalt  }
0x81: {  	_ =	shalt  }
0x82: {  	_ =	shalt  }
0x83: {  	_ =	shalt  }
0x84: {  	_ =	shalt  }
0x85: {  	_ =	shalt  }
0x86: {  	_ =	shalt  }
0x87: {  	_ =	shalt  }
.Lfunc_end0:
.L_simem_size_0:
called_computation_lowered:
.L_overlay_start_0:
0x88: {  	s2 =	sld [smem:$0x3FD9]  }
0x89: {  	s3 =	sld [smem:$0x3FFE];
	_ =	sdelay $0x1  }
0x8a: {  	s1 =	srdreg.scid  }
0x8b: {  	s0 =	sand.u32 $0x1, s1  }
0x8c: {  	s14 =	sshll.u32 s0, $0xA;
	s2 =	sadd.s32 s3, s2  }
0x8d: {  	s2 =	sadd.s32 s2, s14  }
0x8e: {  	[smem:$0x3FBA] =	sst s2  }
0x8f: {  	_ = 	snop  }
0x90: {  	s2 =	sld [smem:$0x3FD0];
	_ =	sdelay $0x2  }
0x91: {  	s15 =	simm.s32 $0xA;
	s4 =	simm.s32 $0x10  }
0x92: {  	[smem:s4], [sflag:s15] =	dma.local [hbm:s2], $0x1  }
0x93: {  	_ =	swait.eq [sflag:s15], $0x1  }
0x94: {  	[sflag:s15] =	ssyncset.done $0x0  }
0x95: {  	s16 =	sld [smem:$0x10];
	[sflag:s15] =	ssyncadd.s32 $0xFFFFFFFF  }
0x96: {  	s17 =	sld [smem:$0x11];
	(tm) =	ssettm $0x1  }
0x97: {  	s18 =	sld [smem:$0x3FFB];
	_ =	sdelay $0x3  }
0x98: {  	_ =	strace s18  }
0x99: {  	s4 =	sld [smem:$0x3FFC];
	_ =	sdelay $0x3  }
0x9a: {  	_ =	strace s4  }
0x9b: {  	s4 =	sld [smem:$0x3FFD];
	_ =	sdelay $0x3  }
0x9c: {  	_ =	strace s4  }
0x9d: {  	_ =	strace $0x8FFFFFFF  }
0x9e: {  	s19 =	sld [smem:$0x3FDB];
	_ =	sdelay $0x1  }
0x9f: {  	s5 =	simm.s32 $_scs_section_size  }
0xa0: {  	s6 =	simm.s32 $_size__tile_overlayer_lowered;
	s7 =	simm.s32 $_tile_overlayer_lowered  }
0xa1: {  	s22 =	simm.s32 $0x1BFF;
	s21 =	sshll.u32 s7, $0x1;
	s4 =	sadd.s32 s5, s19  }
0xa2: {  	s8 =	simm.s32 $0x0;
	s20 =	sshll.u32 s6, $0x1;
	s6 =	sadd.s32 s21, s4  }
0xa3: {  	[timem:s8], [sflag:s22] =	dma.local [hbm:s6], s20  }
0xa4: {  	_ =	swait.ge [sflag:s22], s20  }
0xa5: {  	s5 =	ssub.s32 $0x0, s20;
	[sflag:s22] =	ssyncset.done $0x0  }
0xa6: {  	[sflag:s22] =	ssyncadd.s32 s5;
	_ =	sdelay $0x1  }
0xa7: {  	s23 =	simm.s32 $0x1B8B  }
0xa8: {  	_ =	swait.ge [sflag:s23], $0x1  }
0xa9: {  	[sflag:s23] =	ssyncset.done $0x0  }
0xaa: {  	s25 =	simm.s32 $0x1B8E;
	s24 =	sld [smem:$0x3FFE];
	[sflag:s23] =	ssyncadd.s32 $0xFFFFFFFF  }
0xab: {  	s26 =	simm.s32 $execute0_lowered;
	[smem:$0x3FD2] =	sst s25  }
0xac: {  	s6 =	sshll.u32 s26, $0x1;
	_ =	strace $0x80000046;
	[dreg:$0x1] =	wrdreg $0xFFFFFFFF  }
0xad: {  	s28 =	simm.s32 $_size_execute0_lowered;
	s4 =	sadd.s32 s4, s6;
	[dreg:$0x0] =	wrdreg $0x0  }
0xae: {  	s6 =	sshll.u32 s28, $0x1;
	[dreg:$0x2] =	wrdreg s4  }
0xaf: {  	[dreg:$0x3] =	wrdreg s6  }
0xb0: {  	[dreg:$0x4] =	wrdreg $0xC0  }
0xb1: {  	_ =	task [dreg:s8], $0x5FFFF  }
0xb2: {  	[dreg:$0x1] =	wrdreg $0xFFFFFFFF  }
0xb3: {  	[dreg:$0x0] =	wrdreg $0x60  }
0xb4: {  	[dreg:$0x2] =	wrdreg s16  }
0xb5: {  	[dreg:$0x3] =	wrdreg s24  }
0xb6: {  	[dreg:$0x4] =	wrdreg s17  }
0xb7: {  	[dreg:$0x5] =	wrdreg $0x9  }
0xb8: {  	_ =	task.clear_ibuf [dreg:s8], $0x6FFFF;
	_ =	strace $0x90000046  }
0xb9: {  	s29 =	simm.s32 $0x9;
	_ =	strace $0x80000048  }
0xba: {  	_ =	swait.ge [sflag:s29], $0x1  }
0xbb: {  	[sflag:s29] =	ssyncadd.s32 $0xFFFFFFFF  }
0xbc: {  	_ =	strace $0x90000048  }
0xbd: {  	_ =	sfence  }
0xbe: {  	s30 =	sld [smem:$0x0];
	_ =	sdelay $0x2  }
0xbf: {  	s31 =	sshll.u32 s1, $0xD;
	s1 =	sshrl.u32 s1, $0x2  }
0xc0: {  	s3 =	sand.u32 $0x4000, s31;
	s1 =	sadd.s32 s1, s30  }
0xc1: {  	s0 =	sor.u32 s3, s0;
	s1 =	sshll.u32 s1, $0x11  }
0xc2: {  	s0 =	sor.u32 s1, s0  }
0xc3: {  	s0 =	sadd.s32 $0x8F2B, s0  }
0xc4: {  	[sflag:s0] =	ssyncadd.remote.s32 $0x1  }
0xc5: {  	_ =	sfence.sel $0xFFFF  }
0xc6: {  	[dreg:$0x0] =	wrdreg $0xFFFFFFFF;
	(pc) =	sbr.abs _section_cstart, $3  }
0xc7: {  	[dreg:$0x1] =	wrdreg $0xFFFFFFFF  }
0xc8: {  	_ =	task.clear_ibuf [dreg:s8], $0x2FFFF;
	_ =	strace $0x9FFFFFFF  }
0xc9: {  	(tm) =	ssettm $0x7FFFFFFF  }
tec
execute0_lowered:
.L_overlay_start_1:
0x0: {  	(tag) =	ssettag $0x1  }
0x1: {  	s0 =	srdreg.scid  }
0x2: {  	s1 =	rddreg [dreg:$0x0];
	s0 =	sand.u32 $0x1, s0  }
0x3: {  	s4 =	rddreg [dreg:$0x1];
	s5 =	stileid.u32;
	s3 =	sshll.u32 s0, $0x4  }
0x4: {  	s2 =	rddreg [dreg:$0x2];
	s5 =	sor.u32 s5, s3  }
0x5: {  	s8 =	sadd.s32 $0x2000, s4;
	s0 =	ssub.s32 $0x2, s0;
	s6 =	smul.u32 $0x50, s5  }
0x6: {  	s3 =	simm.s32 $0x0;
	s10 =	sshrl.u32 s0, $0x1;
	s16 =	smul.u32 $0xA000, s5  }
0x7: {  	s9 =	sshll.u32 s5, $0xC;
	s11 =	smul.u32 $0x50000, s5;
	s5 =	sshll.u32 s5, $0x8  }
0x8: {  	[smem:$0x7FF] =	sst s3;
	s0 =	ssub.s32 s0, s10;
	s1 =	sadd.s32 s1, s5  }
0x9: {  	v3 =	vlaneseq.u32;
	vm0 =	vmmov $0xffff;
	v4 =	vimm.f32 $1.000000000e+00;
	_ =	strace $0x80000047;
	s0 =	smax.u32 s0, $0x1;
	[dreg:$0x4] =	wrdreg s1  }
0xa: {  	v5 =	vimm.f32 $0.0e+00;
	vm2 =	vcmask $0xF00;
	v6 =	vimm.s32 $0x80;
	s7 =	sadd.s32 s6, s4;
	s17 =	sadd.s32 s8, s16;
	[dreg:$0x11] =	wrdreg s0  }
0xb: {  	vm1 =	vcmask $0x2F00;
	v7 =	vimm.s32 $0x180;
	v8 =	vimm.s32 $0x280;
	s4 =	sadd.s32 s9, s4;
	[dreg:$0x5] =	wrdreg s17;
	s5 =	sadd.s32 $0x1000, s17  }
0xc: {  	v9 =	vimm.s32 $0x380;
	v10 =	vimm.s32 $0x2080;
	v11 =	vimm.s32 $0x2180;
	s18 =	sshrl.u32 s11, $0x3;
	s26 =	sadd.s32 $0x1600, s7;
	[dreg:$0x6] =	wrdreg s5  }
0xd: {  	v12 =	vimm.s32 $0x2280;
	v13 =	vimm.s32 $0x2380;
	v14 =	vimm.s32 $0x4080;
	s1 =	sadd.s32 s8, s18;
	s30 =	sadd.s32 $0x142000, s4;
	[dreg:$0xf] =	wrdreg s26  }
0xe: {  	v15 =	vimm.s32 $0x4180;
	v16 =	vimm.s32 $0x4280;
	v17 =	vimm.s32 $0x6080;
	s19 =	sadd.s32 $0x2000, s1;
	[dreg:$0x10] =	wrdreg s30  }
0xf: {  	v19 =	vimm.s32 $0x4380;
	v18 =	vimm.s32 $0x6280;
	v20 =	vimm.s32 $0x6180;
	s20 =	sadd.s32 $0x3000, s1;
	[dreg:$0x7] =	wrdreg s19  }
0x10: {  	v21 =	vimm.s32 $0x6380;
	v0 =	vand.u32 $0x7, v3;
	v1 =	vshrl.u32 v3, $0x3;
	s21 =	sadd.s32 $0x4000, s1;
	[dreg:$0x8] =	wrdreg s20  }
0x11: {  	s31 =	simm.s32 $0x10A80;
	v3 =	vor.u32 $0x8, v3;
	v6 =	vsel vm2, $0x0, v6;
	v7 =	vsel vm1, $0x100, v7;
	s22 =	sadd.s32 $0x5000, s1;
	[dreg:$0x9] =	wrdreg s21  }
0x12: {  	s28 =	simm.s32 $0x1;
	v8 =	vsel vm2, $0x200, v8;
	v9 =	vsel vm1, $0x300, v9;
	v10 =	vsel vm2, $0x2000, v10;
	s23 =	sadd.s32 $0x6000, s1;
	[dreg:$0xa] =	wrdreg s22  }
0x13: {  	s29 =	simm.s32 $0x3;
	v11 =	vsel vm1, $0x2100, v11;
	v12 =	vsel vm2, $0x2200, v12;
	v13 =	vsel vm1, $0x2300, v13;
	s24 =	sadd.s32 $0x7000, s1;
	[dreg:$0xb] =	wrdreg s23  }
0x14: {  	v14 =	vsel vm2, $0x4000, v14;
	v15 =	vsel vm1, $0x4100, v15;
	v16 =	vsel vm2, $0x4200, v16;
	s6 =	sadd.s32 $0x100, s2;
	s25 =	sadd.s32 $0x8000, s1;
	[dreg:$0xc] =	wrdreg s24  }
0x15: {  	v17 =	vsel vm2, $0x6000, v17;
	v18 =	vsel vm2, $0x6200, v18;
	v19 =	vsel vm1, $0x4300, v19;
	s9 =	simm.s32 $0xA80;
	s1 =	sadd.s32 $0x9000, s1;
	[dreg:$0xd] =	wrdreg s25  }
0x16: {  	v20 =	vsel vm1, $0x6100, v20;
	v21 =	vsel vm1, $0x6300, v21;
	v2 =	vmul.u32 $0x8, v1;
	s5 =	simm.s32 $0x5;
	[dreg:$0xe] =	wrdreg s1;
	s1 =	simm.s32 $0x0  }
.LBB2_1:
0x17: {  	[dreg:$0x12] =	wrdreg s1  }
0x18: {  	s0 =	rddreg [dreg:$0x4]  }
0x19: {  	[tilespmem:s3], [sflag:$0x5] =	stream.linear.gather [hbm4b:s0+s3], $0x500, $0x38;
	[tilespmem:$0x18A80] =	vst v63  }
0x1a: {  	_ =	swait.ge [sflag:s5], $0x500  }
0x1b: {  	[sflag:s5] =	ssyncset.done $0x0  }
0x1c: {  	[sflag:s5] =	ssyncadd.s32 $0xFFFFFB00  }
0x1d: {  	v22 =	vld [tilespmem:$0x0];
	_ =	sdelay $0x4  }
0x1e: {  	v23 =	vshll.u32 v22, $0x2  }
0x1f: {  	v22 =	vand.u32 $0x7, v22;
	v23 =	vand.u32 $0xFFFFFFE0, v23  }
0x20: {  	v22 =	vor.u32 v22, v23  }
0x21: {  	v23 =	vperm.xlane v22, v0;
	_ =	sdelay $0x1  }
0x22: {  	v23 =	vadd.s32 v2, v23;
	_ =	sdelay $0x1  }
0x23: {  	v22 =	vperm.xlane v22, v3;
	_ =	sdelay $0x1  }
0x24: {  	v22 =	vadd.s32 v2, v22  }
0x25: {  	[tilespmem:s9], [sflag:$0x1] =	stream.indirect_vreg.gather [hbm4b:s2+s3], $0x80, v23, vm0, $0xb8;
	[tilespmem:$0x18A80] =	vst v63  }
0x26: {  	s24 =	simm.s32 $0x1280  }
0x27: {  	[tilespmem:s24], [sflag:$0x1] =	stream.indirect_vreg.gather [hbm4b:s6+s3], $0x80, v23, vm0, $0xb8;
	[tilespmem:$0x18A80] =	vst v63  }
0x28: {  	s25 =	simm.s32 $0x1A80  }
0x29: {  	[tilespmem:s25], [sflag:$0x1] =	stream.indirect_vreg.gather [hbm4b:s2+s3], $0x80, v22, vm0, $0xb8;
	[tilespmem:$0x18A80] =	vst v63  }
0x2a: {  	s26 =	simm.s32 $0x2280  }
0x2b: {  	[tilespmem:s26], [sflag:$0x1] =	stream.indirect_vreg.gather [hbm4b:s6+s3], $0x80, v22, vm0, $0xb8;
	[tilespmem:$0x18A80] =	vst v63  }
0x2c: {  	v22 =	vld [tilespmem:$0x10];
	_ =	sdelay $0x4  }
0x2d: {  	v23 =	vshll.u32 v22, $0x2  }
0x2e: {  	v22 =	vand.u32 $0x7, v22;
	v23 =	vand.u32 $0xFFFFFFE0, v23  }
0x2f: {  	v22 =	vor.u32 v22, v23  }
0x30: {  	v23 =	vperm.xlane v22, v0;
	_ =	sdelay $0x1  }
0x31: {  	v23 =	vadd.s32 v2, v23;
	_ =	sdelay $0x1  }
0x32: {  	v22 =	vperm.xlane v22, v3;
	_ =	sdelay $0x1  }
0x33: {  	s30 =	simm.s32 $0x2A80;
	v22 =	vadd.s32 v2, v22  }
0x34: {  	[tilespmem:s30], [sflag:$0x1] =	stream.indirect_vreg.gather [hbm4b:s2+s3], $0x80, v23, vm0, $0xb8;
	[tilespmem:$0x18A80] =	vst v63  }
0x35: {  	s1 =	simm.s32 $0x3280  }
0x36: {  	[tilespmem:s1], [sflag:$0x1] =	stream.indirect_vreg.gather [hbm4b:s6+s3], $0x80, v23, vm0, $0xb8;
	[tilespmem:$0x18A80] =	vst v63  }
0x37: {  	s4 =	simm.s32 $0x3A80  }
0x38: {  	[tilespmem:s4], [sflag:$0x1] =	stream.indirect_vreg.gather [hbm4b:s2+s3], $0x80, v22, vm0, $0xb8;
	[tilespmem:$0x18A80] =	vst v63  }
0x39: {  	s5 =	simm.s32 $0x4280  }
0x3a: {  	[tilespmem:s5], [sflag:$0x1] =	stream.indirect_vreg.gather [hbm4b:s6+s3], $0x80, v22, vm0, $0xb8;
	[tilespmem:$0x18A80] =	vst v63  }
0x3b: {  	v22 =	vld [tilespmem:$0x20];
	_ =	sdelay $0x4  }
0x3c: {  	v23 =	vshll.u32 v22, $0x2  }
0x3d: {  	v22 =	vand.u32 $0x7, v22;
	v23 =	vand.u32 $0xFFFFFFE0, v23  }
0x3e: {  	v22 =	vor.u32 v22, v23  }
0x3f: {  	v23 =	vperm.xlane v22, v0;
	_ =	sdelay $0x1  }
0x40: {  	v23 =	vadd.s32 v2, v23;
	_ =	sdelay $0x1  }
0x41: {  	v22 =	vperm.xlane v22, v3;
	_ =	sdelay $0x1  }
0x42: {  	s7 =	simm.s32 $0x4A80;
	v22 =	vadd.s32 v2, v22  }
0x43: {  	[tilespmem:s7], [sflag:$0x1] =	stream.indirect_vreg.gather [hbm4b:s2+s3], $0x80, v23, vm0, $0xb8;
	[tilespmem:$0x18A80] =	vst v63  }
0x44: {  	s11 =	simm.s32 $0x5280  }
0x45: {  	[tilespmem:s11], [sflag:$0x1] =	stream.indirect_vreg.gather [hbm4b:s6+s3], $0x80, v23, vm0, $0xb8;
	[tilespmem:$0x18A80] =	vst v63  }
0x46: {  	s12 =	simm.s32 $0x5A80  }
0x47: {  	[tilespmem:s12], [sflag:$0x1] =	stream.indirect_vreg.gather [hbm4b:s2+s3], $0x80, v22, vm0, $0xb8;
	[tilespmem:$0x18A80] =	vst v63  }
0x48: {  	s14 =	simm.s32 $0x6280  }
0x49: {  	[tilespmem:s14], [sflag:$0x1] =	stream.indirect_vreg.gather [hbm4b:s6+s3], $0x80, v22, vm0, $0xb8;
	[tilespmem:$0x18A80] =	vst v63  }
0x4a: {  	v22 =	vld [tilespmem:$0x30];
	_ =	sdelay $0x4  }
0x4b: {  	v23 =	vshll.u32 v22, $0x2  }
0x4c: {  	v22 =	vand.u32 $0x7, v22;
	v23 =	vand.u32 $0xFFFFFFE0, v23  }
0x4d: {  	v22 =	vor.u32 v22, v23  }
0x4e: {  	v23 =	vperm.xlane v22, v0;
	_ =	sdelay $0x1  }
0x4f: {  	v23 =	vadd.s32 v2, v23;
	_ =	sdelay $0x1  }
0x50: {  	v22 =	vperm.xlane v22, v3;
	_ =	sdelay $0x1  }
0x51: {  	s15 =	simm.s32 $0x6A80;
	v22 =	vadd.s32 v2, v22  }
0x52: {  	[tilespmem:s15], [sflag:$0x1] =	stream.indirect_vreg.gather [hbm4b:s2+s3], $0x80, v23, vm0, $0xb8;
	[tilespmem:$0x18A80] =	vst v63  }
0x53: {  	s16 =	simm.s32 $0x7280  }
0x54: {  	[tilespmem:s16], [sflag:$0x1] =	stream.indirect_vreg.gather [hbm4b:s6+s3], $0x80, v23, vm0, $0xb8;
	[tilespmem:$0x18A80] =	vst v63  }
0x55: {  	s17 =	simm.s32 $0x7A80  }
0x56: {  	[tilespmem:s17], [sflag:$0x1] =	stream.indirect_vreg.gather [hbm4b:s2+s3], $0x80, v22, vm0, $0xb8;
	[tilespmem:$0x18A80] =	vst v63  }
0x57: {  	s18 =	simm.s32 $0x8280  }
0x58: {  	[tilespmem:s18], [sflag:$0x1] =	stream.indirect_vreg.gather [hbm4b:s6+s3], $0x80, v22, vm0, $0xb8;
	[tilespmem:$0x18A80] =	vst v63  }
0x59: {  	v22 =	vld [tilespmem:$0x80];
	_ =	sdelay $0x4  }
0x5a: {  	v23 =	vshll.u32 v22, $0x2  }
0x5b: {  	v22 =	vand.u32 $0x7, v22;
	v23 =	vand.u32 $0xFFFFFFE0, v23  }
0x5c: {  	v22 =	vor.u32 v22, v23  }
0x5d: {  	v23 =	vperm.xlane v22, v0;
	_ =	sdelay $0x1  }
0x5e: {  	v23 =	vadd.s32 v2, v23;
	_ =	sdelay $0x1  }
0x5f: {  	v22 =	vperm.xlane v22, v3;
	_ =	sdelay $0x1  }
0x60: {  	s1 =	simm.s32 $0x8A80;
	v22 =	vadd.s32 v2, v22  }
0x61: {  	[tilespmem:s1], [sflag:$0x2] =	stream.indirect_vreg.gather [hbm4b:s2+s3], $0x80, v23, vm0, $0xb8;
	[tilespmem:$0x18A80] =	vst v63  }
0x62: {  	s19 =	simm.s32 $0x9280  }
0x63: {  	[tilespmem:s19], [sflag:$0x2] =	stream.indirect_vreg.gather [hbm4b:s6+s3], $0x80, v23, vm0, $0xb8;
	[tilespmem:$0x18A80] =	vst v63  }
0x64: {  	s20 =	simm.s32 $0x9A80  }
0x65: {  	[tilespmem:s20], [sflag:$0x2] =	stream.indirect_vreg.gather [hbm4b:s2+s3], $0x80, v22, vm0, $0xb8;
	[tilespmem:$0x18A80] =	vst v63  }
0x66: {  	s14 =	simm.s32 $0xA280  }
0x67: {  	[tilespmem:s14], [sflag:$0x2] =	stream.indirect_vreg.gather [hbm4b:s6+s3], $0x80, v22, vm0, $0xb8;
	[tilespmem:$0x18A80] =	vst v63  }
0x68: {  	v22 =	vld [tilespmem:$0x90];
	_ =	sdelay $0x4  }
0x69: {  	v23 =	vshll.u32 v22, $0x2  }
0x6a: {  	v22 =	vand.u32 $0x7, v22;
	v23 =	vand.u32 $0xFFFFFFE0, v23  }
0x6b: {  	v22 =	vor.u32 v22, v23  }
0x6c: {  	v23 =	vperm.xlane v22, v0;
	_ =	sdelay $0x1  }
0x6d: {  	v23 =	vadd.s32 v2, v23;
	_ =	sdelay $0x1  }
0x6e: {  	v22 =	vperm.xlane v22, v3;
	_ =	sdelay $0x1  }
0x6f: {  	s17 =	simm.s32 $0xAA80;
	v22 =	vadd.s32 v2, v22  }
0x70: {  	[tilespmem:s17], [sflag:$0x2] =	stream.indirect_vreg.gather [hbm4b:s2+s3], $0x80, v23, vm0, $0xb8;
	[tilespmem:$0x18A80] =	vst v63  }
0x71: {  	s18 =	simm.s32 $0xB280  }
0x72: {  	[tilespmem:s18], [sflag:$0x2] =	stream.indirect_vreg.gather [hbm4b:s6+s3], $0x80, v23, vm0, $0xb8;
	[tilespmem:$0x18A80] =	vst v63  }
0x73: {  	s19 =	simm.s32 $0xBA80  }
0x74: {  	[tilespmem:s19], [sflag:$0x2] =	stream.indirect_vreg.gather [hbm4b:s2+s3], $0x80, v22, vm0, $0xb8;
	[tilespmem:$0x18A80] =	vst v63  }
0x75: {  	s17 =	simm.s32 $0xC280  }
0x76: {  	[tilespmem:s17], [sflag:$0x2] =	stream.indirect_vreg.gather [hbm4b:s6+s3], $0x80, v22, vm0, $0xb8;
	[tilespmem:$0x18A80] =	vst v63  }
0x77: {  	v22 =	vld [tilespmem:$0xA0];
	_ =	sdelay $0x4  }
0x78: {  	v23 =	vshll.u32 v22, $0x2  }
0x79: {  	v22 =	vand.u32 $0x7, v22;
	v23 =	vand.u32 $0xFFFFFFE0, v23  }
0x7a: {  	v22 =	vor.u32 v22, v23  }
0x7b: {  	v23 =	vperm.xlane v22, v0;
	_ =	sdelay $0x1  }
0x7c: {  	v23 =	vadd.s32 v2, v23;
	_ =	sdelay $0x1  }
0x7d: {  	v22 =	vperm.xlane v22, v3;
	_ =	sdelay $0x1  }
0x7e: {  	s18 =	simm.s32 $0xCA80;
	v22 =	vadd.s32 v2, v22  }
0x7f: {  	[tilespmem:s18], [sflag:$0x2] =	stream.indirect_vreg.gather [hbm4b:s2+s3], $0x80, v23, vm0, $0xb8;
	[tilespmem:$0x18A80] =	vst v63  }
0x80: {  	s17 =	simm.s32 $0xD280  }
0x81: {  	[tilespmem:s17], [sflag:$0x2] =	stream.indirect_vreg.gather [hbm4b:s6+s3], $0x80, v23, vm0, $0xb8;
	[tilespmem:$0x18A80] =	vst v63  }
0x82: {  	s18 =	simm.s32 $0xDA80  }
0x83: {  	[tilespmem:s18], [sflag:$0x2] =	stream.indirect_vreg.gather [hbm4b:s2+s3], $0x80, v22, vm0, $0xb8;
	[tilespmem:$0x18A80] =	vst v63  }
0x84: {  	s17 =	simm.s32 $0xE280  }
0x85: {  	[tilespmem:s17], [sflag:$0x2] =	stream.indirect_vreg.gather [hbm4b:s6+s3], $0x80, v22, vm0, $0xb8;
	[tilespmem:$0x18A80] =	vst v63  }
0x86: {  	v22 =	vld [tilespmem:$0xB0];
	_ =	sdelay $0x4  }
0x87: {  	v23 =	vshll.u32 v22, $0x2  }
0x88: {  	v22 =	vand.u32 $0x7, v22;
	v23 =	vand.u32 $0xFFFFFFE0, v23  }
0x89: {  	v22 =	vor.u32 v22, v23  }
0x8a: {  	v23 =	vperm.xlane v22, v0;
	_ =	sdelay $0x1  }
0x8b: {  	v23 =	vadd.s32 v2, v23;
	_ =	sdelay $0x1  }
0x8c: {  	v22 =	vperm.xlane v22, v3;
	_ =	sdelay $0x1  }
0x8d: {  	s18 =	simm.s32 $0xEA80;
	v22 =	vadd.s32 v2, v22  }
0x8e: {  	[tilespmem:s18], [sflag:$0x2] =	stream.indirect_vreg.gather [hbm4b:s2+s3], $0x80, v23, vm0, $0xb8;
	[tilespmem:$0x18A80] =	vst v63  }
0x8f: {  	s18 =	simm.s32 $0xF280  }
0x90: {  	[tilespmem:s18], [sflag:$0x2] =	stream.indirect_vreg.gather [hbm4b:s6+s3], $0x80, v23, vm0, $0xb8;
	[tilespmem:$0x18A80] =	vst v63  }
0x91: {  	s18 =	simm.s32 $0xFA80  }
0x92: {  	[tilespmem:s18], [sflag:$0x2] =	stream.indirect_vreg.gather [hbm4b:s2+s3], $0x80, v22, vm0, $0xb8;
	[tilespmem:$0x18A80] =	vst v63  }
0x93: {  	s18 =	simm.s32 $0x10280  }
0x94: {  	[tilespmem:s18], [sflag:$0x2] =	stream.indirect_vreg.gather [hbm4b:s6+s3], $0x80, v22, vm0, $0xb8;
	[tilespmem:$0x18A80] =	vst v63  }
0x95: {  	_ =	swait.ge [sflag:s28], $0x8000  }
0x96: {  	[sflag:s28] =	ssyncset.done $0x0  }
0x97: {  	s0 =	rddreg [dreg:$0x5];
	[sflag:s28] =	ssyncadd.s32 $0xFFFF8000  }
0x98: {  	[hbm4b:s0+s3] =	stream.linear.scatter [tilespmem:s9], [sflag:$0x3], $0x8000, $0x38;
	[tilespmem:$0x18A80] =	vst v63  }
0x99: {  	_ =	swait.ge [sflag:s29], $0x8000  }
0x9a: {  	[sflag:s29] =	ssyncset.done $0x0  }
0x9b: {  	[sflag:s29] =	ssyncadd.s32 $0xFFFF8000  }
0x9c: {  	v22 =	vld [tilespmem:$0x100];
	_ =	sdelay $0x4  }
0x9d: {  	v23 =	vshll.u32 v22, $0x2  }
0x9e: {  	v22 =	vand.u32 $0x7, v22;
	v23 =	vand.u32 $0xFFFFFFE0, v23  }
0x9f: {  	v22 =	vor.u32 v22, v23  }
0xa0: {  	v23 =	vperm.xlane v22, v0;
	_ =	sdelay $0x1  }
0xa1: {  	v23 =	vadd.s32 v2, v23;
	_ =	sdelay $0x1  }
0xa2: {  	v22 =	vperm.xlane v22, v3;
	_ =	sdelay $0x1  }
0xa3: {  	v22 =	vadd.s32 v2, v22  }
0xa4: {  	[tilespmem:s9], [sflag:$0x1] =	stream.indirect_vreg.gather [hbm4b:s2+s3], $0x80, v23, vm0, $0xb8;
	[tilespmem:$0x18A80] =	vst v63  }
0xa5: {  	s21 =	simm.s32 $0x1280  }
0xa6: {  	[tilespmem:s21], [sflag:$0x1] =	stream.indirect_vreg.gather [hbm4b:s6+s3], $0x80, v23, vm0, $0xb8;
	[tilespmem:$0x18A80] =	vst v63  }
0xa7: {  	s13 =	simm.s32 $0x1A80  }
0xa8: {  	[tilespmem:s13], [sflag:$0x1] =	stream.indirect_vreg.gather [hbm4b:s2+s3], $0x80, v22, vm0, $0xb8;
	[tilespmem:$0x18A80] =	vst v63  }
0xa9: {  	s8 =	simm.s32 $0x2280  }
0xaa: {  	[tilespmem:s8], [sflag:$0x1] =	stream.indirect_vreg.gather [hbm4b:s6+s3], $0x80, v22, vm0, $0xb8;
	[tilespmem:$0x18A80] =	vst v63  }
0xab: {  	v22 =	vld [tilespmem:$0x110];
	_ =	sdelay $0x4  }
0xac: {  	v23 =	vshll.u32 v22, $0x2  }
0xad: {  	v22 =	vand.u32 $0x7, v22;
	v23 =	vand.u32 $0xFFFFFFE0, v23  }
0xae: {  	v22 =	vor.u32 v22, v23  }
0xaf: {  	v23 =	vperm.xlane v22, v0;
	_ =	sdelay $0x1  }
0xb0: {  	v23 =	vadd.s32 v2, v23;
	_ =	sdelay $0x1  }
0xb1: {  	v22 =	vperm.xlane v22, v3;
	_ =	sdelay $0x1  }
0xb2: {  	s22 =	simm.s32 $0x2A80;
	v22 =	vadd.s32 v2, v22  }
0xb3: {  	[tilespmem:s22], [sflag:$0x1] =	stream.indirect_vreg.gather [hbm4b:s2+s3], $0x80, v23, vm0, $0xb8;
	[tilespmem:$0x18A80] =	vst v63  }
0xb4: {  	s23 =	simm.s32 $0x3280  }
0xb5: {  	[tilespmem:s23], [sflag:$0x1] =	stream.indirect_vreg.gather [hbm4b:s6+s3], $0x80, v23, vm0, $0xb8;
	[tilespmem:$0x18A80] =	vst v63  }
0xb6: {  	s24 =	simm.s32 $0x3A80  }
0xb7: {  	[tilespmem:s24], [sflag:$0x1] =	stream.indirect_vreg.gather [hbm4b:s2+s3], $0x80, v22, vm0, $0xb8;
	[tilespmem:$0x18A80] =	vst v63  }
0xb8: {  	s10 =	simm.s32 $0x4280  }
0xb9: {  	[tilespmem:s10], [sflag:$0x1] =	stream.indirect_vreg.gather [hbm4b:s6+s3], $0x80, v22, vm0, $0xb8;
	[tilespmem:$0x18A80] =	vst v63  }
0xba: {  	v22 =	vld [tilespmem:$0x120];
	_ =	sdelay $0x4  }
0xbb: {  	v23 =	vshll.u32 v22, $0x2  }
0xbc: {  	v22 =	vand.u32 $0x7, v22;
	v23 =	vand.u32 $0xFFFFFFE0, v23  }
0xbd: {  	v22 =	vor.u32 v22, v23  }
0xbe: {  	v23 =	vperm.xlane v22, v0;
	_ =	sdelay $0x1  }
0xbf: {  	v23 =	vadd.s32 v2, v23;
	_ =	sdelay $0x1  }
0xc0: {  	v22 =	vperm.xlane v22, v3;
	_ =	sdelay $0x1  }
0xc1: {  	s25 =	simm.s32 $0x4A80;
	v22 =	vadd.s32 v2, v22  }
0xc2: {  	[tilespmem:s25], [sflag:$0x1] =	stream.indirect_vreg.gather [hbm4b:s2+s3], $0x80, v23, vm0, $0xb8;
	[tilespmem:$0x18A80] =	vst v63  }
0xc3: {  	s26 =	simm.s32 $0x5280  }
0xc4: {  	[tilespmem:s26], [sflag:$0x1] =	stream.indirect_vreg.gather [hbm4b:s6+s3], $0x80, v23, vm0, $0xb8;
	[tilespmem:$0x18A80] =	vst v63  }
0xc5: {  	s30 =	simm.s32 $0x5A80  }
0xc6: {  	[tilespmem:s30], [sflag:$0x1] =	stream.indirect_vreg.gather [hbm4b:s2+s3], $0x80, v22, vm0, $0xb8;
	[tilespmem:$0x18A80] =	vst v63  }
0xc7: {  	s11 =	simm.s32 $0x6280  }
0xc8: {  	[tilespmem:s11], [sflag:$0x1] =	stream.indirect_vreg.gather [hbm4b:s6+s3], $0x80, v22, vm0, $0xb8;
	[tilespmem:$0x18A80] =	vst v63  }
0xc9: {  	v22 =	vld [tilespmem:$0x130];
	_ =	sdelay $0x4  }
0xca: {  	v23 =	vshll.u32 v22, $0x2  }
0xcb: {  	v22 =	vand.u32 $0x7, v22;
	v23 =	vand.u32 $0xFFFFFFE0, v23  }
0xcc: {  	v22 =	vor.u32 v22, v23  }
0xcd: {  	v23 =	vperm.xlane v22, v0;
	_ =	sdelay $0x1  }
0xce: {  	v23 =	vadd.s32 v2, v23;
	_ =	sdelay $0x1  }
0xcf: {  	v22 =	vperm.xlane v22, v3;
	_ =	sdelay $0x1  }
0xd0: {  	s12 =	simm.s32 $0x6A80;
	v22 =	vadd.s32 v2, v22  }
0xd1: {  	[tilespmem:s12], [sflag:$0x1] =	stream.indirect_vreg.gather [hbm4b:s2+s3], $0x80, v23, vm0, $0xb8;
	[tilespmem:$0x18A80] =	vst v63  }
0xd2: {  	s5 =	simm.s32 $0x7280  }
0xd3: {  	[tilespmem:s5], [sflag:$0x1] =	stream.indirect_vreg.gather [hbm4b:s6+s3], $0x80, v23, vm0, $0xb8;
	[tilespmem:$0x18A80] =	vst v63  }
0xd4: {  	s4 =	simm.s32 $0x7A80  }
0xd5: {  	[tilespmem:s4], [sflag:$0x1] =	stream.indirect_vreg.gather [hbm4b:s2+s3], $0x80, v22, vm0, $0xb8;
	[tilespmem:$0x18A80] =	vst v63  }
0xd6: {  	s7 =	simm.s32 $0x8280;
	s26 =	simm.s32 $0x2  }
0xd7: {  	[tilespmem:s7], [sflag:$0x1] =	stream.indirect_vreg.gather [hbm4b:s6+s3], $0x80, v22, vm0, $0xb8;
	[tilespmem:$0x18A80] =	vst v63  }
0xd8: {  	_ =	swait.ge [sflag:s26], $0x8000  }
0xd9: {  	[sflag:s26] =	ssyncset.done $0x0  }
0xda: {  	s30 =	rddreg [dreg:$0x6];
	[sflag:s26] =	ssyncadd.s32 $0xFFFF8000  }
0xdb: {  	[hbm4b:s30+s3] =	stream.linear.scatter [tilespmem:s1], [sflag:$0x4], $0x8000, $0x38;
	[tilespmem:$0x18A80] =	vst v63  }
0xdc: {  	s30 =	simm.s32 $0x4  }
0xdd: {  	_ =	swait.ge [sflag:s30], $0x8000  }
0xde: {  	[sflag:s30] =	ssyncset.done $0x0  }
0xdf: {  	[sflag:s30] =	ssyncadd.s32 $0xFFFF8000  }
0xe0: {  	v22 =	vld [tilespmem:$0x180];
	_ =	sdelay $0x4  }
0xe1: {  	v23 =	vshll.u32 v22, $0x2  }
0xe2: {  	v22 =	vand.u32 $0x7, v22;
	v23 =	vand.u32 $0xFFFFFFE0, v23  }
0xe3: {  	v22 =	vor.u32 v22, v23  }
0xe4: {  	v23 =	vperm.xlane v22, v0;
	_ =	sdelay $0x1  }
0xe5: {  	v23 =	vadd.s32 v2, v23;
	_ =	sdelay $0x1  }
0xe6: {  	v22 =	vperm.xlane v22, v3;
	_ =	sdelay $0x1  }
0xe7: {  	v22 =	vadd.s32 v2, v22  }
0xe8: {  	[tilespmem:s1], [sflag:$0x2] =	stream.indirect_vreg.gather [hbm4b:s2+s3], $0x80, v23, vm0, $0xb8;
	[tilespmem:$0x18A80] =	vst v63  }
0xe9: {  	s15 =	simm.s32 $0x9280  }
0xea: {  	[tilespmem:s15], [sflag:$0x2] =	stream.indirect_vreg.gather [hbm4b:s6+s3], $0x80, v23, vm0, $0xb8;
	[tilespmem:$0x18A80] =	vst v63  }
0xeb: {  	s16 =	simm.s32 $0x9A80  }
0xec: {  	[tilespmem:s16], [sflag:$0x2] =	stream.indirect_vreg.gather [hbm4b:s2+s3], $0x80, v22, vm0, $0xb8;
	[tilespmem:$0x18A80] =	vst v63  }
0xed: {  	s20 =	simm.s32 $0xA280  }
0xee: {  	[tilespmem:s20], [sflag:$0x2] =	stream.indirect_vreg.gather [hbm4b:s6+s3], $0x80, v22, vm0, $0xb8;
	[tilespmem:$0x18A80] =	vst v63  }
0xef: {  	v22 =	vld [tilespmem:$0x190];
	_ =	sdelay $0x4  }
0xf0: {  	v23 =	vshll.u32 v22, $0x2  }
0xf1: {  	v22 =	vand.u32 $0x7, v22;
	v23 =	vand.u32 $0xFFFFFFE0, v23  }
0xf2: {  	v22 =	vor.u32 v22, v23  }
0xf3: {  	v23 =	vperm.xlane v22, v0;
	_ =	sdelay $0x1  }
0xf4: {  	v23 =	vadd.s32 v2, v23;
	_ =	sdelay $0x1  }
0xf5: {  	v22 =	vperm.xlane v22, v3;
	_ =	sdelay $0x1  }
0xf6: {  	s4 =	simm.s32 $0xAA80;
	v22 =	vadd.s32 v2, v22  }
0xf7: {  	[tilespmem:s4], [sflag:$0x2] =	stream.indirect_vreg.gather [hbm4b:s2+s3], $0x80, v23, vm0, $0xb8;
	[tilespmem:$0x18A80] =	vst v63  }
0xf8: {  	s14 =	simm.s32 $0xB280  }
0xf9: {  	[tilespmem:s14], [sflag:$0x2] =	stream.indirect_vreg.gather [hbm4b:s6+s3], $0x80, v23, vm0, $0xb8;
	[tilespmem:$0x18A80] =	vst v63  }
0xfa: {  	s5 =	simm.s32 $0xBA80  }
0xfb: {  	[tilespmem:s5], [sflag:$0x2] =	stream.indirect_vreg.gather [hbm4b:s2+s3], $0x80, v22, vm0, $0xb8;
	[tilespmem:$0x18A80] =	vst v63  }
0xfc: {  	s19 =	simm.s32 $0xC280  }
0xfd: {  	[tilespmem:s19], [sflag:$0x2] =	stream.indirect_vreg.gather [hbm4b:s6+s3], $0x80, v22, vm0, $0xb8;
	[tilespmem:$0x18A80] =	vst v63  }
0xfe: {  	v22 =	vld [tilespmem:$0x1A0];
	_ =	sdelay $0x4  }
0xff: {  	v23 =	vshll.u32 v22, $0x2  }
0x100: {  	v22 =	vand.u32 $0x7, v22;
	v23 =	vand.u32 $0xFFFFFFE0, v23  }
0x101: {  	v22 =	vor.u32 v22, v23  }
0x102: {  	v23 =	vperm.xlane v22, v0;
	_ =	sdelay $0x1  }
0x103: {  	v23 =	vadd.s32 v2, v23;
	_ =	sdelay $0x1  }
0x104: {  	v22 =	vperm.xlane v22, v3;
	_ =	sdelay $0x1  }
0x105: {  	s7 =	simm.s32 $0xCA80;
	v22 =	vadd.s32 v2, v22  }
0x106: {  	[tilespmem:s7], [sflag:$0x2] =	stream.indirect_vreg.gather [hbm4b:s2+s3], $0x80, v23, vm0, $0xb8;
	[tilespmem:$0x18A80] =	vst v63  }
0x107: {  	s8 =	simm.s32 $0xD280  }
0x108: {  	[tilespmem:s8], [sflag:$0x2] =	stream.indirect_vreg.gather [hbm4b:s6+s3], $0x80, v23, vm0, $0xb8;
	[tilespmem:$0x18A80] =	vst v63  }
0x109: {  	s10 =	simm.s32 $0xDA80  }
0x10a: {  	[tilespmem:s10], [sflag:$0x2] =	stream.indirect_vreg.gather [hbm4b:s2+s3], $0x80, v22, vm0, $0xb8;
	[tilespmem:$0x18A80] =	vst v63  }
0x10b: {  	s17 =	simm.s32 $0xE280  }
0x10c: {  	[tilespmem:s17], [sflag:$0x2] =	stream.indirect_vreg.gather [hbm4b:s6+s3], $0x80, v22, vm0, $0xb8;
	[tilespmem:$0x18A80] =	vst v63  }
0x10d: {  	v22 =	vld [tilespmem:$0x1B0];
	_ =	sdelay $0x4  }
0x10e: {  	v23 =	vshll.u32 v22, $0x2  }
0x10f: {  	v22 =	vand.u32 $0x7, v22;
	v23 =	vand.u32 $0xFFFFFFE0, v23  }
0x110: {  	v22 =	vor.u32 v22, v23  }
0x111: {  	v23 =	vperm.xlane v22, v0;
	_ =	sdelay $0x1  }
0x112: {  	v23 =	vadd.s32 v2, v23;
	_ =	sdelay $0x1  }
0x113: {  	v22 =	vperm.xlane v22, v3;
	_ =	sdelay $0x1  }
0x114: {  	s11 =	simm.s32 $0xEA80;
	v22 =	vadd.s32 v2, v22  }
0x115: {  	[tilespmem:s11], [sflag:$0x2] =	stream.indirect_vreg.gather [hbm4b:s2+s3], $0x80, v23, vm0, $0xb8;
	[tilespmem:$0x18A80] =	vst v63  }
0x116: {  	s12 =	simm.s32 $0xF280  }
0x117: {  	[tilespmem:s12], [sflag:$0x2] =	stream.indirect_vreg.gather [hbm4b:s6+s3], $0x80, v23, vm0, $0xb8;
	[tilespmem:$0x18A80] =	vst v63  }
0x118: {  	s14 =	simm.s32 $0xFA80  }
0x119: {  	[tilespmem:s14], [sflag:$0x2] =	stream.indirect_vreg.gather [hbm4b:s2+s3], $0x80, v22, vm0, $0xb8;
	[tilespmem:$0x18A80] =	vst v63  }
0x11a: {  	s18 =	simm.s32 $0x10280  }
0x11b: {  	[tilespmem:s18], [sflag:$0x2] =	stream.indirect_vreg.gather [hbm4b:s6+s3], $0x80, v22, vm0, $0xb8;
	[tilespmem:$0x18A80] =	vst v63  }
0x11c: {  	_ =	swait.ge [sflag:s28], $0x8000  }
0x11d: {  	[sflag:s28] =	ssyncset.done $0x0  }
0x11e: {  	s17 =	rddreg [dreg:$0x7];
	[sflag:s28] =	ssyncadd.s32 $0xFFFF8000  }
0x11f: {  	[hbm4b:s17+s3] =	stream.linear.scatter [tilespmem:s9], [sflag:$0x3], $0x8000, $0x38;
	[tilespmem:$0x18A80] =	vst v63  }
0x120: {  	_ =	swait.ge [sflag:s29], $0x8000  }
0x121: {  	[sflag:s29] =	ssyncset.done $0x0  }
0x122: {  	[sflag:s29] =	ssyncadd.s32 $0xFFFF8000  }
0x123: {  	v22 =	vld [tilespmem:$0x200];
	_ =	sdelay $0x4  }
0x124: {  	v23 =	vshll.u32 v22, $0x2  }
0x125: {  	v22 =	vand.u32 $0x7, v22;
	v23 =	vand.u32 $0xFFFFFFE0, v23  }
0x126: {  	v22 =	vor.u32 v22, v23  }
0x127: {  	v23 =	vperm.xlane v22, v0;
	_ =	sdelay $0x1  }
0x128: {  	v23 =	vadd.s32 v2, v23;
	_ =	sdelay $0x1  }
0x129: {  	v22 =	vperm.xlane v22, v3;
	_ =	sdelay $0x1  }
0x12a: {  	v22 =	vadd.s32 v2, v22  }
0x12b: {  	[tilespmem:s9], [sflag:$0x1] =	stream.indirect_vreg.gather [hbm4b:s2+s3], $0x80, v23, vm0, $0xb8;
	[tilespmem:$0x18A80] =	vst v63  }
0x12c: {  	s21 =	simm.s32 $0x1280  }
0x12d: {  	[tilespmem:s21], [sflag:$0x1] =	stream.indirect_vreg.gather [hbm4b:s6+s3], $0x80, v23, vm0, $0xb8;
	[tilespmem:$0x18A80] =	vst v63  }
0x12e: {  	s18 =	simm.s32 $0x1A80  }
0x12f: {  	[tilespmem:s18], [sflag:$0x1] =	stream.indirect_vreg.gather [hbm4b:s2+s3], $0x80, v22, vm0, $0xb8;
	[tilespmem:$0x18A80] =	vst v63  }
0x130: {  	s21 =	simm.s32 $0x2280  }
0x131: {  	[tilespmem:s21], [sflag:$0x1] =	stream.indirect_vreg.gather [hbm4b:s6+s3], $0x80, v22, vm0, $0xb8;
	[tilespmem:$0x18A80] =	vst v63  }
0x132: {  	v22 =	vld [tilespmem:$0x210];
	_ =	sdelay $0x4  }
0x133: {  	v23 =	vshll.u32 v22, $0x2  }
0x134: {  	v22 =	vand.u32 $0x7, v22;
	v23 =	vand.u32 $0xFFFFFFE0, v23  }
0x135: {  	v22 =	vor.u32 v22, v23  }
0x136: {  	v23 =	vperm.xlane v22, v0;
	_ =	sdelay $0x1  }
0x137: {  	v23 =	vadd.s32 v2, v23;
	_ =	sdelay $0x1  }
0x138: {  	v22 =	vperm.xlane v22, v3;
	_ =	sdelay $0x1  }
0x139: {  	s18 =	simm.s32 $0x2A80;
	v22 =	vadd.s32 v2, v22  }
0x13a: {  	[tilespmem:s18], [sflag:$0x1] =	stream.indirect_vreg.gather [hbm4b:s2+s3], $0x80, v23, vm0, $0xb8;
	[tilespmem:$0x18A80] =	vst v63  }
0x13b: {  	s21 =	simm.s32 $0x3280  }
0x13c: {  	[tilespmem:s21], [sflag:$0x1] =	stream.indirect_vreg.gather [hbm4b:s6+s3], $0x80, v23, vm0, $0xb8;
	[tilespmem:$0x18A80] =	vst v63  }
0x13d: {  	s24 =	simm.s32 $0x3A80  }
0x13e: {  	[tilespmem:s24], [sflag:$0x1] =	stream.indirect_vreg.gather [hbm4b:s2+s3], $0x80, v22, vm0, $0xb8;
	[tilespmem:$0x18A80] =	vst v63  }
0x13f: {  	s24 =	simm.s32 $0x4280  }
0x140: {  	[tilespmem:s24], [sflag:$0x1] =	stream.indirect_vreg.gather [hbm4b:s6+s3], $0x80, v22, vm0, $0xb8;
	[tilespmem:$0x18A80] =	vst v63  }
0x141: {  	v22 =	vld [tilespmem:$0x220];
	_ =	sdelay $0x4  }
0x142: {  	v23 =	vshll.u32 v22, $0x2  }
0x143: {  	v22 =	vand.u32 $0x7, v22;
	v23 =	vand.u32 $0xFFFFFFE0, v23  }
0x144: {  	v22 =	vor.u32 v22, v23  }
0x145: {  	v23 =	vperm.xlane v22, v0;
	_ =	sdelay $0x1  }
0x146: {  	v23 =	vadd.s32 v2, v23;
	_ =	sdelay $0x1  }
0x147: {  	v22 =	vperm.xlane v22, v3;
	_ =	sdelay $0x1  }
0x148: {  	s25 =	simm.s32 $0x4A80;
	v22 =	vadd.s32 v2, v22  }
0x149: {  	[tilespmem:s25], [sflag:$0x1] =	stream.indirect_vreg.gather [hbm4b:s2+s3], $0x80, v23, vm0, $0xb8;
	[tilespmem:$0x18A80] =	vst v63  }
0x14a: {  	s18 =	simm.s32 $0x5280  }
0x14b: {  	[tilespmem:s18], [sflag:$0x1] =	stream.indirect_vreg.gather [hbm4b:s6+s3], $0x80, v23, vm0, $0xb8;
	[tilespmem:$0x18A80] =	vst v63  }
0x14c: {  	s21 =	simm.s32 $0x5A80  }
0x14d: {  	[tilespmem:s21], [sflag:$0x1] =	stream.indirect_vreg.gather [hbm4b:s2+s3], $0x80, v22, vm0, $0xb8;
	[tilespmem:$0x18A80] =	vst v63  }
0x14e: {  	s24 =	simm.s32 $0x6280  }
0x14f: {  	[tilespmem:s24], [sflag:$0x1] =	stream.indirect_vreg.gather [hbm4b:s6+s3], $0x80, v22, vm0, $0xb8;
	[tilespmem:$0x18A80] =	vst v63  }
0x150: {  	v22 =	vld [tilespmem:$0x230];
	_ =	sdelay $0x4  }
0x151: {  	v23 =	vshll.u32 v22, $0x2  }
0x152: {  	v22 =	vand.u32 $0x7, v22;
	v23 =	vand.u32 $0xFFFFFFE0, v23  }
0x153: {  	v22 =	vor.u32 v22, v23  }
0x154: {  	v23 =	vperm.xlane v22, v0;
	_ =	sdelay $0x1  }
0x155: {  	v23 =	vadd.s32 v2, v23;
	_ =	sdelay $0x1  }
0x156: {  	v22 =	vperm.xlane v22, v3;
	_ =	sdelay $0x1  }
0x157: {  	s25 =	simm.s32 $0x6A80;
	v22 =	vadd.s32 v2, v22  }
0x158: {  	[tilespmem:s25], [sflag:$0x1] =	stream.indirect_vreg.gather [hbm4b:s2+s3], $0x80, v23, vm0, $0xb8;
	[tilespmem:$0x18A80] =	vst v63  }
0x159: {  	s18 =	simm.s32 $0x7280  }
0x15a: {  	[tilespmem:s18], [sflag:$0x1] =	stream.indirect_vreg.gather [hbm4b:s6+s3], $0x80, v23, vm0, $0xb8;
	[tilespmem:$0x18A80] =	vst v63  }
0x15b: {  	s21 =	simm.s32 $0x7A80  }
0x15c: {  	[tilespmem:s21], [sflag:$0x1] =	stream.indirect_vreg.gather [hbm4b:s2+s3], $0x80, v22, vm0, $0xb8;
	[tilespmem:$0x18A80] =	vst v63  }
0x15d: {  	s24 =	simm.s32 $0x8280  }
0x15e: {  	[tilespmem:s24], [sflag:$0x1] =	stream.indirect_vreg.gather [hbm4b:s6+s3], $0x80, v22, vm0, $0xb8;
	[tilespmem:$0x18A80] =	vst v63  }
0x15f: {  	_ =	swait.ge [sflag:s26], $0x8000  }
0x160: {  	[sflag:s26] =	ssyncset.done $0x0  }
0x161: {  	s25 =	rddreg [dreg:$0x8];
	[sflag:s26] =	ssyncadd.s32 $0xFFFF8000  }
0x162: {  	[hbm4b:s25+s3] =	stream.linear.scatter [tilespmem:s1], [sflag:$0x4], $0x8000, $0x38;
	[tilespmem:$0x18A80] =	vst v63  }
0x163: {  	_ =	swait.ge [sflag:s30], $0x8000  }
0x164: {  	[sflag:s30] =	ssyncset.done $0x0  }
0x165: {  	[sflag:s30] =	ssyncadd.s32 $0xFFFF8000  }
0x166: {  	v22 =	vld [tilespmem:$0x280];
	_ =	sdelay $0x4  }
0x167: {  	v23 =	vshll.u32 v22, $0x2  }
0x168: {  	v22 =	vand.u32 $0x7, v22;
	v23 =	vand.u32 $0xFFFFFFE0, v23  }
0x169: {  	v22 =	vor.u32 v22, v23  }
0x16a: {  	v23 =	vperm.xlane v22, v0;
	_ =	sdelay $0x1  }
0x16b: {  	v23 =	vadd.s32 v2, v23;
	_ =	sdelay $0x1  }
0x16c: {  	v22 =	vperm.xlane v22, v3;
	_ =	sdelay $0x1  }
0x16d: {  	v22 =	vadd.s32 v2, v22  }
0x16e: {  	[tilespmem:s1], [sflag:$0x2] =	stream.indirect_vreg.gather [hbm4b:s2+s3], $0x80, v23, vm0, $0xb8;
	[tilespmem:$0x18A80] =	vst v63  }
0x16f: {  	s13 =	simm.s32 $0x9280  }
0x170: {  	[tilespmem:s13], [sflag:$0x2] =	stream.indirect_vreg.gather [hbm4b:s6+s3], $0x80, v23, vm0, $0xb8;
	[tilespmem:$0x18A80] =	vst v63  }
0x171: {  	s16 =	simm.s32 $0x9A80  }
0x172: {  	[tilespmem:s16], [sflag:$0x2] =	stream.indirect_vreg.gather [hbm4b:s2+s3], $0x80, v22, vm0, $0xb8;
	[tilespmem:$0x18A80] =	vst v63  }
0x173: {  	s23 =	simm.s32 $0xA280  }
0x174: {  	[tilespmem:s23], [sflag:$0x2] =	stream.indirect_vreg.gather [hbm4b:s6+s3], $0x80, v22, vm0, $0xb8;
	[tilespmem:$0x18A80] =	vst v63  }
0x175: {  	v22 =	vld [tilespmem:$0x290];
	_ =	sdelay $0x4  }
0x176: {  	v23 =	vshll.u32 v22, $0x2  }
0x177: {  	v22 =	vand.u32 $0x7, v22;
	v23 =	vand.u32 $0xFFFFFFE0, v23  }
0x178: {  	v22 =	vor.u32 v22, v23  }
0x179: {  	v23 =	vperm.xlane v22, v0;
	_ =	sdelay $0x1  }
0x17a: {  	v23 =	vadd.s32 v2, v23;
	_ =	sdelay $0x1  }
0x17b: {  	v22 =	vperm.xlane v22, v3;
	_ =	sdelay $0x1  }
0x17c: {  	s22 =	simm.s32 $0xAA80;
	v22 =	vadd.s32 v2, v22  }
0x17d: {  	[tilespmem:s22], [sflag:$0x2] =	stream.indirect_vreg.gather [hbm4b:s2+s3], $0x80, v23, vm0, $0xb8;
	[tilespmem:$0x18A80] =	vst v63  }
0x17e: {  	s4 =	simm.s32 $0xB280  }
0x17f: {  	[tilespmem:s4], [sflag:$0x2] =	stream.indirect_vreg.gather [hbm4b:s6+s3], $0x80, v23, vm0, $0xb8;
	[tilespmem:$0x18A80] =	vst v63  }
0x180: {  	s5 =	simm.s32 $0xBA80  }
0x181: {  	[tilespmem:s5], [sflag:$0x2] =	stream.indirect_vreg.gather [hbm4b:s2+s3], $0x80, v22, vm0, $0xb8;
	[tilespmem:$0x18A80] =	vst v63  }
0x182: {  	s15 =	simm.s32 $0xC280  }
0x183: {  	[tilespmem:s15], [sflag:$0x2] =	stream.indirect_vreg.gather [hbm4b:s6+s3], $0x80, v22, vm0, $0xb8;
	[tilespmem:$0x18A80] =	vst v63  }
0x184: {  	v22 =	vld [tilespmem:$0x2A0];
	_ =	sdelay $0x4  }
0x185: {  	v23 =	vshll.u32 v22, $0x2  }
0x186: {  	v22 =	vand.u32 $0x7, v22;
	v23 =	vand.u32 $0xFFFFFFE0, v23  }
0x187: {  	v22 =	vor.u32 v22, v23  }
0x188: {  	v23 =	vperm.xlane v22, v0;
	_ =	sdelay $0x1  }
0x189: {  	v23 =	vadd.s32 v2, v23;
	_ =	sdelay $0x1  }
0x18a: {  	v22 =	vperm.xlane v22, v3;
	_ =	sdelay $0x1  }
0x18b: {  	s20 =	simm.s32 $0xCA80;
	v22 =	vadd.s32 v2, v22  }
0x18c: {  	[tilespmem:s20], [sflag:$0x2] =	stream.indirect_vreg.gather [hbm4b:s2+s3], $0x80, v23, vm0, $0xb8;
	[tilespmem:$0x18A80] =	vst v63  }
0x18d: {  	s7 =	simm.s32 $0xD280  }
0x18e: {  	[tilespmem:s7], [sflag:$0x2] =	stream.indirect_vreg.gather [hbm4b:s6+s3], $0x80, v23, vm0, $0xb8;
	[tilespmem:$0x18A80] =	vst v63  }
0x18f: {  	s8 =	simm.s32 $0xDA80  }
0x190: {  	[tilespmem:s8], [sflag:$0x2] =	stream.indirect_vreg.gather [hbm4b:s2+s3], $0x80, v22, vm0, $0xb8;
	[tilespmem:$0x18A80] =	vst v63  }
0x191: {  	s19 =	simm.s32 $0xE280  }
0x192: {  	[tilespmem:s19], [sflag:$0x2] =	stream.indirect_vreg.gather [hbm4b:s6+s3], $0x80, v22, vm0, $0xb8;
	[tilespmem:$0x18A80] =	vst v63  }
0x193: {  	v22 =	vld [tilespmem:$0x2B0];
	_ =	sdelay $0x4  }
0x194: {  	v23 =	vshll.u32 v22, $0x2  }
0x195: {  	v22 =	vand.u32 $0x7, v22;
	v23 =	vand.u32 $0xFFFFFFE0, v23  }
0x196: {  	v22 =	vor.u32 v22, v23  }
0x197: {  	v23 =	vperm.xlane v22, v0;
	_ =	sdelay $0x1  }
0x198: {  	v23 =	vadd.s32 v2, v23;
	_ =	sdelay $0x1  }
0x199: {  	v22 =	vperm.xlane v22, v3;
	_ =	sdelay $0x1  }
0x19a: {  	s10 =	simm.s32 $0xEA80;
	v22 =	vadd.s32 v2, v22  }
0x19b: {  	[tilespmem:s10], [sflag:$0x2] =	stream.indirect_vreg.gather [hbm4b:s2+s3], $0x80, v23, vm0, $0xb8;
	[tilespmem:$0x18A80] =	vst v63  }
0x19c: {  	s11 =	simm.s32 $0xF280  }
0x19d: {  	[tilespmem:s11], [sflag:$0x2] =	stream.indirect_vreg.gather [hbm4b:s6+s3], $0x80, v23, vm0, $0xb8;
	[tilespmem:$0x18A80] =	vst v63  }
0x19e: {  	s12 =	simm.s32 $0xFA80  }
0x19f: {  	[tilespmem:s12], [sflag:$0x2] =	stream.indirect_vreg.gather [hbm4b:s2+s3], $0x80, v22, vm0, $0xb8;
	[tilespmem:$0x18A80] =	vst v63  }
0x1a0: {  	s14 =	simm.s32 $0x10280  }
0x1a1: {  	[tilespmem:s14], [sflag:$0x2] =	stream.indirect_vreg.gather [hbm4b:s6+s3], $0x80, v22, vm0, $0xb8;
	[tilespmem:$0x18A80] =	vst v63  }
0x1a2: {  	_ =	swait.ge [sflag:s28], $0x8000  }
0x1a3: {  	[sflag:s28] =	ssyncset.done $0x0  }
0x1a4: {  	s14 =	rddreg [dreg:$0x9];
	[sflag:s28] =	ssyncadd.s32 $0xFFFF8000  }
0x1a5: {  	[hbm4b:s14+s3] =	stream.linear.scatter [tilespmem:s9], [sflag:$0x3], $0x8000, $0x38;
	[tilespmem:$0x18A80] =	vst v63  }
0x1a6: {  	_ =	swait.ge [sflag:s29], $0x8000  }
0x1a7: {  	[sflag:s29] =	ssyncset.done $0x0  }
0x1a8: {  	[sflag:s29] =	ssyncadd.s32 $0xFFFF8000  }
0x1a9: {  	v22 =	vld [tilespmem:$0x300];
	_ =	sdelay $0x4  }
0x1aa: {  	v23 =	vshll.u32 v22, $0x2  }
0x1ab: {  	v22 =	vand.u32 $0x7, v22;
	v23 =	vand.u32 $0xFFFFFFE0, v23  }
0x1ac: {  	v22 =	vor.u32 v22, v23  }
0x1ad: {  	v23 =	vperm.xlane v22, v0;
	_ =	sdelay $0x1  }
0x1ae: {  	v23 =	vadd.s32 v2, v23;
	_ =	sdelay $0x1  }
0x1af: {  	v22 =	vperm.xlane v22, v3;
	_ =	sdelay $0x1  }
0x1b0: {  	v22 =	vadd.s32 v2, v22  }
0x1b1: {  	[tilespmem:s9], [sflag:$0x1] =	stream.indirect_vreg.gather [hbm4b:s2+s3], $0x80, v23, vm0, $0xb8;
	[tilespmem:$0x18A80] =	vst v63  }
0x1b2: {  	s17 =	simm.s32 $0x1280  }
0x1b3: {  	[tilespmem:s17], [sflag:$0x1] =	stream.indirect_vreg.gather [hbm4b:s6+s3], $0x80, v23, vm0, $0xb8;
	[tilespmem:$0x18A80] =	vst v63  }
0x1b4: {  	s17 =	simm.s32 $0x1A80  }
0x1b5: {  	[tilespmem:s17], [sflag:$0x1] =	stream.indirect_vreg.gather [hbm4b:s2+s3], $0x80, v22, vm0, $0xb8;
	[tilespmem:$0x18A80] =	vst v63  }
0x1b6: {  	s8 =	simm.s32 $0x2280  }
0x1b7: {  	[tilespmem:s8], [sflag:$0x1] =	stream.indirect_vreg.gather [hbm4b:s6+s3], $0x80, v22, vm0, $0xb8;
	[tilespmem:$0x18A80] =	vst v63  }
0x1b8: {  	v22 =	vld [tilespmem:$0x310];
	_ =	sdelay $0x4  }
0x1b9: {  	v23 =	vshll.u32 v22, $0x2  }
0x1ba: {  	v22 =	vand.u32 $0x7, v22;
	v23 =	vand.u32 $0xFFFFFFE0, v23  }
0x1bb: {  	v22 =	vor.u32 v22, v23  }
0x1bc: {  	v23 =	vperm.xlane v22, v0;
	_ =	sdelay $0x1  }
0x1bd: {  	v23 =	vadd.s32 v2, v23;
	_ =	sdelay $0x1  }
0x1be: {  	v22 =	vperm.xlane v22, v3;
	_ =	sdelay $0x1  }
0x1bf: {  	s10 =	simm.s32 $0x2A80;
	v22 =	vadd.s32 v2, v22  }
0x1c0: {  	[tilespmem:s10], [sflag:$0x1] =	stream.indirect_vreg.gather [hbm4b:s2+s3], $0x80, v23, vm0, $0xb8;
	[tilespmem:$0x18A80] =	vst v63  }
0x1c1: {  	s11 =	simm.s32 $0x3280  }
0x1c2: {  	[tilespmem:s11], [sflag:$0x1] =	stream.indirect_vreg.gather [hbm4b:s6+s3], $0x80, v23, vm0, $0xb8;
	[tilespmem:$0x18A80] =	vst v63  }
0x1c3: {  	s12 =	simm.s32 $0x3A80  }
0x1c4: {  	[tilespmem:s12], [sflag:$0x1] =	stream.indirect_vreg.gather [hbm4b:s2+s3], $0x80, v22, vm0, $0xb8;
	[tilespmem:$0x18A80] =	vst v63  }
0x1c5: {  	s14 =	simm.s32 $0x4280  }
0x1c6: {  	[tilespmem:s14], [sflag:$0x1] =	stream.indirect_vreg.gather [hbm4b:s6+s3], $0x80, v22, vm0, $0xb8;
	[tilespmem:$0x18A80] =	vst v63  }
0x1c7: {  	v22 =	vld [tilespmem:$0x320];
	_ =	sdelay $0x4  }
0x1c8: {  	v23 =	vshll.u32 v22, $0x2  }
0x1c9: {  	v22 =	vand.u32 $0x7, v22;
	v23 =	vand.u32 $0xFFFFFFE0, v23  }
0x1ca: {  	v22 =	vor.u32 v22, v23  }
0x1cb: {  	v23 =	vperm.xlane v22, v0;
	_ =	sdelay $0x1  }
0x1cc: {  	v23 =	vadd.s32 v2, v23;
	_ =	sdelay $0x1  }
0x1cd: {  	v22 =	vperm.xlane v22, v3;
	_ =	sdelay $0x1  }
0x1ce: {  	s17 =	simm.s32 $0x4A80;
	v22 =	vadd.s32 v2, v22  }
0x1cf: {  	[tilespmem:s17], [sflag:$0x1] =	stream.indirect_vreg.gather [hbm4b:s2+s3], $0x80, v23, vm0, $0xb8;
	[tilespmem:$0x18A80] =	vst v63  }
0x1d0: {  	s8 =	simm.s32 $0x5280  }
0x1d1: {  	[tilespmem:s8], [sflag:$0x1] =	stream.indirect_vreg.gather [hbm4b:s6+s3], $0x80, v23, vm0, $0xb8;
	[tilespmem:$0x18A80] =	vst v63  }
0x1d2: {  	s10 =	simm.s32 $0x5A80  }
0x1d3: {  	[tilespmem:s10], [sflag:$0x1] =	stream.indirect_vreg.gather [hbm4b:s2+s3], $0x80, v22, vm0, $0xb8;
	[tilespmem:$0x18A80] =	vst v63  }
0x1d4: {  	s11 =	simm.s32 $0x6280  }
0x1d5: {  	[tilespmem:s11], [sflag:$0x1] =	stream.indirect_vreg.gather [hbm4b:s6+s3], $0x80, v22, vm0, $0xb8;
	[tilespmem:$0x18A80] =	vst v63  }
0x1d6: {  	v22 =	vld [tilespmem:$0x330];
	_ =	sdelay $0x4  }
0x1d7: {  	v23 =	vshll.u32 v22, $0x2  }
0x1d8: {  	v22 =	vand.u32 $0x7, v22;
	v23 =	vand.u32 $0xFFFFFFE0, v23  }
0x1d9: {  	v22 =	vor.u32 v22, v23  }
0x1da: {  	v23 =	vperm.xlane v22, v0;
	_ =	sdelay $0x1  }
0x1db: {  	v23 =	vadd.s32 v2, v23;
	_ =	sdelay $0x1  }
0x1dc: {  	v22 =	vperm.xlane v22, v3;
	_ =	sdelay $0x1  }
0x1dd: {  	s12 =	simm.s32 $0x6A80;
	v22 =	vadd.s32 v2, v22  }
0x1de: {  	[tilespmem:s12], [sflag:$0x1] =	stream.indirect_vreg.gather [hbm4b:s2+s3], $0x80, v23, vm0, $0xb8;
	[tilespmem:$0x18A80] =	vst v63  }
0x1df: {  	s14 =	simm.s32 $0x7280  }
0x1e0: {  	[tilespmem:s14], [sflag:$0x1] =	stream.indirect_vreg.gather [hbm4b:s6+s3], $0x80, v23, vm0, $0xb8;
	[tilespmem:$0x18A80] =	vst v63  }
0x1e1: {  	s17 =	simm.s32 $0x7A80  }
0x1e2: {  	[tilespmem:s17], [sflag:$0x1] =	stream.indirect_vreg.gather [hbm4b:s2+s3], $0x80, v22, vm0, $0xb8;
	[tilespmem:$0x18A80] =	vst v63  }
0x1e3: {  	s18 =	simm.s32 $0x8280  }
0x1e4: {  	[tilespmem:s18], [sflag:$0x1] =	stream.indirect_vreg.gather [hbm4b:s6+s3], $0x80, v22, vm0, $0xb8;
	[tilespmem:$0x18A80] =	vst v63  }
0x1e5: {  	_ =	swait.ge [sflag:s26], $0x8000  }
0x1e6: {  	[sflag:s26] =	ssyncset.done $0x0  }
0x1e7: {  	s18 =	rddreg [dreg:$0xa];
	[sflag:s26] =	ssyncadd.s32 $0xFFFF8000  }
0x1e8: {  	[hbm4b:s18+s3] =	stream.linear.scatter [tilespmem:s1], [sflag:$0x4], $0x8000, $0x38;
	[tilespmem:$0x18A80] =	vst v63  }
0x1e9: {  	_ =	swait.ge [sflag:s30], $0x8000  }
0x1ea: {  	[sflag:s30] =	ssyncset.done $0x0  }
0x1eb: {  	[sflag:s30] =	ssyncadd.s32 $0xFFFF8000  }
0x1ec: {  	v22 =	vld [tilespmem:$0x380];
	_ =	sdelay $0x4  }
0x1ed: {  	v23 =	vshll.u32 v22, $0x2  }
0x1ee: {  	v22 =	vand.u32 $0x7, v22;
	v23 =	vand.u32 $0xFFFFFFE0, v23  }
0x1ef: {  	v22 =	vor.u32 v22, v23  }
0x1f0: {  	v23 =	vperm.xlane v22, v0;
	_ =	sdelay $0x1  }
0x1f1: {  	v23 =	vadd.s32 v2, v23;
	_ =	sdelay $0x1  }
0x1f2: {  	v22 =	vperm.xlane v22, v3;
	_ =	sdelay $0x1  }
0x1f3: {  	v22 =	vadd.s32 v2, v22  }
0x1f4: {  	[tilespmem:s1], [sflag:$0x2] =	stream.indirect_vreg.gather [hbm4b:s2+s3], $0x80, v23, vm0, $0xb8;
	[tilespmem:$0x18A80] =	vst v63  }
0x1f5: {  	s21 =	simm.s32 $0x9280  }
0x1f6: {  	[tilespmem:s21], [sflag:$0x2] =	stream.indirect_vreg.gather [hbm4b:s6+s3], $0x80, v23, vm0, $0xb8;
	[tilespmem:$0x18A80] =	vst v63  }
0x1f7: {  	s24 =	simm.s32 $0x9A80  }
0x1f8: {  	[tilespmem:s24], [sflag:$0x2] =	stream.indirect_vreg.gather [hbm4b:s2+s3], $0x80, v22, vm0, $0xb8;
	[tilespmem:$0x18A80] =	vst v63  }
0x1f9: {  	s21 =	simm.s32 $0xA280  }
0x1fa: {  	[tilespmem:s21], [sflag:$0x2] =	stream.indirect_vreg.gather [hbm4b:s6+s3], $0x80, v22, vm0, $0xb8;
	[tilespmem:$0x18A80] =	vst v63  }
0x1fb: {  	v22 =	vld [tilespmem:$0x390];
	_ =	sdelay $0x4  }
0x1fc: {  	v23 =	vshll.u32 v22, $0x2  }
0x1fd: {  	v22 =	vand.u32 $0x7, v22;
	v23 =	vand.u32 $0xFFFFFFE0, v23  }
0x1fe: {  	v22 =	vor.u32 v22, v23  }
0x1ff: {  	v23 =	vperm.xlane v22, v0;
	_ =	sdelay $0x1  }
0x200: {  	v23 =	vadd.s32 v2, v23;
	_ =	sdelay $0x1  }
0x201: {  	v22 =	vperm.xlane v22, v3;
	_ =	sdelay $0x1  }
0x202: {  	s25 =	simm.s32 $0xAA80;
	v22 =	vadd.s32 v2, v22  }
0x203: {  	[tilespmem:s25], [sflag:$0x2] =	stream.indirect_vreg.gather [hbm4b:s2+s3], $0x80, v23, vm0, $0xb8;
	[tilespmem:$0x18A80] =	vst v63  }
0x204: {  	s4 =	simm.s32 $0xB280  }
0x205: {  	[tilespmem:s4], [sflag:$0x2] =	stream.indirect_vreg.gather [hbm4b:s6+s3], $0x80, v23, vm0, $0xb8;
	[tilespmem:$0x18A80] =	vst v63  }
0x206: {  	s13 =	simm.s32 $0xBA80  }
0x207: {  	[tilespmem:s13], [sflag:$0x2] =	stream.indirect_vreg.gather [hbm4b:s2+s3], $0x80, v22, vm0, $0xb8;
	[tilespmem:$0x18A80] =	vst v63  }
0x208: {  	s16 =	simm.s32 $0xC280  }
0x209: {  	[tilespmem:s16], [sflag:$0x2] =	stream.indirect_vreg.gather [hbm4b:s6+s3], $0x80, v22, vm0, $0xb8;
	[tilespmem:$0x18A80] =	vst v63  }
0x20a: {  	v22 =	vld [tilespmem:$0x3A0];
	_ =	sdelay $0x4  }
0x20b: {  	v23 =	vshll.u32 v22, $0x2  }
0x20c: {  	v22 =	vand.u32 $0x7, v22;
	v23 =	vand.u32 $0xFFFFFFE0, v23  }
0x20d: {  	v22 =	vor.u32 v22, v23  }
0x20e: {  	v23 =	vperm.xlane v22, v0;
	_ =	sdelay $0x1  }
0x20f: {  	v23 =	vadd.s32 v2, v23;
	_ =	sdelay $0x1  }
0x210: {  	v22 =	vperm.xlane v22, v3;
	_ =	sdelay $0x1  }
0x211: {  	s23 =	simm.s32 $0xCA80;
	v22 =	vadd.s32 v2, v22  }
0x212: {  	[tilespmem:s23], [sflag:$0x2] =	stream.indirect_vreg.gather [hbm4b:s2+s3], $0x80, v23, vm0, $0xb8;
	[tilespmem:$0x18A80] =	vst v63  }
0x213: {  	s15 =	simm.s32 $0xD280  }
0x214: {  	[tilespmem:s15], [sflag:$0x2] =	stream.indirect_vreg.gather [hbm4b:s6+s3], $0x80, v23, vm0, $0xb8;
	[tilespmem:$0x18A80] =	vst v63  }
0x215: {  	s20 =	simm.s32 $0xDA80  }
0x216: {  	[tilespmem:s20], [sflag:$0x2] =	stream.indirect_vreg.gather [hbm4b:s2+s3], $0x80, v22, vm0, $0xb8;
	[tilespmem:$0x18A80] =	vst v63  }
0x217: {  	s22 =	simm.s32 $0xE280  }
0x218: {  	[tilespmem:s22], [sflag:$0x2] =	stream.indirect_vreg.gather [hbm4b:s6+s3], $0x80, v22, vm0, $0xb8;
	[tilespmem:$0x18A80] =	vst v63  }
0x219: {  	v22 =	vld [tilespmem:$0x3B0];
	_ =	sdelay $0x4  }
0x21a: {  	v23 =	vshll.u32 v22, $0x2  }
0x21b: {  	v22 =	vand.u32 $0x7, v22;
	v23 =	vand.u32 $0xFFFFFFE0, v23  }
0x21c: {  	v22 =	vor.u32 v22, v23  }
0x21d: {  	v23 =	vperm.xlane v22, v0;
	_ =	sdelay $0x1  }
0x21e: {  	v23 =	vadd.s32 v2, v23;
	_ =	sdelay $0x1  }
0x21f: {  	v22 =	vperm.xlane v22, v3;
	_ =	sdelay $0x1  }
0x220: {  	s19 =	simm.s32 $0xEA80;
	v22 =	vadd.s32 v2, v22  }
0x221: {  	[tilespmem:s19], [sflag:$0x2] =	stream.indirect_vreg.gather [hbm4b:s2+s3], $0x80, v23, vm0, $0xb8;
	[tilespmem:$0x18A80] =	vst v63  }
0x222: {  	s22 =	simm.s32 $0xF280  }
0x223: {  	[tilespmem:s22], [sflag:$0x2] =	stream.indirect_vreg.gather [hbm4b:s6+s3], $0x80, v23, vm0, $0xb8;
	[tilespmem:$0x18A80] =	vst v63  }
0x224: {  	s23 =	simm.s32 $0xFA80  }
0x225: {  	[tilespmem:s23], [sflag:$0x2] =	stream.indirect_vreg.gather [hbm4b:s2+s3], $0x80, v22, vm0, $0xb8;
	[tilespmem:$0x18A80] =	vst v63  }
0x226: {  	s7 =	simm.s32 $0x10280  }
0x227: {  	[tilespmem:s7], [sflag:$0x2] =	stream.indirect_vreg.gather [hbm4b:s6+s3], $0x80, v22, vm0, $0xb8;
	[tilespmem:$0x18A80] =	vst v63  }
0x228: {  	_ =	swait.ge [sflag:s28], $0x8000  }
0x229: {  	[sflag:s28] =	ssyncset.done $0x0  }
0x22a: {  	s25 =	rddreg [dreg:$0xb];
	[sflag:s28] =	ssyncadd.s32 $0xFFFF8000  }
0x22b: {  	[hbm4b:s25+s3] =	stream.linear.scatter [tilespmem:s9], [sflag:$0x3], $0x8000, $0x38;
	[tilespmem:$0x18A80] =	vst v63  }
0x22c: {  	_ =	swait.ge [sflag:s29], $0x8000  }
0x22d: {  	[sflag:s29] =	ssyncset.done $0x0  }
0x22e: {  	[sflag:s29] =	ssyncadd.s32 $0xFFFF8000  }
0x22f: {  	v22 =	vld [tilespmem:$0x400];
	_ =	sdelay $0x4  }
0x230: {  	v23 =	vshll.u32 v22, $0x2  }
0x231: {  	v22 =	vand.u32 $0x7, v22;
	v23 =	vand.u32 $0xFFFFFFE0, v23  }
0x232: {  	v22 =	vor.u32 v22, v23  }
0x233: {  	v23 =	vperm.xlane v22, v0;
	_ =	sdelay $0x1  }
0x234: {  	v23 =	vadd.s32 v2, v23;
	_ =	sdelay $0x1  }
0x235: {  	v22 =	vperm.xlane v22, v3;
	_ =	sdelay $0x1  }
0x236: {  	v22 =	vadd.s32 v2, v22  }
0x237: {  	[tilespmem:s9], [sflag:$0x1] =	stream.indirect_vreg.gather [hbm4b:s2+s3], $0x80, v23, vm0, $0xb8;
	[tilespmem:$0x18A80] =	vst v63  }
0x238: {  	s5 =	simm.s32 $0x1280  }
0x239: {  	[tilespmem:s5], [sflag:$0x1] =	stream.indirect_vreg.gather [hbm4b:s6+s3], $0x80, v23, vm0, $0xb8;
	[tilespmem:$0x18A80] =	vst v63  }
0x23a: {  	s7 =	simm.s32 $0x1A80  }
0x23b: {  	[tilespmem:s7], [sflag:$0x1] =	stream.indirect_vreg.gather [hbm4b:s2+s3], $0x80, v22, vm0, $0xb8;
	[tilespmem:$0x18A80] =	vst v63  }
0x23c: {  	s23 =	simm.s32 $0x2280  }
0x23d: {  	[tilespmem:s23], [sflag:$0x1] =	stream.indirect_vreg.gather [hbm4b:s6+s3], $0x80, v22, vm0, $0xb8;
	[tilespmem:$0x18A80] =	vst v63  }
0x23e: {  	v22 =	vld [tilespmem:$0x410];
	_ =	sdelay $0x4  }
0x23f: {  	v23 =	vshll.u32 v22, $0x2  }
0x240: {  	v22 =	vand.u32 $0x7, v22;
	v23 =	vand.u32 $0xFFFFFFE0, v23  }
0x241: {  	v22 =	vor.u32 v22, v23  }
0x242: {  	v23 =	vperm.xlane v22, v0;
	_ =	sdelay $0x1  }
0x243: {  	v23 =	vadd.s32 v2, v23;
	_ =	sdelay $0x1  }
0x244: {  	v22 =	vperm.xlane v22, v3;
	_ =	sdelay $0x1  }
0x245: {  	s25 =	simm.s32 $0x2A80;
	v22 =	vadd.s32 v2, v22  }
0x246: {  	[tilespmem:s25], [sflag:$0x1] =	stream.indirect_vreg.gather [hbm4b:s2+s3], $0x80, v23, vm0, $0xb8;
	[tilespmem:$0x18A80] =	vst v63  }
0x247: {  	s5 =	simm.s32 $0x3280  }
0x248: {  	[tilespmem:s5], [sflag:$0x1] =	stream.indirect_vreg.gather [hbm4b:s6+s3], $0x80, v23, vm0, $0xb8;
	[tilespmem:$0x18A80] =	vst v63  }
0x249: {  	s7 =	simm.s32 $0x3A80  }
0x24a: {  	[tilespmem:s7], [sflag:$0x1] =	stream.indirect_vreg.gather [hbm4b:s2+s3], $0x80, v22, vm0, $0xb8;
	[tilespmem:$0x18A80] =	vst v63  }
0x24b: {  	s23 =	simm.s32 $0x4280  }
0x24c: {  	[tilespmem:s23], [sflag:$0x1] =	stream.indirect_vreg.gather [hbm4b:s6+s3], $0x80, v22, vm0, $0xb8;
	[tilespmem:$0x18A80] =	vst v63  }
0x24d: {  	v22 =	vld [tilespmem:$0x420];
	_ =	sdelay $0x4  }
0x24e: {  	v23 =	vshll.u32 v22, $0x2  }
0x24f: {  	v22 =	vand.u32 $0x7, v22;
	v23 =	vand.u32 $0xFFFFFFE0, v23  }
0x250: {  	v22 =	vor.u32 v22, v23  }
0x251: {  	v23 =	vperm.xlane v22, v0;
	_ =	sdelay $0x1  }
0x252: {  	v23 =	vadd.s32 v2, v23;
	_ =	sdelay $0x1  }
0x253: {  	v22 =	vperm.xlane v22, v3;
	_ =	sdelay $0x1  }
0x254: {  	s25 =	simm.s32 $0x4A80;
	v22 =	vadd.s32 v2, v22  }
0x255: {  	[tilespmem:s25], [sflag:$0x1] =	stream.indirect_vreg.gather [hbm4b:s2+s3], $0x80, v23, vm0, $0xb8;
	[tilespmem:$0x18A80] =	vst v63  }
0x256: {  	s5 =	simm.s32 $0x5280  }
0x257: {  	[tilespmem:s5], [sflag:$0x1] =	stream.indirect_vreg.gather [hbm4b:s6+s3], $0x80, v23, vm0, $0xb8;
	[tilespmem:$0x18A80] =	vst v63  }
0x258: {  	s7 =	simm.s32 $0x5A80  }
0x259: {  	[tilespmem:s7], [sflag:$0x1] =	stream.indirect_vreg.gather [hbm4b:s2+s3], $0x80, v22, vm0, $0xb8;
	[tilespmem:$0x18A80] =	vst v63  }
0x25a: {  	s23 =	simm.s32 $0x6280  }
0x25b: {  	[tilespmem:s23], [sflag:$0x1] =	stream.indirect_vreg.gather [hbm4b:s6+s3], $0x80, v22, vm0, $0xb8;
	[tilespmem:$0x18A80] =	vst v63  }
0x25c: {  	v22 =	vld [tilespmem:$0x430];
	_ =	sdelay $0x4  }
0x25d: {  	v23 =	vshll.u32 v22, $0x2  }
0x25e: {  	v22 =	vand.u32 $0x7, v22;
	v23 =	vand.u32 $0xFFFFFFE0, v23  }
0x25f: {  	v22 =	vor.u32 v22, v23  }
0x260: {  	v23 =	vperm.xlane v22, v0;
	_ =	sdelay $0x1  }
0x261: {  	v23 =	vadd.s32 v2, v23;
	_ =	sdelay $0x1  }
0x262: {  	v22 =	vperm.xlane v22, v3;
	_ =	sdelay $0x1  }
0x263: {  	s25 =	simm.s32 $0x6A80;
	v22 =	vadd.s32 v2, v22  }
0x264: {  	[tilespmem:s25], [sflag:$0x1] =	stream.indirect_vreg.gather [hbm4b:s2+s3], $0x80, v23, vm0, $0xb8;
	[tilespmem:$0x18A80] =	vst v63  }
0x265: {  	s5 =	simm.s32 $0x7280  }
0x266: {  	[tilespmem:s5], [sflag:$0x1] =	stream.indirect_vreg.gather [hbm4b:s6+s3], $0x80, v23, vm0, $0xb8;
	[tilespmem:$0x18A80] =	vst v63  }
0x267: {  	s7 =	simm.s32 $0x7A80  }
0x268: {  	[tilespmem:s7], [sflag:$0x1] =	stream.indirect_vreg.gather [hbm4b:s2+s3], $0x80, v22, vm0, $0xb8;
	[tilespmem:$0x18A80] =	vst v63  }
0x269: {  	s14 =	simm.s32 $0x8280  }
0x26a: {  	[tilespmem:s14], [sflag:$0x1] =	stream.indirect_vreg.gather [hbm4b:s6+s3], $0x80, v22, vm0, $0xb8;
	[tilespmem:$0x18A80] =	vst v63  }
0x26b: {  	_ =	swait.ge [sflag:s26], $0x8000  }
0x26c: {  	[sflag:s26] =	ssyncset.done $0x0  }
0x26d: {  	s14 =	rddreg [dreg:$0xc];
	[sflag:s26] =	ssyncadd.s32 $0xFFFF8000  }
0x26e: {  	[hbm4b:s14+s3] =	stream.linear.scatter [tilespmem:s1], [sflag:$0x4], $0x8000, $0x38;
	[tilespmem:$0x18A80] =	vst v63  }
0x26f: {  	_ =	swait.ge [sflag:s30], $0x8000  }
0x270: {  	[sflag:s30] =	ssyncset.done $0x0  }
0x271: {  	[sflag:s30] =	ssyncadd.s32 $0xFFFF8000  }
0x272: {  	v22 =	vld [tilespmem:$0x480];
	_ =	sdelay $0x4  }
0x273: {  	v23 =	vshll.u32 v22, $0x2  }
0x274: {  	v22 =	vand.u32 $0x7, v22;
	v23 =	vand.u32 $0xFFFFFFE0, v23  }
0x275: {  	v22 =	vor.u32 v22, v23  }
0x276: {  	v23 =	vperm.xlane v22, v0;
	_ =	sdelay $0x1  }
0x277: {  	v23 =	vadd.s32 v2, v23;
	_ =	sdelay $0x1  }
0x278: {  	v22 =	vperm.xlane v22, v3;
	_ =	sdelay $0x1  }
0x279: {  	v22 =	vadd.s32 v2, v22  }
0x27a: {  	[tilespmem:s1], [sflag:$0x2] =	stream.indirect_vreg.gather [hbm4b:s2+s3], $0x80, v23, vm0, $0xb8;
	[tilespmem:$0x18A80] =	vst v63  }
0x27b: {  	s18 =	simm.s32 $0x9280  }
0x27c: {  	[tilespmem:s18], [sflag:$0x2] =	stream.indirect_vreg.gather [hbm4b:s6+s3], $0x80, v23, vm0, $0xb8;
	[tilespmem:$0x18A80] =	vst v63  }
0x27d: {  	s10 =	simm.s32 $0x9A80  }
0x27e: {  	[tilespmem:s10], [sflag:$0x2] =	stream.indirect_vreg.gather [hbm4b:s2+s3], $0x80, v22, vm0, $0xb8;
	[tilespmem:$0x18A80] =	vst v63  }
0x27f: {  	s12 =	simm.s32 $0xA280  }
0x280: {  	[tilespmem:s12], [sflag:$0x2] =	stream.indirect_vreg.gather [hbm4b:s6+s3], $0x80, v22, vm0, $0xb8;
	[tilespmem:$0x18A80] =	vst v63  }
0x281: {  	v22 =	vld [tilespmem:$0x490];
	_ =	sdelay $0x4  }
0x282: {  	v23 =	vshll.u32 v22, $0x2  }
0x283: {  	v22 =	vand.u32 $0x7, v22;
	v23 =	vand.u32 $0xFFFFFFE0, v23  }
0x284: {  	v22 =	vor.u32 v22, v23  }
0x285: {  	v23 =	vperm.xlane v22, v0;
	_ =	sdelay $0x1  }
0x286: {  	v23 =	vadd.s32 v2, v23;
	_ =	sdelay $0x1  }
0x287: {  	v22 =	vperm.xlane v22, v3;
	_ =	sdelay $0x1  }
0x288: {  	s11 =	simm.s32 $0xAA80;
	v22 =	vadd.s32 v2, v22  }
0x289: {  	[tilespmem:s11], [sflag:$0x2] =	stream.indirect_vreg.gather [hbm4b:s2+s3], $0x80, v23, vm0, $0xb8;
	[tilespmem:$0x18A80] =	vst v63  }
0x28a: {  	s17 =	simm.s32 $0xB280  }
0x28b: {  	[tilespmem:s17], [sflag:$0x2] =	stream.indirect_vreg.gather [hbm4b:s6+s3], $0x80, v23, vm0, $0xb8;
	[tilespmem:$0x18A80] =	vst v63  }
0x28c: {  	s4 =	simm.s32 $0xBA80  }
0x28d: {  	[tilespmem:s4], [sflag:$0x2] =	stream.indirect_vreg.gather [hbm4b:s2+s3], $0x80, v22, vm0, $0xb8;
	[tilespmem:$0x18A80] =	vst v63  }
0x28e: {  	s8 =	simm.s32 $0xC280  }
0x28f: {  	[tilespmem:s8], [sflag:$0x2] =	stream.indirect_vreg.gather [hbm4b:s6+s3], $0x80, v22, vm0, $0xb8;
	[tilespmem:$0x18A80] =	vst v63  }
0x290: {  	v22 =	vld [tilespmem:$0x4A0];
	_ =	sdelay $0x4  }
0x291: {  	v23 =	vshll.u32 v22, $0x2  }
0x292: {  	v22 =	vand.u32 $0x7, v22;
	v23 =	vand.u32 $0xFFFFFFE0, v23  }
0x293: {  	v22 =	vor.u32 v22, v23  }
0x294: {  	v23 =	vperm.xlane v22, v0;
	_ =	sdelay $0x1  }
0x295: {  	v23 =	vadd.s32 v2, v23;
	_ =	sdelay $0x1  }
0x296: {  	v22 =	vperm.xlane v22, v3;
	_ =	sdelay $0x1  }
0x297: {  	s24 =	simm.s32 $0xCA80;
	v22 =	vadd.s32 v2, v22  }
0x298: {  	[tilespmem:s24], [sflag:$0x2] =	stream.indirect_vreg.gather [hbm4b:s2+s3], $0x80, v23, vm0, $0xb8;
	[tilespmem:$0x18A80] =	vst v63  }
0x299: {  	s21 =	simm.s32 $0xD280  }
0x29a: {  	[tilespmem:s21], [sflag:$0x2] =	stream.indirect_vreg.gather [hbm4b:s6+s3], $0x80, v23, vm0, $0xb8;
	[tilespmem:$0x18A80] =	vst v63  }
0x29b: {  	s15 =	simm.s32 $0xDA80  }
0x29c: {  	[tilespmem:s15], [sflag:$0x2] =	stream.indirect_vreg.gather [hbm4b:s2+s3], $0x80, v22, vm0, $0xb8;
	[tilespmem:$0x18A80] =	vst v63  }
0x29d: {  	s20 =	simm.s32 $0xE280  }
0x29e: {  	[tilespmem:s20], [sflag:$0x2] =	stream.indirect_vreg.gather [hbm4b:s6+s3], $0x80, v22, vm0, $0xb8;
	[tilespmem:$0x18A80] =	vst v63  }
0x29f: {  	v22 =	vld [tilespmem:$0x4B0];
	_ =	sdelay $0x4  }
0x2a0: {  	v23 =	vshll.u32 v22, $0x2  }
0x2a1: {  	v22 =	vand.u32 $0x7, v22;
	v23 =	vand.u32 $0xFFFFFFE0, v23  }
0x2a2: {  	v22 =	vor.u32 v22, v23  }
0x2a3: {  	v23 =	vperm.xlane v22, v0;
	_ =	sdelay $0x1  }
0x2a4: {  	v23 =	vadd.s32 v2, v23;
	_ =	sdelay $0x1  }
0x2a5: {  	v22 =	vperm.xlane v22, v3;
	_ =	sdelay $0x1  }
0x2a6: {  	s16 =	simm.s32 $0xEA80;
	v22 =	vadd.s32 v2, v22  }
0x2a7: {  	[tilespmem:s16], [sflag:$0x2] =	stream.indirect_vreg.gather [hbm4b:s2+s3], $0x80, v23, vm0, $0xb8;
	[tilespmem:$0x18A80] =	vst v63  }
0x2a8: {  	s19 =	simm.s32 $0xF280  }
0x2a9: {  	[tilespmem:s19], [sflag:$0x2] =	stream.indirect_vreg.gather [hbm4b:s6+s3], $0x80, v23, vm0, $0xb8;
	[tilespmem:$0x18A80] =	vst v63  }
0x2aa: {  	s22 =	simm.s32 $0xFA80  }
0x2ab: {  	[tilespmem:s22], [sflag:$0x2] =	stream.indirect_vreg.gather [hbm4b:s2+s3], $0x80, v22, vm0, $0xb8;
	[tilespmem:$0x18A80] =	vst v63  }
0x2ac: {  	s13 =	simm.s32 $0x10280  }
0x2ad: {  	[tilespmem:s13], [sflag:$0x2] =	stream.indirect_vreg.gather [hbm4b:s6+s3], $0x80, v22, vm0, $0xb8;
	[tilespmem:$0x18A80] =	vst v63  }
0x2ae: {  	_ =	swait.ge [sflag:s28], $0x8000  }
0x2af: {  	[sflag:s28] =	ssyncset.done $0x0  }
0x2b0: {  	s20 =	rddreg [dreg:$0xd];
	[sflag:s28] =	ssyncadd.s32 $0xFFFF8000  }
0x2b1: {  	[hbm4b:s20+s3] =	stream.linear.scatter [tilespmem:s9], [sflag:$0x3], $0x8000, $0x38;
	[tilespmem:$0x18A80] =	vst v63  }
0x2b2: {  	_ =	swait.ge [sflag:s26], $0x8000  }
0x2b3: {  	[sflag:s26] =	ssyncset.done $0x0  }
0x2b4: {  	s21 =	rddreg [dreg:$0xe];
	[sflag:s26] =	ssyncadd.s32 $0xFFFF8000  }
0x2b5: {  	[hbm4b:s21+s3] =	stream.linear.scatter [tilespmem:s1], [sflag:$0x4], $0x8000, $0x38;
	[tilespmem:$0x18A80] =	vst v63  }
0x2b6: {  	_ =	swait.ge [sflag:s29], $0x8000  }
0x2b7: {  	[sflag:s29] =	ssyncset.done $0x0  }
0x2b8: {  	s23 =	simm.s32 $0x800;
	[sflag:s29] =	ssyncadd.s32 $0xFFFF8000  }
0x2b9: {  	s25 =	sand.u32 $0x1C00, s3;
	s24 =	simm.s32 $0x0;
	_ =	swait.ge [sflag:s30], $0x8000  }
0x2ba: {  	s5 =	simm.s32 $0x5;
	s0 =	sand.u32 $0x6000, s24;
	[sflag:s30] =	ssyncset.done $0x0  }
0x2bb: {  	s26 =	simm.s32 $0x0;
	s22 =	rddreg [dreg:$0xf];
	[sflag:s30] =	ssyncadd.s32 $0xFFFF8000  }
0x2bc: {  	[tilespmem:s23], [sflag:$0x5] =	stream.linear.gather [hbm4b:s22+s3], $0x280, $0x38;
	[tilespmem:$0x18A80] =	vst v63  }
0x2bd: {  	s0 =	sor.u32 s25, s0;
	s7 =	sand.u32 $0x380, s26;
	_ =	swait.ge [sflag:s5], $0x280  }
0x2be: {  	s0 =	sor.u32 s7, s0;
	s30 =	sand.u32 $0x70, s3;
	[sflag:s5] =	ssyncset.done $0x0  }
0x2bf: {  	s4 =	sor.u32 s30, s0;
	[sflag:s5] =	ssyncadd.s32 $0xFFFFFD80  }
0x2c0: {  	s7 =	simm.s32 $0x0;
	s0 =	simm.s32 $0x1;
	[tilespmem:s4+$0x10A80] =	vst v4;
	s4 =	simm.s32 $0x80  }
.LBB2_2:
0x2c1: {  	s8 =	sshll.u32 s0, $0x4;
	p0 =	sne.s32 s0, $0x7FF  }
0x2c2: {  	s10 =	smov.u32 s0;
	s0 =	sadd.s32 $0x1, s0;
	s11 =	sand.u32 $0x1C00, s4  }
.Ltmp0:
0x2c3: {  	s8 =	sand.u32 $0x6000, s8;
	s10 =	sshll.u32 s10, $0x1;
	(pc) =	sbr.rel @p0 .LBB2_2-.Ltmp0, $4  }
0x2c4: {  	s7 =	sadd.s32 $0x10, s7;
	s10 =	sand.u32 $0x380, s10;
	s8 =	sor.u32 s11, s8  }
0x2c5: {  	s11 =	sand.u32 $0x70, s7;
	s8 =	sor.u32 s10, s8  }
0x2c6: {  	s8 =	sor.u32 s11, s8  }
0x2c7: {  	s4 =	sadd.s32 $0x80, s4;
	[tilespmem:s8+$0x10A80] =	vst v4  }
0x2c8: {  	v22 =	vld [tilespmem:$0x800];
	_ =	sdelay $0x4  }
0x2c9: {  	vm1 =	veq.s32 v22, $0x0;
	v22 =	vadd.s32 $0xFFFFFFFF, v22  }
0x2ca: {  	v22 =	vsel vm1, $0x3E8, v22  }
0x2cb: {  	v23 =	vshll.u32 v22, $0x3  }
0x2cc: {  	v22 =	vand.u32 $0x7F, v22;
	v23 =	vand.u32 $0xFFFFFC00, v23  }
0x2cd: {  	v22 =	vor.u32 v22, v23;
	_ =	sdelay $0x4  }
0x2ce: {  	[tilespmem:v22+s31+$0x0] =	vst.idx.msk $0xffff, v5  }
0x2cf: {  	v22 =	vld [tilespmem:$0x810];
	_ =	sdelay $0x4  }
0x2d0: {  	vm1 =	veq.s32 v22, $0x0;
	v22 =	vadd.s32 $0xFFFFFFFF, v22  }
0x2d1: {  	v22 =	vsel vm1, $0x3E8, v22  }
0x2d2: {  	v23 =	vshll.u32 v22, $0x3  }
0x2d3: {  	v22 =	vand.u32 $0x7F, v22;
	v23 =	vand.u32 $0xFFFFFC00, v23  }
0x2d4: {  	v22 =	vor.u32 v23, v22  }
0x2d5: {  	v22 =	vor.u32 v6, v22;
	_ =	sdelay $0x4  }
0x2d6: {  	[tilespmem:v22+s31+$0x0] =	vst.idx.msk $0xffff, v5  }
0x2d7: {  	v22 =	vld [tilespmem:$0x820];
	_ =	sdelay $0x4  }
0x2d8: {  	vm1 =	veq.s32 v22, $0x0;
	v22 =	vadd.s32 $0xFFFFFFFF, v22  }
0x2d9: {  	v23 =	vsel vm1, $0x3E8, v22  }
0x2da: {  	v22 =	vmul.u32 $0x80, v1;
	v24 =	vshll.u32 v23, $0x3  }
0x2db: {  	v23 =	vand.u32 $0x7F, v23;
	v24 =	vand.u32 $0xFFFFFC00, v24  }
0x2dc: {  	v58 =	vadd.s32 $0x80, v22;
	v23 =	vor.u32 v24, v23  }
0x2dd: {  	v23 =	vor.u32 v58, v23;
	_ =	sdelay $0x4  }
0x2de: {  	[tilespmem:v23+s31+$0x0] =	vst.idx.msk $0xffff, v5  }
0x2df: {  	v23 =	vld [tilespmem:$0x830];
	_ =	sdelay $0x4  }
0x2e0: {  	vm1 =	veq.s32 v23, $0x0;
	v23 =	vadd.s32 $0xFFFFFFFF, v23  }
0x2e1: {  	v23 =	vsel vm1, $0x3E8, v23  }
0x2e2: {  	v59 =	vshll.u32 v23, $0x3  }
0x2e3: {  	v23 =	vand.u32 $0x7F, v23;
	v24 =	vand.u32 $0xFFFFFC00, v59  }
0x2e4: {  	v23 =	vor.u32 v24, v23  }
0x2e5: {  	v23 =	vor.u32 v7, v23;
	_ =	sdelay $0x4  }
0x2e6: {  	[tilespmem:v23+s31+$0x0] =	vst.idx.msk $0xffff, v5  }
0x2e7: {  	v23 =	vld [tilespmem:$0x840];
	_ =	sdelay $0x4  }
0x2e8: {  	vm1 =	veq.s32 v23, $0x0;
	v23 =	vadd.s32 $0xFFFFFFFF, v23  }
0x2e9: {  	v23 =	vsel vm1, $0x3E8, v23  }
0x2ea: {  	v60 =	vshll.u32 v23, $0x3  }
0x2eb: {  	v23 =	vand.u32 $0x7F, v23;
	v24 =	vand.u32 $0xFFFFFC00, v60  }
0x2ec: {  	v23 =	vor.u32 v24, v23  }
0x2ed: {  	v23 =	vor.u32 $0x180, v23;
	_ =	sdelay $0x4  }
0x2ee: {  	[tilespmem:v23+s31+$0x0] =	vst.idx.msk $0xffff, v5  }
0x2ef: {  	v23 =	vld [tilespmem:$0x850];
	_ =	sdelay $0x4  }
0x2f0: {  	vm1 =	veq.s32 v23, $0x0;
	v23 =	vadd.s32 $0xFFFFFFFF, v23  }
0x2f1: {  	v23 =	vsel vm1, $0x3E8, v23  }
0x2f2: {  	v61 =	vshll.u32 v23, $0x3  }
0x2f3: {  	v23 =	vand.u32 $0x7F, v23;
	v24 =	vand.u32 $0xFFFFFC00, v61  }
0x2f4: {  	v23 =	vor.u32 v24, v23  }
0x2f5: {  	v23 =	vor.u32 $0x200, v23;
	_ =	sdelay $0x4  }
0x2f6: {  	[tilespmem:v23+s31+$0x0] =	vst.idx.msk $0xffff, v5  }
0x2f7: {  	v23 =	vld [tilespmem:$0x860];
	_ =	sdelay $0x4  }
0x2f8: {  	vm1 =	veq.s32 v23, $0x0;
	v23 =	vadd.s32 $0xFFFFFFFF, v23  }
0x2f9: {  	v23 =	vsel vm1, $0x3E8, v23  }
0x2fa: {  	v62 =	vshll.u32 v23, $0x3  }
0x2fb: {  	v23 =	vand.u32 $0x7F, v23;
	v24 =	vand.u32 $0xFFFFFC00, v62  }
0x2fc: {  	v23 =	vor.u32 v24, v23  }
0x2fd: {  	v23 =	vor.u32 v8, v23;
	_ =	sdelay $0x4  }
0x2fe: {  	[tilespmem:v23+s31+$0x0] =	vst.idx.msk $0xffff, v5  }
0x2ff: {  	v23 =	vld [tilespmem:$0x870];
	_ =	sdelay $0x4  }
0x300: {  	vm1 =	veq.s32 v23, $0x0;
	v23 =	vadd.s32 $0xFFFFFFFF, v23  }
0x301: {  	v23 =	vsel vm1, $0x3E8, v23  }
0x302: {  	v63 =	vshll.u32 v23, $0x3  }
0x303: {  	v23 =	vand.u32 $0x7F, v23;
	v24 =	vand.u32 $0xFFFFFC00, v63  }
0x304: {  	v28 =	vadd.s32 $0x280, v22;
	v23 =	vor.u32 v24, v23  }
0x305: {  	v23 =	vor.u32 v28, v23;
	_ =	sdelay $0x4  }
0x306: {  	[tilespmem:v23+s31+$0x0] =	vst.idx.msk $0xffff, v5  }
0x307: {  	v23 =	vld [tilespmem:$0x880];
	_ =	sdelay $0x4  }
0x308: {  	vm1 =	veq.s32 v23, $0x0;
	v23 =	vadd.s32 $0xFFFFFFFF, v23  }
0x309: {  	v23 =	vsel vm1, $0x3E8, v23  }
0x30a: {  	v29 =	vshll.u32 v23, $0x3  }
0x30b: {  	v23 =	vand.u32 $0x7F, v23;
	v24 =	vand.u32 $0xFFFFFC00, v29  }
0x30c: {  	v23 =	vor.u32 v24, v23  }
0x30d: {  	v23 =	vor.u32 v9, v23;
	_ =	sdelay $0x4  }
0x30e: {  	[tilespmem:v23+s31+$0x0] =	vst.idx.msk $0xffff, v5  }
0x30f: {  	v23 =	vld [tilespmem:$0x890];
	_ =	sdelay $0x4  }
0x310: {  	vm1 =	veq.s32 v23, $0x0;
	v23 =	vadd.s32 $0xFFFFFFFF, v23  }
0x311: {  	v23 =	vsel vm1, $0x3E8, v23  }
0x312: {  	v30 =	vshll.u32 v23, $0x3  }
0x313: {  	v23 =	vand.u32 $0x7F, v23;
	v24 =	vand.u32 $0xFFFFFC00, v30  }
0x314: {  	v23 =	vor.u32 v24, v23  }
0x315: {  	v23 =	vor.u32 $0x380, v23;
	_ =	sdelay $0x4  }
0x316: {  	[tilespmem:v23+s31+$0x0] =	vst.idx.msk $0xffff, v5  }
0x317: {  	v23 =	vld [tilespmem:$0x8A0];
	_ =	sdelay $0x4  }
0x318: {  	vm1 =	veq.s32 v23, $0x0;
	v23 =	vadd.s32 $0xFFFFFFFF, v23  }
0x319: {  	v23 =	vsel vm1, $0x3E8, v23  }
0x31a: {  	v31 =	vshll.u32 v23, $0x3  }
0x31b: {  	v23 =	vand.u32 $0x7F, v23;
	v24 =	vand.u32 $0xFFFFFC00, v31  }
0x31c: {  	v23 =	vor.u32 v23, v24  }
0x31d: {  	v23 =	vadd.s32 $0x2000, v23;
	_ =	sdelay $0x4  }
0x31e: {  	[tilespmem:v23+s31+$0x0] =	vst.idx.msk $0xffff, v5  }
0x31f: {  	v23 =	vld [tilespmem:$0x8B0];
	_ =	sdelay $0x4  }
0x320: {  	vm1 =	veq.s32 v23, $0x0;
	v23 =	vadd.s32 $0xFFFFFFFF, v23  }
0x321: {  	v23 =	vsel vm1, $0x3E8, v23  }
0x322: {  	v32 =	vshll.u32 v23, $0x3  }
0x323: {  	v23 =	vand.u32 $0x7F, v23;
	v24 =	vand.u32 $0xFFFFFC00, v32  }
0x324: {  	v23 =	vor.u32 v23, v24  }
0x325: {  	v23 =	vadd.s32 v10, v23;
	_ =	sdelay $0x4  }
0x326: {  	[tilespmem:v23+s31+$0x0] =	vst.idx.msk $0xffff, v5  }
0x327: {  	v23 =	vld [tilespmem:$0x8C0];
	_ =	sdelay $0x4  }
0x328: {  	vm1 =	veq.s32 v23, $0x0;
	v23 =	vadd.s32 $0xFFFFFFFF, v23  }
0x329: {  	v23 =	vsel vm1, $0x3E8, v23  }
0x32a: {  	v33 =	vshll.u32 v23, $0x3  }
0x32b: {  	v23 =	vand.u32 $0x7F, v23;
	v24 =	vand.u32 $0xFFFFFC00, v33  }
0x32c: {  	v34 =	vadd.s32 $0x2080, v22;
	v23 =	vor.u32 v23, v24  }
0x32d: {  	v23 =	vadd.s32 v34, v23;
	_ =	sdelay $0x4  }
0x32e: {  	[tilespmem:v23+s31+$0x0] =	vst.idx.msk $0xffff, v5  }
0x32f: {  	v23 =	vld [tilespmem:$0x8D0];
	_ =	sdelay $0x4  }
0x330: {  	vm1 =	veq.s32 v23, $0x0;
	v23 =	vadd.s32 $0xFFFFFFFF, v23  }
0x331: {  	v23 =	vsel vm1, $0x3E8, v23  }
0x332: {  	v35 =	vshll.u32 v23, $0x3  }
0x333: {  	v23 =	vand.u32 $0x7F, v23;
	v24 =	vand.u32 $0xFFFFFC00, v35  }
0x334: {  	v23 =	vor.u32 v23, v24  }
0x335: {  	v23 =	vadd.s32 v11, v23;
	_ =	sdelay $0x4  }
0x336: {  	[tilespmem:v23+s31+$0x0] =	vst.idx.msk $0xffff, v5  }
0x337: {  	v23 =	vld [tilespmem:$0x8E0];
	_ =	sdelay $0x4  }
0x338: {  	vm1 =	veq.s32 v23, $0x0;
	v23 =	vadd.s32 $0xFFFFFFFF, v23  }
0x339: {  	v23 =	vsel vm1, $0x3E8, v23  }
0x33a: {  	v36 =	vshll.u32 v23, $0x3  }
0x33b: {  	v23 =	vand.u32 $0x7F, v23;
	v24 =	vand.u32 $0xFFFFFC00, v36  }
0x33c: {  	v23 =	vor.u32 v23, v24  }
0x33d: {  	v23 =	vadd.s32 $0x2180, v23;
	_ =	sdelay $0x4  }
0x33e: {  	[tilespmem:v23+s31+$0x0] =	vst.idx.msk $0xffff, v5  }
0x33f: {  	v23 =	vld [tilespmem:$0x8F0];
	_ =	sdelay $0x4  }
0x340: {  	vm1 =	veq.s32 v23, $0x0;
	v23 =	vadd.s32 $0xFFFFFFFF, v23  }
0x341: {  	v23 =	vsel vm1, $0x3E8, v23  }
0x342: {  	v37 =	vshll.u32 v23, $0x3  }
0x343: {  	v23 =	vand.u32 $0x7F, v23;
	v24 =	vand.u32 $0xFFFFFC00, v37  }
0x344: {  	v23 =	vor.u32 v23, v24  }
0x345: {  	v23 =	vadd.s32 $0x2200, v23;
	_ =	sdelay $0x4  }
0x346: {  	[tilespmem:v23+s31+$0x0] =	vst.idx.msk $0xffff, v5  }
0x347: {  	v23 =	vld [tilespmem:$0x900];
	_ =	sdelay $0x4  }
0x348: {  	vm1 =	veq.s32 v23, $0x0;
	v23 =	vadd.s32 $0xFFFFFFFF, v23  }
0x349: {  	v23 =	vsel vm1, $0x3E8, v23  }
0x34a: {  	v38 =	vshll.u32 v23, $0x3  }
0x34b: {  	v23 =	vand.u32 $0x7F, v23;
	v24 =	vand.u32 $0xFFFFFC00, v38  }
0x34c: {  	v23 =	vor.u32 v23, v24  }
0x34d: {  	v23 =	vadd.s32 v12, v23;
	_ =	sdelay $0x4  }
0x34e: {  	[tilespmem:v23+s31+$0x0] =	vst.idx.msk $0xffff, v5  }
0x34f: {  	v23 =	vld [tilespmem:$0x910];
	_ =	sdelay $0x4  }
0x350: {  	vm1 =	veq.s32 v23, $0x0;
	v23 =	vadd.s32 $0xFFFFFFFF, v23  }
0x351: {  	v23 =	vsel vm1, $0x3E8, v23  }
0x352: {  	v39 =	vshll.u32 v23, $0x3  }
0x353: {  	v23 =	vand.u32 $0x7F, v23;
	v24 =	vand.u32 $0xFFFFFC00, v39  }
0x354: {  	v40 =	vadd.s32 $0x2280, v22;
	v23 =	vor.u32 v23, v24  }
0x355: {  	v23 =	vadd.s32 v40, v23;
	_ =	sdelay $0x4  }
0x356: {  	[tilespmem:v23+s31+$0x0] =	vst.idx.msk $0xffff, v5  }
0x357: {  	v23 =	vld [tilespmem:$0x920];
	_ =	sdelay $0x4  }
0x358: {  	vm1 =	veq.s32 v23, $0x0;
	v23 =	vadd.s32 $0xFFFFFFFF, v23  }
0x359: {  	v23 =	vsel vm1, $0x3E8, v23  }
0x35a: {  	v41 =	vshll.u32 v23, $0x3  }
0x35b: {  	v23 =	vand.u32 $0x7F, v23;
	v24 =	vand.u32 $0xFFFFFC00, v41  }
0x35c: {  	v23 =	vor.u32 v23, v24  }
0x35d: {  	v23 =	vadd.s32 v13, v23;
	_ =	sdelay $0x4  }
0x35e: {  	[tilespmem:v23+s31+$0x0] =	vst.idx.msk $0xffff, v5  }
0x35f: {  	v23 =	vld [tilespmem:$0x930];
	_ =	sdelay $0x4  }
0x360: {  	vm1 =	veq.s32 v23, $0x0;
	v23 =	vadd.s32 $0xFFFFFFFF, v23  }
0x361: {  	v23 =	vsel vm1, $0x3E8, v23  }
0x362: {  	v42 =	vshll.u32 v23, $0x3  }
0x363: {  	v23 =	vand.u32 $0x7F, v23;
	v24 =	vand.u32 $0xFFFFFC00, v42  }
0x364: {  	v23 =	vor.u32 v23, v24  }
0x365: {  	v23 =	vadd.s32 $0x2380, v23;
	_ =	sdelay $0x4  }
0x366: {  	[tilespmem:v23+s31+$0x0] =	vst.idx.msk $0xffff, v5  }
0x367: {  	v23 =	vld [tilespmem:$0x940];
	_ =	sdelay $0x4  }
0x368: {  	vm1 =	veq.s32 v23, $0x0;
	v23 =	vadd.s32 $0xFFFFFFFF, v23  }
0x369: {  	v23 =	vsel vm1, $0x3E8, v23  }
0x36a: {  	v43 =	vshll.u32 v23, $0x3  }
0x36b: {  	v23 =	vand.u32 $0x7F, v23;
	v24 =	vand.u32 $0xFFFFFC00, v43  }
0x36c: {  	v23 =	vor.u32 v23, v24  }
0x36d: {  	v23 =	vadd.s32 $0x4000, v23;
	_ =	sdelay $0x4  }
0x36e: {  	[tilespmem:v23+s31+$0x0] =	vst.idx.msk $0xffff, v5  }
0x36f: {  	v23 =	vld [tilespmem:$0x950];
	_ =	sdelay $0x4  }
0x370: {  	vm1 =	veq.s32 v23, $0x0;
	v23 =	vadd.s32 $0xFFFFFFFF, v23  }
0x371: {  	v23 =	vsel vm1, $0x3E8, v23  }
0x372: {  	v44 =	vshll.u32 v23, $0x3  }
0x373: {  	v23 =	vand.u32 $0x7F, v23;
	v24 =	vand.u32 $0xFFFFFC00, v44  }
0x374: {  	v23 =	vor.u32 v23, v24  }
0x375: {  	v23 =	vadd.s32 v14, v23;
	_ =	sdelay $0x4  }
0x376: {  	[tilespmem:v23+s31+$0x0] =	vst.idx.msk $0xffff, v5  }
0x377: {  	v23 =	vld [tilespmem:$0x960];
	_ =	sdelay $0x4  }
0x378: {  	vm1 =	veq.s32 v23, $0x0;
	v23 =	vadd.s32 $0xFFFFFFFF, v23  }
0x379: {  	v23 =	vsel vm1, $0x3E8, v23  }
0x37a: {  	v45 =	vshll.u32 v23, $0x3  }
0x37b: {  	v23 =	vand.u32 $0x7F, v23;
	v24 =	vand.u32 $0xFFFFFC00, v45  }
0x37c: {  	v46 =	vadd.s32 $0x4080, v22;
	v23 =	vor.u32 v23, v24  }
0x37d: {  	v23 =	vadd.s32 v46, v23;
	_ =	sdelay $0x4  }
0x37e: {  	[tilespmem:v23+s31+$0x0] =	vst.idx.msk $0xffff, v5  }
0x37f: {  	v23 =	vld [tilespmem:$0x970];
	_ =	sdelay $0x4  }
0x380: {  	vm1 =	veq.s32 v23, $0x0;
	v23 =	vadd.s32 $0xFFFFFFFF, v23  }
0x381: {  	v23 =	vsel vm1, $0x3E8, v23  }
0x382: {  	v47 =	vshll.u32 v23, $0x3  }
0x383: {  	v23 =	vand.u32 $0x7F, v23;
	v24 =	vand.u32 $0xFFFFFC00, v47  }
0x384: {  	v23 =	vor.u32 v23, v24  }
0x385: {  	v23 =	vadd.s32 v15, v23;
	_ =	sdelay $0x4  }
0x386: {  	[tilespmem:v23+s31+$0x0] =	vst.idx.msk $0xffff, v5  }
0x387: {  	v23 =	vld [tilespmem:$0x980];
	_ =	sdelay $0x4  }
0x388: {  	vm1 =	veq.s32 v23, $0x0;
	v23 =	vadd.s32 $0xFFFFFFFF, v23  }
0x389: {  	v23 =	vsel vm1, $0x3E8, v23  }
0x38a: {  	v48 =	vshll.u32 v23, $0x3  }
0x38b: {  	v23 =	vand.u32 $0x7F, v23;
	v24 =	vand.u32 $0xFFFFFC00, v48  }
0x38c: {  	v23 =	vor.u32 v23, v24  }
0x38d: {  	v23 =	vadd.s32 $0x4180, v23;
	_ =	sdelay $0x4  }
0x38e: {  	[tilespmem:v23+s31+$0x0] =	vst.idx.msk $0xffff, v5  }
0x38f: {  	v23 =	vld [tilespmem:$0x990];
	_ =	sdelay $0x4  }
0x390: {  	vm1 =	veq.s32 v23, $0x0;
	v23 =	vadd.s32 $0xFFFFFFFF, v23  }
0x391: {  	v23 =	vsel vm1, $0x3E8, v23  }
0x392: {  	v49 =	vshll.u32 v23, $0x3  }
0x393: {  	v23 =	vand.u32 $0x7F, v23;
	v24 =	vand.u32 $0xFFFFFC00, v49  }
0x394: {  	v23 =	vor.u32 v23, v24  }
0x395: {  	v23 =	vadd.s32 $0x4200, v23;
	_ =	sdelay $0x4  }
0x396: {  	[tilespmem:v23+s31+$0x0] =	vst.idx.msk $0xffff, v5  }
0x397: {  	v23 =	vld [tilespmem:$0x9A0];
	_ =	sdelay $0x4  }
0x398: {  	vm1 =	veq.s32 v23, $0x0;
	v23 =	vadd.s32 $0xFFFFFFFF, v23  }
0x399: {  	v23 =	vsel vm1, $0x3E8, v23  }
0x39a: {  	v50 =	vshll.u32 v23, $0x3  }
0x39b: {  	v23 =	vand.u32 $0x7F, v23;
	v24 =	vand.u32 $0xFFFFFC00, v50  }
0x39c: {  	v23 =	vor.u32 v23, v24  }
0x39d: {  	v23 =	vadd.s32 v16, v23;
	_ =	sdelay $0x4  }
0x39e: {  	[tilespmem:v23+s31+$0x0] =	vst.idx.msk $0xffff, v5  }
0x39f: {  	v23 =	vld [tilespmem:$0x9B0];
	_ =	sdelay $0x4  }
0x3a0: {  	vm1 =	veq.s32 v23, $0x0;
	v23 =	vadd.s32 $0xFFFFFFFF, v23  }
0x3a1: {  	v23 =	vsel vm1, $0x3E8, v23  }
0x3a2: {  	v51 =	vshll.u32 v23, $0x3  }
0x3a3: {  	v23 =	vand.u32 $0x7F, v23;
	v24 =	vand.u32 $0xFFFFFC00, v51  }
0x3a4: {  	v52 =	vadd.s32 $0x4280, v22;
	v23 =	vor.u32 v23, v24  }
0x3a5: {  	v23 =	vadd.s32 v52, v23;
	_ =	sdelay $0x4  }
0x3a6: {  	[tilespmem:v23+s31+$0x0] =	vst.idx.msk $0xffff, v5  }
0x3a7: {  	v23 =	vld [tilespmem:$0x9C0];
	_ =	sdelay $0x4  }
0x3a8: {  	vm1 =	veq.s32 v23, $0x0;
	v23 =	vadd.s32 $0xFFFFFFFF, v23  }
0x3a9: {  	v23 =	vsel vm1, $0x3E8, v23  }
0x3aa: {  	v53 =	vshll.u32 v23, $0x3  }
0x3ab: {  	v23 =	vand.u32 $0x7F, v23;
	v24 =	vand.u32 $0xFFFFFC00, v53  }
0x3ac: {  	v23 =	vor.u32 v23, v24  }
0x3ad: {  	v23 =	vadd.s32 v19, v23;
	_ =	sdelay $0x4  }
0x3ae: {  	[tilespmem:v23+s31+$0x0] =	vst.idx.msk $0xffff, v5  }
0x3af: {  	v23 =	vld [tilespmem:$0x9D0];
	_ =	sdelay $0x4  }
0x3b0: {  	vm1 =	veq.s32 v23, $0x0;
	v23 =	vadd.s32 $0xFFFFFFFF, v23  }
0x3b1: {  	v23 =	vsel vm1, $0x3E8, v23  }
0x3b2: {  	v54 =	vshll.u32 v23, $0x3  }
0x3b3: {  	v23 =	vand.u32 $0x7F, v23;
	v24 =	vand.u32 $0xFFFFFC00, v54  }
0x3b4: {  	v23 =	vor.u32 v23, v24  }
0x3b5: {  	v23 =	vadd.s32 $0x4380, v23;
	_ =	sdelay $0x4  }
0x3b6: {  	[tilespmem:v23+s31+$0x0] =	vst.idx.msk $0xffff, v5  }
0x3b7: {  	v23 =	vld [tilespmem:$0x9E0];
	_ =	sdelay $0x4  }
0x3b8: {  	vm1 =	veq.s32 v23, $0x0;
	v23 =	vadd.s32 $0xFFFFFFFF, v23  }
0x3b9: {  	v23 =	vsel vm1, $0x3E8, v23  }
0x3ba: {  	v55 =	vshll.u32 v23, $0x3  }
0x3bb: {  	v23 =	vand.u32 $0x7F, v23;
	v24 =	vand.u32 $0xFFFFFC00, v55  }
0x3bc: {  	v23 =	vor.u32 v23, v24  }
0x3bd: {  	v23 =	vadd.s32 $0x6000, v23;
	_ =	sdelay $0x4  }
0x3be: {  	[tilespmem:v23+s31+$0x0] =	vst.idx.msk $0xffff, v5  }
0x3bf: {  	v23 =	vld [tilespmem:$0x9F0];
	_ =	sdelay $0x4  }
0x3c0: {  	vm1 =	veq.s32 v23, $0x0;
	v23 =	vadd.s32 $0xFFFFFFFF, v23  }
0x3c1: {  	v23 =	vsel vm1, $0x3E8, v23  }
0x3c2: {  	v56 =	vshll.u32 v23, $0x3  }
0x3c3: {  	v23 =	vand.u32 $0x7F, v23;
	v24 =	vand.u32 $0xFFFFFC00, v56  }
0x3c4: {  	v23 =	vor.u32 v23, v24  }
0x3c5: {  	v23 =	vadd.s32 v17, v23;
	_ =	sdelay $0x4  }
0x3c6: {  	[tilespmem:v23+s31+$0x0] =	vst.idx.msk $0xffff, v5  }
0x3c7: {  	v23 =	vld [tilespmem:$0xA00];
	_ =	sdelay $0x4  }
0x3c8: {  	vm1 =	veq.s32 v23, $0x0;
	v23 =	vadd.s32 $0xFFFFFFFF, v23  }
0x3c9: {  	v23 =	vsel vm1, $0x3E8, v23  }
0x3ca: {  	v57 =	vshll.u32 v23, $0x3  }
0x3cb: {  	v23 =	vand.u32 $0x7F, v23;
	v24 =	vand.u32 $0xFFFFFC00, v57  }
0x3cc: {  	v58 =	vadd.s32 $0x6080, v22;
	v23 =	vor.u32 v23, v24  }
0x3cd: {  	v23 =	vadd.s32 v58, v23;
	_ =	sdelay $0x4  }
0x3ce: {  	[tilespmem:v23+s31+$0x0] =	vst.idx.msk $0xffff, v5  }
0x3cf: {  	v23 =	vld [tilespmem:$0xA10];
	_ =	sdelay $0x4  }
0x3d0: {  	vm1 =	veq.s32 v23, $0x0;
	v23 =	vadd.s32 $0xFFFFFFFF, v23  }
0x3d1: {  	v23 =	vsel vm1, $0x3E8, v23  }
0x3d2: {  	v59 =	vshll.u32 v23, $0x3  }
0x3d3: {  	v23 =	vand.u32 $0x7F, v23;
	v24 =	vand.u32 $0xFFFFFC00, v59  }
0x3d4: {  	v23 =	vor.u32 v23, v24  }
0x3d5: {  	v23 =	vadd.s32 v20, v23;
	_ =	sdelay $0x4  }
0x3d6: {  	[tilespmem:v23+s31+$0x0] =	vst.idx.msk $0xffff, v5  }
0x3d7: {  	v23 =	vld [tilespmem:$0xA20];
	_ =	sdelay $0x4  }
0x3d8: {  	vm1 =	veq.s32 v23, $0x0;
	v23 =	vadd.s32 $0xFFFFFFFF, v23  }
0x3d9: {  	v23 =	vsel vm1, $0x3E8, v23  }
0x3da: {  	v60 =	vshll.u32 v23, $0x3  }
0x3db: {  	v23 =	vand.u32 $0x7F, v23;
	v24 =	vand.u32 $0xFFFFFC00, v60  }
0x3dc: {  	v23 =	vor.u32 v23, v24  }
0x3dd: {  	v23 =	vadd.s32 $0x6180, v23;
	_ =	sdelay $0x4  }
0x3de: {  	[tilespmem:v23+s31+$0x0] =	vst.idx.msk $0xffff, v5  }
0x3df: {  	v23 =	vld [tilespmem:$0xA30];
	_ =	sdelay $0x4  }
0x3e0: {  	vm1 =	veq.s32 v23, $0x0;
	v23 =	vadd.s32 $0xFFFFFFFF, v23  }
0x3e1: {  	v23 =	vsel vm1, $0x3E8, v23  }
0x3e2: {  	v61 =	vshll.u32 v23, $0x3  }
0x3e3: {  	v23 =	vand.u32 $0x7F, v23;
	v24 =	vand.u32 $0xFFFFFC00, v61  }
0x3e4: {  	v23 =	vor.u32 v23, v24  }
0x3e5: {  	v23 =	vadd.s32 $0x6200, v23;
	_ =	sdelay $0x4  }
0x3e6: {  	[tilespmem:v23+s31+$0x0] =	vst.idx.msk $0xffff, v5  }
0x3e7: {  	v23 =	vld [tilespmem:$0xA40];
	_ =	sdelay $0x4  }
0x3e8: {  	vm1 =	veq.s32 v23, $0x0;
	v23 =	vadd.s32 $0xFFFFFFFF, v23  }
0x3e9: {  	v23 =	vsel vm1, $0x3E8, v23  }
0x3ea: {  	v62 =	vshll.u32 v23, $0x3  }
0x3eb: {  	v23 =	vand.u32 $0x7F, v23;
	v24 =	vand.u32 $0xFFFFFC00, v62  }
0x3ec: {  	v23 =	vor.u32 v23, v24  }
0x3ed: {  	v23 =	vadd.s32 v18, v23;
	_ =	sdelay $0x4  }
0x3ee: {  	[tilespmem:v23+s31+$0x0] =	vst.idx.msk $0xffff, v5  }
0x3ef: {  	v23 =	vld [tilespmem:$0xA50];
	_ =	sdelay $0x4  }
0x3f0: {  	vm1 =	veq.s32 v23, $0x0;
	v23 =	vadd.s32 $0xFFFFFFFF, v23  }
0x3f1: {  	v23 =	vsel vm1, $0x3E8, v23  }
0x3f2: {  	v63 =	vshll.u32 v23, $0x3  }
0x3f3: {  	v23 =	vand.u32 $0x7F, v23;
	v24 =	vand.u32 $0xFFFFFC00, v63  }
0x3f4: {  	v22 =	vadd.s32 $0x6280, v22;
	v23 =	vor.u32 v23, v24  }
0x3f5: {  	v22 =	vadd.s32 v22, v23;
	_ =	sdelay $0x4  }
0x3f6: {  	[tilespmem:v22+s31+$0x0] =	vst.idx.msk $0xffff, v5  }
0x3f7: {  	v22 =	vld [tilespmem:$0xA60];
	_ =	sdelay $0x4  }
0x3f8: {  	vm1 =	veq.s32 v22, $0x0;
	v22 =	vadd.s32 $0xFFFFFFFF, v22  }
0x3f9: {  	v22 =	vsel vm1, $0x3E8, v22  }
0x3fa: {  	v23 =	vshll.u32 v22, $0x3  }
0x3fb: {  	v22 =	vand.u32 $0x7F, v22;
	v23 =	vand.u32 $0xFFFFFC00, v23  }
0x3fc: {  	v22 =	vor.u32 v22, v23  }
0x3fd: {  	v22 =	vadd.s32 v21, v22;
	_ =	sdelay $0x4  }
0x3fe: {  	[tilespmem:v22+s31+$0x0] =	vst.idx.msk $0xffff, v5  }
0x3ff: {  	v22 =	vld [tilespmem:$0xA70];
	_ =	sdelay $0x4  }
0x400: {  	vm1 =	veq.s32 v22, $0x0;
	v22 =	vadd.s32 $0xFFFFFFFF, v22  }
0x401: {  	v22 =	vsel vm1, $0x3E8, v22  }
0x402: {  	v23 =	vshll.u32 v22, $0x3  }
0x403: {  	v22 =	vand.u32 $0x7F, v22;
	v23 =	vand.u32 $0xFFFFFC00, v23  }
0x404: {  	v22 =	vor.u32 v22, v23  }
0x405: {  	v22 =	vadd.s32 $0x6380, v22;
	_ =	sdelay $0x4  }
0x406: {  	s0 =	rddreg [dreg:$0x10];
	[tilespmem:v22+s31+$0x0] =	vst.idx.msk $0xffff, v5  }
0x407: {  	[hbm4b:s0+s3] =	stream.linear.scatter [tilespmem:s31], [sflag:$0x5], $0x8000, $0x38;
	[tilespmem:$0x18A80] =	vst v63  }
0x408: {  	_ =	swait.ge [sflag:s5], $0x8000  }
0x409: {  	s1 =	rddreg [dreg:$0x12]  }
0x40a: {  	s30 =	rddreg [dreg:$0x11];
	s1 =	sadd.s32 $0x1, s1  }
0x40b: {  	p0 =	sne.s32 s1, s30  }
.Ltmp1:
0x40c: {  	_ = 	snop;
	(pc) =	sbr.rel @p0 .LBB2_1-.Ltmp1, $3  }
0x40d: {  	_ =	sdelay $0x1  }
0x40e: {  	[sflag:s5] =	ssyncset.done $0x0  }
0x40f: {  	[sflag:s5] =	ssyncadd.s32 $0xFFFF8000  }
0x410: {  	_ =	sfence.sel $0x180000  }
0x411: {  	[bflag:$0x0] =	sbarrier.arrive $0xFFFF  }
0x412: {  	_ =	strace $0x90000047  }
0x413: {  	s0 =	stileid.u32;
	[bflag:$0x2] =	sbarrier.arrive $0xFFFF  }
0x414: {  	p0 =	sne.s32 s0, $0x0;
	s0 =	rddreg [dreg:$0x3]  }
0x415: {  	s0 =	sadd.s32 @!p0 $0x100000, s0  }
0x416: {  	[sflag:s0] =	ssyncadd.tile.s32 @!p0 $0x1;
	_ =	shalt  }
.Lfunc_end2:
_tile_overlayer_lowered:
.L_overlay_start_2:
0x417: {  	(tag) =	ssettag $0x2  }
0x418: {  	s0 =	rddreg [dreg:$0x0];
	s2 =	stileid.u32  }
0x419: {  	s1 =	rddreg [dreg:$0x1];
	p0 =	sne.s32 s2, $0x0  }
0x41a: {  	s3 =	rddreg [dreg:$0x2];
	[bflag:$0x3] =	sbarrier.arrive $0xFFFF;
	s2 =	simm.s32 @!p0 $0x1C05  }
0x41b: {  	[timem:s3], [sflag:s2] =	dma.local @!p0 [hbm:s0], s1  }
0x41c: {  	s0 =	simm.s32 @!p0 $0x5  }
0x41d: {  	_ =	swait.ge @!p0 [sflag:s0], s1  }
0x41e: {  	s1 =	ssub.s32 @!p0 $0x0, s1;
	[sflag:s0] =	ssyncset.done @!p0 $0x0  }
0x41f: {  	[sflag:s0] =	ssyncadd.s32 @!p0 s1  }
0x420: {  	[bflag:$0x3] =	sbarrier.arrive $0xFFFF  }
0x421: {  	_ =	shalt  }

</sc_bundles>
